<compile_context>
chip_gen: v7x
topology: tpu7x:2x2x1
jax: 0.10.2.dev20260603
libtpu: 0.0.44.dev20260713+nightly
codegen_flags: <defaults>
</compile_context>

<pallas_src>
import functools

import jax
import jax.numpy as jnp
from jax.experimental import pallas as pl
from jax.experimental.pallas import tpu as pltpu
from jax.experimental.pallas import tpu_sc as plsc

B, N, C = 2, 1000, 256
PH, PW = 7, 7
NCELL = PH * PW
M = B * N * NCELL
M_PAD = 98304
K = 4 * M_PAD
GW = 128
BM = 1000
CHUNKS = ((0, 32000), (32000, 32000), (64000, 32000), (96000, 2304))

LVL_W = (256, 128, 64, 32)
LVL_OFF = (0, 2 * 256 * 256, 2 * 256 * 256 + 2 * 128 * 128,
           2 * 256 * 256 + 2 * 128 * 128 + 2 * 64 * 64)
TBL_ROWS = LVL_OFF[3] + 2 * 32 * 32


def _index_weight_body(rois_ref, lvl_ref, idx_ref, wall_ref):
    cell = jax.lax.broadcasted_iota(jnp.int32, (NCELL, 1), 0)
    ty = (cell // PW).astype(jnp.float32) / float(PH - 1)
    tx = (cell - (cell // PW) * PW).astype(jnp.float32) / float(PW - 1)
    for b in range(B):
        y1 = rois_ref[4 * b:4 * b + 1, :]
        x1 = rois_ref[4 * b + 1:4 * b + 2, :]
        y2 = rois_ref[4 * b + 2:4 * b + 3, :]
        x2 = rois_ref[4 * b + 3:4 * b + 4, :]
        lvl = lvl_ref[b:b + 1, :]
        is2 = lvl == 2
        is3 = lvl == 3
        is4 = lvl == 4
        w = jnp.where(is2, LVL_W[0],
                      jnp.where(is3, LVL_W[1],
                                jnp.where(is4, LVL_W[2], LVL_W[3])))
        base = jnp.where(is2, LVL_OFF[0],
                         jnp.where(is3, LVL_OFF[1],
                                   jnp.where(is4, LVL_OFF[2], LVL_OFF[3])))
        base = base + b * w * w
        hm1 = (w - 1).astype(jnp.float32)
        ys = (y1 + (y2 - y1) * ty) * hm1
        xs = (x1 + (x2 - x1) * tx) * hm1
        y0 = jnp.clip(jnp.floor(ys), 0.0, hm1 - 1.0)
        x0 = jnp.clip(jnp.floor(xs), 0.0, hm1 - 1.0)
        wy = jnp.clip(ys - y0, 0.0, 1.0)
        wx = jnp.clip(xs - x0, 0.0, 1.0)
        f00 = base + y0.astype(jnp.int32) * w + x0.astype(jnp.int32)
        s = pl.ds(b * NCELL, NCELL)
        idx_ref[0, s, :] = f00
        idx_ref[1, s, :] = f00 + 1
        idx_ref[2, s, :] = f00 + w
        idx_ref[3, s, :] = f00 + w + 1
        wy1 = 1.0 - wy
        wx1 = 1.0 - wx
        wall_ref[s, 0, :] = wy1 * wx1
        wall_ref[s, 1, :] = wy1 * wx
        wall_ref[s, 2, :] = wy * wx1
        wall_ref[s, 3, :] = wy * wx


def _compute_index_weights(rois_t, lvl, interpret=False):
    outs = [jax.ShapeDtypeStruct((4, B * NCELL, N), jnp.int32),
            jax.ShapeDtypeStruct((B * NCELL, 4, N), jnp.float32)]
    return pl.pallas_call(_index_weight_body, out_shape=outs,
                          interpret=interpret)(rois_t, lvl)


def _bf16_bits(x_i32):
    return (x_i32 + 0x7fff + ((x_i32 >> 16) & 1)) & jnp.int32(-65536)


def _pack_body(x_ref, _t_ref, t_out):
    x = x_ref[...]
    b_lo = jax.lax.bitcast_convert_type(x[:, :C // 2], jnp.int32)
    b_hi = jax.lax.bitcast_convert_type(x[:, C // 2:], jnp.int32)
    lo = jax.lax.shift_right_logical(_bf16_bits(b_lo), 16)
    t_out[...] = lo | _bf16_bits(b_hi)


def _pack_first_body(x_ref, t_out):
    _pack_body(x_ref, None, t_out)


def _pack_level(feat2d, tbl, row_off, interpret=False):
    rows = feat2d.shape[0]
    br = min(rows, 2048)
    out_spec = pl.BlockSpec((br, C // 2), lambda i, o=row_off // br: (o + i, 0))
    out_shape = jax.ShapeDtypeStruct((TBL_ROWS, C // 2), jnp.int32)
    in_spec = pl.BlockSpec((br, C), lambda i: (i, 0))
    if tbl is None:
        return pl.pallas_call(
            _pack_first_body, grid=(rows // br,), in_specs=[in_spec],
            out_specs=out_spec, out_shape=out_shape, interpret=interpret,
        )(feat2d)
    return pl.pallas_call(
        _pack_body, grid=(rows // br,),
        in_specs=[in_spec, pl.BlockSpec(memory_space=pl.ANY)],
        out_specs=out_spec, out_shape=out_shape,
        input_output_aliases={1: 0}, interpret=interpret,
    )(feat2d, tbl)


def _sc_gather_chunk(table, idx, row0, nrows):
    cw = table.shape[1]
    mesh = plsc.VectorSubcoreMesh(core_axis_name="c", subcore_axis_name="s")
    nwin = nrows // GW
    win0 = row0 // GW
    tot = M_PAD // GW

    @functools.partial(pl.kernel, mesh=mesh,
                       out_type=jax.ShapeDtypeStruct((4, nrows, cw), table.dtype))
    def k(table_hbm, idx_hbm, out_hbm):
        def body(i_vmem, o_vmem):
            pltpu.sync_copy(table_hbm.at[i_vmem.at[0, 0]], o_vmem.at[0])

        pltpu.emit_pipeline(
            body,
            grid=(4, nwin),
            in_specs=[pl.BlockSpec((1, 1, GW),
                                   lambda j, i: (j * tot + win0 + i, 0, 0))],
            out_specs=[pl.BlockSpec((1, GW, cw), lambda j, i: (j, i, 0))],
            core_axis_name=("c", "s"),
            dimension_semantics=(pltpu.PARALLEL, pltpu.PARALLEL),
        )(idx_hbm, out_hbm)

    return k(table, idx)


def _blend_body(wall, g, o):
    wt = jnp.transpose(wall[0], (1, 0))
    acc_lo = None
    acc_hi = None
    for j in range(4):
        w = wt[:, j:j + 1]
        gj = g[j]
        lo = jax.lax.bitcast_convert_type(gj << 16, jnp.float32)
        hi = jax.lax.bitcast_convert_type(gj, jnp.float32)
        acc_lo = w * lo if acc_lo is None else acc_lo + w * lo
        acc_hi = w * hi if acc_hi is None else acc_hi + w * hi
    o[:, :C // 2] = acc_lo
    o[:, C // 2:] = acc_hi


def _blend_chunk(out_prev, gathered, wall, i0, nsteps, interpret=False):
    gspec = pl.BlockSpec((4, BM, C // 2), lambda i: (0, i, 0))
    wspec = pl.BlockSpec((1, 4, BM), lambda i, o=i0: (o + i, 0, 0))
    ospec = pl.BlockSpec((BM, C), lambda i, o=i0: (o + i, 0))
    out_shape = jax.ShapeDtypeStruct((M, C), jnp.float32)
    if out_prev is None:
        return pl.pallas_call(
            _blend_body, grid=(nsteps,),
            in_specs=[wspec, gspec],
            out_specs=ospec, out_shape=out_shape, interpret=interpret,
        )(wall, gathered)

    def body(w_ref, g_ref, _prev, o_ref):
        _blend_body(w_ref, g_ref, o_ref)

    return pl.pallas_call(
        body, grid=(nsteps,),
        in_specs=[wspec, gspec, pl.BlockSpec(memory_space=pl.ANY)],
        out_specs=ospec, out_shape=out_shape,
        input_output_aliases={2: 0}, interpret=interpret,
    )(wall, gathered, out_prev)


def _roi_levels(rois, image_meta):
    boxes = jax.lax.stop_gradient(rois)
    h = boxes[..., 2] - boxes[..., 0]
    w = boxes[..., 3] - boxes[..., 1]
    img_area = image_meta[:, 4] * image_meta[:, 5]
    spec = jnp.log2(jnp.sqrt(jnp.maximum(h * w, 1e-12))
                    / (224.0 / jnp.sqrt(img_area))[:, None])
    return jnp.minimum(5, jnp.maximum(2, 4 + jnp.round(spec).astype(jnp.int32)))


def kernel(rois, image_meta, feat_p2, feat_p3, feat_p4, feat_p5):
    rois_t = rois.transpose(0, 2, 1).reshape(4 * B, N)
    lvl = _roi_levels(rois, image_meta)
    idx4, wall = _compute_index_weights(rois_t, lvl)
    table = None
    off = 0
    for feat in (feat_p2, feat_p3, feat_p4, feat_p5):
        f2d = feat.reshape(-1, C)
        table = _pack_level(f2d, table, off)
        off += f2d.shape[0]

    idx = jnp.pad(idx4.reshape(4, M),
                  ((0, 0), (0, M_PAD - M))).reshape(K // GW, 1, GW)
    out = None
    for row0, nrows in CHUNKS:
        g = _sc_gather_chunk(table, idx, row0, nrows)
        out = _blend_chunk(out, g, wall, row0 // BM,
                           min(M - row0, nrows) // BM)
    return out.reshape(B, PH, PW, N, C).transpose(0, 3, 1, 2, 4)

# --- scband reference (transcript-rebuilt; emitter-appended) ---
"""Pipeline reference for scband-roi-align-layer-19834158973716 (READ-ONLY COPY).

The authoritative reference and input builder live on the scoring server;
editing this copy changes nothing except your own understanding.
"""

import jax, jax.numpy as jnp
import numpy as np

POOL_SHAPE = (7, 7)


def _crop_resize(feat, boxes, crop):
    # feat: [B,H,W,C], boxes: [B,N,4] normalized (y1,x1,y2,x2) -> [B,N,ph,pw,C]
    B, H, W, C = feat.shape
    ph, pw = crop
    y1 = boxes[..., 0]; x1 = boxes[..., 1]; y2 = boxes[..., 2]; x2 = boxes[..., 3]
    ty = jnp.arange(ph, dtype=feat.dtype) / (ph - 1)
    tx = jnp.arange(pw, dtype=feat.dtype) / (pw - 1)
    ys = (y1[..., None] + (y2 - y1)[..., None] * ty) * (H - 1)  # [B,N,ph]
    xs = (x1[..., None] + (x2 - x1)[..., None] * tx) * (W - 1)  # [B,N,pw]
    y0 = jnp.clip(jnp.floor(ys), 0, H - 2)
    x0 = jnp.clip(jnp.floor(xs), 0, W - 2)
    wy = jnp.clip(ys - y0, 0.0, 1.0)
    wx = jnp.clip(xs - x0, 0.0, 1.0)
    y0i = y0.astype(jnp.int32)
    x0i = x0.astype(jnp.int32)
    b = jnp.arange(B)[:, None, None, None]
    yA = y0i[:, :, :, None]; yB = yA + 1
    xA = x0i[:, :, None, :]; xB = xA + 1
    f00 = feat[b, yA, xA]
    f01 = feat[b, yA, xB]
    f10 = feat[b, yB, xA]
    f11 = feat[b, yB, xB]
    wy_ = wy[:, :, :, None, None]
    wx_ = wx[:, :, None, :, None]
    return f00 * (1 - wy_) * (1 - wx_) + f01 * (1 - wy_) * wx_ + f10 * wy_ * (1 - wx_) + f11 * wy_ * wx_


def setup_inputs(seed: int = 0) -> dict:
    key = jax.random.key(seed)
    B, N, C = 2, 1000, 256
    k1, k2, k3, k4, k5, k6, k7, k8 = jax.random.split(key, 8)
    cy = jax.random.uniform(k1, (B, N)) * 0.6 + 0.2
    cx = jax.random.uniform(k2, (B, N)) * 0.6 + 0.2
    bh = jax.random.uniform(k3, (B, N)) * 0.30 + 0.02
    bw = jax.random.uniform(k4, (B, N)) * 0.30 + 0.02
    y1 = jnp.clip(cy - bh / 2, 0.0, 1.0)
    x1 = jnp.clip(cx - bw / 2, 0.0, 1.0)
    y2 = jnp.clip(cy + bh / 2, 0.0, 1.0)
    x2 = jnp.clip(cx + bw / 2, 0.0, 1.0)
    rois = jnp.stack([y1, x1, y2, x2], axis=-1).astype(jnp.float32)
    image_meta = jnp.zeros((B, 12), jnp.float32)
    image_meta = image_meta.at[:, 4].set(1024.0).at[:, 5].set(1024.0).at[:, 6].set(3.0)
    feat_p2 = jax.random.normal(k5, (B, 256, 256, C), jnp.float32)
    feat_p3 = jax.random.normal(k6, (B, 128, 128, C), jnp.float32)
    feat_p4 = jax.random.normal(k7, (B, 64, 64, C), jnp.float32)
    feat_p5 = jax.random.normal(k8, (B, 32, 32, C), jnp.float32)
    return {"rois": rois, "image_meta": image_meta, "feat_p2": feat_p2, "feat_p3": feat_p3, "feat_p4": feat_p4, "feat_p5": feat_p5}


def reference(rois, image_meta, feat_p2, feat_p3, feat_p4, feat_p5):
    feats = [feat_p2, feat_p3, feat_p4, feat_p5]
    boxes = jax.lax.stop_gradient(rois)  # rois are stop_gradient'd in original
    y1 = boxes[..., 0]; x1 = boxes[..., 1]; y2 = boxes[..., 2]; x2 = boxes[..., 3]
    h = y2 - y1
    w = x2 - x1
    # parse_image_meta: image_shape stored at meta[:, 4:7]
    img_h = image_meta[:, 4]
    img_w = image_meta[:, 5]
    img_area = img_h * img_w  # [B]
    spec = jnp.log2(jnp.sqrt(jnp.maximum(h * w, 1e-12)) / (224.0 / jnp.sqrt(img_area))[:, None])
    roi_level = jnp.minimum(5, jnp.maximum(2, 4 + jnp.round(spec).astype(jnp.int32)))  # [B,N]
    C = feats[0].shape[-1]
    pooled = jnp.zeros(boxes.shape[:2] + POOL_SHAPE + (C,), feats[0].dtype)
    for i, level in enumerate(range(2, 6)):
        p = _crop_resize(feats[i], boxes, POOL_SHAPE)  # [B,N,ph,pw,C]
        mask = (roi_level == level)[:, :, None, None, None].astype(p.dtype)
        pooled = pooled + mask * p
    return pooled  # [B, N, 7, 7, C]

if __name__ == "__main__":
    import jax
    _d = setup_inputs()
    print(jax.jit(kernel)(*tuple(_d.values())))

</pallas_src>

<mosaic_0001>
#map = affine_map<(d0, d1) -> (0, 0)>
#map1 = affine_map<(d0, d1) -> (0, 0, 0)>
module attributes {stable_mosaic.version = 14 : i64} {
  func.func @k(%arg0: i32, %arg1: i32, %arg2: memref<174080x128xi32, #tpu.memory_space<hbm>>, %arg3: memref<3072x1x128xi32, #tpu.memory_space<hbm>>, %arg4: memref<4x2304x128xi32, #tpu.memory_space<hbm>>) attributes {dimension_semantics = [#tpu.dimension_semantics<core_parallel>, #tpu.dimension_semantics<subcore_parallel>], iteration_bounds = array<i64: 2, 16>, scalar_prefetch = 0 : i64, scratch_operands = 0 : i64, tpu.core_type = #tpu.core_type<sc_vector_subcore>, window_params = [{transform_indices = #map}, {transform_indices = #map1}, {transform_indices = #map1}]} {
    %mul3A = arith.constant 1 : i32
    %mul3A_0 = arith.muli %arg1, %mul3A : i32
    %add3A = arith.constant 0 : i32
    %add3A_1 = arith.addi %add3A, %mul3A_0 : i32
    %mul3A_2 = arith.constant 16 : i32
    %mul3A_3 = arith.muli %arg0, %mul3A_2 : i32
    %add3A_4 = arith.addi %add3A_1, %mul3A_3 : i32
    %lt3A = arith.constant 18 : i32
    %lt3A_5 = arith.cmpi slt, %add3A_4, %lt3A : i32
    %jit3A = arith.constant 1 : i32
    %jit3A_6 = arith.constant 0 : i32
    %select_n3A = arith.select %lt3A_5, %jit3A, %jit3A_6 : i32
    %lt3A_7 = arith.constant 18 : i32
    %lt3A_8 = arith.cmpi slt, %add3A_4, %lt3A_7 : i32
    %mul3A_9 = arith.muli %add3A_4, %select_n3A : i32
    %mul3A_10 = arith.constant 0 : i32
    %mul3A_11 = arith.muli %add3A_4, %mul3A_10 : i32
    %add3A_12 = arith.constant 18 : i32
    %add3A_13 = arith.addi %mul3A_11, %add3A_12 : i32
    %select_n3A_14 = arith.select %lt3A_8, %mul3A_9, %add3A_13 : i32
    %mul3A_15 = arith.constant 4 : i32
    %mul3A_16 = arith.muli %mul3A_15, %select_n3A : i32
    "tpu.region"() ({
      %run_scoped3A = memref.alloca() : memref<2x1x1x128xi32, #tpu.memory_space<vmem>>
      %run_scoped3A_17 = tpu.sem_alloc : memref<2x!tpu.dma_semaphore, #tpu.memory_space<semaphore_mem>>
      %run_scoped3A_18 = memref.alloca() : memref<2x1x128x128xi32, #tpu.memory_space<vmem>>
      %run_scoped3A_19 = tpu.sem_alloc : memref<2x!tpu.dma_semaphore, #tpu.memory_space<semaphore_mem>>
      %gt3A = arith.constant 0 : i32
      %gt3A_20 = arith.cmpi sgt, %mul3A_16, %gt3A : i32
      %convert_element_type3A = arith.extui %gt3A_20 : i1 to i32
      %cond3A = arith.constant 0 : i32
      %cond3A_21 = arith.cmpi ne, %convert_element_type3A, %cond3A : i32
      scf.if %cond3A_21 {
        %mul3A_22 = arith.constant 4 : i32
        %mul3A_23 = arith.muli %mul3A_22, %select_n3A : i32
        %sub3A = arith.constant 1 : i32
        %sub3A_24 = arith.subi %mul3A_23, %sub3A : i32
        %eq3A = arith.constant 0 : i32
        %eq3A_25 = arith.cmpi eq, %sub3A_24, %eq3A : i32
        %add3A_26 = arith.constant 0 : i32
        %add3A_27 = arith.addi %add3A_26, %select_n3A_14 : i32
        %select_n3A_28 = arith.constant true
        %select_n3A_29 = arith.constant 0 : i32
        %select_n3A_30 = arith.constant -1 : i32
        %select_n3A_31 = arith.select %select_n3A_28, %select_n3A_30, %select_n3A_29 : i32
        %eq3A_32 = arith.constant -1 : i32
        %eq3A_33 = arith.cmpi eq, %select_n3A_31, %eq3A_32 : i32
        %sub3A_34 = arith.constant 1 : i32
        %sub3A_35 = arith.subi %select_n3A, %sub3A_34 : i32
        %select_n3A_36 = arith.select %eq3A_33, %sub3A_35, %select_n3A_31 : i32
        %select_n3A_37 = arith.constant 0 : i32
        %select_n3A_38 = arith.constant -1 : i32
        %select_n3A_39 = arith.select %eq3A_33, %select_n3A_38, %select_n3A_37 : i32
        %eq3A_40 = arith.constant -1 : i32
        %eq3A_41 = arith.cmpi eq, %select_n3A_39, %eq3A_40 : i32
        %select_n3A_42 = arith.constant 3 : i32
        %select_n3A_43 = arith.select %eq3A_41, %select_n3A_42, %select_n3A_39 : i32
        %add3A_44 = arith.constant 0 : i32
        %add3A_45 = arith.addi %select_n3A_43, %add3A_44 : i32
        %add3A_46 = arith.addi %select_n3A_36, %select_n3A_14 : i32
        %select_n3A_47 = arith.constant true
        %select_n3A_48 = arith.constant 0 : i32
        %select_n3A_49 = arith.constant 1 : i32
        %select_n3A_50 = arith.select %select_n3A_47, %select_n3A_49, %select_n3A_48 : i32
        %eq3A_51 = arith.cmpi eq, %select_n3A_50, %select_n3A : i32
        %select_n3A_52 = arith.constant 0 : i32
        %select_n3A_53 = arith.select %eq3A_51, %select_n3A_52, %select_n3A_50 : i32
        %select_n3A_54 = arith.constant 0 : i32
        %select_n3A_55 = arith.constant 1 : i32
        %select_n3A_56 = arith.select %eq3A_51, %select_n3A_55, %select_n3A_54 : i32
        %eq3A_57 = arith.constant 4 : i32
        %eq3A_58 = arith.cmpi eq, %select_n3A_56, %eq3A_57 : i32
        %select_n3A_59 = arith.constant 0 : i32
        %select_n3A_60 = arith.select %eq3A_58, %select_n3A_59, %select_n3A_56 : i32
        %add3A_61 = arith.constant 0 : i32
        %add3A_62 = arith.addi %select_n3A_60, %add3A_61 : i32
        %add3A_63 = arith.addi %select_n3A_53, %select_n3A_14 : i32
        %add3A_64 = arith.constant 1 : i32
        %add3A_65 = arith.addi %select_n3A_53, %add3A_64 : i32
        %select_n3A_66 = arith.constant true
        %select_n3A_67 = arith.select %select_n3A_66, %add3A_65, %select_n3A_53 : i32
        %eq3A_68 = arith.cmpi eq, %select_n3A_67, %select_n3A : i32
        %select_n3A_69 = arith.constant 0 : i32
        %select_n3A_70 = arith.select %eq3A_68, %select_n3A_69, %select_n3A_67 : i32
        %add3A_71 = arith.constant 1 : i32
        %add3A_72 = arith.addi %select_n3A_60, %add3A_71 : i32
        %select_n3A_73 = arith.select %eq3A_68, %add3A_72, %select_n3A_60 : i32
        %eq3A_74 = arith.constant 4 : i32
        %eq3A_75 = arith.cmpi eq, %select_n3A_73, %eq3A_74 : i32
        %select_n3A_76 = arith.constant 0 : i32
        %select_n3A_77 = arith.select %eq3A_75, %select_n3A_76, %select_n3A_73 : i32
        %add3A_78 = arith.constant 0 : i32
        %add3A_79 = arith.addi %select_n3A_77, %add3A_78 : i32
        %add3A_80 = arith.addi %select_n3A_70, %select_n3A_14 : i32
        "tpu.trace_start"() <{level = 10 : i32, message = "ep_initialize_0"}> : () -> ()
        %rem3A = arith.constant 0 : i32
        %rem3A_81 = arith.constant 2 : i32
        %rem3A_82 = arith.remui %rem3A, %rem3A_81 : i32
        %add3A_83 = arith.constant 750 : i32
        %add3A_84 = arith.addi %add3A_83, %add3A_27 : i32
        %mul3A_85 = arith.constant 1 : i32
        %mul3A_86 = arith.muli %mul3A_85, %add3A_84 : i32
        %dma_start3A = arith.constant 0 : i32
        %dma_start3A_87 = arith.constant 0 : i32
        %dma_start3A_88 = arith.constant 0 : i32
        %dma_start3A_89 = tpu.memref_slice %run_scoped3A[%rem3A_82, %dma_start3A, %dma_start3A_87, %dma_start3A_88] : memref<2x1x1x128xi32, #tpu.memory_space<vmem>> -> memref<1x1x1x128xi32, #tpu.memory_space<vmem>>
        %dma_start3A_90 = tpu.memref_squeeze %dma_start3A_89 : memref<1x1x1x128xi32, #tpu.memory_space<vmem>> -> memref<1x1x128xi32, #tpu.memory_space<vmem>>
        %dma_start3A_91 = arith.constant 0 : i32
        %dma_start3A_92 = arith.constant 0 : i32
        %dma_start3A_93 = tpu.memref_slice %arg3[%mul3A_86, %dma_start3A_91, %dma_start3A_92] : memref<3072x1x128xi32, #tpu.memory_space<hbm>> -> memref<1x1x128xi32, #tpu.memory_space<hbm>>
        %dma_start3A_94 = tpu.memref_slice %run_scoped3A_17[%rem3A_82] : memref<2x!tpu.dma_semaphore, #tpu.memory_space<semaphore_mem>> -> memref<1x!tpu.dma_semaphore, #tpu.memory_space<semaphore_mem>>
        %dma_start3A_95 = tpu.memref_squeeze %dma_start3A_94 : memref<1x!tpu.dma_semaphore, #tpu.memory_space<semaphore_mem>> -> memref<!tpu.dma_semaphore, #tpu.memory_space<semaphore_mem>>
        %dma_start3A_96 = arith.constant 0 : i32
        %dma_start3A_97 = arith.constant 0 : i32
        %dma_start3A_98 = arith.constant 0 : i32
        %dma_start3A_99 = tpu.memref_slice %run_scoped3A[%rem3A_82, %dma_start3A_96, %dma_start3A_97, %dma_start3A_98] : memref<2x1x1x128xi32, #tpu.memory_space<vmem>> -> memref<1x1x1x128xi32, #tpu.memory_space<vmem>>
        %dma_start3A_100 = tpu.memref_squeeze %dma_start3A_99 : memref<1x1x1x128xi32, #tpu.memory_space<vmem>> -> memref<1x1x128xi32, #tpu.memory_space<vmem>>
        %dma_start3A_101 = arith.constant 0 : i32
        %dma_start3A_102 = arith.constant 0 : i32
        %dma_start3A_103 = tpu.memref_slice %arg3[%mul3A_86, %dma_start3A_101, %dma_start3A_102] : memref<3072x1x128xi32, #tpu.memory_space<hbm>> -> memref<1x1x128xi32, #tpu.memory_space<hbm>>
        tpu.enqueue_dma source(%dma_start3A_103 : memref<1x1x128xi32, #tpu.memory_space<hbm>>) target(%dma_start3A_100 : memref<1x1x128xi32, #tpu.memory_space<vmem>>) target_semaphore(%dma_start3A_95 : memref<!tpu.dma_semaphore, #tpu.memory_space<semaphore_mem>>)
        %add3A_104 = arith.constant 0 : i32
        %add3A_105 = arith.constant 1 : i32
        %add3A_106 = arith.addi %add3A_104, %add3A_105 : i32
        %select_n3A_107 = arith.constant true
        %select_n3A_108 = arith.constant 0 : i32
        %select_n3A_109 = arith.select %select_n3A_107, %add3A_106, %select_n3A_108 : i32
        %while3A = arith.constant 0 : i32
        %while3A_110 = arith.constant 0 : i32
        %while3A_111 = arith.constant 0 : i32
        %while3A_112 = arith.constant 0 : i32
        %while3A_113 = arith.constant 0 : i32
        %while3A_114 = arith.constant 0 : i32
        "tpu.trace_stop"() : () -> ()
        %while3A_115 = arith.subi %mul3A_16, %while3A : i32
        %while3A_116 = arith.addi %while3A, %while3A_115 : i32
        %while3A_117 = arith.constant 1 : i32
        %while3A_118 = arith.divsi %while3A_115, %while3A_117 : i32
        %while3A_119 = arith.muli %while3A_118, %while3A_117 : i32
        %while3A_120 = arith.addi %while3A, %while3A_119 : i32
        %while3A_121 = arith.constant 1 : i32
        %while3A_122:6 = scf.for %while3A_212 = %while3A to %while3A_120 step %while3A_121 iter_args(%while3A_213 = %select_n3A_109, %while3A_214 = %while3A_110, %while3A_215 = %while3A_111, %while3A_216 = %while3A_112, %while3A_217 = %while3A_113, %while3A_218 = %while3A_114) -> (i32, i32, i32, i32, i32, i32)  : i32 {
          %mul3A_219 = arith.constant 4 : i32
          %mul3A_220 = arith.muli %mul3A_219, %select_n3A : i32
          %eq3A_221 = arith.constant 0 : i32
          %eq3A_222 = arith.cmpi eq, %while3A_212, %eq3A_221 : i32
          %sub3A_223 = arith.constant 1 : i32
          %sub3A_224 = arith.subi %mul3A_220, %sub3A_223 : i32
          %eq3A_225 = arith.cmpi eq, %while3A_212, %sub3A_224 : i32
          %add3A_226 = arith.constant 0 : i32
          %add3A_227 = arith.addi %while3A_217, %add3A_226 : i32
          %add3A_228 = arith.addi %while3A_218, %select_n3A_14 : i32
          %sub3A_229 = arith.constant 1 : i32
          %sub3A_230 = arith.subi %while3A_218, %sub3A_229 : i32
          %select_n3A_231 = arith.constant true
          %select_n3A_232 = arith.select %select_n3A_231, %sub3A_230, %while3A_218 : i32
          %eq3A_233 = arith.constant -1 : i32
          %eq3A_234 = arith.cmpi eq, %select_n3A_232, %eq3A_233 : i32
          %sub3A_235 = arith.constant 1 : i32
          %sub3A_236 = arith.subi %select_n3A, %sub3A_235 : i32
          %select_n3A_237 = arith.select %eq3A_234, %sub3A_236, %select_n3A_232 : i32
          %sub3A_238 = arith.constant 1 : i32
          %sub3A_239 = arith.subi %while3A_217, %sub3A_238 : i32
          %select_n3A_240 = arith.select %eq3A_234, %sub3A_239, %while3A_217 : i32
          %eq3A_241 = arith.constant -1 : i32
          %eq3A_242 = arith.cmpi eq, %select_n3A_240, %eq3A_241 : i32
          %select_n3A_243 = arith.constant 3 : i32
          %select_n3A_244 = arith.select %eq3A_242, %select_n3A_243, %select_n3A_240 : i32
          %add3A_245 = arith.constant 0 : i32
          %add3A_246 = arith.addi %select_n3A_244, %add3A_245 : i32
          %add3A_247 = arith.addi %select_n3A_237, %select_n3A_14 : i32
          %add3A_248 = arith.constant 1 : i32
          %add3A_249 = arith.addi %while3A_218, %add3A_248 : i32
          %select_n3A_250 = arith.constant true
          %select_n3A_251 = arith.select %select_n3A_250, %add3A_249, %while3A_218 : i32
          %eq3A_252 = arith.cmpi eq, %select_n3A_251, %select_n3A : i32
          %select_n3A_253 = arith.constant 0 : i32
          %select_n3A_254 = arith.select %eq3A_252, %select_n3A_253, %select_n3A_251 : i32
          %add3A_255 = arith.constant 1 : i32
          %add3A_256 = arith.addi %while3A_217, %add3A_255 : i32
          %select_n3A_257 = arith.select %eq3A_252, %add3A_256, %while3A_217 : i32
          %eq3A_258 = arith.constant 4 : i32
          %eq3A_259 = arith.cmpi eq, %select_n3A_257, %eq3A_258 : i32
          %select_n3A_260 = arith.constant 0 : i32
          %select_n3A_261 = arith.select %eq3A_259, %select_n3A_260, %select_n3A_257 : i32
          %add3A_262 = arith.constant 0 : i32
          %add3A_263 = arith.addi %select_n3A_261, %add3A_262 : i32
          %add3A_264 = arith.addi %select_n3A_254, %select_n3A_14 : i32
          %add3A_265 = arith.constant 1 : i32
          %add3A_266 = arith.addi %select_n3A_254, %add3A_265 : i32
          %select_n3A_267 = arith.constant true
          %select_n3A_268 = arith.select %select_n3A_267, %add3A_266, %select_n3A_254 : i32
          %eq3A_269 = arith.cmpi eq, %select_n3A_268, %select_n3A : i32
          %select_n3A_270 = arith.constant 0 : i32
          %select_n3A_271 = arith.select %eq3A_269, %select_n3A_270, %select_n3A_268 : i32
          %add3A_272 = arith.constant 1 : i32
          %add3A_273 = arith.addi %select_n3A_261, %add3A_272 : i32
          %select_n3A_274 = arith.select %eq3A_269, %add3A_273, %select_n3A_261 : i32
          %eq3A_275 = arith.constant 4 : i32
          %eq3A_276 = arith.cmpi eq, %select_n3A_274, %eq3A_275 : i32
          %select_n3A_277 = arith.constant 0 : i32
          %select_n3A_278 = arith.select %eq3A_276, %select_n3A_277, %select_n3A_274 : i32
          %add3A_279 = arith.constant 0 : i32
          %add3A_280 = arith.addi %select_n3A_278, %add3A_279 : i32
          %add3A_281 = arith.addi %select_n3A_271, %select_n3A_14 : i32
          %mul3A_282 = arith.constant 768 : i32
          %mul3A_283 = arith.muli %add3A_227, %mul3A_282 : i32
          %add3A_284 = arith.constant 750 : i32
          %add3A_285 = arith.addi %mul3A_283, %add3A_284 : i32
          %add3A_286 = arith.addi %add3A_285, %add3A_228 : i32
          %mul3A_287 = arith.constant 768 : i32
          %mul3A_288 = arith.muli %add3A_263, %mul3A_287 : i32
          %add3A_289 = arith.constant 750 : i32
          %add3A_290 = arith.addi %mul3A_288, %add3A_289 : i32
          %add3A_291 = arith.addi %add3A_290, %add3A_264 : i32
          %ne3A = arith.cmpi ne, %add3A_286, %add3A_291 : i32
          %or3A = arith.constant false
          %or3A_292 = arith.ori %or3A, %ne3A : i1
          %or3A_293 = arith.constant false
          %or3A_294 = arith.ori %or3A_292, %or3A_293 : i1
          %or3A_295 = arith.constant false
          %or3A_296 = arith.ori %or3A_294, %or3A_295 : i1
          %sub3A_297 = arith.constant 2 : i32
          %sub3A_298 = arith.subi %mul3A_220, %sub3A_297 : i32
          %add3A_299 = arith.constant 1 : i32
          %add3A_300 = arith.addi %sub3A_298, %add3A_299 : i32
          %ge3A = arith.cmpi sge, %while3A_212, %add3A_300 : i32
          %not3A = arith.constant true
          %not3A_301 = arith.xori %ge3A, %not3A : i1
          %and3A = arith.andi %or3A_296, %not3A_301 : i1
          %convert_element_type3A_302 = arith.extui %and3A : i1 to i32
          %cond3A_303 = arith.constant 0 : i32
          %cond3A_304 = arith.cmpi ne, %convert_element_type3A_302, %cond3A_303 : i32
          scf.if %cond3A_304 {
            "tpu.trace_start"() <{level = 10 : i32, message = "ep_copy_in"}> : () -> ()
            %rem3A_481 = arith.constant 2 : i32
            %rem3A_482 = arith.remui %while3A_213, %rem3A_481 : i32
            %mul3A_483 = arith.constant 768 : i32
            %mul3A_484 = arith.muli %add3A_263, %mul3A_483 : i32
            %add3A_485 = arith.constant 750 : i32
            %add3A_486 = arith.addi %mul3A_484, %add3A_485 : i32
            %add3A_487 = arith.addi %add3A_486, %add3A_264 : i32
            %mul3A_488 = arith.constant 1 : i32
            %mul3A_489 = arith.muli %mul3A_488, %add3A_487 : i32
            %dma_start3A_490 = arith.constant 0 : i32
            %dma_start3A_491 = arith.constant 0 : i32
            %dma_start3A_492 = arith.constant 0 : i32
            %dma_start3A_493 = tpu.memref_slice %run_scoped3A[%rem3A_482, %dma_start3A_490, %dma_start3A_491, %dma_start3A_492] : memref<2x1x1x128xi32, #tpu.memory_space<vmem>> -> memref<1x1x1x128xi32, #tpu.memory_space<vmem>>
            %dma_start3A_494 = tpu.memref_squeeze %dma_start3A_493 : memref<1x1x1x128xi32, #tpu.memory_space<vmem>> -> memref<1x1x128xi32, #tpu.memory_space<vmem>>
            %dma_start3A_495 = arith.constant 0 : i32
            %dma_start3A_496 = arith.constant 0 : i32
            %dma_start3A_497 = tpu.memref_slice %arg3[%mul3A_489, %dma_start3A_495, %dma_start3A_496] : memref<3072x1x128xi32, #tpu.memory_space<hbm>> -> memref<1x1x128xi32, #tpu.memory_space<hbm>>
            %dma_start3A_498 = tpu.memref_slice %run_scoped3A_17[%rem3A_482] : memref<2x!tpu.dma_semaphore, #tpu.memory_space<semaphore_mem>> -> memref<1x!tpu.dma_semaphore, #tpu.memory_space<semaphore_mem>>
            %dma_start3A_499 = tpu.memref_squeeze %dma_start3A_498 : memref<1x!tpu.dma_semaphore, #tpu.memory_space<semaphore_mem>> -> memref<!tpu.dma_semaphore, #tpu.memory_space<semaphore_mem>>
            %dma_start3A_500 = arith.constant 0 : i32
            %dma_start3A_501 = arith.constant 0 : i32
            %dma_start3A_502 = arith.constant 0 : i32
            %dma_start3A_503 = tpu.memref_slice %run_scoped3A[%rem3A_482, %dma_start3A_500, %dma_start3A_501, %dma_start3A_502] : memref<2x1x1x128xi32, #tpu.memory_space<vmem>> -> memref<1x1x1x128xi32, #tpu.memory_space<vmem>>
            %dma_start3A_504 = tpu.memref_squeeze %dma_start3A_503 : memref<1x1x1x128xi32, #tpu.memory_space<vmem>> -> memref<1x1x128xi32, #tpu.memory_space<vmem>>
            %dma_start3A_505 = arith.constant 0 : i32
            %dma_start3A_506 = arith.constant 0 : i32
            %dma_start3A_507 = tpu.memref_slice %arg3[%mul3A_489, %dma_start3A_505, %dma_start3A_506] : memref<3072x1x128xi32, #tpu.memory_space<hbm>> -> memref<1x1x128xi32, #tpu.memory_space<hbm>>
            tpu.enqueue_dma source(%dma_start3A_507 : memref<1x1x128xi32, #tpu.memory_space<hbm>>) target(%dma_start3A_504 : memref<1x1x128xi32, #tpu.memory_space<vmem>>) target_semaphore(%dma_start3A_499 : memref<!tpu.dma_semaphore, #tpu.memory_space<semaphore_mem>>)
            "tpu.trace_stop"() : () -> ()
          } else {
          }
          %and3A_305 = arith.constant true
          %and3A_306 = arith.andi %and3A, %and3A_305 : i1
          %add3A_307 = arith.constant 1 : i32
          %add3A_308 = arith.addi %while3A_213, %add3A_307 : i32
          %select_n3A_309 = arith.select %and3A_306, %add3A_308, %while3A_213 : i32
          %ne3A_310 = arith.cmpi ne, %add3A_227, %add3A_263 : i32
          %ne3A_311 = arith.cmpi ne, %add3A_228, %add3A_264 : i32
          %or3A_312 = arith.constant false
          %or3A_313 = arith.ori %or3A_312, %ne3A_310 : i1
          %or3A_314 = arith.ori %or3A_313, %ne3A_311 : i1
          %or3A_315 = arith.constant false
          %or3A_316 = arith.ori %or3A_314, %or3A_315 : i1
          %sub3A_317 = arith.constant 2 : i32
          %sub3A_318 = arith.subi %mul3A_220, %sub3A_317 : i32
          %add3A_319 = arith.constant 1 : i32
          %add3A_320 = arith.addi %sub3A_318, %add3A_319 : i32
          %ge3A_321 = arith.cmpi sge, %while3A_212, %add3A_320 : i32
          %not3A_322 = arith.constant true
          %not3A_323 = arith.xori %ge3A_321, %not3A_322 : i1
          %and3A_324 = arith.andi %or3A_316, %not3A_323 : i1
          %mul3A_325 = arith.constant 768 : i32
          %mul3A_326 = arith.muli %add3A_227, %mul3A_325 : i32
          %add3A_327 = arith.constant 750 : i32
          %add3A_328 = arith.addi %mul3A_326, %add3A_327 : i32
          %add3A_329 = arith.addi %add3A_328, %add3A_228 : i32
          %mul3A_330 = arith.constant 768 : i32
          %mul3A_331 = arith.muli %add3A_246, %mul3A_330 : i32
          %add3A_332 = arith.constant 750 : i32
          %add3A_333 = arith.addi %mul3A_331, %add3A_332 : i32
          %add3A_334 = arith.addi %add3A_333, %add3A_247 : i32
          %ne3A_335 = arith.cmpi ne, %add3A_329, %add3A_334 : i32
          %or3A_336 = arith.constant false
          %or3A_337 = arith.ori %or3A_336, %ne3A_335 : i1
          %or3A_338 = arith.constant false
          %or3A_339 = arith.ori %or3A_337, %or3A_338 : i1
          %or3A_340 = arith.constant false
          %or3A_341 = arith.ori %or3A_339, %or3A_340 : i1
          %or3A_342 = arith.ori %or3A_341, %eq3A_222 : i1
          %convert_element_type3A_343 = arith.extui %or3A_342 : i1 to i32
          %cond3A_344 = arith.constant 0 : i32
          %cond3A_345 = arith.cmpi ne, %convert_element_type3A_343, %cond3A_344 : i32
          scf.if %cond3A_345 {
            "tpu.trace_start"() <{level = 10 : i32, message = "ep_wait_in"}> : () -> ()
            %mul3A_481 = arith.constant 768 : i32
            %mul3A_482 = arith.muli %add3A_227, %mul3A_481 : i32
            %add3A_483 = arith.constant 750 : i32
            %add3A_484 = arith.addi %mul3A_482, %add3A_483 : i32
            %add3A_485 = arith.addi %add3A_484, %add3A_228 : i32
            %mul3A_486 = arith.constant 1 : i32
            %mul3A_487 = arith.muli %mul3A_486, %add3A_485 : i32
            %rem3A_488 = arith.constant 2 : i32
            %rem3A_489 = arith.remui %while3A_214, %rem3A_488 : i32
            %dma_wait3A = arith.constant 0 : i32
            %dma_wait3A_490 = arith.constant 0 : i32
            %dma_wait3A_491 = arith.constant 0 : i32
            %dma_wait3A_492 = tpu.memref_slice %run_scoped3A[%rem3A_489, %dma_wait3A, %dma_wait3A_490, %dma_wait3A_491] : memref<2x1x1x128xi32, #tpu.memory_space<vmem>> -> memref<1x1x1x128xi32, #tpu.memory_space<vmem>>
            %dma_wait3A_493 = tpu.memref_squeeze %dma_wait3A_492 : memref<1x1x1x128xi32, #tpu.memory_space<vmem>> -> memref<1x1x128xi32, #tpu.memory_space<vmem>>
            %dma_wait3A_494 = arith.constant 0 : i32
            %dma_wait3A_495 = arith.constant 0 : i32
            %dma_wait3A_496 = tpu.memref_slice %arg3[%mul3A_487, %dma_wait3A_494, %dma_wait3A_495] : memref<3072x1x128xi32, #tpu.memory_space<hbm>> -> memref<1x1x128xi32, #tpu.memory_space<hbm>>
            %dma_wait3A_497 = tpu.memref_slice %run_scoped3A_17[%rem3A_489] : memref<2x!tpu.dma_semaphore, #tpu.memory_space<semaphore_mem>> -> memref<1x!tpu.dma_semaphore, #tpu.memory_space<semaphore_mem>>
            %dma_wait3A_498 = tpu.memref_squeeze %dma_wait3A_497 : memref<1x!tpu.dma_semaphore, #tpu.memory_space<semaphore_mem>> -> memref<!tpu.dma_semaphore, #tpu.memory_space<semaphore_mem>>
            %dma_wait3A_499 = arith.constant 0 : i32
            %dma_wait3A_500 = arith.constant 0 : i32
            %dma_wait3A_501 = arith.constant 0 : i32
            %dma_wait3A_502 = tpu.memref_slice %run_scoped3A[%rem3A_489, %dma_wait3A_499, %dma_wait3A_500, %dma_wait3A_501] : memref<2x1x1x128xi32, #tpu.memory_space<vmem>> -> memref<1x1x1x128xi32, #tpu.memory_space<vmem>>
            %dma_wait3A_503 = tpu.memref_squeeze %dma_wait3A_502 : memref<1x1x1x128xi32, #tpu.memory_space<vmem>> -> memref<1x1x128xi32, #tpu.memory_space<vmem>>
            %dma_wait3A_504 = arith.constant 0 : i32
            %dma_wait3A_505 = arith.constant 0 : i32
            %dma_wait3A_506 = tpu.memref_slice %arg3[%mul3A_487, %dma_wait3A_504, %dma_wait3A_505] : memref<3072x1x128xi32, #tpu.memory_space<hbm>> -> memref<1x1x128xi32, #tpu.memory_space<hbm>>
            tpu.wait_dma2 semaphore(%dma_wait3A_498 : memref<!tpu.dma_semaphore, #tpu.memory_space<semaphore_mem>>) src(%dma_wait3A_506 : memref<1x1x128xi32, #tpu.memory_space<hbm>>) dst(%dma_wait3A_503 : memref<1x1x128xi32, #tpu.memory_space<vmem>>)
            "tpu.trace_stop"() : () -> ()
          } else {
          }
          %ne3A_346 = arith.cmpi ne, %add3A_227, %add3A_246 : i32
          %ne3A_347 = arith.cmpi ne, %add3A_228, %add3A_247 : i32
          %or3A_348 = arith.constant false
          %or3A_349 = arith.ori %or3A_348, %ne3A_346 : i1
          %or3A_350 = arith.ori %or3A_349, %ne3A_347 : i1
          %or3A_351 = arith.constant false
          %or3A_352 = arith.ori %or3A_350, %or3A_351 : i1
          %or3A_353 = arith.ori %or3A_352, %eq3A_222 : i1
          %convert_element_type3A_354 = arith.extui %or3A_353 : i1 to i32
          %cond3A_355 = arith.constant 0 : i32
          %cond3A_356 = arith.cmpi ne, %convert_element_type3A_354, %cond3A_355 : i32
          scf.if %cond3A_356 {
          } else {
          }
          %rem3A_357 = arith.constant 2 : i32
          %rem3A_358 = arith.remui %while3A_214, %rem3A_357 : i32
          %rem3A_359 = arith.constant 2 : i32
          %rem3A_360 = arith.remui %while3A_215, %rem3A_359 : i32
          %run_scoped3A_361 = arith.constant 0 : i32
          %run_scoped3A_362 = arith.constant 0 : i32
          %run_scoped3A_363 = arith.constant 0 : i32
          "tpu.trace_start"() <{level = 10 : i32, message = "ep_run_kernel"}> : () -> ()
          "tpu.region"() ({
            %run_scoped3A_481 = tpu.sem_alloc : memref<!tpu.dma_semaphore, #tpu.memory_space<semaphore_mem>>
            %dma_start3A_482 = arith.constant 0 : i32
            %dma_start3A_483 = arith.constant 0 : i32
            %dma_start3A_484 = arith.constant 0 : i32
            %dma_start3A_485 = tpu.memref_slice %run_scoped3A_18[%rem3A_360, %dma_start3A_482, %dma_start3A_483, %dma_start3A_484] : memref<2x1x128x128xi32, #tpu.memory_space<vmem>> -> memref<1x1x128x128xi32, #tpu.memory_space<vmem>>
            %dma_start3A_486 = tpu.memref_squeeze %dma_start3A_485 : memref<1x1x128x128xi32, #tpu.memory_space<vmem>> -> memref<1x128x128xi32, #tpu.memory_space<vmem>>
            %dma_start3A_487 = arith.constant 0 : i32
            %dma_start3A_488 = arith.constant 0 : i32
            %dma_start3A_489 = tpu.memref_slice %dma_start3A_486[%run_scoped3A_363, %dma_start3A_487, %dma_start3A_488] : memref<1x128x128xi32, #tpu.memory_space<vmem>> -> memref<1x128x128xi32, #tpu.memory_space<vmem>>
            %dma_start3A_490 = tpu.memref_squeeze %dma_start3A_489 : memref<1x128x128xi32, #tpu.memory_space<vmem>> -> memref<128x128xi32, #tpu.memory_space<vmem>>
            %dma_start3A_491 = arith.constant 0 : i32
            %dma_start3A_492 = arith.constant 0 : i32
            %dma_start3A_493 = arith.constant 0 : i32
            %dma_start3A_494 = tpu.memref_slice %run_scoped3A[%rem3A_358, %dma_start3A_491, %dma_start3A_492, %dma_start3A_493] : memref<2x1x1x128xi32, #tpu.memory_space<vmem>> -> memref<1x1x1x128xi32, #tpu.memory_space<vmem>>
            %dma_start3A_495 = tpu.memref_squeeze %dma_start3A_494 : memref<1x1x1x128xi32, #tpu.memory_space<vmem>> -> memref<1x1x128xi32, #tpu.memory_space<vmem>>
            %dma_start3A_496 = arith.constant 0 : i32
            %dma_start3A_497 = tpu.memref_slice %dma_start3A_495[%run_scoped3A_361, %run_scoped3A_362, %dma_start3A_496] : memref<1x1x128xi32, #tpu.memory_space<vmem>> -> memref<1x1x128xi32, #tpu.memory_space<vmem>>
            %dma_start3A_498 = tpu.memref_squeeze %dma_start3A_497 : memref<1x1x128xi32, #tpu.memory_space<vmem>> -> memref<128xi32, #tpu.memory_space<vmem>>
            %dma_start3A_499 = arith.constant 0 : i32
            %dma_start3A_500 = arith.constant 0 : i32
            %dma_start3A_501 = tpu.memref_slice %arg2[%dma_start3A_499, %dma_start3A_500] : memref<174080x128xi32, #tpu.memory_space<hbm>> -> memref<174080x128xi32, #tpu.memory_space<hbm>>
            tpu.enqueue_indirect_dma source(%dma_start3A_501 : memref<174080x128xi32, #tpu.memory_space<hbm>>) target(%dma_start3A_490 : memref<128x128xi32, #tpu.memory_space<vmem>>) offsets(%dma_start3A_498 : memref<128xi32, #tpu.memory_space<vmem>>) semaphore(%run_scoped3A_481 : memref<!tpu.dma_semaphore, #tpu.memory_space<semaphore_mem>>)
            %dma_wait3A = arith.constant 0 : i32
            %dma_wait3A_502 = arith.constant 0 : i32
            %dma_wait3A_503 = arith.constant 0 : i32
            %dma_wait3A_504 = tpu.memref_slice %run_scoped3A_18[%rem3A_360, %dma_wait3A, %dma_wait3A_502, %dma_wait3A_503] : memref<2x1x128x128xi32, #tpu.memory_space<vmem>> -> memref<1x1x128x128xi32, #tpu.memory_space<vmem>>
            %dma_wait3A_505 = tpu.memref_squeeze %dma_wait3A_504 : memref<1x1x128x128xi32, #tpu.memory_space<vmem>> -> memref<1x128x128xi32, #tpu.memory_space<vmem>>
            %dma_wait3A_506 = arith.constant 0 : i32
            %dma_wait3A_507 = arith.constant 0 : i32
            %dma_wait3A_508 = tpu.memref_slice %dma_wait3A_505[%run_scoped3A_363, %dma_wait3A_506, %dma_wait3A_507] : memref<1x128x128xi32, #tpu.memory_space<vmem>> -> memref<1x128x128xi32, #tpu.memory_space<vmem>>
            %dma_wait3A_509 = tpu.memref_squeeze %dma_wait3A_508 : memref<1x128x128xi32, #tpu.memory_space<vmem>> -> memref<128x128xi32, #tpu.memory_space<vmem>>
            %dma_wait3A_510 = arith.constant 0 : i32
            %dma_wait3A_511 = arith.constant 0 : i32
            %dma_wait3A_512 = arith.constant 0 : i32
            %dma_wait3A_513 = tpu.memref_slice %run_scoped3A[%rem3A_358, %dma_wait3A_510, %dma_wait3A_511, %dma_wait3A_512] : memref<2x1x1x128xi32, #tpu.memory_space<vmem>> -> memref<1x1x1x128xi32, #tpu.memory_space<vmem>>
            %dma_wait3A_514 = tpu.memref_squeeze %dma_wait3A_513 : memref<1x1x1x128xi32, #tpu.memory_space<vmem>> -> memref<1x1x128xi32, #tpu.memory_space<vmem>>
            %dma_wait3A_515 = arith.constant 0 : i32
            %dma_wait3A_516 = tpu.memref_slice %dma_wait3A_514[%run_scoped3A_361, %run_scoped3A_362, %dma_wait3A_515] : memref<1x1x128xi32, #tpu.memory_space<vmem>> -> memref<1x1x128xi32, #tpu.memory_space<vmem>>
            %dma_wait3A_517 = tpu.memref_squeeze %dma_wait3A_516 : memref<1x1x128xi32, #tpu.memory_space<vmem>> -> memref<128xi32, #tpu.memory_space<vmem>>
            %dma_wait3A_518 = arith.constant 0 : i32
            %dma_wait3A_519 = arith.constant 0 : i32
            %dma_wait3A_520 = tpu.memref_slice %arg2[%dma_wait3A_518, %dma_wait3A_519] : memref<174080x128xi32, #tpu.memory_space<hbm>> -> memref<174080x128xi32, #tpu.memory_space<hbm>>
            tpu.wait_indirect_dma semaphore(%run_scoped3A_481 : memref<!tpu.dma_semaphore, #tpu.memory_space<semaphore_mem>>) src(%dma_wait3A_520 : memref<174080x128xi32, #tpu.memory_space<hbm>>) dst(%dma_wait3A_509 : memref<128x128xi32, #tpu.memory_space<vmem>>)
            tpu.yield
          }) : () -> ()
          "tpu.trace_stop"() : () -> ()
          %mul3A_364 = arith.constant 768 : i32
          %mul3A_365 = arith.muli %add3A_227, %mul3A_364 : i32
          %add3A_366 = arith.constant 750 : i32
          %add3A_367 = arith.addi %mul3A_365, %add3A_366 : i32
          %add3A_368 = arith.addi %add3A_367, %add3A_228 : i32
          %mul3A_369 = arith.constant 768 : i32
          %mul3A_370 = arith.muli %add3A_263, %mul3A_369 : i32
          %add3A_371 = arith.constant 750 : i32
          %add3A_372 = arith.addi %mul3A_370, %add3A_371 : i32
          %add3A_373 = arith.addi %add3A_372, %add3A_264 : i32
          %ne3A_374 = arith.cmpi ne, %add3A_368, %add3A_373 : i32
          %or3A_375 = arith.constant false
          %or3A_376 = arith.ori %or3A_375, %ne3A_374 : i1
          %or3A_377 = arith.constant false
          %or3A_378 = arith.ori %or3A_376, %or3A_377 : i1
          %or3A_379 = arith.constant false
          %or3A_380 = arith.ori %or3A_378, %or3A_379 : i1
          %or3A_381 = arith.ori %or3A_380, %eq3A_225 : i1
          %convert_element_type3A_382 = arith.extui %or3A_381 : i1 to i32
          %cond3A_383 = arith.constant 0 : i32
          %cond3A_384 = arith.cmpi ne, %convert_element_type3A_382, %cond3A_383 : i32
          scf.if %cond3A_384 {
          } else {
          }
          %and3A_385 = arith.constant false
          %and3A_386 = arith.andi %or3A_381, %and3A_385 : i1
          %ne3A_387 = arith.cmpi ne, %add3A_227, %add3A_263 : i32
          %ne3A_388 = arith.cmpi ne, %add3A_228, %add3A_264 : i32
          %or3A_389 = arith.constant false
          %or3A_390 = arith.ori %or3A_389, %ne3A_387 : i1
          %or3A_391 = arith.ori %or3A_390, %ne3A_388 : i1
          %or3A_392 = arith.constant false
          %or3A_393 = arith.ori %or3A_391, %or3A_392 : i1
          %or3A_394 = arith.ori %or3A_393, %eq3A_225 : i1
          %convert_element_type3A_395 = arith.extui %or3A_394 : i1 to i32
          %cond3A_396 = arith.constant 0 : i32
          %cond3A_397 = arith.cmpi ne, %convert_element_type3A_395, %cond3A_396 : i32
          scf.if %cond3A_397 {
            "tpu.trace_start"() <{level = 10 : i32, message = "ep_copy_out"}> : () -> ()
            %rem3A_481 = arith.constant 2 : i32
            %rem3A_482 = arith.remui %while3A_215, %rem3A_481 : i32
            %mul3A_483 = arith.constant 1 : i32
            %mul3A_484 = arith.muli %mul3A_483, %add3A_227 : i32
            %mul3A_485 = arith.constant 128 : i32
            %mul3A_486 = arith.muli %mul3A_485, %add3A_228 : i32
            %dma_start3A_487 = arith.constant 0 : i32
            %dma_start3A_488 = arith.constant 0 : i32
            %dma_start3A_489 = arith.constant 0 : i32
            %dma_start3A_490 = tpu.memref_slice %run_scoped3A_18[%rem3A_482, %dma_start3A_487, %dma_start3A_488, %dma_start3A_489] : memref<2x1x128x128xi32, #tpu.memory_space<vmem>> -> memref<1x1x128x128xi32, #tpu.memory_space<vmem>>
            %dma_start3A_491 = tpu.memref_squeeze %dma_start3A_490 : memref<1x1x128x128xi32, #tpu.memory_space<vmem>> -> memref<1x128x128xi32, #tpu.memory_space<vmem>>
            %dma_start3A_492 = arith.constant 0 : i32
            %dma_start3A_493 = tpu.memref_slice %arg4[%mul3A_484, %mul3A_486, %dma_start3A_492] : memref<4x2304x128xi32, #tpu.memory_space<hbm>> -> memref<1x128x128xi32, #tpu.memory_space<hbm>>
            %dma_start3A_494 = tpu.memref_slice %run_scoped3A_19[%rem3A_482] : memref<2x!tpu.dma_semaphore, #tpu.memory_space<semaphore_mem>> -> memref<1x!tpu.dma_semaphore, #tpu.memory_space<semaphore_mem>>
            %dma_start3A_495 = tpu.memref_squeeze %dma_start3A_494 : memref<1x!tpu.dma_semaphore, #tpu.memory_space<semaphore_mem>> -> memref<!tpu.dma_semaphore, #tpu.memory_space<semaphore_mem>>
            %dma_start3A_496 = arith.constant 0 : i32
            %dma_start3A_497 = tpu.memref_slice %arg4[%mul3A_484, %mul3A_486, %dma_start3A_496] : memref<4x2304x128xi32, #tpu.memory_space<hbm>> -> memref<1x128x128xi32, #tpu.memory_space<hbm>>
            %dma_start3A_498 = arith.constant 0 : i32
            %dma_start3A_499 = arith.constant 0 : i32
            %dma_start3A_500 = arith.constant 0 : i32
            %dma_start3A_501 = tpu.memref_slice %run_scoped3A_18[%rem3A_482, %dma_start3A_498, %dma_start3A_499, %dma_start3A_500] : memref<2x1x128x128xi32, #tpu.memory_space<vmem>> -> memref<1x1x128x128xi32, #tpu.memory_space<vmem>>
            %dma_start3A_502 = tpu.memref_squeeze %dma_start3A_501 : memref<1x1x128x128xi32, #tpu.memory_space<vmem>> -> memref<1x128x128xi32, #tpu.memory_space<vmem>>
            tpu.enqueue_dma source(%dma_start3A_502 : memref<1x128x128xi32, #tpu.memory_space<vmem>>) target(%dma_start3A_497 : memref<1x128x128xi32, #tpu.memory_space<hbm>>) target_semaphore(%dma_start3A_495 : memref<!tpu.dma_semaphore, #tpu.memory_space<semaphore_mem>>)
            "tpu.trace_stop"() : () -> ()
          } else {
          }
          %and3A_398 = arith.constant true
          %and3A_399 = arith.andi %or3A_394, %and3A_398 : i1
          %add3A_400 = arith.constant 1 : i32
          %add3A_401 = arith.addi %while3A_215, %add3A_400 : i32
          %select_n3A_402 = arith.select %and3A_399, %add3A_401, %while3A_215 : i32
          %mul3A_403 = arith.constant 768 : i32
          %mul3A_404 = arith.muli %add3A_227, %mul3A_403 : i32
          %add3A_405 = arith.constant 750 : i32
          %add3A_406 = arith.addi %mul3A_404, %add3A_405 : i32
          %add3A_407 = arith.addi %add3A_406, %add3A_228 : i32
          %mul3A_408 = arith.constant 768 : i32
          %mul3A_409 = arith.muli %add3A_246, %mul3A_408 : i32
          %add3A_410 = arith.constant 750 : i32
          %add3A_411 = arith.addi %mul3A_409, %add3A_410 : i32
          %add3A_412 = arith.addi %add3A_411, %add3A_247 : i32
          %ne3A_413 = arith.cmpi ne, %add3A_407, %add3A_412 : i32
          %or3A_414 = arith.constant false
          %or3A_415 = arith.ori %or3A_414, %ne3A_413 : i1
          %or3A_416 = arith.constant false
          %or3A_417 = arith.ori %or3A_415, %or3A_416 : i1
          %or3A_418 = arith.constant false
          %or3A_419 = arith.ori %or3A_417, %or3A_418 : i1
          %not3A_420 = arith.constant true
          %not3A_421 = arith.xori %eq3A_222, %not3A_420 : i1
          %and3A_422 = arith.andi %or3A_419, %not3A_421 : i1
          %convert_element_type3A_423 = arith.extui %and3A_422 : i1 to i32
          %cond3A_424 = arith.constant 0 : i32
          %cond3A_425 = arith.cmpi ne, %convert_element_type3A_423, %cond3A_424 : i32
          scf.if %cond3A_425 {
          } else {
          }
          %and3A_426 = arith.constant false
          %and3A_427 = arith.andi %and3A_422, %and3A_426 : i1
          %ne3A_428 = arith.cmpi ne, %add3A_227, %add3A_246 : i32
          %ne3A_429 = arith.cmpi ne, %add3A_228, %add3A_247 : i32
          %or3A_430 = arith.constant false
          %or3A_431 = arith.ori %or3A_430, %ne3A_428 : i1
          %or3A_432 = arith.ori %or3A_431, %ne3A_429 : i1
          %or3A_433 = arith.constant false
          %or3A_434 = arith.ori %or3A_432, %or3A_433 : i1
          %not3A_435 = arith.constant true
          %not3A_436 = arith.xori %eq3A_222, %not3A_435 : i1
          %and3A_437 = arith.andi %or3A_434, %not3A_436 : i1
          %convert_element_type3A_438 = arith.extui %and3A_437 : i1 to i32
          %cond3A_439 = arith.constant 0 : i32
          %cond3A_440 = arith.cmpi ne, %convert_element_type3A_438, %cond3A_439 : i32
          scf.if %cond3A_440 {
            "tpu.trace_start"() <{level = 10 : i32, message = "ep_wait_out"}> : () -> ()
            %rem3A_481 = arith.constant 2 : i32
            %rem3A_482 = arith.remui %while3A_216, %rem3A_481 : i32
            %mul3A_483 = arith.constant 1 : i32
            %mul3A_484 = arith.muli %mul3A_483, %add3A_246 : i32
            %mul3A_485 = arith.constant 128 : i32
            %mul3A_486 = arith.muli %mul3A_485, %add3A_247 : i32
            %dma_wait3A = arith.constant 0 : i32
            %dma_wait3A_487 = arith.constant 0 : i32
            %dma_wait3A_488 = arith.constant 0 : i32
            %dma_wait3A_489 = tpu.memref_slice %run_scoped3A_18[%rem3A_482, %dma_wait3A, %dma_wait3A_487, %dma_wait3A_488] : memref<2x1x128x128xi32, #tpu.memory_space<vmem>> -> memref<1x1x128x128xi32, #tpu.memory_space<vmem>>
            %dma_wait3A_490 = tpu.memref_squeeze %dma_wait3A_489 : memref<1x1x128x128xi32, #tpu.memory_space<vmem>> -> memref<1x128x128xi32, #tpu.memory_space<vmem>>
            %dma_wait3A_491 = arith.constant 0 : i32
            %dma_wait3A_492 = tpu.memref_slice %arg4[%mul3A_484, %mul3A_486, %dma_wait3A_491] : memref<4x2304x128xi32, #tpu.memory_space<hbm>> -> memref<1x128x128xi32, #tpu.memory_space<hbm>>
            %dma_wait3A_493 = tpu.memref_slice %run_scoped3A_19[%rem3A_482] : memref<2x!tpu.dma_semaphore, #tpu.memory_space<semaphore_mem>> -> memref<1x!tpu.dma_semaphore, #tpu.memory_space<semaphore_mem>>
            %dma_wait3A_494 = tpu.memref_squeeze %dma_wait3A_493 : memref<1x!tpu.dma_semaphore, #tpu.memory_space<semaphore_mem>> -> memref<!tpu.dma_semaphore, #tpu.memory_space<semaphore_mem>>
            %dma_wait3A_495 = arith.constant 0 : i32
            %dma_wait3A_496 = tpu.memref_slice %arg4[%mul3A_484, %mul3A_486, %dma_wait3A_495] : memref<4x2304x128xi32, #tpu.memory_space<hbm>> -> memref<1x128x128xi32, #tpu.memory_space<hbm>>
            %dma_wait3A_497 = arith.constant 0 : i32
            %dma_wait3A_498 = arith.constant 0 : i32
            %dma_wait3A_499 = arith.constant 0 : i32
            %dma_wait3A_500 = tpu.memref_slice %run_scoped3A_18[%rem3A_482, %dma_wait3A_497, %dma_wait3A_498, %dma_wait3A_499] : memref<2x1x128x128xi32, #tpu.memory_space<vmem>> -> memref<1x1x128x128xi32, #tpu.memory_space<vmem>>
            %dma_wait3A_501 = tpu.memref_squeeze %dma_wait3A_500 : memref<1x1x128x128xi32, #tpu.memory_space<vmem>> -> memref<1x128x128xi32, #tpu.memory_space<vmem>>
            tpu.wait_dma2 semaphore(%dma_wait3A_494 : memref<!tpu.dma_semaphore, #tpu.memory_space<semaphore_mem>>) src(%dma_wait3A_501 : memref<1x128x128xi32, #tpu.memory_space<vmem>>) dst(%dma_wait3A_496 : memref<1x128x128xi32, #tpu.memory_space<hbm>>)
            "tpu.trace_stop"() : () -> ()
          } else {
          }
          %and3A_441 = arith.constant true
          %and3A_442 = arith.andi %and3A_437, %and3A_441 : i1
          %add3A_443 = arith.constant 1 : i32
          %add3A_444 = arith.addi %while3A_216, %add3A_443 : i32
          %select_n3A_445 = arith.select %and3A_442, %add3A_444, %while3A_216 : i32
          %mul3A_446 = arith.constant 768 : i32
          %mul3A_447 = arith.muli %add3A_227, %mul3A_446 : i32
          %add3A_448 = arith.constant 750 : i32
          %add3A_449 = arith.addi %mul3A_447, %add3A_448 : i32
          %add3A_450 = arith.addi %add3A_449, %add3A_228 : i32
          %mul3A_451 = arith.constant 768 : i32
          %mul3A_452 = arith.muli %add3A_263, %mul3A_451 : i32
          %add3A_453 = arith.constant 750 : i32
          %add3A_454 = arith.addi %mul3A_452, %add3A_453 : i32
          %add3A_455 = arith.addi %add3A_454, %add3A_264 : i32
          %ne3A_456 = arith.cmpi ne, %add3A_450, %add3A_455 : i32
          %or3A_457 = arith.constant false
          %or3A_458 = arith.ori %or3A_457, %ne3A_456 : i1
          %or3A_459 = arith.constant false
          %or3A_460 = arith.ori %or3A_458, %or3A_459 : i1
          %or3A_461 = arith.constant false
          %or3A_462 = arith.ori %or3A_460, %or3A_461 : i1
          %or3A_463 = arith.ori %or3A_462, %eq3A_225 : i1
          %add3A_464 = arith.constant 1 : i32
          %add3A_465 = arith.addi %while3A_214, %add3A_464 : i32
          %select_n3A_466 = arith.select %or3A_463, %add3A_465, %while3A_214 : i32
          %add3A_467 = arith.constant 1 : i32
          %add3A_468 = arith.addi %while3A_218, %add3A_467 : i32
          %select_n3A_469 = arith.constant true
          %select_n3A_470 = arith.select %select_n3A_469, %add3A_468, %while3A_218 : i32
          %eq3A_471 = arith.cmpi eq, %select_n3A_470, %select_n3A : i32
          %select_n3A_472 = arith.constant 0 : i32
          %select_n3A_473 = arith.select %eq3A_471, %select_n3A_472, %select_n3A_470 : i32
          %add3A_474 = arith.constant 1 : i32
          %add3A_475 = arith.addi %while3A_217, %add3A_474 : i32
          %select_n3A_476 = arith.select %eq3A_471, %add3A_475, %while3A_217 : i32
          %eq3A_477 = arith.constant 4 : i32
          %eq3A_478 = arith.cmpi eq, %select_n3A_476, %eq3A_477 : i32
          %select_n3A_479 = arith.constant 0 : i32
          %select_n3A_480 = arith.select %eq3A_478, %select_n3A_479, %select_n3A_476 : i32
          scf.yield %select_n3A_309, %select_n3A_466, %select_n3A_402, %select_n3A_445, %select_n3A_480, %select_n3A_473 : i32, i32, i32, i32, i32, i32
        }
        %while3A_123 = arith.constant 1 : i32
        %while3A_124:6 = scf.for %while3A_212 = %while3A_120 to %while3A_116 step %while3A_123 iter_args(%while3A_213 = %while3A_122#0, %while3A_214 = %while3A_122#1, %while3A_215 = %while3A_122#2, %while3A_216 = %while3A_122#3, %while3A_217 = %while3A_122#4, %while3A_218 = %while3A_122#5) -> (i32, i32, i32, i32, i32, i32)  : i32 {
          %mul3A_219 = arith.constant 4 : i32
          %mul3A_220 = arith.muli %mul3A_219, %select_n3A : i32
          %eq3A_221 = arith.constant 0 : i32
          %eq3A_222 = arith.cmpi eq, %while3A_212, %eq3A_221 : i32
          %sub3A_223 = arith.constant 1 : i32
          %sub3A_224 = arith.subi %mul3A_220, %sub3A_223 : i32
          %eq3A_225 = arith.cmpi eq, %while3A_212, %sub3A_224 : i32
          %add3A_226 = arith.constant 0 : i32
          %add3A_227 = arith.addi %while3A_217, %add3A_226 : i32
          %add3A_228 = arith.addi %while3A_218, %select_n3A_14 : i32
          %sub3A_229 = arith.constant 1 : i32
          %sub3A_230 = arith.subi %while3A_218, %sub3A_229 : i32
          %select_n3A_231 = arith.constant true
          %select_n3A_232 = arith.select %select_n3A_231, %sub3A_230, %while3A_218 : i32
          %eq3A_233 = arith.constant -1 : i32
          %eq3A_234 = arith.cmpi eq, %select_n3A_232, %eq3A_233 : i32
          %sub3A_235 = arith.constant 1 : i32
          %sub3A_236 = arith.subi %select_n3A, %sub3A_235 : i32
          %select_n3A_237 = arith.select %eq3A_234, %sub3A_236, %select_n3A_232 : i32
          %sub3A_238 = arith.constant 1 : i32
          %sub3A_239 = arith.subi %while3A_217, %sub3A_238 : i32
          %select_n3A_240 = arith.select %eq3A_234, %sub3A_239, %while3A_217 : i32
          %eq3A_241 = arith.constant -1 : i32
          %eq3A_242 = arith.cmpi eq, %select_n3A_240, %eq3A_241 : i32
          %select_n3A_243 = arith.constant 3 : i32
          %select_n3A_244 = arith.select %eq3A_242, %select_n3A_243, %select_n3A_240 : i32
          %add3A_245 = arith.constant 0 : i32
          %add3A_246 = arith.addi %select_n3A_244, %add3A_245 : i32
          %add3A_247 = arith.addi %select_n3A_237, %select_n3A_14 : i32
          %add3A_248 = arith.constant 1 : i32
          %add3A_249 = arith.addi %while3A_218, %add3A_248 : i32
          %select_n3A_250 = arith.constant true
          %select_n3A_251 = arith.select %select_n3A_250, %add3A_249, %while3A_218 : i32
          %eq3A_252 = arith.cmpi eq, %select_n3A_251, %select_n3A : i32
          %select_n3A_253 = arith.constant 0 : i32
          %select_n3A_254 = arith.select %eq3A_252, %select_n3A_253, %select_n3A_251 : i32
          %add3A_255 = arith.constant 1 : i32
          %add3A_256 = arith.addi %while3A_217, %add3A_255 : i32
          %select_n3A_257 = arith.select %eq3A_252, %add3A_256, %while3A_217 : i32
          %eq3A_258 = arith.constant 4 : i32
          %eq3A_259 = arith.cmpi eq, %select_n3A_257, %eq3A_258 : i32
          %select_n3A_260 = arith.constant 0 : i32
          %select_n3A_261 = arith.select %eq3A_259, %select_n3A_260, %select_n3A_257 : i32
          %add3A_262 = arith.constant 0 : i32
          %add3A_263 = arith.addi %select_n3A_261, %add3A_262 : i32
          %add3A_264 = arith.addi %select_n3A_254, %select_n3A_14 : i32
          %add3A_265 = arith.constant 1 : i32
          %add3A_266 = arith.addi %select_n3A_254, %add3A_265 : i32
          %select_n3A_267 = arith.constant true
          %select_n3A_268 = arith.select %select_n3A_267, %add3A_266, %select_n3A_254 : i32
          %eq3A_269 = arith.cmpi eq, %select_n3A_268, %select_n3A : i32
          %select_n3A_270 = arith.constant 0 : i32
          %select_n3A_271 = arith.select %eq3A_269, %select_n3A_270, %select_n3A_268 : i32
          %add3A_272 = arith.constant 1 : i32
          %add3A_273 = arith.addi %select_n3A_261, %add3A_272 : i32
          %select_n3A_274 = arith.select %eq3A_269, %add3A_273, %select_n3A_261 : i32
          %eq3A_275 = arith.constant 4 : i32
          %eq3A_276 = arith.cmpi eq, %select_n3A_274, %eq3A_275 : i32
          %select_n3A_277 = arith.constant 0 : i32
          %select_n3A_278 = arith.select %eq3A_276, %select_n3A_277, %select_n3A_274 : i32
          %add3A_279 = arith.constant 0 : i32
          %add3A_280 = arith.addi %select_n3A_278, %add3A_279 : i32
          %add3A_281 = arith.addi %select_n3A_271, %select_n3A_14 : i32
          %mul3A_282 = arith.constant 768 : i32
          %mul3A_283 = arith.muli %add3A_227, %mul3A_282 : i32
          %add3A_284 = arith.constant 750 : i32
          %add3A_285 = arith.addi %mul3A_283, %add3A_284 : i32
          %add3A_286 = arith.addi %add3A_285, %add3A_228 : i32
          %mul3A_287 = arith.constant 768 : i32
          %mul3A_288 = arith.muli %add3A_263, %mul3A_287 : i32
          %add3A_289 = arith.constant 750 : i32
          %add3A_290 = arith.addi %mul3A_288, %add3A_289 : i32
          %add3A_291 = arith.addi %add3A_290, %add3A_264 : i32
          %ne3A = arith.cmpi ne, %add3A_286, %add3A_291 : i32
          %or3A = arith.constant false
          %or3A_292 = arith.ori %or3A, %ne3A : i1
          %or3A_293 = arith.constant false
          %or3A_294 = arith.ori %or3A_292, %or3A_293 : i1
          %or3A_295 = arith.constant false
          %or3A_296 = arith.ori %or3A_294, %or3A_295 : i1
          %sub3A_297 = arith.constant 2 : i32
          %sub3A_298 = arith.subi %mul3A_220, %sub3A_297 : i32
          %add3A_299 = arith.constant 1 : i32
          %add3A_300 = arith.addi %sub3A_298, %add3A_299 : i32
          %ge3A = arith.cmpi sge, %while3A_212, %add3A_300 : i32
          %not3A = arith.constant true
          %not3A_301 = arith.xori %ge3A, %not3A : i1
          %and3A = arith.andi %or3A_296, %not3A_301 : i1
          %convert_element_type3A_302 = arith.extui %and3A : i1 to i32
          %cond3A_303 = arith.constant 0 : i32
          %cond3A_304 = arith.cmpi ne, %convert_element_type3A_302, %cond3A_303 : i32
          scf.if %cond3A_304 {
            "tpu.trace_start"() <{level = 10 : i32, message = "ep_copy_in"}> : () -> ()
            %rem3A_481 = arith.constant 2 : i32
            %rem3A_482 = arith.remui %while3A_213, %rem3A_481 : i32
            %mul3A_483 = arith.constant 768 : i32
            %mul3A_484 = arith.muli %add3A_263, %mul3A_483 : i32
            %add3A_485 = arith.constant 750 : i32
            %add3A_486 = arith.addi %mul3A_484, %add3A_485 : i32
            %add3A_487 = arith.addi %add3A_486, %add3A_264 : i32
            %mul3A_488 = arith.constant 1 : i32
            %mul3A_489 = arith.muli %mul3A_488, %add3A_487 : i32
            %dma_start3A_490 = arith.constant 0 : i32
            %dma_start3A_491 = arith.constant 0 : i32
            %dma_start3A_492 = arith.constant 0 : i32
            %dma_start3A_493 = tpu.memref_slice %run_scoped3A[%rem3A_482, %dma_start3A_490, %dma_start3A_491, %dma_start3A_492] : memref<2x1x1x128xi32, #tpu.memory_space<vmem>> -> memref<1x1x1x128xi32, #tpu.memory_space<vmem>>
            %dma_start3A_494 = tpu.memref_squeeze %dma_start3A_493 : memref<1x1x1x128xi32, #tpu.memory_space<vmem>> -> memref<1x1x128xi32, #tpu.memory_space<vmem>>
            %dma_start3A_495 = arith.constant 0 : i32
            %dma_start3A_496 = arith.constant 0 : i32
            %dma_start3A_497 = tpu.memref_slice %arg3[%mul3A_489, %dma_start3A_495, %dma_start3A_496] : memref<3072x1x128xi32, #tpu.memory_space<hbm>> -> memref<1x1x128xi32, #tpu.memory_space<hbm>>
            %dma_start3A_498 = tpu.memref_slice %run_scoped3A_17[%rem3A_482] : memref<2x!tpu.dma_semaphore, #tpu.memory_space<semaphore_mem>> -> memref<1x!tpu.dma_semaphore, #tpu.memory_space<semaphore_mem>>
            %dma_start3A_499 = tpu.memref_squeeze %dma_start3A_498 : memref<1x!tpu.dma_semaphore, #tpu.memory_space<semaphore_mem>> -> memref<!tpu.dma_semaphore, #tpu.memory_space<semaphore_mem>>
            %dma_start3A_500 = arith.constant 0 : i32
            %dma_start3A_501 = arith.constant 0 : i32
            %dma_start3A_502 = arith.constant 0 : i32
            %dma_start3A_503 = tpu.memref_slice %run_scoped3A[%rem3A_482, %dma_start3A_500, %dma_start3A_501, %dma_start3A_502] : memref<2x1x1x128xi32, #tpu.memory_space<vmem>> -> memref<1x1x1x128xi32, #tpu.memory_space<vmem>>
            %dma_start3A_504 = tpu.memref_squeeze %dma_start3A_503 : memref<1x1x1x128xi32, #tpu.memory_space<vmem>> -> memref<1x1x128xi32, #tpu.memory_space<vmem>>
            %dma_start3A_505 = arith.constant 0 : i32
            %dma_start3A_506 = arith.constant 0 : i32
            %dma_start3A_507 = tpu.memref_slice %arg3[%mul3A_489, %dma_start3A_505, %dma_start3A_506] : memref<3072x1x128xi32, #tpu.memory_space<hbm>> -> memref<1x1x128xi32, #tpu.memory_space<hbm>>
            tpu.enqueue_dma source(%dma_start3A_507 : memref<1x1x128xi32, #tpu.memory_space<hbm>>) target(%dma_start3A_504 : memref<1x1x128xi32, #tpu.memory_space<vmem>>) target_semaphore(%dma_start3A_499 : memref<!tpu.dma_semaphore, #tpu.memory_space<semaphore_mem>>)
            "tpu.trace_stop"() : () -> ()
          } else {
          }
          %and3A_305 = arith.constant true
          %and3A_306 = arith.andi %and3A, %and3A_305 : i1
          %add3A_307 = arith.constant 1 : i32
          %add3A_308 = arith.addi %while3A_213, %add3A_307 : i32
          %select_n3A_309 = arith.select %and3A_306, %add3A_308, %while3A_213 : i32
          %ne3A_310 = arith.cmpi ne, %add3A_227, %add3A_263 : i32
          %ne3A_311 = arith.cmpi ne, %add3A_228, %add3A_264 : i32
          %or3A_312 = arith.constant false
          %or3A_313 = arith.ori %or3A_312, %ne3A_310 : i1
          %or3A_314 = arith.ori %or3A_313, %ne3A_311 : i1
          %or3A_315 = arith.constant false
          %or3A_316 = arith.ori %or3A_314, %or3A_315 : i1
          %sub3A_317 = arith.constant 2 : i32
          %sub3A_318 = arith.subi %mul3A_220, %sub3A_317 : i32
          %add3A_319 = arith.constant 1 : i32
          %add3A_320 = arith.addi %sub3A_318, %add3A_319 : i32
          %ge3A_321 = arith.cmpi sge, %while3A_212, %add3A_320 : i32
          %not3A_322 = arith.constant true
          %not3A_323 = arith.xori %ge3A_321, %not3A_322 : i1
          %and3A_324 = arith.andi %or3A_316, %not3A_323 : i1
          %mul3A_325 = arith.constant 768 : i32
          %mul3A_326 = arith.muli %add3A_227, %mul3A_325 : i32
          %add3A_327 = arith.constant 750 : i32
          %add3A_328 = arith.addi %mul3A_326, %add3A_327 : i32
          %add3A_329 = arith.addi %add3A_328, %add3A_228 : i32
          %mul3A_330 = arith.constant 768 : i32
          %mul3A_331 = arith.muli %add3A_246, %mul3A_330 : i32
          %add3A_332 = arith.constant 750 : i32
          %add3A_333 = arith.addi %mul3A_331, %add3A_332 : i32
          %add3A_334 = arith.addi %add3A_333, %add3A_247 : i32
          %ne3A_335 = arith.cmpi ne, %add3A_329, %add3A_334 : i32
          %or3A_336 = arith.constant false
          %or3A_337 = arith.ori %or3A_336, %ne3A_335 : i1
          %or3A_338 = arith.constant false
          %or3A_339 = arith.ori %or3A_337, %or3A_338 : i1
          %or3A_340 = arith.constant false
          %or3A_341 = arith.ori %or3A_339, %or3A_340 : i1
          %or3A_342 = arith.ori %or3A_341, %eq3A_222 : i1
          %convert_element_type3A_343 = arith.extui %or3A_342 : i1 to i32
          %cond3A_344 = arith.constant 0 : i32
          %cond3A_345 = arith.cmpi ne, %convert_element_type3A_343, %cond3A_344 : i32
          scf.if %cond3A_345 {
            "tpu.trace_start"() <{level = 10 : i32, message = "ep_wait_in"}> : () -> ()
            %mul3A_481 = arith.constant 768 : i32
            %mul3A_482 = arith.muli %add3A_227, %mul3A_481 : i32
            %add3A_483 = arith.constant 750 : i32
            %add3A_484 = arith.addi %mul3A_482, %add3A_483 : i32
            %add3A_485 = arith.addi %add3A_484, %add3A_228 : i32
            %mul3A_486 = arith.constant 1 : i32
            %mul3A_487 = arith.muli %mul3A_486, %add3A_485 : i32
            %rem3A_488 = arith.constant 2 : i32
            %rem3A_489 = arith.remui %while3A_214, %rem3A_488 : i32
            %dma_wait3A = arith.constant 0 : i32
            %dma_wait3A_490 = arith.constant 0 : i32
            %dma_wait3A_491 = arith.constant 0 : i32
            %dma_wait3A_492 = tpu.memref_slice %run_scoped3A[%rem3A_489, %dma_wait3A, %dma_wait3A_490, %dma_wait3A_491] : memref<2x1x1x128xi32, #tpu.memory_space<vmem>> -> memref<1x1x1x128xi32, #tpu.memory_space<vmem>>
            %dma_wait3A_493 = tpu.memref_squeeze %dma_wait3A_492 : memref<1x1x1x128xi32, #tpu.memory_space<vmem>> -> memref<1x1x128xi32, #tpu.memory_space<vmem>>
            %dma_wait3A_494 = arith.constant 0 : i32
            %dma_wait3A_495 = arith.constant 0 : i32
            %dma_wait3A_496 = tpu.memref_slice %arg3[%mul3A_487, %dma_wait3A_494, %dma_wait3A_495] : memref<3072x1x128xi32, #tpu.memory_space<hbm>> -> memref<1x1x128xi32, #tpu.memory_space<hbm>>
            %dma_wait3A_497 = tpu.memref_slice %run_scoped3A_17[%rem3A_489] : memref<2x!tpu.dma_semaphore, #tpu.memory_space<semaphore_mem>> -> memref<1x!tpu.dma_semaphore, #tpu.memory_space<semaphore_mem>>
            %dma_wait3A_498 = tpu.memref_squeeze %dma_wait3A_497 : memref<1x!tpu.dma_semaphore, #tpu.memory_space<semaphore_mem>> -> memref<!tpu.dma_semaphore, #tpu.memory_space<semaphore_mem>>
            %dma_wait3A_499 = arith.constant 0 : i32
            %dma_wait3A_500 = arith.constant 0 : i32
            %dma_wait3A_501 = arith.constant 0 : i32
            %dma_wait3A_502 = tpu.memref_slice %run_scoped3A[%rem3A_489, %dma_wait3A_499, %dma_wait3A_500, %dma_wait3A_501] : memref<2x1x1x128xi32, #tpu.memory_space<vmem>> -> memref<1x1x1x128xi32, #tpu.memory_space<vmem>>
            %dma_wait3A_503 = tpu.memref_squeeze %dma_wait3A_502 : memref<1x1x1x128xi32, #tpu.memory_space<vmem>> -> memref<1x1x128xi32, #tpu.memory_space<vmem>>
            %dma_wait3A_504 = arith.constant 0 : i32
            %dma_wait3A_505 = arith.constant 0 : i32
            %dma_wait3A_506 = tpu.memref_slice %arg3[%mul3A_487, %dma_wait3A_504, %dma_wait3A_505] : memref<3072x1x128xi32, #tpu.memory_space<hbm>> -> memref<1x1x128xi32, #tpu.memory_space<hbm>>
            tpu.wait_dma2 semaphore(%dma_wait3A_498 : memref<!tpu.dma_semaphore, #tpu.memory_space<semaphore_mem>>) src(%dma_wait3A_506 : memref<1x1x128xi32, #tpu.memory_space<hbm>>) dst(%dma_wait3A_503 : memref<1x1x128xi32, #tpu.memory_space<vmem>>)
            "tpu.trace_stop"() : () -> ()
          } else {
          }
          %ne3A_346 = arith.cmpi ne, %add3A_227, %add3A_246 : i32
          %ne3A_347 = arith.cmpi ne, %add3A_228, %add3A_247 : i32
          %or3A_348 = arith.constant false
          %or3A_349 = arith.ori %or3A_348, %ne3A_346 : i1
          %or3A_350 = arith.ori %or3A_349, %ne3A_347 : i1
          %or3A_351 = arith.constant false
          %or3A_352 = arith.ori %or3A_350, %or3A_351 : i1
          %or3A_353 = arith.ori %or3A_352, %eq3A_222 : i1
          %convert_element_type3A_354 = arith.extui %or3A_353 : i1 to i32
          %cond3A_355 = arith.constant 0 : i32
          %cond3A_356 = arith.cmpi ne, %convert_element_type3A_354, %cond3A_355 : i32
          scf.if %cond3A_356 {
          } else {
          }
          %rem3A_357 = arith.constant 2 : i32
          %rem3A_358 = arith.remui %while3A_214, %rem3A_357 : i32
          %rem3A_359 = arith.constant 2 : i32
          %rem3A_360 = arith.remui %while3A_215, %rem3A_359 : i32
          %run_scoped3A_361 = arith.constant 0 : i32
          %run_scoped3A_362 = arith.constant 0 : i32
          %run_scoped3A_363 = arith.constant 0 : i32
          "tpu.trace_start"() <{level = 10 : i32, message = "ep_run_kernel"}> : () -> ()
          "tpu.region"() ({
            %run_scoped3A_481 = tpu.sem_alloc : memref<!tpu.dma_semaphore, #tpu.memory_space<semaphore_mem>>
            %dma_start3A_482 = arith.constant 0 : i32
            %dma_start3A_483 = arith.constant 0 : i32
            %dma_start3A_484 = arith.constant 0 : i32
            %dma_start3A_485 = tpu.memref_slice %run_scoped3A_18[%rem3A_360, %dma_start3A_482, %dma_start3A_483, %dma_start3A_484] : memref<2x1x128x128xi32, #tpu.memory_space<vmem>> -> memref<1x1x128x128xi32, #tpu.memory_space<vmem>>
            %dma_start3A_486 = tpu.memref_squeeze %dma_start3A_485 : memref<1x1x128x128xi32, #tpu.memory_space<vmem>> -> memref<1x128x128xi32, #tpu.memory_space<vmem>>
            %dma_start3A_487 = arith.constant 0 : i32
            %dma_start3A_488 = arith.constant 0 : i32
            %dma_start3A_489 = tpu.memref_slice %dma_start3A_486[%run_scoped3A_363, %dma_start3A_487, %dma_start3A_488] : memref<1x128x128xi32, #tpu.memory_space<vmem>> -> memref<1x128x128xi32, #tpu.memory_space<vmem>>
            %dma_start3A_490 = tpu.memref_squeeze %dma_start3A_489 : memref<1x128x128xi32, #tpu.memory_space<vmem>> -> memref<128x128xi32, #tpu.memory_space<vmem>>
            %dma_start3A_491 = arith.constant 0 : i32
            %dma_start3A_492 = arith.constant 0 : i32
            %dma_start3A_493 = arith.constant 0 : i32
            %dma_start3A_494 = tpu.memref_slice %run_scoped3A[%rem3A_358, %dma_start3A_491, %dma_start3A_492, %dma_start3A_493] : memref<2x1x1x128xi32, #tpu.memory_space<vmem>> -> memref<1x1x1x128xi32, #tpu.memory_space<vmem>>
            %dma_start3A_495 = tpu.memref_squeeze %dma_start3A_494 : memref<1x1x1x128xi32, #tpu.memory_space<vmem>> -> memref<1x1x128xi32, #tpu.memory_space<vmem>>
            %dma_start3A_496 = arith.constant 0 : i32
            %dma_start3A_497 = tpu.memref_slice %dma_start3A_495[%run_scoped3A_361, %run_scoped3A_362, %dma_start3A_496] : memref<1x1x128xi32, #tpu.memory_space<vmem>> -> memref<1x1x128xi32, #tpu.memory_space<vmem>>
            %dma_start3A_498 = tpu.memref_squeeze %dma_start3A_497 : memref<1x1x128xi32, #tpu.memory_space<vmem>> -> memref<128xi32, #tpu.memory_space<vmem>>
            %dma_start3A_499 = arith.constant 0 : i32
            %dma_start3A_500 = arith.constant 0 : i32
            %dma_start3A_501 = tpu.memref_slice %arg2[%dma_start3A_499, %dma_start3A_500] : memref<174080x128xi32, #tpu.memory_space<hbm>> -> memref<174080x128xi32, #tpu.memory_space<hbm>>
            tpu.enqueue_indirect_dma source(%dma_start3A_501 : memref<174080x128xi32, #tpu.memory_space<hbm>>) target(%dma_start3A_490 : memref<128x128xi32, #tpu.memory_space<vmem>>) offsets(%dma_start3A_498 : memref<128xi32, #tpu.memory_space<vmem>>) semaphore(%run_scoped3A_481 : memref<!tpu.dma_semaphore, #tpu.memory_space<semaphore_mem>>)
            %dma_wait3A = arith.constant 0 : i32
            %dma_wait3A_502 = arith.constant 0 : i32
            %dma_wait3A_503 = arith.constant 0 : i32
            %dma_wait3A_504 = tpu.memref_slice %run_scoped3A_18[%rem3A_360, %dma_wait3A, %dma_wait3A_502, %dma_wait3A_503] : memref<2x1x128x128xi32, #tpu.memory_space<vmem>> -> memref<1x1x128x128xi32, #tpu.memory_space<vmem>>
            %dma_wait3A_505 = tpu.memref_squeeze %dma_wait3A_504 : memref<1x1x128x128xi32, #tpu.memory_space<vmem>> -> memref<1x128x128xi32, #tpu.memory_space<vmem>>
            %dma_wait3A_506 = arith.constant 0 : i32
            %dma_wait3A_507 = arith.constant 0 : i32
            %dma_wait3A_508 = tpu.memref_slice %dma_wait3A_505[%run_scoped3A_363, %dma_wait3A_506, %dma_wait3A_507] : memref<1x128x128xi32, #tpu.memory_space<vmem>> -> memref<1x128x128xi32, #tpu.memory_space<vmem>>
            %dma_wait3A_509 = tpu.memref_squeeze %dma_wait3A_508 : memref<1x128x128xi32, #tpu.memory_space<vmem>> -> memref<128x128xi32, #tpu.memory_space<vmem>>
            %dma_wait3A_510 = arith.constant 0 : i32
            %dma_wait3A_511 = arith.constant 0 : i32
            %dma_wait3A_512 = arith.constant 0 : i32
            %dma_wait3A_513 = tpu.memref_slice %run_scoped3A[%rem3A_358, %dma_wait3A_510, %dma_wait3A_511, %dma_wait3A_512] : memref<2x1x1x128xi32, #tpu.memory_space<vmem>> -> memref<1x1x1x128xi32, #tpu.memory_space<vmem>>
            %dma_wait3A_514 = tpu.memref_squeeze %dma_wait3A_513 : memref<1x1x1x128xi32, #tpu.memory_space<vmem>> -> memref<1x1x128xi32, #tpu.memory_space<vmem>>
            %dma_wait3A_515 = arith.constant 0 : i32
            %dma_wait3A_516 = tpu.memref_slice %dma_wait3A_514[%run_scoped3A_361, %run_scoped3A_362, %dma_wait3A_515] : memref<1x1x128xi32, #tpu.memory_space<vmem>> -> memref<1x1x128xi32, #tpu.memory_space<vmem>>
            %dma_wait3A_517 = tpu.memref_squeeze %dma_wait3A_516 : memref<1x1x128xi32, #tpu.memory_space<vmem>> -> memref<128xi32, #tpu.memory_space<vmem>>
            %dma_wait3A_518 = arith.constant 0 : i32
            %dma_wait3A_519 = arith.constant 0 : i32
            %dma_wait3A_520 = tpu.memref_slice %arg2[%dma_wait3A_518, %dma_wait3A_519] : memref<174080x128xi32, #tpu.memory_space<hbm>> -> memref<174080x128xi32, #tpu.memory_space<hbm>>
            tpu.wait_indirect_dma semaphore(%run_scoped3A_481 : memref<!tpu.dma_semaphore, #tpu.memory_space<semaphore_mem>>) src(%dma_wait3A_520 : memref<174080x128xi32, #tpu.memory_space<hbm>>) dst(%dma_wait3A_509 : memref<128x128xi32, #tpu.memory_space<vmem>>)
            tpu.yield
          }) : () -> ()
          "tpu.trace_stop"() : () -> ()
          %mul3A_364 = arith.constant 768 : i32
          %mul3A_365 = arith.muli %add3A_227, %mul3A_364 : i32
          %add3A_366 = arith.constant 750 : i32
          %add3A_367 = arith.addi %mul3A_365, %add3A_366 : i32
          %add3A_368 = arith.addi %add3A_367, %add3A_228 : i32
          %mul3A_369 = arith.constant 768 : i32
          %mul3A_370 = arith.muli %add3A_263, %mul3A_369 : i32
          %add3A_371 = arith.constant 750 : i32
          %add3A_372 = arith.addi %mul3A_370, %add3A_371 : i32
          %add3A_373 = arith.addi %add3A_372, %add3A_264 : i32
          %ne3A_374 = arith.cmpi ne, %add3A_368, %add3A_373 : i32
          %or3A_375 = arith.constant false
          %or3A_376 = arith.ori %or3A_375, %ne3A_374 : i1
          %or3A_377 = arith.constant false
          %or3A_378 = arith.ori %or3A_376, %or3A_377 : i1
          %or3A_379 = arith.constant false
          %or3A_380 = arith.ori %or3A_378, %or3A_379 : i1
          %or3A_381 = arith.ori %or3A_380, %eq3A_225 : i1
          %convert_element_type3A_382 = arith.extui %or3A_381 : i1 to i32
          %cond3A_383 = arith.constant 0 : i32
          %cond3A_384 = arith.cmpi ne, %convert_element_type3A_382, %cond3A_383 : i32
          scf.if %cond3A_384 {
          } else {
          }
          %and3A_385 = arith.constant false
          %and3A_386 = arith.andi %or3A_381, %and3A_385 : i1
          %ne3A_387 = arith.cmpi ne, %add3A_227, %add3A_263 : i32
          %ne3A_388 = arith.cmpi ne, %add3A_228, %add3A_264 : i32
          %or3A_389 = arith.constant false
          %or3A_390 = arith.ori %or3A_389, %ne3A_387 : i1
          %or3A_391 = arith.ori %or3A_390, %ne3A_388 : i1
          %or3A_392 = arith.constant false
          %or3A_393 = arith.ori %or3A_391, %or3A_392 : i1
          %or3A_394 = arith.ori %or3A_393, %eq3A_225 : i1
          %convert_element_type3A_395 = arith.extui %or3A_394 : i1 to i32
          %cond3A_396 = arith.constant 0 : i32
          %cond3A_397 = arith.cmpi ne, %convert_element_type3A_395, %cond3A_396 : i32
          scf.if %cond3A_397 {
            "tpu.trace_start"() <{level = 10 : i32, message = "ep_copy_out"}> : () -> ()
            %rem3A_481 = arith.constant 2 : i32
            %rem3A_482 = arith.remui %while3A_215, %rem3A_481 : i32
            %mul3A_483 = arith.constant 1 : i32
            %mul3A_484 = arith.muli %mul3A_483, %add3A_227 : i32
            %mul3A_485 = arith.constant 128 : i32
            %mul3A_486 = arith.muli %mul3A_485, %add3A_228 : i32
            %dma_start3A_487 = arith.constant 0 : i32
            %dma_start3A_488 = arith.constant 0 : i32
            %dma_start3A_489 = arith.constant 0 : i32
            %dma_start3A_490 = tpu.memref_slice %run_scoped3A_18[%rem3A_482, %dma_start3A_487, %dma_start3A_488, %dma_start3A_489] : memref<2x1x128x128xi32, #tpu.memory_space<vmem>> -> memref<1x1x128x128xi32, #tpu.memory_space<vmem>>
            %dma_start3A_491 = tpu.memref_squeeze %dma_start3A_490 : memref<1x1x128x128xi32, #tpu.memory_space<vmem>> -> memref<1x128x128xi32, #tpu.memory_space<vmem>>
            %dma_start3A_492 = arith.constant 0 : i32
            %dma_start3A_493 = tpu.memref_slice %arg4[%mul3A_484, %mul3A_486, %dma_start3A_492] : memref<4x2304x128xi32, #tpu.memory_space<hbm>> -> memref<1x128x128xi32, #tpu.memory_space<hbm>>
            %dma_start3A_494 = tpu.memref_slice %run_scoped3A_19[%rem3A_482] : memref<2x!tpu.dma_semaphore, #tpu.memory_space<semaphore_mem>> -> memref<1x!tpu.dma_semaphore, #tpu.memory_space<semaphore_mem>>
            %dma_start3A_495 = tpu.memref_squeeze %dma_start3A_494 : memref<1x!tpu.dma_semaphore, #tpu.memory_space<semaphore_mem>> -> memref<!tpu.dma_semaphore, #tpu.memory_space<semaphore_mem>>
            %dma_start3A_496 = arith.constant 0 : i32
            %dma_start3A_497 = tpu.memref_slice %arg4[%mul3A_484, %mul3A_486, %dma_start3A_496] : memref<4x2304x128xi32, #tpu.memory_space<hbm>> -> memref<1x128x128xi32, #tpu.memory_space<hbm>>
            %dma_start3A_498 = arith.constant 0 : i32
            %dma_start3A_499 = arith.constant 0 : i32
            %dma_start3A_500 = arith.constant 0 : i32
            %dma_start3A_501 = tpu.memref_slice %run_scoped3A_18[%rem3A_482, %dma_start3A_498, %dma_start3A_499, %dma_start3A_500] : memref<2x1x128x128xi32, #tpu.memory_space<vmem>> -> memref<1x1x128x128xi32, #tpu.memory_space<vmem>>
            %dma_start3A_502 = tpu.memref_squeeze %dma_start3A_501 : memref<1x1x128x128xi32, #tpu.memory_space<vmem>> -> memref<1x128x128xi32, #tpu.memory_space<vmem>>
            tpu.enqueue_dma source(%dma_start3A_502 : memref<1x128x128xi32, #tpu.memory_space<vmem>>) target(%dma_start3A_497 : memref<1x128x128xi32, #tpu.memory_space<hbm>>) target_semaphore(%dma_start3A_495 : memref<!tpu.dma_semaphore, #tpu.memory_space<semaphore_mem>>)
            "tpu.trace_stop"() : () -> ()
          } else {
          }
          %and3A_398 = arith.constant true
          %and3A_399 = arith.andi %or3A_394, %and3A_398 : i1
          %add3A_400 = arith.constant 1 : i32
          %add3A_401 = arith.addi %while3A_215, %add3A_400 : i32
          %select_n3A_402 = arith.select %and3A_399, %add3A_401, %while3A_215 : i32
          %mul3A_403 = arith.constant 768 : i32
          %mul3A_404 = arith.muli %add3A_227, %mul3A_403 : i32
          %add3A_405 = arith.constant 750 : i32
          %add3A_406 = arith.addi %mul3A_404, %add3A_405 : i32
          %add3A_407 = arith.addi %add3A_406, %add3A_228 : i32
          %mul3A_408 = arith.constant 768 : i32
          %mul3A_409 = arith.muli %add3A_246, %mul3A_408 : i32
          %add3A_410 = arith.constant 750 : i32
          %add3A_411 = arith.addi %mul3A_409, %add3A_410 : i32
          %add3A_412 = arith.addi %add3A_411, %add3A_247 : i32
          %ne3A_413 = arith.cmpi ne, %add3A_407, %add3A_412 : i32
          %or3A_414 = arith.constant false
          %or3A_415 = arith.ori %or3A_414, %ne3A_413 : i1
          %or3A_416 = arith.constant false
          %or3A_417 = arith.ori %or3A_415, %or3A_416 : i1
          %or3A_418 = arith.constant false
          %or3A_419 = arith.ori %or3A_417, %or3A_418 : i1
          %not3A_420 = arith.constant true
          %not3A_421 = arith.xori %eq3A_222, %not3A_420 : i1
          %and3A_422 = arith.andi %or3A_419, %not3A_421 : i1
          %convert_element_type3A_423 = arith.extui %and3A_422 : i1 to i32
          %cond3A_424 = arith.constant 0 : i32
          %cond3A_425 = arith.cmpi ne, %convert_element_type3A_423, %cond3A_424 : i32
          scf.if %cond3A_425 {
          } else {
          }
          %and3A_426 = arith.constant false
          %and3A_427 = arith.andi %and3A_422, %and3A_426 : i1
          %ne3A_428 = arith.cmpi ne, %add3A_227, %add3A_246 : i32
          %ne3A_429 = arith.cmpi ne, %add3A_228, %add3A_247 : i32
          %or3A_430 = arith.constant false
          %or3A_431 = arith.ori %or3A_430, %ne3A_428 : i1
          %or3A_432 = arith.ori %or3A_431, %ne3A_429 : i1
          %or3A_433 = arith.constant false
          %or3A_434 = arith.ori %or3A_432, %or3A_433 : i1
          %not3A_435 = arith.constant true
          %not3A_436 = arith.xori %eq3A_222, %not3A_435 : i1
          %and3A_437 = arith.andi %or3A_434, %not3A_436 : i1
          %convert_element_type3A_438 = arith.extui %and3A_437 : i1 to i32
          %cond3A_439 = arith.constant 0 : i32
          %cond3A_440 = arith.cmpi ne, %convert_element_type3A_438, %cond3A_439 : i32
          scf.if %cond3A_440 {
            "tpu.trace_start"() <{level = 10 : i32, message = "ep_wait_out"}> : () -> ()
            %rem3A_481 = arith.constant 2 : i32
            %rem3A_482 = arith.remui %while3A_216, %rem3A_481 : i32
            %mul3A_483 = arith.constant 1 : i32
            %mul3A_484 = arith.muli %mul3A_483, %add3A_246 : i32
            %mul3A_485 = arith.constant 128 : i32
            %mul3A_486 = arith.muli %mul3A_485, %add3A_247 : i32
            %dma_wait3A = arith.constant 0 : i32
            %dma_wait3A_487 = arith.constant 0 : i32
            %dma_wait3A_488 = arith.constant 0 : i32
            %dma_wait3A_489 = tpu.memref_slice %run_scoped3A_18[%rem3A_482, %dma_wait3A, %dma_wait3A_487, %dma_wait3A_488] : memref<2x1x128x128xi32, #tpu.memory_space<vmem>> -> memref<1x1x128x128xi32, #tpu.memory_space<vmem>>
            %dma_wait3A_490 = tpu.memref_squeeze %dma_wait3A_489 : memref<1x1x128x128xi32, #tpu.memory_space<vmem>> -> memref<1x128x128xi32, #tpu.memory_space<vmem>>
            %dma_wait3A_491 = arith.constant 0 : i32
            %dma_wait3A_492 = tpu.memref_slice %arg4[%mul3A_484, %mul3A_486, %dma_wait3A_491] : memref<4x2304x128xi32, #tpu.memory_space<hbm>> -> memref<1x128x128xi32, #tpu.memory_space<hbm>>
            %dma_wait3A_493 = tpu.memref_slice %run_scoped3A_19[%rem3A_482] : memref<2x!tpu.dma_semaphore, #tpu.memory_space<semaphore_mem>> -> memref<1x!tpu.dma_semaphore, #tpu.memory_space<semaphore_mem>>
            %dma_wait3A_494 = tpu.memref_squeeze %dma_wait3A_493 : memref<1x!tpu.dma_semaphore, #tpu.memory_space<semaphore_mem>> -> memref<!tpu.dma_semaphore, #tpu.memory_space<semaphore_mem>>
            %dma_wait3A_495 = arith.constant 0 : i32
            %dma_wait3A_496 = tpu.memref_slice %arg4[%mul3A_484, %mul3A_486, %dma_wait3A_495] : memref<4x2304x128xi32, #tpu.memory_space<hbm>> -> memref<1x128x128xi32, #tpu.memory_space<hbm>>
            %dma_wait3A_497 = arith.constant 0 : i32
            %dma_wait3A_498 = arith.constant 0 : i32
            %dma_wait3A_499 = arith.constant 0 : i32
            %dma_wait3A_500 = tpu.memref_slice %run_scoped3A_18[%rem3A_482, %dma_wait3A_497, %dma_wait3A_498, %dma_wait3A_499] : memref<2x1x128x128xi32, #tpu.memory_space<vmem>> -> memref<1x1x128x128xi32, #tpu.memory_space<vmem>>
            %dma_wait3A_501 = tpu.memref_squeeze %dma_wait3A_500 : memref<1x1x128x128xi32, #tpu.memory_space<vmem>> -> memref<1x128x128xi32, #tpu.memory_space<vmem>>
            tpu.wait_dma2 semaphore(%dma_wait3A_494 : memref<!tpu.dma_semaphore, #tpu.memory_space<semaphore_mem>>) src(%dma_wait3A_501 : memref<1x128x128xi32, #tpu.memory_space<vmem>>) dst(%dma_wait3A_496 : memref<1x128x128xi32, #tpu.memory_space<hbm>>)
            "tpu.trace_stop"() : () -> ()
          } else {
          }
          %and3A_441 = arith.constant true
          %and3A_442 = arith.andi %and3A_437, %and3A_441 : i1
          %add3A_443 = arith.constant 1 : i32
          %add3A_444 = arith.addi %while3A_216, %add3A_443 : i32
          %select_n3A_445 = arith.select %and3A_442, %add3A_444, %while3A_216 : i32
          %mul3A_446 = arith.constant 768 : i32
          %mul3A_447 = arith.muli %add3A_227, %mul3A_446 : i32
          %add3A_448 = arith.constant 750 : i32
          %add3A_449 = arith.addi %mul3A_447, %add3A_448 : i32
          %add3A_450 = arith.addi %add3A_449, %add3A_228 : i32
          %mul3A_451 = arith.constant 768 : i32
          %mul3A_452 = arith.muli %add3A_263, %mul3A_451 : i32
          %add3A_453 = arith.constant 750 : i32
          %add3A_454 = arith.addi %mul3A_452, %add3A_453 : i32
          %add3A_455 = arith.addi %add3A_454, %add3A_264 : i32
          %ne3A_456 = arith.cmpi ne, %add3A_450, %add3A_455 : i32
          %or3A_457 = arith.constant false
          %or3A_458 = arith.ori %or3A_457, %ne3A_456 : i1
          %or3A_459 = arith.constant false
          %or3A_460 = arith.ori %or3A_458, %or3A_459 : i1
          %or3A_461 = arith.constant false
          %or3A_462 = arith.ori %or3A_460, %or3A_461 : i1
          %or3A_463 = arith.ori %or3A_462, %eq3A_225 : i1
          %add3A_464 = arith.constant 1 : i32
          %add3A_465 = arith.addi %while3A_214, %add3A_464 : i32
          %select_n3A_466 = arith.select %or3A_463, %add3A_465, %while3A_214 : i32
          %add3A_467 = arith.constant 1 : i32
          %add3A_468 = arith.addi %while3A_218, %add3A_467 : i32
          %select_n3A_469 = arith.constant true
          %select_n3A_470 = arith.select %select_n3A_469, %add3A_468, %while3A_218 : i32
          %eq3A_471 = arith.cmpi eq, %select_n3A_470, %select_n3A : i32
          %select_n3A_472 = arith.constant 0 : i32
          %select_n3A_473 = arith.select %eq3A_471, %select_n3A_472, %select_n3A_470 : i32
          %add3A_474 = arith.constant 1 : i32
          %add3A_475 = arith.addi %while3A_217, %add3A_474 : i32
          %select_n3A_476 = arith.select %eq3A_471, %add3A_475, %while3A_217 : i32
          %eq3A_477 = arith.constant 4 : i32
          %eq3A_478 = arith.cmpi eq, %select_n3A_476, %eq3A_477 : i32
          %select_n3A_479 = arith.constant 0 : i32
          %select_n3A_480 = arith.select %eq3A_478, %select_n3A_479, %select_n3A_476 : i32
          scf.yield %select_n3A_309, %select_n3A_466, %select_n3A_402, %select_n3A_445, %select_n3A_480, %select_n3A_473 : i32, i32, i32, i32, i32, i32
        }
        %sub3A_125 = arith.constant 1 : i32
        %sub3A_126 = arith.subi %while3A_124#5, %sub3A_125 : i32
        %select_n3A_127 = arith.constant true
        %select_n3A_128 = arith.select %select_n3A_127, %sub3A_126, %while3A_124#5 : i32
        %eq3A_129 = arith.constant -1 : i32
        %eq3A_130 = arith.cmpi eq, %select_n3A_128, %eq3A_129 : i32
        %sub3A_131 = arith.constant 1 : i32
        %sub3A_132 = arith.subi %select_n3A, %sub3A_131 : i32
        %select_n3A_133 = arith.select %eq3A_130, %sub3A_132, %select_n3A_128 : i32
        %sub3A_134 = arith.constant 1 : i32
        %sub3A_135 = arith.subi %while3A_124#4, %sub3A_134 : i32
        %select_n3A_136 = arith.select %eq3A_130, %sub3A_135, %while3A_124#4 : i32
        %eq3A_137 = arith.constant -1 : i32
        %eq3A_138 = arith.cmpi eq, %select_n3A_136, %eq3A_137 : i32
        %select_n3A_139 = arith.constant 3 : i32
        %select_n3A_140 = arith.select %eq3A_138, %select_n3A_139, %select_n3A_136 : i32
        %sub3A_141 = arith.constant 1 : i32
        %sub3A_142 = arith.subi %mul3A_16, %sub3A_141 : i32
        %mul3A_143 = arith.constant 4 : i32
        %mul3A_144 = arith.muli %mul3A_143, %select_n3A : i32
        %eq3A_145 = arith.constant 0 : i32
        %eq3A_146 = arith.cmpi eq, %sub3A_142, %eq3A_145 : i32
        %sub3A_147 = arith.constant 1 : i32
        %sub3A_148 = arith.subi %mul3A_144, %sub3A_147 : i32
        %eq3A_149 = arith.cmpi eq, %sub3A_142, %sub3A_148 : i32
        %add3A_150 = arith.constant 0 : i32
        %add3A_151 = arith.addi %select_n3A_140, %add3A_150 : i32
        %add3A_152 = arith.addi %select_n3A_133, %select_n3A_14 : i32
        %sub3A_153 = arith.constant 1 : i32
        %sub3A_154 = arith.subi %select_n3A_133, %sub3A_153 : i32
        %select_n3A_155 = arith.constant true
        %select_n3A_156 = arith.select %select_n3A_155, %sub3A_154, %select_n3A_133 : i32
        %eq3A_157 = arith.constant -1 : i32
        %eq3A_158 = arith.cmpi eq, %select_n3A_156, %eq3A_157 : i32
        %sub3A_159 = arith.constant 1 : i32
        %sub3A_160 = arith.subi %select_n3A, %sub3A_159 : i32
        %select_n3A_161 = arith.select %eq3A_158, %sub3A_160, %select_n3A_156 : i32
        %sub3A_162 = arith.constant 1 : i32
        %sub3A_163 = arith.subi %select_n3A_140, %sub3A_162 : i32
        %select_n3A_164 = arith.select %eq3A_158, %sub3A_163, %select_n3A_140 : i32
        %eq3A_165 = arith.constant -1 : i32
        %eq3A_166 = arith.cmpi eq, %select_n3A_164, %eq3A_165 : i32
        %select_n3A_167 = arith.constant 3 : i32
        %select_n3A_168 = arith.select %eq3A_166, %select_n3A_167, %select_n3A_164 : i32
        %add3A_169 = arith.constant 0 : i32
        %add3A_170 = arith.addi %select_n3A_168, %add3A_169 : i32
        %add3A_171 = arith.addi %select_n3A_161, %select_n3A_14 : i32
        %add3A_172 = arith.constant 1 : i32
        %add3A_173 = arith.addi %select_n3A_133, %add3A_172 : i32
        %select_n3A_174 = arith.constant true
        %select_n3A_175 = arith.select %select_n3A_174, %add3A_173, %select_n3A_133 : i32
        %eq3A_176 = arith.cmpi eq, %select_n3A_175, %select_n3A : i32
        %select_n3A_177 = arith.constant 0 : i32
        %select_n3A_178 = arith.select %eq3A_176, %select_n3A_177, %select_n3A_175 : i32
        %add3A_179 = arith.constant 1 : i32
        %add3A_180 = arith.addi %select_n3A_140, %add3A_179 : i32
        %select_n3A_181 = arith.select %eq3A_176, %add3A_180, %select_n3A_140 : i32
        %eq3A_182 = arith.constant 4 : i32
        %eq3A_183 = arith.cmpi eq, %select_n3A_181, %eq3A_182 : i32
        %select_n3A_184 = arith.constant 0 : i32
        %select_n3A_185 = arith.select %eq3A_183, %select_n3A_184, %select_n3A_181 : i32
        %add3A_186 = arith.constant 0 : i32
        %add3A_187 = arith.addi %select_n3A_185, %add3A_186 : i32
        %add3A_188 = arith.addi %select_n3A_178, %select_n3A_14 : i32
        %add3A_189 = arith.constant 1 : i32
        %add3A_190 = arith.addi %select_n3A_178, %add3A_189 : i32
        %select_n3A_191 = arith.constant true
        %select_n3A_192 = arith.select %select_n3A_191, %add3A_190, %select_n3A_178 : i32
        %eq3A_193 = arith.cmpi eq, %select_n3A_192, %select_n3A : i32
        %select_n3A_194 = arith.constant 0 : i32
        %select_n3A_195 = arith.select %eq3A_193, %select_n3A_194, %select_n3A_192 : i32
        %add3A_196 = arith.constant 1 : i32
        %add3A_197 = arith.addi %select_n3A_185, %add3A_196 : i32
        %select_n3A_198 = arith.select %eq3A_193, %add3A_197, %select_n3A_185 : i32
        %eq3A_199 = arith.constant 4 : i32
        %eq3A_200 = arith.cmpi eq, %select_n3A_198, %eq3A_199 : i32
        %select_n3A_201 = arith.constant 0 : i32
        %select_n3A_202 = arith.select %eq3A_200, %select_n3A_201, %select_n3A_198 : i32
        %add3A_203 = arith.constant 0 : i32
        %add3A_204 = arith.addi %select_n3A_202, %add3A_203 : i32
        %add3A_205 = arith.addi %select_n3A_195, %select_n3A_14 : i32
        %convert_element_type3A_206 = arith.extui %eq3A_149 : i1 to i32
        %cond3A_207 = arith.constant 0 : i32
        %cond3A_208 = arith.cmpi ne, %convert_element_type3A_206, %cond3A_207 : i32
        scf.if %cond3A_208 {
        } else {
        }
        %convert_element_type3A_209 = arith.extui %eq3A_149 : i1 to i32
        %cond3A_210 = arith.constant 0 : i32
        %cond3A_211 = arith.cmpi ne, %convert_element_type3A_209, %cond3A_210 : i32
        scf.if %cond3A_211 {
          "tpu.trace_start"() <{level = 10 : i32, message = "ep_finalize"}> : () -> ()
          %rem3A_212 = arith.constant 2 : i32
          %rem3A_213 = arith.remui %while3A_124#3, %rem3A_212 : i32
          %mul3A_214 = arith.constant 1 : i32
          %mul3A_215 = arith.muli %mul3A_214, %add3A_151 : i32
          %mul3A_216 = arith.constant 128 : i32
          %mul3A_217 = arith.muli %mul3A_216, %add3A_152 : i32
          %dma_wait3A = arith.constant 0 : i32
          %dma_wait3A_218 = arith.constant 0 : i32
          %dma_wait3A_219 = arith.constant 0 : i32
          %dma_wait3A_220 = tpu.memref_slice %run_scoped3A_18[%rem3A_213, %dma_wait3A, %dma_wait3A_218, %dma_wait3A_219] : memref<2x1x128x128xi32, #tpu.memory_space<vmem>> -> memref<1x1x128x128xi32, #tpu.memory_space<vmem>>
          %dma_wait3A_221 = tpu.memref_squeeze %dma_wait3A_220 : memref<1x1x128x128xi32, #tpu.memory_space<vmem>> -> memref<1x128x128xi32, #tpu.memory_space<vmem>>
          %dma_wait3A_222 = arith.constant 0 : i32
          %dma_wait3A_223 = tpu.memref_slice %arg4[%mul3A_215, %mul3A_217, %dma_wait3A_222] : memref<4x2304x128xi32, #tpu.memory_space<hbm>> -> memref<1x128x128xi32, #tpu.memory_space<hbm>>
          %dma_wait3A_224 = tpu.memref_slice %run_scoped3A_19[%rem3A_213] : memref<2x!tpu.dma_semaphore, #tpu.memory_space<semaphore_mem>> -> memref<1x!tpu.dma_semaphore, #tpu.memory_space<semaphore_mem>>
          %dma_wait3A_225 = tpu.memref_squeeze %dma_wait3A_224 : memref<1x!tpu.dma_semaphore, #tpu.memory_space<semaphore_mem>> -> memref<!tpu.dma_semaphore, #tpu.memory_space<semaphore_mem>>
          %dma_wait3A_226 = arith.constant 0 : i32
          %dma_wait3A_227 = tpu.memref_slice %arg4[%mul3A_215, %mul3A_217, %dma_wait3A_226] : memref<4x2304x128xi32, #tpu.memory_space<hbm>> -> memref<1x128x128xi32, #tpu.memory_space<hbm>>
          %dma_wait3A_228 = arith.constant 0 : i32
          %dma_wait3A_229 = arith.constant 0 : i32
          %dma_wait3A_230 = arith.constant 0 : i32
          %dma_wait3A_231 = tpu.memref_slice %run_scoped3A_18[%rem3A_213, %dma_wait3A_228, %dma_wait3A_229, %dma_wait3A_230] : memref<2x1x128x128xi32, #tpu.memory_space<vmem>> -> memref<1x1x128x128xi32, #tpu.memory_space<vmem>>
          %dma_wait3A_232 = tpu.memref_squeeze %dma_wait3A_231 : memref<1x1x128x128xi32, #tpu.memory_space<vmem>> -> memref<1x128x128xi32, #tpu.memory_space<vmem>>
          tpu.wait_dma2 semaphore(%dma_wait3A_225 : memref<!tpu.dma_semaphore, #tpu.memory_space<semaphore_mem>>) src(%dma_wait3A_232 : memref<1x128x128xi32, #tpu.memory_space<vmem>>) dst(%dma_wait3A_227 : memref<1x128x128xi32, #tpu.memory_space<hbm>>)
          "tpu.trace_stop"() : () -> ()
        } else {
        }
      } else {
      }
      tpu.yield
    }) : () -> ()
    return
  }
}

#map = affine_map<(d0, d1) -> (0, 0)>
#map1 = affine_map<(d0, d1) -> (0, 0, 0)>
module attributes {stable_mosaic.version = 14 : i64} {
  func.func @k(%arg0: i32, %arg1: i32, %arg2: memref<174080x128xi32, #tpu.memory_space<hbm>>, %arg3: memref<3072x1x128xi32, #tpu.memory_space<hbm>>, %arg4: memref<4x32000x128xi32, #tpu.memory_space<hbm>>) attributes {dimension_semantics = [#tpu.dimension_semantics<core_parallel>, #tpu.dimension_semantics<subcore_parallel>], iteration_bounds = array<i64: 2, 16>, scalar_prefetch = 0 : i64, scratch_operands = 0 : i64, tpu.core_type = #tpu.core_type<sc_vector_subcore>, window_params = [{transform_indices = #map}, {transform_indices = #map1}, {transform_indices = #map1}]} {
    %mul3A = arith.constant 1 : i32
    %mul3A_0 = arith.muli %arg1, %mul3A : i32
    %add3A = arith.constant 0 : i32
    %add3A_1 = arith.addi %add3A, %mul3A_0 : i32
    %mul3A_2 = arith.constant 16 : i32
    %mul3A_3 = arith.muli %arg0, %mul3A_2 : i32
    %add3A_4 = arith.addi %add3A_1, %mul3A_3 : i32
    %lt3A = arith.constant 26 : i32
    %lt3A_5 = arith.cmpi slt, %add3A_4, %lt3A : i32
    %jit3A = arith.constant 8 : i32
    %jit3A_6 = arith.constant 7 : i32
    %select_n3A = arith.select %lt3A_5, %jit3A, %jit3A_6 : i32
    %lt3A_7 = arith.constant 26 : i32
    %lt3A_8 = arith.cmpi slt, %add3A_4, %lt3A_7 : i32
    %mul3A_9 = arith.muli %add3A_4, %select_n3A : i32
    %mul3A_10 = arith.constant 7 : i32
    %mul3A_11 = arith.muli %add3A_4, %mul3A_10 : i32
    %add3A_12 = arith.constant 26 : i32
    %add3A_13 = arith.addi %mul3A_11, %add3A_12 : i32
    %select_n3A_14 = arith.select %lt3A_8, %mul3A_9, %add3A_13 : i32
    %mul3A_15 = arith.constant 4 : i32
    %mul3A_16 = arith.muli %mul3A_15, %select_n3A : i32
    "tpu.region"() ({
      %run_scoped3A = memref.alloca() : memref<2x1x1x128xi32, #tpu.memory_space<vmem>>
      %run_scoped3A_17 = tpu.sem_alloc : memref<2x!tpu.dma_semaphore, #tpu.memory_space<semaphore_mem>>
      %run_scoped3A_18 = memref.alloca() : memref<2x1x128x128xi32, #tpu.memory_space<vmem>>
      %run_scoped3A_19 = tpu.sem_alloc : memref<2x!tpu.dma_semaphore, #tpu.memory_space<semaphore_mem>>
      %gt3A = arith.constant 0 : i32
      %gt3A_20 = arith.cmpi sgt, %mul3A_16, %gt3A : i32
      %convert_element_type3A = arith.extui %gt3A_20 : i1 to i32
      %cond3A = arith.constant 0 : i32
      %cond3A_21 = arith.cmpi ne, %convert_element_type3A, %cond3A : i32
      scf.if %cond3A_21 {
        %mul3A_22 = arith.constant 4 : i32
        %mul3A_23 = arith.muli %mul3A_22, %select_n3A : i32
        %sub3A = arith.constant 1 : i32
        %sub3A_24 = arith.subi %mul3A_23, %sub3A : i32
        %eq3A = arith.constant 0 : i32
        %eq3A_25 = arith.cmpi eq, %sub3A_24, %eq3A : i32
        %add3A_26 = arith.constant 0 : i32
        %add3A_27 = arith.addi %add3A_26, %select_n3A_14 : i32
        %select_n3A_28 = arith.constant true
        %select_n3A_29 = arith.constant 0 : i32
        %select_n3A_30 = arith.constant -1 : i32
        %select_n3A_31 = arith.select %select_n3A_28, %select_n3A_30, %select_n3A_29 : i32
        %eq3A_32 = arith.constant -1 : i32
        %eq3A_33 = arith.cmpi eq, %select_n3A_31, %eq3A_32 : i32
        %sub3A_34 = arith.constant 1 : i32
        %sub3A_35 = arith.subi %select_n3A, %sub3A_34 : i32
        %select_n3A_36 = arith.select %eq3A_33, %sub3A_35, %select_n3A_31 : i32
        %select_n3A_37 = arith.constant 0 : i32
        %select_n3A_38 = arith.constant -1 : i32
        %select_n3A_39 = arith.select %eq3A_33, %select_n3A_38, %select_n3A_37 : i32
        %eq3A_40 = arith.constant -1 : i32
        %eq3A_41 = arith.cmpi eq, %select_n3A_39, %eq3A_40 : i32
        %select_n3A_42 = arith.constant 3 : i32
        %select_n3A_43 = arith.select %eq3A_41, %select_n3A_42, %select_n3A_39 : i32
        %add3A_44 = arith.constant 0 : i32
        %add3A_45 = arith.addi %select_n3A_43, %add3A_44 : i32
        %add3A_46 = arith.addi %select_n3A_36, %select_n3A_14 : i32
        %select_n3A_47 = arith.constant true
        %select_n3A_48 = arith.constant 0 : i32
        %select_n3A_49 = arith.constant 1 : i32
        %select_n3A_50 = arith.select %select_n3A_47, %select_n3A_49, %select_n3A_48 : i32
        %eq3A_51 = arith.cmpi eq, %select_n3A_50, %select_n3A : i32
        %select_n3A_52 = arith.constant 0 : i32
        %select_n3A_53 = arith.select %eq3A_51, %select_n3A_52, %select_n3A_50 : i32
        %select_n3A_54 = arith.constant 0 : i32
        %select_n3A_55 = arith.constant 1 : i32
        %select_n3A_56 = arith.select %eq3A_51, %select_n3A_55, %select_n3A_54 : i32
        %eq3A_57 = arith.constant 4 : i32
        %eq3A_58 = arith.cmpi eq, %select_n3A_56, %eq3A_57 : i32
        %select_n3A_59 = arith.constant 0 : i32
        %select_n3A_60 = arith.select %eq3A_58, %select_n3A_59, %select_n3A_56 : i32
        %add3A_61 = arith.constant 0 : i32
        %add3A_62 = arith.addi %select_n3A_60, %add3A_61 : i32
        %add3A_63 = arith.addi %select_n3A_53, %select_n3A_14 : i32
        %add3A_64 = arith.constant 1 : i32
        %add3A_65 = arith.addi %select_n3A_53, %add3A_64 : i32
        %select_n3A_66 = arith.constant true
        %select_n3A_67 = arith.select %select_n3A_66, %add3A_65, %select_n3A_53 : i32
        %eq3A_68 = arith.cmpi eq, %select_n3A_67, %select_n3A : i32
        %select_n3A_69 = arith.constant 0 : i32
        %select_n3A_70 = arith.select %eq3A_68, %select_n3A_69, %select_n3A_67 : i32
        %add3A_71 = arith.constant 1 : i32
        %add3A_72 = arith.addi %select_n3A_60, %add3A_71 : i32
        %select_n3A_73 = arith.select %eq3A_68, %add3A_72, %select_n3A_60 : i32
        %eq3A_74 = arith.constant 4 : i32
        %eq3A_75 = arith.cmpi eq, %select_n3A_73, %eq3A_74 : i32
        %select_n3A_76 = arith.constant 0 : i32
        %select_n3A_77 = arith.select %eq3A_75, %select_n3A_76, %select_n3A_73 : i32
        %add3A_78 = arith.constant 0 : i32
        %add3A_79 = arith.addi %select_n3A_77, %add3A_78 : i32
        %add3A_80 = arith.addi %select_n3A_70, %select_n3A_14 : i32
        "tpu.trace_start"() <{level = 10 : i32, message = "ep_initialize_0"}> : () -> ()
        %rem3A = arith.constant 0 : i32
        %rem3A_81 = arith.constant 2 : i32
        %rem3A_82 = arith.remui %rem3A, %rem3A_81 : i32
        %add3A_83 = arith.constant 250 : i32
        %add3A_84 = arith.addi %add3A_83, %add3A_27 : i32
        %mul3A_85 = arith.constant 1 : i32
        %mul3A_86 = arith.muli %mul3A_85, %add3A_84 : i32
        %dma_start3A = arith.constant 0 : i32
        %dma_start3A_87 = arith.constant 0 : i32
        %dma_start3A_88 = arith.constant 0 : i32
        %dma_start3A_89 = tpu.memref_slice %run_scoped3A[%rem3A_82, %dma_start3A, %dma_start3A_87, %dma_start3A_88] : memref<2x1x1x128xi32, #tpu.memory_space<vmem>> -> memref<1x1x1x128xi32, #tpu.memory_space<vmem>>
        %dma_start3A_90 = tpu.memref_squeeze %dma_start3A_89 : memref<1x1x1x128xi32, #tpu.memory_space<vmem>> -> memref<1x1x128xi32, #tpu.memory_space<vmem>>
        %dma_start3A_91 = arith.constant 0 : i32
        %dma_start3A_92 = arith.constant 0 : i32
        %dma_start3A_93 = tpu.memref_slice %arg3[%mul3A_86, %dma_start3A_91, %dma_start3A_92] : memref<3072x1x128xi32, #tpu.memory_space<hbm>> -> memref<1x1x128xi32, #tpu.memory_space<hbm>>
        %dma_start3A_94 = tpu.memref_slice %run_scoped3A_17[%rem3A_82] : memref<2x!tpu.dma_semaphore, #tpu.memory_space<semaphore_mem>> -> memref<1x!tpu.dma_semaphore, #tpu.memory_space<semaphore_mem>>
        %dma_start3A_95 = tpu.memref_squeeze %dma_start3A_94 : memref<1x!tpu.dma_semaphore, #tpu.memory_space<semaphore_mem>> -> memref<!tpu.dma_semaphore, #tpu.memory_space<semaphore_mem>>
        %dma_start3A_96 = arith.constant 0 : i32
        %dma_start3A_97 = arith.constant 0 : i32
        %dma_start3A_98 = arith.constant 0 : i32
        %dma_start3A_99 = tpu.memref_slice %run_scoped3A[%rem3A_82, %dma_start3A_96, %dma_start3A_97, %dma_start3A_98] : memref<2x1x1x128xi32, #tpu.memory_space<vmem>> -> memref<1x1x1x128xi32, #tpu.memory_space<vmem>>
        %dma_start3A_100 = tpu.memref_squeeze %dma_start3A_99 : memref<1x1x1x128xi32, #tpu.memory_space<vmem>> -> memref<1x1x128xi32, #tpu.memory_space<vmem>>
        %dma_start3A_101 = arith.constant 0 : i32
        %dma_start3A_102 = arith.constant 0 : i32
        %dma_start3A_103 = tpu.memref_slice %arg3[%mul3A_86, %dma_start3A_101, %dma_start3A_102] : memref<3072x1x128xi32, #tpu.memory_space<hbm>> -> memref<1x1x128xi32, #tpu.memory_space<hbm>>
        tpu.enqueue_dma source(%dma_start3A_103 : memref<1x1x128xi32, #tpu.memory_space<hbm>>) target(%dma_start3A_100 : memref<1x1x128xi32, #tpu.memory_space<vmem>>) target_semaphore(%dma_start3A_95 : memref<!tpu.dma_semaphore, #tpu.memory_space<semaphore_mem>>)
        %add3A_104 = arith.constant 0 : i32
        %add3A_105 = arith.constant 1 : i32
        %add3A_106 = arith.addi %add3A_104, %add3A_105 : i32
        %select_n3A_107 = arith.constant true
        %select_n3A_108 = arith.constant 0 : i32
        %select_n3A_109 = arith.select %select_n3A_107, %add3A_106, %select_n3A_108 : i32
        %while3A = arith.constant 0 : i32
        %while3A_110 = arith.constant 0 : i32
        %while3A_111 = arith.constant 0 : i32
        %while3A_112 = arith.constant 0 : i32
        %while3A_113 = arith.constant 0 : i32
        %while3A_114 = arith.constant 0 : i32
        "tpu.trace_stop"() : () -> ()
        %while3A_115 = arith.subi %mul3A_16, %while3A : i32
        %while3A_116 = arith.addi %while3A, %while3A_115 : i32
        %while3A_117 = arith.constant 1 : i32
        %while3A_118 = arith.divsi %while3A_115, %while3A_117 : i32
        %while3A_119 = arith.muli %while3A_118, %while3A_117 : i32
        %while3A_120 = arith.addi %while3A, %while3A_119 : i32
        %while3A_121 = arith.constant 1 : i32
        %while3A_122:6 = scf.for %while3A_212 = %while3A to %while3A_120 step %while3A_121 iter_args(%while3A_213 = %select_n3A_109, %while3A_214 = %while3A_110, %while3A_215 = %while3A_111, %while3A_216 = %while3A_112, %while3A_217 = %while3A_113, %while3A_218 = %while3A_114) -> (i32, i32, i32, i32, i32, i32)  : i32 {
          %mul3A_219 = arith.constant 4 : i32
          %mul3A_220 = arith.muli %mul3A_219, %select_n3A : i32
          %eq3A_221 = arith.constant 0 : i32
          %eq3A_222 = arith.cmpi eq, %while3A_212, %eq3A_221 : i32
          %sub3A_223 = arith.constant 1 : i32
          %sub3A_224 = arith.subi %mul3A_220, %sub3A_223 : i32
          %eq3A_225 = arith.cmpi eq, %while3A_212, %sub3A_224 : i32
          %add3A_226 = arith.constant 0 : i32
          %add3A_227 = arith.addi %while3A_217, %add3A_226 : i32
          %add3A_228 = arith.addi %while3A_218, %select_n3A_14 : i32
          %sub3A_229 = arith.constant 1 : i32
          %sub3A_230 = arith.subi %while3A_218, %sub3A_229 : i32
          %select_n3A_231 = arith.constant true
          %select_n3A_232 = arith.select %select_n3A_231, %sub3A_230, %while3A_218 : i32
          %eq3A_233 = arith.constant -1 : i32
          %eq3A_234 = arith.cmpi eq, %select_n3A_232, %eq3A_233 : i32
          %sub3A_235 = arith.constant 1 : i32
          %sub3A_236 = arith.subi %select_n3A, %sub3A_235 : i32
          %select_n3A_237 = arith.select %eq3A_234, %sub3A_236, %select_n3A_232 : i32
          %sub3A_238 = arith.constant 1 : i32
          %sub3A_239 = arith.subi %while3A_217, %sub3A_238 : i32
          %select_n3A_240 = arith.select %eq3A_234, %sub3A_239, %while3A_217 : i32
          %eq3A_241 = arith.constant -1 : i32
          %eq3A_242 = arith.cmpi eq, %select_n3A_240, %eq3A_241 : i32
          %select_n3A_243 = arith.constant 3 : i32
          %select_n3A_244 = arith.select %eq3A_242, %select_n3A_243, %select_n3A_240 : i32
          %add3A_245 = arith.constant 0 : i32
          %add3A_246 = arith.addi %select_n3A_244, %add3A_245 : i32
          %add3A_247 = arith.addi %select_n3A_237, %select_n3A_14 : i32
          %add3A_248 = arith.constant 1 : i32
          %add3A_249 = arith.addi %while3A_218, %add3A_248 : i32
          %select_n3A_250 = arith.constant true
          %select_n3A_251 = arith.select %select_n3A_250, %add3A_249, %while3A_218 : i32
          %eq3A_252 = arith.cmpi eq, %select_n3A_251, %select_n3A : i32
          %select_n3A_253 = arith.constant 0 : i32
          %select_n3A_254 = arith.select %eq3A_252, %select_n3A_253, %select_n3A_251 : i32
          %add3A_255 = arith.constant 1 : i32
          %add3A_256 = arith.addi %while3A_217, %add3A_255 : i32
          %select_n3A_257 = arith.select %eq3A_252, %add3A_256, %while3A_217 : i32
          %eq3A_258 = arith.constant 4 : i32
          %eq3A_259 = arith.cmpi eq, %select_n3A_257, %eq3A_258 : i32
          %select_n3A_260 = arith.constant 0 : i32
          %select_n3A_261 = arith.select %eq3A_259, %select_n3A_260, %select_n3A_257 : i32
          %add3A_262 = arith.constant 0 : i32
          %add3A_263 = arith.addi %select_n3A_261, %add3A_262 : i32
          %add3A_264 = arith.addi %select_n3A_254, %select_n3A_14 : i32
          %add3A_265 = arith.constant 1 : i32
          %add3A_266 = arith.addi %select_n3A_254, %add3A_265 : i32
          %select_n3A_267 = arith.constant true
          %select_n3A_268 = arith.select %select_n3A_267, %add3A_266, %select_n3A_254 : i32
          %eq3A_269 = arith.cmpi eq, %select_n3A_268, %select_n3A : i32
          %select_n3A_270 = arith.constant 0 : i32
          %select_n3A_271 = arith.select %eq3A_269, %select_n3A_270, %select_n3A_268 : i32
          %add3A_272 = arith.constant 1 : i32
          %add3A_273 = arith.addi %select_n3A_261, %add3A_272 : i32
          %select_n3A_274 = arith.select %eq3A_269, %add3A_273, %select_n3A_261 : i32
          %eq3A_275 = arith.constant 4 : i32
          %eq3A_276 = arith.cmpi eq, %select_n3A_274, %eq3A_275 : i32
          %select_n3A_277 = arith.constant 0 : i32
          %select_n3A_278 = arith.select %eq3A_276, %select_n3A_277, %select_n3A_274 : i32
          %add3A_279 = arith.constant 0 : i32
          %add3A_280 = arith.addi %select_n3A_278, %add3A_279 : i32
          %add3A_281 = arith.addi %select_n3A_271, %select_n3A_14 : i32
          %mul3A_282 = arith.constant 768 : i32
          %mul3A_283 = arith.muli %add3A_227, %mul3A_282 : i32
          %add3A_284 = arith.constant 250 : i32
          %add3A_285 = arith.addi %mul3A_283, %add3A_284 : i32
          %add3A_286 = arith.addi %add3A_285, %add3A_228 : i32
          %mul3A_287 = arith.constant 768 : i32
          %mul3A_288 = arith.muli %add3A_263, %mul3A_287 : i32
          %add3A_289 = arith.constant 250 : i32
          %add3A_290 = arith.addi %mul3A_288, %add3A_289 : i32
          %add3A_291 = arith.addi %add3A_290, %add3A_264 : i32
          %ne3A = arith.cmpi ne, %add3A_286, %add3A_291 : i32
          %or3A = arith.constant false
          %or3A_292 = arith.ori %or3A, %ne3A : i1
          %or3A_293 = arith.constant false
          %or3A_294 = arith.ori %or3A_292, %or3A_293 : i1
          %or3A_295 = arith.constant false
          %or3A_296 = arith.ori %or3A_294, %or3A_295 : i1
          %sub3A_297 = arith.constant 2 : i32
          %sub3A_298 = arith.subi %mul3A_220, %sub3A_297 : i32
          %add3A_299 = arith.constant 1 : i32
          %add3A_300 = arith.addi %sub3A_298, %add3A_299 : i32
          %ge3A = arith.cmpi sge, %while3A_212, %add3A_300 : i32
          %not3A = arith.constant true
          %not3A_301 = arith.xori %ge3A, %not3A : i1
          %and3A = arith.andi %or3A_296, %not3A_301 : i1
          %convert_element_type3A_302 = arith.extui %and3A : i1 to i32
          %cond3A_303 = arith.constant 0 : i32
          %cond3A_304 = arith.cmpi ne, %convert_element_type3A_302, %cond3A_303 : i32
          scf.if %cond3A_304 {
            "tpu.trace_start"() <{level = 10 : i32, message = "ep_copy_in"}> : () -> ()
            %rem3A_481 = arith.constant 2 : i32
            %rem3A_482 = arith.remui %while3A_213, %rem3A_481 : i32
            %mul3A_483 = arith.constant 768 : i32
            %mul3A_484 = arith.muli %add3A_263, %mul3A_483 : i32
            %add3A_485 = arith.constant 250 : i32
            %add3A_486 = arith.addi %mul3A_484, %add3A_485 : i32
            %add3A_487 = arith.addi %add3A_486, %add3A_264 : i32
            %mul3A_488 = arith.constant 1 : i32
            %mul3A_489 = arith.muli %mul3A_488, %add3A_487 : i32
            %dma_start3A_490 = arith.constant 0 : i32
            %dma_start3A_491 = arith.constant 0 : i32
            %dma_start3A_492 = arith.constant 0 : i32
            %dma_start3A_493 = tpu.memref_slice %run_scoped3A[%rem3A_482, %dma_start3A_490, %dma_start3A_491, %dma_start3A_492] : memref<2x1x1x128xi32, #tpu.memory_space<vmem>> -> memref<1x1x1x128xi32, #tpu.memory_space<vmem>>
            %dma_start3A_494 = tpu.memref_squeeze %dma_start3A_493 : memref<1x1x1x128xi32, #tpu.memory_space<vmem>> -> memref<1x1x128xi32, #tpu.memory_space<vmem>>
            %dma_start3A_495 = arith.constant 0 : i32
            %dma_start3A_496 = arith.constant 0 : i32
            %dma_start3A_497 = tpu.memref_slice %arg3[%mul3A_489, %dma_start3A_495, %dma_start3A_496] : memref<3072x1x128xi32, #tpu.memory_space<hbm>> -> memref<1x1x128xi32, #tpu.memory_space<hbm>>
            %dma_start3A_498 = tpu.memref_slice %run_scoped3A_17[%rem3A_482] : memref<2x!tpu.dma_semaphore, #tpu.memory_space<semaphore_mem>> -> memref<1x!tpu.dma_semaphore, #tpu.memory_space<semaphore_mem>>
            %dma_start3A_499 = tpu.memref_squeeze %dma_start3A_498 : memref<1x!tpu.dma_semaphore, #tpu.memory_space<semaphore_mem>> -> memref<!tpu.dma_semaphore, #tpu.memory_space<semaphore_mem>>
            %dma_start3A_500 = arith.constant 0 : i32
            %dma_start3A_501 = arith.constant 0 : i32
            %dma_start3A_502 = arith.constant 0 : i32
            %dma_start3A_503 = tpu.memref_slice %run_scoped3A[%rem3A_482, %dma_start3A_500, %dma_start3A_501, %dma_start3A_502] : memref<2x1x1x128xi32, #tpu.memory_space<vmem>> -> memref<1x1x1x128xi32, #tpu.memory_space<vmem>>
            %dma_start3A_504 = tpu.memref_squeeze %dma_start3A_503 : memref<1x1x1x128xi32, #tpu.memory_space<vmem>> -> memref<1x1x128xi32, #tpu.memory_space<vmem>>
            %dma_start3A_505 = arith.constant 0 : i32
            %dma_start3A_506 = arith.constant 0 : i32
            %dma_start3A_507 = tpu.memref_slice %arg3[%mul3A_489, %dma_start3A_505, %dma_start3A_506] : memref<3072x1x128xi32, #tpu.memory_space<hbm>> -> memref<1x1x128xi32, #tpu.memory_space<hbm>>
            tpu.enqueue_dma source(%dma_start3A_507 : memref<1x1x128xi32, #tpu.memory_space<hbm>>) target(%dma_start3A_504 : memref<1x1x128xi32, #tpu.memory_space<vmem>>) target_semaphore(%dma_start3A_499 : memref<!tpu.dma_semaphore, #tpu.memory_space<semaphore_mem>>)
            "tpu.trace_stop"() : () -> ()
          } else {
          }
          %and3A_305 = arith.constant true
          %and3A_306 = arith.andi %and3A, %and3A_305 : i1
          %add3A_307 = arith.constant 1 : i32
          %add3A_308 = arith.addi %while3A_213, %add3A_307 : i32
          %select_n3A_309 = arith.select %and3A_306, %add3A_308, %while3A_213 : i32
          %ne3A_310 = arith.cmpi ne, %add3A_227, %add3A_263 : i32
          %ne3A_311 = arith.cmpi ne, %add3A_228, %add3A_264 : i32
          %or3A_312 = arith.constant false
          %or3A_313 = arith.ori %or3A_312, %ne3A_310 : i1
          %or3A_314 = arith.ori %or3A_313, %ne3A_311 : i1
          %or3A_315 = arith.constant false
          %or3A_316 = arith.ori %or3A_314, %or3A_315 : i1
          %sub3A_317 = arith.constant 2 : i32
          %sub3A_318 = arith.subi %mul3A_220, %sub3A_317 : i32
          %add3A_319 = arith.constant 1 : i32
          %add3A_320 = arith.addi %sub3A_318, %add3A_319 : i32
          %ge3A_321 = arith.cmpi sge, %while3A_212, %add3A_320 : i32
          %not3A_322 = arith.constant true
          %not3A_323 = arith.xori %ge3A_321, %not3A_322 : i1
          %and3A_324 = arith.andi %or3A_316, %not3A_323 : i1
          %mul3A_325 = arith.constant 768 : i32
          %mul3A_326 = arith.muli %add3A_227, %mul3A_325 : i32
          %add3A_327 = arith.constant 250 : i32
          %add3A_328 = arith.addi %mul3A_326, %add3A_327 : i32
          %add3A_329 = arith.addi %add3A_328, %add3A_228 : i32
          %mul3A_330 = arith.constant 768 : i32
          %mul3A_331 = arith.muli %add3A_246, %mul3A_330 : i32
          %add3A_332 = arith.constant 250 : i32
          %add3A_333 = arith.addi %mul3A_331, %add3A_332 : i32
          %add3A_334 = arith.addi %add3A_333, %add3A_247 : i32
          %ne3A_335 = arith.cmpi ne, %add3A_329, %add3A_334 : i32
          %or3A_336 = arith.constant false
          %or3A_337 = arith.ori %or3A_336, %ne3A_335 : i1
          %or3A_338 = arith.constant false
          %or3A_339 = arith.ori %or3A_337, %or3A_338 : i1
          %or3A_340 = arith.constant false
          %or3A_341 = arith.ori %or3A_339, %or3A_340 : i1
          %or3A_342 = arith.ori %or3A_341, %eq3A_222 : i1
          %convert_element_type3A_343 = arith.extui %or3A_342 : i1 to i32
          %cond3A_344 = arith.constant 0 : i32
          %cond3A_345 = arith.cmpi ne, %convert_element_type3A_343, %cond3A_344 : i32
          scf.if %cond3A_345 {
            "tpu.trace_start"() <{level = 10 : i32, message = "ep_wait_in"}> : () -> ()
            %mul3A_481 = arith.constant 768 : i32
            %mul3A_482 = arith.muli %add3A_227, %mul3A_481 : i32
            %add3A_483 = arith.constant 250 : i32
            %add3A_484 = arith.addi %mul3A_482, %add3A_483 : i32
            %add3A_485 = arith.addi %add3A_484, %add3A_228 : i32
            %mul3A_486 = arith.constant 1 : i32
            %mul3A_487 = arith.muli %mul3A_486, %add3A_485 : i32
            %rem3A_488 = arith.constant 2 : i32
            %rem3A_489 = arith.remui %while3A_214, %rem3A_488 : i32
            %dma_wait3A = arith.constant 0 : i32
            %dma_wait3A_490 = arith.constant 0 : i32
            %dma_wait3A_491 = arith.constant 0 : i32
            %dma_wait3A_492 = tpu.memref_slice %run_scoped3A[%rem3A_489, %dma_wait3A, %dma_wait3A_490, %dma_wait3A_491] : memref<2x1x1x128xi32, #tpu.memory_space<vmem>> -> memref<1x1x1x128xi32, #tpu.memory_space<vmem>>
            %dma_wait3A_493 = tpu.memref_squeeze %dma_wait3A_492 : memref<1x1x1x128xi32, #tpu.memory_space<vmem>> -> memref<1x1x128xi32, #tpu.memory_space<vmem>>
            %dma_wait3A_494 = arith.constant 0 : i32
            %dma_wait3A_495 = arith.constant 0 : i32
            %dma_wait3A_496 = tpu.memref_slice %arg3[%mul3A_487, %dma_wait3A_494, %dma_wait3A_495] : memref<3072x1x128xi32, #tpu.memory_space<hbm>> -> memref<1x1x128xi32, #tpu.memory_space<hbm>>
            %dma_wait3A_497 = tpu.memref_slice %run_scoped3A_17[%rem3A_489] : memref<2x!tpu.dma_semaphore, #tpu.memory_space<semaphore_mem>> -> memref<1x!tpu.dma_semaphore, #tpu.memory_space<semaphore_mem>>
            %dma_wait3A_498 = tpu.memref_squeeze %dma_wait3A_497 : memref<1x!tpu.dma_semaphore, #tpu.memory_space<semaphore_mem>> -> memref<!tpu.dma_semaphore, #tpu.memory_space<semaphore_mem>>
            %dma_wait3A_499 = arith.constant 0 : i32
            %dma_wait3A_500 = arith.constant 0 : i32
            %dma_wait3A_501 = arith.constant 0 : i32
            %dma_wait3A_502 = tpu.memref_slice %run_scoped3A[%rem3A_489, %dma_wait3A_499, %dma_wait3A_500, %dma_wait3A_501] : memref<2x1x1x128xi32, #tpu.memory_space<vmem>> -> memref<1x1x1x128xi32, #tpu.memory_space<vmem>>
            %dma_wait3A_503 = tpu.memref_squeeze %dma_wait3A_502 : memref<1x1x1x128xi32, #tpu.memory_space<vmem>> -> memref<1x1x128xi32, #tpu.memory_space<vmem>>
            %dma_wait3A_504 = arith.constant 0 : i32
            %dma_wait3A_505 = arith.constant 0 : i32
            %dma_wait3A_506 = tpu.memref_slice %arg3[%mul3A_487, %dma_wait3A_504, %dma_wait3A_505] : memref<3072x1x128xi32, #tpu.memory_space<hbm>> -> memref<1x1x128xi32, #tpu.memory_space<hbm>>
            tpu.wait_dma2 semaphore(%dma_wait3A_498 : memref<!tpu.dma_semaphore, #tpu.memory_space<semaphore_mem>>) src(%dma_wait3A_506 : memref<1x1x128xi32, #tpu.memory_space<hbm>>) dst(%dma_wait3A_503 : memref<1x1x128xi32, #tpu.memory_space<vmem>>)
            "tpu.trace_stop"() : () -> ()
          } else {
          }
          %ne3A_346 = arith.cmpi ne, %add3A_227, %add3A_246 : i32
          %ne3A_347 = arith.cmpi ne, %add3A_228, %add3A_247 : i32
          %or3A_348 = arith.constant false
          %or3A_349 = arith.ori %or3A_348, %ne3A_346 : i1
          %or3A_350 = arith.ori %or3A_349, %ne3A_347 : i1
          %or3A_351 = arith.constant false
          %or3A_352 = arith.ori %or3A_350, %or3A_351 : i1
          %or3A_353 = arith.ori %or3A_352, %eq3A_222 : i1
          %convert_element_type3A_354 = arith.extui %or3A_353 : i1 to i32
          %cond3A_355 = arith.constant 0 : i32
          %cond3A_356 = arith.cmpi ne, %convert_element_type3A_354, %cond3A_355 : i32
          scf.if %cond3A_356 {
          } else {
          }
          %rem3A_357 = arith.constant 2 : i32
          %rem3A_358 = arith.remui %while3A_214, %rem3A_357 : i32
          %rem3A_359 = arith.constant 2 : i32
          %rem3A_360 = arith.remui %while3A_215, %rem3A_359 : i32
          %run_scoped3A_361 = arith.constant 0 : i32
          %run_scoped3A_362 = arith.constant 0 : i32
          %run_scoped3A_363 = arith.constant 0 : i32
          "tpu.trace_start"() <{level = 10 : i32, message = "ep_run_kernel"}> : () -> ()
          "tpu.region"() ({
            %run_scoped3A_481 = tpu.sem_alloc : memref<!tpu.dma_semaphore, #tpu.memory_space<semaphore_mem>>
            %dma_start3A_482 = arith.constant 0 : i32
            %dma_start3A_483 = arith.constant 0 : i32
            %dma_start3A_484 = arith.constant 0 : i32
            %dma_start3A_485 = tpu.memref_slice %run_scoped3A_18[%rem3A_360, %dma_start3A_482, %dma_start3A_483, %dma_start3A_484] : memref<2x1x128x128xi32, #tpu.memory_space<vmem>> -> memref<1x1x128x128xi32, #tpu.memory_space<vmem>>
            %dma_start3A_486 = tpu.memref_squeeze %dma_start3A_485 : memref<1x1x128x128xi32, #tpu.memory_space<vmem>> -> memref<1x128x128xi32, #tpu.memory_space<vmem>>
            %dma_start3A_487 = arith.constant 0 : i32
            %dma_start3A_488 = arith.constant 0 : i32
            %dma_start3A_489 = tpu.memref_slice %dma_start3A_486[%run_scoped3A_363, %dma_start3A_487, %dma_start3A_488] : memref<1x128x128xi32, #tpu.memory_space<vmem>> -> memref<1x128x128xi32, #tpu.memory_space<vmem>>
            %dma_start3A_490 = tpu.memref_squeeze %dma_start3A_489 : memref<1x128x128xi32, #tpu.memory_space<vmem>> -> memref<128x128xi32, #tpu.memory_space<vmem>>
            %dma_start3A_491 = arith.constant 0 : i32
            %dma_start3A_492 = arith.constant 0 : i32
            %dma_start3A_493 = arith.constant 0 : i32
            %dma_start3A_494 = tpu.memref_slice %run_scoped3A[%rem3A_358, %dma_start3A_491, %dma_start3A_492, %dma_start3A_493] : memref<2x1x1x128xi32, #tpu.memory_space<vmem>> -> memref<1x1x1x128xi32, #tpu.memory_space<vmem>>
            %dma_start3A_495 = tpu.memref_squeeze %dma_start3A_494 : memref<1x1x1x128xi32, #tpu.memory_space<vmem>> -> memref<1x1x128xi32, #tpu.memory_space<vmem>>
            %dma_start3A_496 = arith.constant 0 : i32
            %dma_start3A_497 = tpu.memref_slice %dma_start3A_495[%run_scoped3A_361, %run_scoped3A_362, %dma_start3A_496] : memref<1x1x128xi32, #tpu.memory_space<vmem>> -> memref<1x1x128xi32, #tpu.memory_space<vmem>>
            %dma_start3A_498 = tpu.memref_squeeze %dma_start3A_497 : memref<1x1x128xi32, #tpu.memory_space<vmem>> -> memref<128xi32, #tpu.memory_space<vmem>>
            %dma_start3A_499 = arith.constant 0 : i32
            %dma_start3A_500 = arith.constant 0 : i32
            %dma_start3A_501 = tpu.memref_slice %arg2[%dma_start3A_499, %dma_start3A_500] : memref<174080x128xi32, #tpu.memory_space<hbm>> -> memref<174080x128xi32, #tpu.memory_space<hbm>>
            tpu.enqueue_indirect_dma source(%dma_start3A_501 : memref<174080x128xi32, #tpu.memory_space<hbm>>) target(%dma_start3A_490 : memref<128x128xi32, #tpu.memory_space<vmem>>) offsets(%dma_start3A_498 : memref<128xi32, #tpu.memory_space<vmem>>) semaphore(%run_scoped3A_481 : memref<!tpu.dma_semaphore, #tpu.memory_space<semaphore_mem>>)
            %dma_wait3A = arith.constant 0 : i32
            %dma_wait3A_502 = arith.constant 0 : i32
            %dma_wait3A_503 = arith.constant 0 : i32
            %dma_wait3A_504 = tpu.memref_slice %run_scoped3A_18[%rem3A_360, %dma_wait3A, %dma_wait3A_502, %dma_wait3A_503] : memref<2x1x128x128xi32, #tpu.memory_space<vmem>> -> memref<1x1x128x128xi32, #tpu.memory_space<vmem>>
            %dma_wait3A_505 = tpu.memref_squeeze %dma_wait3A_504 : memref<1x1x128x128xi32, #tpu.memory_space<vmem>> -> memref<1x128x128xi32, #tpu.memory_space<vmem>>
            %dma_wait3A_506 = arith.constant 0 : i32
            %dma_wait3A_507 = arith.constant 0 : i32
            %dma_wait3A_508 = tpu.memref_slice %dma_wait3A_505[%run_scoped3A_363, %dma_wait3A_506, %dma_wait3A_507] : memref<1x128x128xi32, #tpu.memory_space<vmem>> -> memref<1x128x128xi32, #tpu.memory_space<vmem>>
            %dma_wait3A_509 = tpu.memref_squeeze %dma_wait3A_508 : memref<1x128x128xi32, #tpu.memory_space<vmem>> -> memref<128x128xi32, #tpu.memory_space<vmem>>
            %dma_wait3A_510 = arith.constant 0 : i32
            %dma_wait3A_511 = arith.constant 0 : i32
            %dma_wait3A_512 = arith.constant 0 : i32
            %dma_wait3A_513 = tpu.memref_slice %run_scoped3A[%rem3A_358, %dma_wait3A_510, %dma_wait3A_511, %dma_wait3A_512] : memref<2x1x1x128xi32, #tpu.memory_space<vmem>> -> memref<1x1x1x128xi32, #tpu.memory_space<vmem>>
            %dma_wait3A_514 = tpu.memref_squeeze %dma_wait3A_513 : memref<1x1x1x128xi32, #tpu.memory_space<vmem>> -> memref<1x1x128xi32, #tpu.memory_space<vmem>>
            %dma_wait3A_515 = arith.constant 0 : i32
            %dma_wait3A_516 = tpu.memref_slice %dma_wait3A_514[%run_scoped3A_361, %run_scoped3A_362, %dma_wait3A_515] : memref<1x1x128xi32, #tpu.memory_space<vmem>> -> memref<1x1x128xi32, #tpu.memory_space<vmem>>
            %dma_wait3A_517 = tpu.memref_squeeze %dma_wait3A_516 : memref<1x1x128xi32, #tpu.memory_space<vmem>> -> memref<128xi32, #tpu.memory_space<vmem>>
            %dma_wait3A_518 = arith.constant 0 : i32
            %dma_wait3A_519 = arith.constant 0 : i32
            %dma_wait3A_520 = tpu.memref_slice %arg2[%dma_wait3A_518, %dma_wait3A_519] : memref<174080x128xi32, #tpu.memory_space<hbm>> -> memref<174080x128xi32, #tpu.memory_space<hbm>>
            tpu.wait_indirect_dma semaphore(%run_scoped3A_481 : memref<!tpu.dma_semaphore, #tpu.memory_space<semaphore_mem>>) src(%dma_wait3A_520 : memref<174080x128xi32, #tpu.memory_space<hbm>>) dst(%dma_wait3A_509 : memref<128x128xi32, #tpu.memory_space<vmem>>)
            tpu.yield
          }) : () -> ()
          "tpu.trace_stop"() : () -> ()
          %mul3A_364 = arith.constant 768 : i32
          %mul3A_365 = arith.muli %add3A_227, %mul3A_364 : i32
          %add3A_366 = arith.constant 250 : i32
          %add3A_367 = arith.addi %mul3A_365, %add3A_366 : i32
          %add3A_368 = arith.addi %add3A_367, %add3A_228 : i32
          %mul3A_369 = arith.constant 768 : i32
          %mul3A_370 = arith.muli %add3A_263, %mul3A_369 : i32
          %add3A_371 = arith.constant 250 : i32
          %add3A_372 = arith.addi %mul3A_370, %add3A_371 : i32
          %add3A_373 = arith.addi %add3A_372, %add3A_264 : i32
          %ne3A_374 = arith.cmpi ne, %add3A_368, %add3A_373 : i32
          %or3A_375 = arith.constant false
          %or3A_376 = arith.ori %or3A_375, %ne3A_374 : i1
          %or3A_377 = arith.constant false
          %or3A_378 = arith.ori %or3A_376, %or3A_377 : i1
          %or3A_379 = arith.constant false
          %or3A_380 = arith.ori %or3A_378, %or3A_379 : i1
          %or3A_381 = arith.ori %or3A_380, %eq3A_225 : i1
          %convert_element_type3A_382 = arith.extui %or3A_381 : i1 to i32
          %cond3A_383 = arith.constant 0 : i32
          %cond3A_384 = arith.cmpi ne, %convert_element_type3A_382, %cond3A_383 : i32
          scf.if %cond3A_384 {
          } else {
          }
          %and3A_385 = arith.constant false
          %and3A_386 = arith.andi %or3A_381, %and3A_385 : i1
          %ne3A_387 = arith.cmpi ne, %add3A_227, %add3A_263 : i32
          %ne3A_388 = arith.cmpi ne, %add3A_228, %add3A_264 : i32
          %or3A_389 = arith.constant false
          %or3A_390 = arith.ori %or3A_389, %ne3A_387 : i1
          %or3A_391 = arith.ori %or3A_390, %ne3A_388 : i1
          %or3A_392 = arith.constant false
          %or3A_393 = arith.ori %or3A_391, %or3A_392 : i1
          %or3A_394 = arith.ori %or3A_393, %eq3A_225 : i1
          %convert_element_type3A_395 = arith.extui %or3A_394 : i1 to i32
          %cond3A_396 = arith.constant 0 : i32
          %cond3A_397 = arith.cmpi ne, %convert_element_type3A_395, %cond3A_396 : i32
          scf.if %cond3A_397 {
            "tpu.trace_start"() <{level = 10 : i32, message = "ep_copy_out"}> : () -> ()
            %rem3A_481 = arith.constant 2 : i32
            %rem3A_482 = arith.remui %while3A_215, %rem3A_481 : i32
            %mul3A_483 = arith.constant 1 : i32
            %mul3A_484 = arith.muli %mul3A_483, %add3A_227 : i32
            %mul3A_485 = arith.constant 128 : i32
            %mul3A_486 = arith.muli %mul3A_485, %add3A_228 : i32
            %dma_start3A_487 = arith.constant 0 : i32
            %dma_start3A_488 = arith.constant 0 : i32
            %dma_start3A_489 = arith.constant 0 : i32
            %dma_start3A_490 = tpu.memref_slice %run_scoped3A_18[%rem3A_482, %dma_start3A_487, %dma_start3A_488, %dma_start3A_489] : memref<2x1x128x128xi32, #tpu.memory_space<vmem>> -> memref<1x1x128x128xi32, #tpu.memory_space<vmem>>
            %dma_start3A_491 = tpu.memref_squeeze %dma_start3A_490 : memref<1x1x128x128xi32, #tpu.memory_space<vmem>> -> memref<1x128x128xi32, #tpu.memory_space<vmem>>
            %dma_start3A_492 = arith.constant 0 : i32
            %dma_start3A_493 = tpu.memref_slice %arg4[%mul3A_484, %mul3A_486, %dma_start3A_492] : memref<4x32000x128xi32, #tpu.memory_space<hbm>> -> memref<1x128x128xi32, #tpu.memory_space<hbm>>
            %dma_start3A_494 = tpu.memref_slice %run_scoped3A_19[%rem3A_482] : memref<2x!tpu.dma_semaphore, #tpu.memory_space<semaphore_mem>> -> memref<1x!tpu.dma_semaphore, #tpu.memory_space<semaphore_mem>>
            %dma_start3A_495 = tpu.memref_squeeze %dma_start3A_494 : memref<1x!tpu.dma_semaphore, #tpu.memory_space<semaphore_mem>> -> memref<!tpu.dma_semaphore, #tpu.memory_space<semaphore_mem>>
            %dma_start3A_496 = arith.constant 0 : i32
            %dma_start3A_497 = tpu.memref_slice %arg4[%mul3A_484, %mul3A_486, %dma_start3A_496] : memref<4x32000x128xi32, #tpu.memory_space<hbm>> -> memref<1x128x128xi32, #tpu.memory_space<hbm>>
            %dma_start3A_498 = arith.constant 0 : i32
            %dma_start3A_499 = arith.constant 0 : i32
            %dma_start3A_500 = arith.constant 0 : i32
            %dma_start3A_501 = tpu.memref_slice %run_scoped3A_18[%rem3A_482, %dma_start3A_498, %dma_start3A_499, %dma_start3A_500] : memref<2x1x128x128xi32, #tpu.memory_space<vmem>> -> memref<1x1x128x128xi32, #tpu.memory_space<vmem>>
            %dma_start3A_502 = tpu.memref_squeeze %dma_start3A_501 : memref<1x1x128x128xi32, #tpu.memory_space<vmem>> -> memref<1x128x128xi32, #tpu.memory_space<vmem>>
            tpu.enqueue_dma source(%dma_start3A_502 : memref<1x128x128xi32, #tpu.memory_space<vmem>>) target(%dma_start3A_497 : memref<1x128x128xi32, #tpu.memory_space<hbm>>) target_semaphore(%dma_start3A_495 : memref<!tpu.dma_semaphore, #tpu.memory_space<semaphore_mem>>)
            "tpu.trace_stop"() : () -> ()
          } else {
          }
          %and3A_398 = arith.constant true
          %and3A_399 = arith.andi %or3A_394, %and3A_398 : i1
          %add3A_400 = arith.constant 1 : i32
          %add3A_401 = arith.addi %while3A_215, %add3A_400 : i32
          %select_n3A_402 = arith.select %and3A_399, %add3A_401, %while3A_215 : i32
          %mul3A_403 = arith.constant 768 : i32
          %mul3A_404 = arith.muli %add3A_227, %mul3A_403 : i32
          %add3A_405 = arith.constant 250 : i32
          %add3A_406 = arith.addi %mul3A_404, %add3A_405 : i32
          %add3A_407 = arith.addi %add3A_406, %add3A_228 : i32
          %mul3A_408 = arith.constant 768 : i32
          %mul3A_409 = arith.muli %add3A_246, %mul3A_408 : i32
          %add3A_410 = arith.constant 250 : i32
          %add3A_411 = arith.addi %mul3A_409, %add3A_410 : i32
          %add3A_412 = arith.addi %add3A_411, %add3A_247 : i32
          %ne3A_413 = arith.cmpi ne, %add3A_407, %add3A_412 : i32
          %or3A_414 = arith.constant false
          %or3A_415 = arith.ori %or3A_414, %ne3A_413 : i1
          %or3A_416 = arith.constant false
          %or3A_417 = arith.ori %or3A_415, %or3A_416 : i1
          %or3A_418 = arith.constant false
          %or3A_419 = arith.ori %or3A_417, %or3A_418 : i1
          %not3A_420 = arith.constant true
          %not3A_421 = arith.xori %eq3A_222, %not3A_420 : i1
          %and3A_422 = arith.andi %or3A_419, %not3A_421 : i1
          %convert_element_type3A_423 = arith.extui %and3A_422 : i1 to i32
          %cond3A_424 = arith.constant 0 : i32
          %cond3A_425 = arith.cmpi ne, %convert_element_type3A_423, %cond3A_424 : i32
          scf.if %cond3A_425 {
          } else {
          }
          %and3A_426 = arith.constant false
          %and3A_427 = arith.andi %and3A_422, %and3A_426 : i1
          %ne3A_428 = arith.cmpi ne, %add3A_227, %add3A_246 : i32
          %ne3A_429 = arith.cmpi ne, %add3A_228, %add3A_247 : i32
          %or3A_430 = arith.constant false
          %or3A_431 = arith.ori %or3A_430, %ne3A_428 : i1
          %or3A_432 = arith.ori %or3A_431, %ne3A_429 : i1
          %or3A_433 = arith.constant false
          %or3A_434 = arith.ori %or3A_432, %or3A_433 : i1
          %not3A_435 = arith.constant true
          %not3A_436 = arith.xori %eq3A_222, %not3A_435 : i1
          %and3A_437 = arith.andi %or3A_434, %not3A_436 : i1
          %convert_element_type3A_438 = arith.extui %and3A_437 : i1 to i32
          %cond3A_439 = arith.constant 0 : i32
          %cond3A_440 = arith.cmpi ne, %convert_element_type3A_438, %cond3A_439 : i32
          scf.if %cond3A_440 {
            "tpu.trace_start"() <{level = 10 : i32, message = "ep_wait_out"}> : () -> ()
            %rem3A_481 = arith.constant 2 : i32
            %rem3A_482 = arith.remui %while3A_216, %rem3A_481 : i32
            %mul3A_483 = arith.constant 1 : i32
            %mul3A_484 = arith.muli %mul3A_483, %add3A_246 : i32
            %mul3A_485 = arith.constant 128 : i32
            %mul3A_486 = arith.muli %mul3A_485, %add3A_247 : i32
            %dma_wait3A = arith.constant 0 : i32
            %dma_wait3A_487 = arith.constant 0 : i32
            %dma_wait3A_488 = arith.constant 0 : i32
            %dma_wait3A_489 = tpu.memref_slice %run_scoped3A_18[%rem3A_482, %dma_wait3A, %dma_wait3A_487, %dma_wait3A_488] : memref<2x1x128x128xi32, #tpu.memory_space<vmem>> -> memref<1x1x128x128xi32, #tpu.memory_space<vmem>>
            %dma_wait3A_490 = tpu.memref_squeeze %dma_wait3A_489 : memref<1x1x128x128xi32, #tpu.memory_space<vmem>> -> memref<1x128x128xi32, #tpu.memory_space<vmem>>
            %dma_wait3A_491 = arith.constant 0 : i32
            %dma_wait3A_492 = tpu.memref_slice %arg4[%mul3A_484, %mul3A_486, %dma_wait3A_491] : memref<4x32000x128xi32, #tpu.memory_space<hbm>> -> memref<1x128x128xi32, #tpu.memory_space<hbm>>
            %dma_wait3A_493 = tpu.memref_slice %run_scoped3A_19[%rem3A_482] : memref<2x!tpu.dma_semaphore, #tpu.memory_space<semaphore_mem>> -> memref<1x!tpu.dma_semaphore, #tpu.memory_space<semaphore_mem>>
            %dma_wait3A_494 = tpu.memref_squeeze %dma_wait3A_493 : memref<1x!tpu.dma_semaphore, #tpu.memory_space<semaphore_mem>> -> memref<!tpu.dma_semaphore, #tpu.memory_space<semaphore_mem>>
            %dma_wait3A_495 = arith.constant 0 : i32
            %dma_wait3A_496 = tpu.memref_slice %arg4[%mul3A_484, %mul3A_486, %dma_wait3A_495] : memref<4x32000x128xi32, #tpu.memory_space<hbm>> -> memref<1x128x128xi32, #tpu.memory_space<hbm>>
            %dma_wait3A_497 = arith.constant 0 : i32
            %dma_wait3A_498 = arith.constant 0 : i32
            %dma_wait3A_499 = arith.constant 0 : i32
            %dma_wait3A_500 = tpu.memref_slice %run_scoped3A_18[%rem3A_482, %dma_wait3A_497, %dma_wait3A_498, %dma_wait3A_499] : memref<2x1x128x128xi32, #tpu.memory_space<vmem>> -> memref<1x1x128x128xi32, #tpu.memory_space<vmem>>
            %dma_wait3A_501 = tpu.memref_squeeze %dma_wait3A_500 : memref<1x1x128x128xi32, #tpu.memory_space<vmem>> -> memref<1x128x128xi32, #tpu.memory_space<vmem>>
            tpu.wait_dma2 semaphore(%dma_wait3A_494 : memref<!tpu.dma_semaphore, #tpu.memory_space<semaphore_mem>>) src(%dma_wait3A_501 : memref<1x128x128xi32, #tpu.memory_space<vmem>>) dst(%dma_wait3A_496 : memref<1x128x128xi32, #tpu.memory_space<hbm>>)
            "tpu.trace_stop"() : () -> ()
          } else {
          }
          %and3A_441 = arith.constant true
          %and3A_442 = arith.andi %and3A_437, %and3A_441 : i1
          %add3A_443 = arith.constant 1 : i32
          %add3A_444 = arith.addi %while3A_216, %add3A_443 : i32
          %select_n3A_445 = arith.select %and3A_442, %add3A_444, %while3A_216 : i32
          %mul3A_446 = arith.constant 768 : i32
          %mul3A_447 = arith.muli %add3A_227, %mul3A_446 : i32
          %add3A_448 = arith.constant 250 : i32
          %add3A_449 = arith.addi %mul3A_447, %add3A_448 : i32
          %add3A_450 = arith.addi %add3A_449, %add3A_228 : i32
          %mul3A_451 = arith.constant 768 : i32
          %mul3A_452 = arith.muli %add3A_263, %mul3A_451 : i32
          %add3A_453 = arith.constant 250 : i32
          %add3A_454 = arith.addi %mul3A_452, %add3A_453 : i32
          %add3A_455 = arith.addi %add3A_454, %add3A_264 : i32
          %ne3A_456 = arith.cmpi ne, %add3A_450, %add3A_455 : i32
          %or3A_457 = arith.constant false
          %or3A_458 = arith.ori %or3A_457, %ne3A_456 : i1
          %or3A_459 = arith.constant false
          %or3A_460 = arith.ori %or3A_458, %or3A_459 : i1
          %or3A_461 = arith.constant false
          %or3A_462 = arith.ori %or3A_460, %or3A_461 : i1
          %or3A_463 = arith.ori %or3A_462, %eq3A_225 : i1
          %add3A_464 = arith.constant 1 : i32
          %add3A_465 = arith.addi %while3A_214, %add3A_464 : i32
          %select_n3A_466 = arith.select %or3A_463, %add3A_465, %while3A_214 : i32
          %add3A_467 = arith.constant 1 : i32
          %add3A_468 = arith.addi %while3A_218, %add3A_467 : i32
          %select_n3A_469 = arith.constant true
          %select_n3A_470 = arith.select %select_n3A_469, %add3A_468, %while3A_218 : i32
          %eq3A_471 = arith.cmpi eq, %select_n3A_470, %select_n3A : i32
          %select_n3A_472 = arith.constant 0 : i32
          %select_n3A_473 = arith.select %eq3A_471, %select_n3A_472, %select_n3A_470 : i32
          %add3A_474 = arith.constant 1 : i32
          %add3A_475 = arith.addi %while3A_217, %add3A_474 : i32
          %select_n3A_476 = arith.select %eq3A_471, %add3A_475, %while3A_217 : i32
          %eq3A_477 = arith.constant 4 : i32
          %eq3A_478 = arith.cmpi eq, %select_n3A_476, %eq3A_477 : i32
          %select_n3A_479 = arith.constant 0 : i32
          %select_n3A_480 = arith.select %eq3A_478, %select_n3A_479, %select_n3A_476 : i32
          scf.yield %select_n3A_309, %select_n3A_466, %select_n3A_402, %select_n3A_445, %select_n3A_480, %select_n3A_473 : i32, i32, i32, i32, i32, i32
        }
        %while3A_123 = arith.constant 1 : i32
        %while3A_124:6 = scf.for %while3A_212 = %while3A_120 to %while3A_116 step %while3A_123 iter_args(%while3A_213 = %while3A_122#0, %while3A_214 = %while3A_122#1, %while3A_215 = %while3A_122#2, %while3A_216 = %while3A_122#3, %while3A_217 = %while3A_122#4, %while3A_218 = %while3A_122#5) -> (i32, i32, i32, i32, i32, i32)  : i32 {
          %mul3A_219 = arith.constant 4 : i32
          %mul3A_220 = arith.muli %mul3A_219, %select_n3A : i32
          %eq3A_221 = arith.constant 0 : i32
          %eq3A_222 = arith.cmpi eq, %while3A_212, %eq3A_221 : i32
          %sub3A_223 = arith.constant 1 : i32
          %sub3A_224 = arith.subi %mul3A_220, %sub3A_223 : i32
          %eq3A_225 = arith.cmpi eq, %while3A_212, %sub3A_224 : i32
          %add3A_226 = arith.constant 0 : i32
          %add3A_227 = arith.addi %while3A_217, %add3A_226 : i32
          %add3A_228 = arith.addi %while3A_218, %select_n3A_14 : i32
          %sub3A_229 = arith.constant 1 : i32
          %sub3A_230 = arith.subi %while3A_218, %sub3A_229 : i32
          %select_n3A_231 = arith.constant true
          %select_n3A_232 = arith.select %select_n3A_231, %sub3A_230, %while3A_218 : i32
          %eq3A_233 = arith.constant -1 : i32
          %eq3A_234 = arith.cmpi eq, %select_n3A_232, %eq3A_233 : i32
          %sub3A_235 = arith.constant 1 : i32
          %sub3A_236 = arith.subi %select_n3A, %sub3A_235 : i32
          %select_n3A_237 = arith.select %eq3A_234, %sub3A_236, %select_n3A_232 : i32
          %sub3A_238 = arith.constant 1 : i32
          %sub3A_239 = arith.subi %while3A_217, %sub3A_238 : i32
          %select_n3A_240 = arith.select %eq3A_234, %sub3A_239, %while3A_217 : i32
          %eq3A_241 = arith.constant -1 : i32
          %eq3A_242 = arith.cmpi eq, %select_n3A_240, %eq3A_241 : i32
          %select_n3A_243 = arith.constant 3 : i32
          %select_n3A_244 = arith.select %eq3A_242, %select_n3A_243, %select_n3A_240 : i32
          %add3A_245 = arith.constant 0 : i32
          %add3A_246 = arith.addi %select_n3A_244, %add3A_245 : i32
          %add3A_247 = arith.addi %select_n3A_237, %select_n3A_14 : i32
          %add3A_248 = arith.constant 1 : i32
          %add3A_249 = arith.addi %while3A_218, %add3A_248 : i32
          %select_n3A_250 = arith.constant true
          %select_n3A_251 = arith.select %select_n3A_250, %add3A_249, %while3A_218 : i32
          %eq3A_252 = arith.cmpi eq, %select_n3A_251, %select_n3A : i32
          %select_n3A_253 = arith.constant 0 : i32
          %select_n3A_254 = arith.select %eq3A_252, %select_n3A_253, %select_n3A_251 : i32
          %add3A_255 = arith.constant 1 : i32
          %add3A_256 = arith.addi %while3A_217, %add3A_255 : i32
          %select_n3A_257 = arith.select %eq3A_252, %add3A_256, %while3A_217 : i32
          %eq3A_258 = arith.constant 4 : i32
          %eq3A_259 = arith.cmpi eq, %select_n3A_257, %eq3A_258 : i32
          %select_n3A_260 = arith.constant 0 : i32
          %select_n3A_261 = arith.select %eq3A_259, %select_n3A_260, %select_n3A_257 : i32
          %add3A_262 = arith.constant 0 : i32
          %add3A_263 = arith.addi %select_n3A_261, %add3A_262 : i32
          %add3A_264 = arith.addi %select_n3A_254, %select_n3A_14 : i32
          %add3A_265 = arith.constant 1 : i32
          %add3A_266 = arith.addi %select_n3A_254, %add3A_265 : i32
          %select_n3A_267 = arith.constant true
          %select_n3A_268 = arith.select %select_n3A_267, %add3A_266, %select_n3A_254 : i32
          %eq3A_269 = arith.cmpi eq, %select_n3A_268, %select_n3A : i32
          %select_n3A_270 = arith.constant 0 : i32
          %select_n3A_271 = arith.select %eq3A_269, %select_n3A_270, %select_n3A_268 : i32
          %add3A_272 = arith.constant 1 : i32
          %add3A_273 = arith.addi %select_n3A_261, %add3A_272 : i32
          %select_n3A_274 = arith.select %eq3A_269, %add3A_273, %select_n3A_261 : i32
          %eq3A_275 = arith.constant 4 : i32
          %eq3A_276 = arith.cmpi eq, %select_n3A_274, %eq3A_275 : i32
          %select_n3A_277 = arith.constant 0 : i32
          %select_n3A_278 = arith.select %eq3A_276, %select_n3A_277, %select_n3A_274 : i32
          %add3A_279 = arith.constant 0 : i32
          %add3A_280 = arith.addi %select_n3A_278, %add3A_279 : i32
          %add3A_281 = arith.addi %select_n3A_271, %select_n3A_14 : i32
          %mul3A_282 = arith.constant 768 : i32
          %mul3A_283 = arith.muli %add3A_227, %mul3A_282 : i32
          %add3A_284 = arith.constant 250 : i32
          %add3A_285 = arith.addi %mul3A_283, %add3A_284 : i32
          %add3A_286 = arith.addi %add3A_285, %add3A_228 : i32
          %mul3A_287 = arith.constant 768 : i32
          %mul3A_288 = arith.muli %add3A_263, %mul3A_287 : i32
          %add3A_289 = arith.constant 250 : i32
          %add3A_290 = arith.addi %mul3A_288, %add3A_289 : i32
          %add3A_291 = arith.addi %add3A_290, %add3A_264 : i32
          %ne3A = arith.cmpi ne, %add3A_286, %add3A_291 : i32
          %or3A = arith.constant false
          %or3A_292 = arith.ori %or3A, %ne3A : i1
          %or3A_293 = arith.constant false
          %or3A_294 = arith.ori %or3A_292, %or3A_293 : i1
          %or3A_295 = arith.constant false
          %or3A_296 = arith.ori %or3A_294, %or3A_295 : i1
          %sub3A_297 = arith.constant 2 : i32
          %sub3A_298 = arith.subi %mul3A_220, %sub3A_297 : i32
          %add3A_299 = arith.constant 1 : i32
          %add3A_300 = arith.addi %sub3A_298, %add3A_299 : i32
          %ge3A = arith.cmpi sge, %while3A_212, %add3A_300 : i32
          %not3A = arith.constant true
          %not3A_301 = arith.xori %ge3A, %not3A : i1
          %and3A = arith.andi %or3A_296, %not3A_301 : i1
          %convert_element_type3A_302 = arith.extui %and3A : i1 to i32
          %cond3A_303 = arith.constant 0 : i32
          %cond3A_304 = arith.cmpi ne, %convert_element_type3A_302, %cond3A_303 : i32
          scf.if %cond3A_304 {
            "tpu.trace_start"() <{level = 10 : i32, message = "ep_copy_in"}> : () -> ()
            %rem3A_481 = arith.constant 2 : i32
            %rem3A_482 = arith.remui %while3A_213, %rem3A_481 : i32
            %mul3A_483 = arith.constant 768 : i32
            %mul3A_484 = arith.muli %add3A_263, %mul3A_483 : i32
            %add3A_485 = arith.constant 250 : i32
            %add3A_486 = arith.addi %mul3A_484, %add3A_485 : i32
            %add3A_487 = arith.addi %add3A_486, %add3A_264 : i32
            %mul3A_488 = arith.constant 1 : i32
            %mul3A_489 = arith.muli %mul3A_488, %add3A_487 : i32
            %dma_start3A_490 = arith.constant 0 : i32
            %dma_start3A_491 = arith.constant 0 : i32
            %dma_start3A_492 = arith.constant 0 : i32
            %dma_start3A_493 = tpu.memref_slice %run_scoped3A[%rem3A_482, %dma_start3A_490, %dma_start3A_491, %dma_start3A_492] : memref<2x1x1x128xi32, #tpu.memory_space<vmem>> -> memref<1x1x1x128xi32, #tpu.memory_space<vmem>>
            %dma_start3A_494 = tpu.memref_squeeze %dma_start3A_493 : memref<1x1x1x128xi32, #tpu.memory_space<vmem>> -> memref<1x1x128xi32, #tpu.memory_space<vmem>>
            %dma_start3A_495 = arith.constant 0 : i32
            %dma_start3A_496 = arith.constant 0 : i32
            %dma_start3A_497 = tpu.memref_slice %arg3[%mul3A_489, %dma_start3A_495, %dma_start3A_496] : memref<3072x1x128xi32, #tpu.memory_space<hbm>> -> memref<1x1x128xi32, #tpu.memory_space<hbm>>
            %dma_start3A_498 = tpu.memref_slice %run_scoped3A_17[%rem3A_482] : memref<2x!tpu.dma_semaphore, #tpu.memory_space<semaphore_mem>> -> memref<1x!tpu.dma_semaphore, #tpu.memory_space<semaphore_mem>>
            %dma_start3A_499 = tpu.memref_squeeze %dma_start3A_498 : memref<1x!tpu.dma_semaphore, #tpu.memory_space<semaphore_mem>> -> memref<!tpu.dma_semaphore, #tpu.memory_space<semaphore_mem>>
            %dma_start3A_500 = arith.constant 0 : i32
            %dma_start3A_501 = arith.constant 0 : i32
            %dma_start3A_502 = arith.constant 0 : i32
            %dma_start3A_503 = tpu.memref_slice %run_scoped3A[%rem3A_482, %dma_start3A_500, %dma_start3A_501, %dma_start3A_502] : memref<2x1x1x128xi32, #tpu.memory_space<vmem>> -> memref<1x1x1x128xi32, #tpu.memory_space<vmem>>
            %dma_start3A_504 = tpu.memref_squeeze %dma_start3A_503 : memref<1x1x1x128xi32, #tpu.memory_space<vmem>> -> memref<1x1x128xi32, #tpu.memory_space<vmem>>
            %dma_start3A_505 = arith.constant 0 : i32
            %dma_start3A_506 = arith.constant 0 : i32
            %dma_start3A_507 = tpu.memref_slice %arg3[%mul3A_489, %dma_start3A_505, %dma_start3A_506] : memref<3072x1x128xi32, #tpu.memory_space<hbm>> -> memref<1x1x128xi32, #tpu.memory_space<hbm>>
            tpu.enqueue_dma source(%dma_start3A_507 : memref<1x1x128xi32, #tpu.memory_space<hbm>>) target(%dma_start3A_504 : memref<1x1x128xi32, #tpu.memory_space<vmem>>) target_semaphore(%dma_start3A_499 : memref<!tpu.dma_semaphore, #tpu.memory_space<semaphore_mem>>)
            "tpu.trace_stop"() : () -> ()
          } else {
          }
          %and3A_305 = arith.constant true
          %and3A_306 = arith.andi %and3A, %and3A_305 : i1
          %add3A_307 = arith.constant 1 : i32
          %add3A_308 = arith.addi %while3A_213, %add3A_307 : i32
          %select_n3A_309 = arith.select %and3A_306, %add3A_308, %while3A_213 : i32
          %ne3A_310 = arith.cmpi ne, %add3A_227, %add3A_263 : i32
          %ne3A_311 = arith.cmpi ne, %add3A_228, %add3A_264 : i32
          %or3A_312 = arith.constant false
          %or3A_313 = arith.ori %or3A_312, %ne3A_310 : i1
          %or3A_314 = arith.ori %or3A_313, %ne3A_311 : i1
          %or3A_315 = arith.constant false
          %or3A_316 = arith.ori %or3A_314, %or3A_315 : i1
          %sub3A_317 = arith.constant 2 : i32
          %sub3A_318 = arith.subi %mul3A_220, %sub3A_317 : i32
          %add3A_319 = arith.constant 1 : i32
          %add3A_320 = arith.addi %sub3A_318, %add3A_319 : i32
          %ge3A_321 = arith.cmpi sge, %while3A_212, %add3A_320 : i32
          %not3A_322 = arith.constant true
          %not3A_323 = arith.xori %ge3A_321, %not3A_322 : i1
          %and3A_324 = arith.andi %or3A_316, %not3A_323 : i1
          %mul3A_325 = arith.constant 768 : i32
          %mul3A_326 = arith.muli %add3A_227, %mul3A_325 : i32
          %add3A_327 = arith.constant 250 : i32
          %add3A_328 = arith.addi %mul3A_326, %add3A_327 : i32
          %add3A_329 = arith.addi %add3A_328, %add3A_228 : i32
          %mul3A_330 = arith.constant 768 : i32
          %mul3A_331 = arith.muli %add3A_246, %mul3A_330 : i32
          %add3A_332 = arith.constant 250 : i32
          %add3A_333 = arith.addi %mul3A_331, %add3A_332 : i32
          %add3A_334 = arith.addi %add3A_333, %add3A_247 : i32
          %ne3A_335 = arith.cmpi ne, %add3A_329, %add3A_334 : i32
          %or3A_336 = arith.constant false
          %or3A_337 = arith.ori %or3A_336, %ne3A_335 : i1
          %or3A_338 = arith.constant false
          %or3A_339 = arith.ori %or3A_337, %or3A_338 : i1
          %or3A_340 = arith.constant false
          %or3A_341 = arith.ori %or3A_339, %or3A_340 : i1
          %or3A_342 = arith.ori %or3A_341, %eq3A_222 : i1
          %convert_element_type3A_343 = arith.extui %or3A_342 : i1 to i32
          %cond3A_344 = arith.constant 0 : i32
          %cond3A_345 = arith.cmpi ne, %convert_element_type3A_343, %cond3A_344 : i32
          scf.if %cond3A_345 {
            "tpu.trace_start"() <{level = 10 : i32, message = "ep_wait_in"}> : () -> ()
            %mul3A_481 = arith.constant 768 : i32
            %mul3A_482 = arith.muli %add3A_227, %mul3A_481 : i32
            %add3A_483 = arith.constant 250 : i32
            %add3A_484 = arith.addi %mul3A_482, %add3A_483 : i32
            %add3A_485 = arith.addi %add3A_484, %add3A_228 : i32
            %mul3A_486 = arith.constant 1 : i32
            %mul3A_487 = arith.muli %mul3A_486, %add3A_485 : i32
            %rem3A_488 = arith.constant 2 : i32
            %rem3A_489 = arith.remui %while3A_214, %rem3A_488 : i32
            %dma_wait3A = arith.constant 0 : i32
            %dma_wait3A_490 = arith.constant 0 : i32
            %dma_wait3A_491 = arith.constant 0 : i32
            %dma_wait3A_492 = tpu.memref_slice %run_scoped3A[%rem3A_489, %dma_wait3A, %dma_wait3A_490, %dma_wait3A_491] : memref<2x1x1x128xi32, #tpu.memory_space<vmem>> -> memref<1x1x1x128xi32, #tpu.memory_space<vmem>>
            %dma_wait3A_493 = tpu.memref_squeeze %dma_wait3A_492 : memref<1x1x1x128xi32, #tpu.memory_space<vmem>> -> memref<1x1x128xi32, #tpu.memory_space<vmem>>
            %dma_wait3A_494 = arith.constant 0 : i32
            %dma_wait3A_495 = arith.constant 0 : i32
            %dma_wait3A_496 = tpu.memref_slice %arg3[%mul3A_487, %dma_wait3A_494, %dma_wait3A_495] : memref<3072x1x128xi32, #tpu.memory_space<hbm>> -> memref<1x1x128xi32, #tpu.memory_space<hbm>>
            %dma_wait3A_497 = tpu.memref_slice %run_scoped3A_17[%rem3A_489] : memref<2x!tpu.dma_semaphore, #tpu.memory_space<semaphore_mem>> -> memref<1x!tpu.dma_semaphore, #tpu.memory_space<semaphore_mem>>
            %dma_wait3A_498 = tpu.memref_squeeze %dma_wait3A_497 : memref<1x!tpu.dma_semaphore, #tpu.memory_space<semaphore_mem>> -> memref<!tpu.dma_semaphore, #tpu.memory_space<semaphore_mem>>
            %dma_wait3A_499 = arith.constant 0 : i32
            %dma_wait3A_500 = arith.constant 0 : i32
            %dma_wait3A_501 = arith.constant 0 : i32
            %dma_wait3A_502 = tpu.memref_slice %run_scoped3A[%rem3A_489, %dma_wait3A_499, %dma_wait3A_500, %dma_wait3A_501] : memref<2x1x1x128xi32, #tpu.memory_space<vmem>> -> memref<1x1x1x128xi32, #tpu.memory_space<vmem>>
            %dma_wait3A_503 = tpu.memref_squeeze %dma_wait3A_502 : memref<1x1x1x128xi32, #tpu.memory_space<vmem>> -> memref<1x1x128xi32, #tpu.memory_space<vmem>>
            %dma_wait3A_504 = arith.constant 0 : i32
            %dma_wait3A_505 = arith.constant 0 : i32
            %dma_wait3A_506 = tpu.memref_slice %arg3[%mul3A_487, %dma_wait3A_504, %dma_wait3A_505] : memref<3072x1x128xi32, #tpu.memory_space<hbm>> -> memref<1x1x128xi32, #tpu.memory_space<hbm>>
            tpu.wait_dma2 semaphore(%dma_wait3A_498 : memref<!tpu.dma_semaphore, #tpu.memory_space<semaphore_mem>>) src(%dma_wait3A_506 : memref<1x1x128xi32, #tpu.memory_space<hbm>>) dst(%dma_wait3A_503 : memref<1x1x128xi32, #tpu.memory_space<vmem>>)
            "tpu.trace_stop"() : () -> ()
          } else {
          }
          %ne3A_346 = arith.cmpi ne, %add3A_227, %add3A_246 : i32
          %ne3A_347 = arith.cmpi ne, %add3A_228, %add3A_247 : i32
          %or3A_348 = arith.constant false
          %or3A_349 = arith.ori %or3A_348, %ne3A_346 : i1
          %or3A_350 = arith.ori %or3A_349, %ne3A_347 : i1
          %or3A_351 = arith.constant false
          %or3A_352 = arith.ori %or3A_350, %or3A_351 : i1
          %or3A_353 = arith.ori %or3A_352, %eq3A_222 : i1
          %convert_element_type3A_354 = arith.extui %or3A_353 : i1 to i32
          %cond3A_355 = arith.constant 0 : i32
          %cond3A_356 = arith.cmpi ne, %convert_element_type3A_354, %cond3A_355 : i32
          scf.if %cond3A_356 {
          } else {
          }
          %rem3A_357 = arith.constant 2 : i32
          %rem3A_358 = arith.remui %while3A_214, %rem3A_357 : i32
          %rem3A_359 = arith.constant 2 : i32
          %rem3A_360 = arith.remui %while3A_215, %rem3A_359 : i32
          %run_scoped3A_361 = arith.constant 0 : i32
          %run_scoped3A_362 = arith.constant 0 : i32
          %run_scoped3A_363 = arith.constant 0 : i32
          "tpu.trace_start"() <{level = 10 : i32, message = "ep_run_kernel"}> : () -> ()
          "tpu.region"() ({
            %run_scoped3A_481 = tpu.sem_alloc : memref<!tpu.dma_semaphore, #tpu.memory_space<semaphore_mem>>
            %dma_start3A_482 = arith.constant 0 : i32
            %dma_start3A_483 = arith.constant 0 : i32
            %dma_start3A_484 = arith.constant 0 : i32
            %dma_start3A_485 = tpu.memref_slice %run_scoped3A_18[%rem3A_360, %dma_start3A_482, %dma_start3A_483, %dma_start3A_484] : memref<2x1x128x128xi32, #tpu.memory_space<vmem>> -> memref<1x1x128x128xi32, #tpu.memory_space<vmem>>
            %dma_start3A_486 = tpu.memref_squeeze %dma_start3A_485 : memref<1x1x128x128xi32, #tpu.memory_space<vmem>> -> memref<1x128x128xi32, #tpu.memory_space<vmem>>
            %dma_start3A_487 = arith.constant 0 : i32
            %dma_start3A_488 = arith.constant 0 : i32
            %dma_start3A_489 = tpu.memref_slice %dma_start3A_486[%run_scoped3A_363, %dma_start3A_487, %dma_start3A_488] : memref<1x128x128xi32, #tpu.memory_space<vmem>> -> memref<1x128x128xi32, #tpu.memory_space<vmem>>
            %dma_start3A_490 = tpu.memref_squeeze %dma_start3A_489 : memref<1x128x128xi32, #tpu.memory_space<vmem>> -> memref<128x128xi32, #tpu.memory_space<vmem>>
            %dma_start3A_491 = arith.constant 0 : i32
            %dma_start3A_492 = arith.constant 0 : i32
            %dma_start3A_493 = arith.constant 0 : i32
            %dma_start3A_494 = tpu.memref_slice %run_scoped3A[%rem3A_358, %dma_start3A_491, %dma_start3A_492, %dma_start3A_493] : memref<2x1x1x128xi32, #tpu.memory_space<vmem>> -> memref<1x1x1x128xi32, #tpu.memory_space<vmem>>
            %dma_start3A_495 = tpu.memref_squeeze %dma_start3A_494 : memref<1x1x1x128xi32, #tpu.memory_space<vmem>> -> memref<1x1x128xi32, #tpu.memory_space<vmem>>
            %dma_start3A_496 = arith.constant 0 : i32
            %dma_start3A_497 = tpu.memref_slice %dma_start3A_495[%run_scoped3A_361, %run_scoped3A_362, %dma_start3A_496] : memref<1x1x128xi32, #tpu.memory_space<vmem>> -> memref<1x1x128xi32, #tpu.memory_space<vmem>>
            %dma_start3A_498 = tpu.memref_squeeze %dma_start3A_497 : memref<1x1x128xi32, #tpu.memory_space<vmem>> -> memref<128xi32, #tpu.memory_space<vmem>>
            %dma_start3A_499 = arith.constant 0 : i32
            %dma_start3A_500 = arith.constant 0 : i32
            %dma_start3A_501 = tpu.memref_slice %arg2[%dma_start3A_499, %dma_start3A_500] : memref<174080x128xi32, #tpu.memory_space<hbm>> -> memref<174080x128xi32, #tpu.memory_space<hbm>>
            tpu.enqueue_indirect_dma source(%dma_start3A_501 : memref<174080x128xi32, #tpu.memory_space<hbm>>) target(%dma_start3A_490 : memref<128x128xi32, #tpu.memory_space<vmem>>) offsets(%dma_start3A_498 : memref<128xi32, #tpu.memory_space<vmem>>) semaphore(%run_scoped3A_481 : memref<!tpu.dma_semaphore, #tpu.memory_space<semaphore_mem>>)
            %dma_wait3A = arith.constant 0 : i32
            %dma_wait3A_502 = arith.constant 0 : i32
            %dma_wait3A_503 = arith.constant 0 : i32
            %dma_wait3A_504 = tpu.memref_slice %run_scoped3A_18[%rem3A_360, %dma_wait3A, %dma_wait3A_502, %dma_wait3A_503] : memref<2x1x128x128xi32, #tpu.memory_space<vmem>> -> memref<1x1x128x128xi32, #tpu.memory_space<vmem>>
            %dma_wait3A_505 = tpu.memref_squeeze %dma_wait3A_504 : memref<1x1x128x128xi32, #tpu.memory_space<vmem>> -> memref<1x128x128xi32, #tpu.memory_space<vmem>>
            %dma_wait3A_506 = arith.constant 0 : i32
            %dma_wait3A_507 = arith.constant 0 : i32
            %dma_wait3A_508 = tpu.memref_slice %dma_wait3A_505[%run_scoped3A_363, %dma_wait3A_506, %dma_wait3A_507] : memref<1x128x128xi32, #tpu.memory_space<vmem>> -> memref<1x128x128xi32, #tpu.memory_space<vmem>>
            %dma_wait3A_509 = tpu.memref_squeeze %dma_wait3A_508 : memref<1x128x128xi32, #tpu.memory_space<vmem>> -> memref<128x128xi32, #tpu.memory_space<vmem>>
            %dma_wait3A_510 = arith.constant 0 : i32
            %dma_wait3A_511 = arith.constant 0 : i32
            %dma_wait3A_512 = arith.constant 0 : i32
            %dma_wait3A_513 = tpu.memref_slice %run_scoped3A[%rem3A_358, %dma_wait3A_510, %dma_wait3A_511, %dma_wait3A_512] : memref<2x1x1x128xi32, #tpu.memory_space<vmem>> -> memref<1x1x1x128xi32, #tpu.memory_space<vmem>>
            %dma_wait3A_514 = tpu.memref_squeeze %dma_wait3A_513 : memref<1x1x1x128xi32, #tpu.memory_space<vmem>> -> memref<1x1x128xi32, #tpu.memory_space<vmem>>
            %dma_wait3A_515 = arith.constant 0 : i32
            %dma_wait3A_516 = tpu.memref_slice %dma_wait3A_514[%run_scoped3A_361, %run_scoped3A_362, %dma_wait3A_515] : memref<1x1x128xi32, #tpu.memory_space<vmem>> -> memref<1x1x128xi32, #tpu.memory_space<vmem>>
            %dma_wait3A_517 = tpu.memref_squeeze %dma_wait3A_516 : memref<1x1x128xi32, #tpu.memory_space<vmem>> -> memref<128xi32, #tpu.memory_space<vmem>>
            %dma_wait3A_518 = arith.constant 0 : i32
            %dma_wait3A_519 = arith.constant 0 : i32
            %dma_wait3A_520 = tpu.memref_slice %arg2[%dma_wait3A_518, %dma_wait3A_519] : memref<174080x128xi32, #tpu.memory_space<hbm>> -> memref<174080x128xi32, #tpu.memory_space<hbm>>
            tpu.wait_indirect_dma semaphore(%run_scoped3A_481 : memref<!tpu.dma_semaphore, #tpu.memory_space<semaphore_mem>>) src(%dma_wait3A_520 : memref<174080x128xi32, #tpu.memory_space<hbm>>) dst(%dma_wait3A_509 : memref<128x128xi32, #tpu.memory_space<vmem>>)
            tpu.yield
          }) : () -> ()
          "tpu.trace_stop"() : () -> ()
          %mul3A_364 = arith.constant 768 : i32
          %mul3A_365 = arith.muli %add3A_227, %mul3A_364 : i32
          %add3A_366 = arith.constant 250 : i32
          %add3A_367 = arith.addi %mul3A_365, %add3A_366 : i32
          %add3A_368 = arith.addi %add3A_367, %add3A_228 : i32
          %mul3A_369 = arith.constant 768 : i32
          %mul3A_370 = arith.muli %add3A_263, %mul3A_369 : i32
          %add3A_371 = arith.constant 250 : i32
          %add3A_372 = arith.addi %mul3A_370, %add3A_371 : i32
          %add3A_373 = arith.addi %add3A_372, %add3A_264 : i32
          %ne3A_374 = arith.cmpi ne, %add3A_368, %add3A_373 : i32
          %or3A_375 = arith.constant false
          %or3A_376 = arith.ori %or3A_375, %ne3A_374 : i1
          %or3A_377 = arith.constant false
          %or3A_378 = arith.ori %or3A_376, %or3A_377 : i1
          %or3A_379 = arith.constant false
          %or3A_380 = arith.ori %or3A_378, %or3A_379 : i1
          %or3A_381 = arith.ori %or3A_380, %eq3A_225 : i1
          %convert_element_type3A_382 = arith.extui %or3A_381 : i1 to i32
          %cond3A_383 = arith.constant 0 : i32
          %cond3A_384 = arith.cmpi ne, %convert_element_type3A_382, %cond3A_383 : i32
          scf.if %cond3A_384 {
          } else {
          }
          %and3A_385 = arith.constant false
          %and3A_386 = arith.andi %or3A_381, %and3A_385 : i1
          %ne3A_387 = arith.cmpi ne, %add3A_227, %add3A_263 : i32
          %ne3A_388 = arith.cmpi ne, %add3A_228, %add3A_264 : i32
          %or3A_389 = arith.constant false
          %or3A_390 = arith.ori %or3A_389, %ne3A_387 : i1
          %or3A_391 = arith.ori %or3A_390, %ne3A_388 : i1
          %or3A_392 = arith.constant false
          %or3A_393 = arith.ori %or3A_391, %or3A_392 : i1
          %or3A_394 = arith.ori %or3A_393, %eq3A_225 : i1
          %convert_element_type3A_395 = arith.extui %or3A_394 : i1 to i32
          %cond3A_396 = arith.constant 0 : i32
          %cond3A_397 = arith.cmpi ne, %convert_element_type3A_395, %cond3A_396 : i32
          scf.if %cond3A_397 {
            "tpu.trace_start"() <{level = 10 : i32, message = "ep_copy_out"}> : () -> ()
            %rem3A_481 = arith.constant 2 : i32
            %rem3A_482 = arith.remui %while3A_215, %rem3A_481 : i32
            %mul3A_483 = arith.constant 1 : i32
            %mul3A_484 = arith.muli %mul3A_483, %add3A_227 : i32
            %mul3A_485 = arith.constant 128 : i32
            %mul3A_486 = arith.muli %mul3A_485, %add3A_228 : i32
            %dma_start3A_487 = arith.constant 0 : i32
            %dma_start3A_488 = arith.constant 0 : i32
            %dma_start3A_489 = arith.constant 0 : i32
            %dma_start3A_490 = tpu.memref_slice %run_scoped3A_18[%rem3A_482, %dma_start3A_487, %dma_start3A_488, %dma_start3A_489] : memref<2x1x128x128xi32, #tpu.memory_space<vmem>> -> memref<1x1x128x128xi32, #tpu.memory_space<vmem>>
            %dma_start3A_491 = tpu.memref_squeeze %dma_start3A_490 : memref<1x1x128x128xi32, #tpu.memory_space<vmem>> -> memref<1x128x128xi32, #tpu.memory_space<vmem>>
            %dma_start3A_492 = arith.constant 0 : i32
            %dma_start3A_493 = tpu.memref_slice %arg4[%mul3A_484, %mul3A_486, %dma_start3A_492] : memref<4x32000x128xi32, #tpu.memory_space<hbm>> -> memref<1x128x128xi32, #tpu.memory_space<hbm>>
            %dma_start3A_494 = tpu.memref_slice %run_scoped3A_19[%rem3A_482] : memref<2x!tpu.dma_semaphore, #tpu.memory_space<semaphore_mem>> -> memref<1x!tpu.dma_semaphore, #tpu.memory_space<semaphore_mem>>
            %dma_start3A_495 = tpu.memref_squeeze %dma_start3A_494 : memref<1x!tpu.dma_semaphore, #tpu.memory_space<semaphore_mem>> -> memref<!tpu.dma_semaphore, #tpu.memory_space<semaphore_mem>>
            %dma_start3A_496 = arith.constant 0 : i32
            %dma_start3A_497 = tpu.memref_slice %arg4[%mul3A_484, %mul3A_486, %dma_start3A_496] : memref<4x32000x128xi32, #tpu.memory_space<hbm>> -> memref<1x128x128xi32, #tpu.memory_space<hbm>>
            %dma_start3A_498 = arith.constant 0 : i32
            %dma_start3A_499 = arith.constant 0 : i32
            %dma_start3A_500 = arith.constant 0 : i32
            %dma_start3A_501 = tpu.memref_slice %run_scoped3A_18[%rem3A_482, %dma_start3A_498, %dma_start3A_499, %dma_start3A_500] : memref<2x1x128x128xi32, #tpu.memory_space<vmem>> -> memref<1x1x128x128xi32, #tpu.memory_space<vmem>>
            %dma_start3A_502 = tpu.memref_squeeze %dma_start3A_501 : memref<1x1x128x128xi32, #tpu.memory_space<vmem>> -> memref<1x128x128xi32, #tpu.memory_space<vmem>>
            tpu.enqueue_dma source(%dma_start3A_502 : memref<1x128x128xi32, #tpu.memory_space<vmem>>) target(%dma_start3A_497 : memref<1x128x128xi32, #tpu.memory_space<hbm>>) target_semaphore(%dma_start3A_495 : memref<!tpu.dma_semaphore, #tpu.memory_space<semaphore_mem>>)
            "tpu.trace_stop"() : () -> ()
          } else {
          }
          %and3A_398 = arith.constant true
          %and3A_399 = arith.andi %or3A_394, %and3A_398 : i1
          %add3A_400 = arith.constant 1 : i32
          %add3A_401 = arith.addi %while3A_215, %add3A_400 : i32
          %select_n3A_402 = arith.select %and3A_399, %add3A_401, %while3A_215 : i32
          %mul3A_403 = arith.constant 768 : i32
          %mul3A_404 = arith.muli %add3A_227, %mul3A_403 : i32
          %add3A_405 = arith.constant 250 : i32
          %add3A_406 = arith.addi %mul3A_404, %add3A_405 : i32
          %add3A_407 = arith.addi %add3A_406, %add3A_228 : i32
          %mul3A_408 = arith.constant 768 : i32
          %mul3A_409 = arith.muli %add3A_246, %mul3A_408 : i32
          %add3A_410 = arith.constant 250 : i32
          %add3A_411 = arith.addi %mul3A_409, %add3A_410 : i32
          %add3A_412 = arith.addi %add3A_411, %add3A_247 : i32
          %ne3A_413 = arith.cmpi ne, %add3A_407, %add3A_412 : i32
          %or3A_414 = arith.constant false
          %or3A_415 = arith.ori %or3A_414, %ne3A_413 : i1
          %or3A_416 = arith.constant false
          %or3A_417 = arith.ori %or3A_415, %or3A_416 : i1
          %or3A_418 = arith.constant false
          %or3A_419 = arith.ori %or3A_417, %or3A_418 : i1
          %not3A_420 = arith.constant true
          %not3A_421 = arith.xori %eq3A_222, %not3A_420 : i1
          %and3A_422 = arith.andi %or3A_419, %not3A_421 : i1
          %convert_element_type3A_423 = arith.extui %and3A_422 : i1 to i32
          %cond3A_424 = arith.constant 0 : i32
          %cond3A_425 = arith.cmpi ne, %convert_element_type3A_423, %cond3A_424 : i32
          scf.if %cond3A_425 {
          } else {
          }
          %and3A_426 = arith.constant false
          %and3A_427 = arith.andi %and3A_422, %and3A_426 : i1
          %ne3A_428 = arith.cmpi ne, %add3A_227, %add3A_246 : i32
          %ne3A_429 = arith.cmpi ne, %add3A_228, %add3A_247 : i32
          %or3A_430 = arith.constant false
          %or3A_431 = arith.ori %or3A_430, %ne3A_428 : i1
          %or3A_432 = arith.ori %or3A_431, %ne3A_429 : i1
          %or3A_433 = arith.constant false
          %or3A_434 = arith.ori %or3A_432, %or3A_433 : i1
          %not3A_435 = arith.constant true
          %not3A_436 = arith.xori %eq3A_222, %not3A_435 : i1
          %and3A_437 = arith.andi %or3A_434, %not3A_436 : i1
          %convert_element_type3A_438 = arith.extui %and3A_437 : i1 to i32
          %cond3A_439 = arith.constant 0 : i32
          %cond3A_440 = arith.cmpi ne, %convert_element_type3A_438, %cond3A_439 : i32
          scf.if %cond3A_440 {
            "tpu.trace_start"() <{level = 10 : i32, message = "ep_wait_out"}> : () -> ()
            %rem3A_481 = arith.constant 2 : i32
            %rem3A_482 = arith.remui %while3A_216, %rem3A_481 : i32
            %mul3A_483 = arith.constant 1 : i32
            %mul3A_484 = arith.muli %mul3A_483, %add3A_246 : i32
            %mul3A_485 = arith.constant 128 : i32
            %mul3A_486 = arith.muli %mul3A_485, %add3A_247 : i32
            %dma_wait3A = arith.constant 0 : i32
            %dma_wait3A_487 = arith.constant 0 : i32
            %dma_wait3A_488 = arith.constant 0 : i32
            %dma_wait3A_489 = tpu.memref_slice %run_scoped3A_18[%rem3A_482, %dma_wait3A, %dma_wait3A_487, %dma_wait3A_488] : memref<2x1x128x128xi32, #tpu.memory_space<vmem>> -> memref<1x1x128x128xi32, #tpu.memory_space<vmem>>
            %dma_wait3A_490 = tpu.memref_squeeze %dma_wait3A_489 : memref<1x1x128x128xi32, #tpu.memory_space<vmem>> -> memref<1x128x128xi32, #tpu.memory_space<vmem>>
            %dma_wait3A_491 = arith.constant 0 : i32
            %dma_wait3A_492 = tpu.memref_slice %arg4[%mul3A_484, %mul3A_486, %dma_wait3A_491] : memref<4x32000x128xi32, #tpu.memory_space<hbm>> -> memref<1x128x128xi32, #tpu.memory_space<hbm>>
            %dma_wait3A_493 = tpu.memref_slice %run_scoped3A_19[%rem3A_482] : memref<2x!tpu.dma_semaphore, #tpu.memory_space<semaphore_mem>> -> memref<1x!tpu.dma_semaphore, #tpu.memory_space<semaphore_mem>>
            %dma_wait3A_494 = tpu.memref_squeeze %dma_wait3A_493 : memref<1x!tpu.dma_semaphore, #tpu.memory_space<semaphore_mem>> -> memref<!tpu.dma_semaphore, #tpu.memory_space<semaphore_mem>>
            %dma_wait3A_495 = arith.constant 0 : i32
            %dma_wait3A_496 = tpu.memref_slice %arg4[%mul3A_484, %mul3A_486, %dma_wait3A_495] : memref<4x32000x128xi32, #tpu.memory_space<hbm>> -> memref<1x128x128xi32, #tpu.memory_space<hbm>>
            %dma_wait3A_497 = arith.constant 0 : i32
            %dma_wait3A_498 = arith.constant 0 : i32
            %dma_wait3A_499 = arith.constant 0 : i32
            %dma_wait3A_500 = tpu.memref_slice %run_scoped3A_18[%rem3A_482, %dma_wait3A_497, %dma_wait3A_498, %dma_wait3A_499] : memref<2x1x128x128xi32, #tpu.memory_space<vmem>> -> memref<1x1x128x128xi32, #tpu.memory_space<vmem>>
            %dma_wait3A_501 = tpu.memref_squeeze %dma_wait3A_500 : memref<1x1x128x128xi32, #tpu.memory_space<vmem>> -> memref<1x128x128xi32, #tpu.memory_space<vmem>>
            tpu.wait_dma2 semaphore(%dma_wait3A_494 : memref<!tpu.dma_semaphore, #tpu.memory_space<semaphore_mem>>) src(%dma_wait3A_501 : memref<1x128x128xi32, #tpu.memory_space<vmem>>) dst(%dma_wait3A_496 : memref<1x128x128xi32, #tpu.memory_space<hbm>>)
            "tpu.trace_stop"() : () -> ()
          } else {
          }
          %and3A_441 = arith.constant true
          %and3A_442 = arith.andi %and3A_437, %and3A_441 : i1
          %add3A_443 = arith.constant 1 : i32
          %add3A_444 = arith.addi %while3A_216, %add3A_443 : i32
          %select_n3A_445 = arith.select %and3A_442, %add3A_444, %while3A_216 : i32
          %mul3A_446 = arith.constant 768 : i32
          %mul3A_447 = arith.muli %add3A_227, %mul3A_446 : i32
          %add3A_448 = arith.constant 250 : i32
          %add3A_449 = arith.addi %mul3A_447, %add3A_448 : i32
          %add3A_450 = arith.addi %add3A_449, %add3A_228 : i32
          %mul3A_451 = arith.constant 768 : i32
          %mul3A_452 = arith.muli %add3A_263, %mul3A_451 : i32
          %add3A_453 = arith.constant 250 : i32
          %add3A_454 = arith.addi %mul3A_452, %add3A_453 : i32
          %add3A_455 = arith.addi %add3A_454, %add3A_264 : i32
          %ne3A_456 = arith.cmpi ne, %add3A_450, %add3A_455 : i32
          %or3A_457 = arith.constant false
          %or3A_458 = arith.ori %or3A_457, %ne3A_456 : i1
          %or3A_459 = arith.constant false
          %or3A_460 = arith.ori %or3A_458, %or3A_459 : i1
          %or3A_461 = arith.constant false
          %or3A_462 = arith.ori %or3A_460, %or3A_461 : i1
          %or3A_463 = arith.ori %or3A_462, %eq3A_225 : i1
          %add3A_464 = arith.constant 1 : i32
          %add3A_465 = arith.addi %while3A_214, %add3A_464 : i32
          %select_n3A_466 = arith.select %or3A_463, %add3A_465, %while3A_214 : i32
          %add3A_467 = arith.constant 1 : i32
          %add3A_468 = arith.addi %while3A_218, %add3A_467 : i32
          %select_n3A_469 = arith.constant true
          %select_n3A_470 = arith.select %select_n3A_469, %add3A_468, %while3A_218 : i32
          %eq3A_471 = arith.cmpi eq, %select_n3A_470, %select_n3A : i32
          %select_n3A_472 = arith.constant 0 : i32
          %select_n3A_473 = arith.select %eq3A_471, %select_n3A_472, %select_n3A_470 : i32
          %add3A_474 = arith.constant 1 : i32
          %add3A_475 = arith.addi %while3A_217, %add3A_474 : i32
          %select_n3A_476 = arith.select %eq3A_471, %add3A_475, %while3A_217 : i32
          %eq3A_477 = arith.constant 4 : i32
          %eq3A_478 = arith.cmpi eq, %select_n3A_476, %eq3A_477 : i32
          %select_n3A_479 = arith.constant 0 : i32
          %select_n3A_480 = arith.select %eq3A_478, %select_n3A_479, %select_n3A_476 : i32
          scf.yield %select_n3A_309, %select_n3A_466, %select_n3A_402, %select_n3A_445, %select_n3A_480, %select_n3A_473 : i32, i32, i32, i32, i32, i32
        }
        %sub3A_125 = arith.constant 1 : i32
        %sub3A_126 = arith.subi %while3A_124#5, %sub3A_125 : i32
        %select_n3A_127 = arith.constant true
        %select_n3A_128 = arith.select %select_n3A_127, %sub3A_126, %while3A_124#5 : i32
        %eq3A_129 = arith.constant -1 : i32
        %eq3A_130 = arith.cmpi eq, %select_n3A_128, %eq3A_129 : i32
        %sub3A_131 = arith.constant 1 : i32
        %sub3A_132 = arith.subi %select_n3A, %sub3A_131 : i32
        %select_n3A_133 = arith.select %eq3A_130, %sub3A_132, %select_n3A_128 : i32
        %sub3A_134 = arith.constant 1 : i32
        %sub3A_135 = arith.subi %while3A_124#4, %sub3A_134 : i32
        %select_n3A_136 = arith.select %eq3A_130, %sub3A_135, %while3A_124#4 : i32
        %eq3A_137 = arith.constant -1 : i32
        %eq3A_138 = arith.cmpi eq, %select_n3A_136, %eq3A_137 : i32
        %select_n3A_139 = arith.constant 3 : i32
        %select_n3A_140 = arith.select %eq3A_138, %select_n3A_139, %select_n3A_136 : i32
        %sub3A_141 = arith.constant 1 : i32
        %sub3A_142 = arith.subi %mul3A_16, %sub3A_141 : i32
        %mul3A_143 = arith.constant 4 : i32
        %mul3A_144 = arith.muli %mul3A_143, %select_n3A : i32
        %eq3A_145 = arith.constant 0 : i32
        %eq3A_146 = arith.cmpi eq, %sub3A_142, %eq3A_145 : i32
        %sub3A_147 = arith.constant 1 : i32
        %sub3A_148 = arith.subi %mul3A_144, %sub3A_147 : i32
        %eq3A_149 = arith.cmpi eq, %sub3A_142, %sub3A_148 : i32
        %add3A_150 = arith.constant 0 : i32
        %add3A_151 = arith.addi %select_n3A_140, %add3A_150 : i32
        %add3A_152 = arith.addi %select_n3A_133, %select_n3A_14 : i32
        %sub3A_153 = arith.constant 1 : i32
        %sub3A_154 = arith.subi %select_n3A_133, %sub3A_153 : i32
        %select_n3A_155 = arith.constant true
        %select_n3A_156 = arith.select %select_n3A_155, %sub3A_154, %select_n3A_133 : i32
        %eq3A_157 = arith.constant -1 : i32
        %eq3A_158 = arith.cmpi eq, %select_n3A_156, %eq3A_157 : i32
        %sub3A_159 = arith.constant 1 : i32
        %sub3A_160 = arith.subi %select_n3A, %sub3A_159 : i32
        %select_n3A_161 = arith.select %eq3A_158, %sub3A_160, %select_n3A_156 : i32
        %sub3A_162 = arith.constant 1 : i32
        %sub3A_163 = arith.subi %select_n3A_140, %sub3A_162 : i32
        %select_n3A_164 = arith.select %eq3A_158, %sub3A_163, %select_n3A_140 : i32
        %eq3A_165 = arith.constant -1 : i32
        %eq3A_166 = arith.cmpi eq, %select_n3A_164, %eq3A_165 : i32
        %select_n3A_167 = arith.constant 3 : i32
        %select_n3A_168 = arith.select %eq3A_166, %select_n3A_167, %select_n3A_164 : i32
        %add3A_169 = arith.constant 0 : i32
        %add3A_170 = arith.addi %select_n3A_168, %add3A_169 : i32
        %add3A_171 = arith.addi %select_n3A_161, %select_n3A_14 : i32
        %add3A_172 = arith.constant 1 : i32
        %add3A_173 = arith.addi %select_n3A_133, %add3A_172 : i32
        %select_n3A_174 = arith.constant true
        %select_n3A_175 = arith.select %select_n3A_174, %add3A_173, %select_n3A_133 : i32
        %eq3A_176 = arith.cmpi eq, %select_n3A_175, %select_n3A : i32
        %select_n3A_177 = arith.constant 0 : i32
        %select_n3A_178 = arith.select %eq3A_176, %select_n3A_177, %select_n3A_175 : i32
        %add3A_179 = arith.constant 1 : i32
        %add3A_180 = arith.addi %select_n3A_140, %add3A_179 : i32
        %select_n3A_181 = arith.select %eq3A_176, %add3A_180, %select_n3A_140 : i32
        %eq3A_182 = arith.constant 4 : i32
        %eq3A_183 = arith.cmpi eq, %select_n3A_181, %eq3A_182 : i32
        %select_n3A_184 = arith.constant 0 : i32
        %select_n3A_185 = arith.select %eq3A_183, %select_n3A_184, %select_n3A_181 : i32
        %add3A_186 = arith.constant 0 : i32
        %add3A_187 = arith.addi %select_n3A_185, %add3A_186 : i32
        %add3A_188 = arith.addi %select_n3A_178, %select_n3A_14 : i32
        %add3A_189 = arith.constant 1 : i32
        %add3A_190 = arith.addi %select_n3A_178, %add3A_189 : i32
        %select_n3A_191 = arith.constant true
        %select_n3A_192 = arith.select %select_n3A_191, %add3A_190, %select_n3A_178 : i32
        %eq3A_193 = arith.cmpi eq, %select_n3A_192, %select_n3A : i32
        %select_n3A_194 = arith.constant 0 : i32
        %select_n3A_195 = arith.select %eq3A_193, %select_n3A_194, %select_n3A_192 : i32
        %add3A_196 = arith.constant 1 : i32
        %add3A_197 = arith.addi %select_n3A_185, %add3A_196 : i32
        %select_n3A_198 = arith.select %eq3A_193, %add3A_197, %select_n3A_185 : i32
        %eq3A_199 = arith.constant 4 : i32
        %eq3A_200 = arith.cmpi eq, %select_n3A_198, %eq3A_199 : i32
        %select_n3A_201 = arith.constant 0 : i32
        %select_n3A_202 = arith.select %eq3A_200, %select_n3A_201, %select_n3A_198 : i32
        %add3A_203 = arith.constant 0 : i32
        %add3A_204 = arith.addi %select_n3A_202, %add3A_203 : i32
        %add3A_205 = arith.addi %select_n3A_195, %select_n3A_14 : i32
        %convert_element_type3A_206 = arith.extui %eq3A_149 : i1 to i32
        %cond3A_207 = arith.constant 0 : i32
        %cond3A_208 = arith.cmpi ne, %convert_element_type3A_206, %cond3A_207 : i32
        scf.if %cond3A_208 {
        } else {
        }
        %convert_element_type3A_209 = arith.extui %eq3A_149 : i1 to i32
        %cond3A_210 = arith.constant 0 : i32
        %cond3A_211 = arith.cmpi ne, %convert_element_type3A_209, %cond3A_210 : i32
        scf.if %cond3A_211 {
          "tpu.trace_start"() <{level = 10 : i32, message = "ep_finalize"}> : () -> ()
          %rem3A_212 = arith.constant 2 : i32
          %rem3A_213 = arith.remui %while3A_124#3, %rem3A_212 : i32
          %mul3A_214 = arith.constant 1 : i32
          %mul3A_215 = arith.muli %mul3A_214, %add3A_151 : i32
          %mul3A_216 = arith.constant 128 : i32
          %mul3A_217 = arith.muli %mul3A_216, %add3A_152 : i32
          %dma_wait3A = arith.constant 0 : i32
          %dma_wait3A_218 = arith.constant 0 : i32
          %dma_wait3A_219 = arith.constant 0 : i32
          %dma_wait3A_220 = tpu.memref_slice %run_scoped3A_18[%rem3A_213, %dma_wait3A, %dma_wait3A_218, %dma_wait3A_219] : memref<2x1x128x128xi32, #tpu.memory_space<vmem>> -> memref<1x1x128x128xi32, #tpu.memory_space<vmem>>
          %dma_wait3A_221 = tpu.memref_squeeze %dma_wait3A_220 : memref<1x1x128x128xi32, #tpu.memory_space<vmem>> -> memref<1x128x128xi32, #tpu.memory_space<vmem>>
          %dma_wait3A_222 = arith.constant 0 : i32
          %dma_wait3A_223 = tpu.memref_slice %arg4[%mul3A_215, %mul3A_217, %dma_wait3A_222] : memref<4x32000x128xi32, #tpu.memory_space<hbm>> -> memref<1x128x128xi32, #tpu.memory_space<hbm>>
          %dma_wait3A_224 = tpu.memref_slice %run_scoped3A_19[%rem3A_213] : memref<2x!tpu.dma_semaphore, #tpu.memory_space<semaphore_mem>> -> memref<1x!tpu.dma_semaphore, #tpu.memory_space<semaphore_mem>>
          %dma_wait3A_225 = tpu.memref_squeeze %dma_wait3A_224 : memref<1x!tpu.dma_semaphore, #tpu.memory_space<semaphore_mem>> -> memref<!tpu.dma_semaphore, #tpu.memory_space<semaphore_mem>>
          %dma_wait3A_226 = arith.constant 0 : i32
          %dma_wait3A_227 = tpu.memref_slice %arg4[%mul3A_215, %mul3A_217, %dma_wait3A_226] : memref<4x32000x128xi32, #tpu.memory_space<hbm>> -> memref<1x128x128xi32, #tpu.memory_space<hbm>>
          %dma_wait3A_228 = arith.constant 0 : i32
          %dma_wait3A_229 = arith.constant 0 : i32
          %dma_wait3A_230 = arith.constant 0 : i32
          %dma_wait3A_231 = tpu.memref_slice %run_scoped3A_18[%rem3A_213, %dma_wait3A_228, %dma_wait3A_229, %dma_wait3A_230] : memref<2x1x128x128xi32, #tpu.memory_space<vmem>> -> memref<1x1x128x128xi32, #tpu.memory_space<vmem>>
          %dma_wait3A_232 = tpu.memref_squeeze %dma_wait3A_231 : memref<1x1x128x128xi32, #tpu.memory_space<vmem>> -> memref<1x128x128xi32, #tpu.memory_space<vmem>>
          tpu.wait_dma2 semaphore(%dma_wait3A_225 : memref<!tpu.dma_semaphore, #tpu.memory_space<semaphore_mem>>) src(%dma_wait3A_232 : memref<1x128x128xi32, #tpu.memory_space<vmem>>) dst(%dma_wait3A_227 : memref<1x128x128xi32, #tpu.memory_space<hbm>>)
          "tpu.trace_stop"() : () -> ()
        } else {
        }
      } else {
      }
      tpu.yield
    }) : () -> ()
    return
  }
}

#map = affine_map<(d0, d1) -> (0, 0)>
#map1 = affine_map<(d0, d1) -> (0, 0, 0)>
module attributes {stable_mosaic.version = 14 : i64} {
  func.func @k(%arg0: i32, %arg1: i32, %arg2: memref<174080x128xi32, #tpu.memory_space<hbm>>, %arg3: memref<3072x1x128xi32, #tpu.memory_space<hbm>>, %arg4: memref<4x32000x128xi32, #tpu.memory_space<hbm>>) attributes {dimension_semantics = [#tpu.dimension_semantics<core_parallel>, #tpu.dimension_semantics<subcore_parallel>], iteration_bounds = array<i64: 2, 16>, scalar_prefetch = 0 : i64, scratch_operands = 0 : i64, tpu.core_type = #tpu.core_type<sc_vector_subcore>, window_params = [{transform_indices = #map}, {transform_indices = #map1}, {transform_indices = #map1}]} {
    %mul3A = arith.constant 1 : i32
    %mul3A_0 = arith.muli %arg1, %mul3A : i32
    %add3A = arith.constant 0 : i32
    %add3A_1 = arith.addi %add3A, %mul3A_0 : i32
    %mul3A_2 = arith.constant 16 : i32
    %mul3A_3 = arith.muli %arg0, %mul3A_2 : i32
    %add3A_4 = arith.addi %add3A_1, %mul3A_3 : i32
    %lt3A = arith.constant 26 : i32
    %lt3A_5 = arith.cmpi slt, %add3A_4, %lt3A : i32
    %jit3A = arith.constant 8 : i32
    %jit3A_6 = arith.constant 7 : i32
    %select_n3A = arith.select %lt3A_5, %jit3A, %jit3A_6 : i32
    %lt3A_7 = arith.constant 26 : i32
    %lt3A_8 = arith.cmpi slt, %add3A_4, %lt3A_7 : i32
    %mul3A_9 = arith.muli %add3A_4, %select_n3A : i32
    %mul3A_10 = arith.constant 7 : i32
    %mul3A_11 = arith.muli %add3A_4, %mul3A_10 : i32
    %add3A_12 = arith.constant 26 : i32
    %add3A_13 = arith.addi %mul3A_11, %add3A_12 : i32
    %select_n3A_14 = arith.select %lt3A_8, %mul3A_9, %add3A_13 : i32
    %mul3A_15 = arith.constant 4 : i32
    %mul3A_16 = arith.muli %mul3A_15, %select_n3A : i32
    "tpu.region"() ({
      %run_scoped3A = memref.alloca() : memref<2x1x1x128xi32, #tpu.memory_space<vmem>>
      %run_scoped3A_17 = tpu.sem_alloc : memref<2x!tpu.dma_semaphore, #tpu.memory_space<semaphore_mem>>
      %run_scoped3A_18 = memref.alloca() : memref<2x1x128x128xi32, #tpu.memory_space<vmem>>
      %run_scoped3A_19 = tpu.sem_alloc : memref<2x!tpu.dma_semaphore, #tpu.memory_space<semaphore_mem>>
      %gt3A = arith.constant 0 : i32
      %gt3A_20 = arith.cmpi sgt, %mul3A_16, %gt3A : i32
      %convert_element_type3A = arith.extui %gt3A_20 : i1 to i32
      %cond3A = arith.constant 0 : i32
      %cond3A_21 = arith.cmpi ne, %convert_element_type3A, %cond3A : i32
      scf.if %cond3A_21 {
        %mul3A_22 = arith.constant 4 : i32
        %mul3A_23 = arith.muli %mul3A_22, %select_n3A : i32
        %sub3A = arith.constant 1 : i32
        %sub3A_24 = arith.subi %mul3A_23, %sub3A : i32
        %eq3A = arith.constant 0 : i32
        %eq3A_25 = arith.cmpi eq, %sub3A_24, %eq3A : i32
        %add3A_26 = arith.constant 0 : i32
        %add3A_27 = arith.addi %add3A_26, %select_n3A_14 : i32
        %select_n3A_28 = arith.constant true
        %select_n3A_29 = arith.constant 0 : i32
        %select_n3A_30 = arith.constant -1 : i32
        %select_n3A_31 = arith.select %select_n3A_28, %select_n3A_30, %select_n3A_29 : i32
        %eq3A_32 = arith.constant -1 : i32
        %eq3A_33 = arith.cmpi eq, %select_n3A_31, %eq3A_32 : i32
        %sub3A_34 = arith.constant 1 : i32
        %sub3A_35 = arith.subi %select_n3A, %sub3A_34 : i32
        %select_n3A_36 = arith.select %eq3A_33, %sub3A_35, %select_n3A_31 : i32
        %select_n3A_37 = arith.constant 0 : i32
        %select_n3A_38 = arith.constant -1 : i32
        %select_n3A_39 = arith.select %eq3A_33, %select_n3A_38, %select_n3A_37 : i32
        %eq3A_40 = arith.constant -1 : i32
        %eq3A_41 = arith.cmpi eq, %select_n3A_39, %eq3A_40 : i32
        %select_n3A_42 = arith.constant 3 : i32
        %select_n3A_43 = arith.select %eq3A_41, %select_n3A_42, %select_n3A_39 : i32
        %add3A_44 = arith.constant 0 : i32
        %add3A_45 = arith.addi %select_n3A_43, %add3A_44 : i32
        %add3A_46 = arith.addi %select_n3A_36, %select_n3A_14 : i32
        %select_n3A_47 = arith.constant true
        %select_n3A_48 = arith.constant 0 : i32
        %select_n3A_49 = arith.constant 1 : i32
        %select_n3A_50 = arith.select %select_n3A_47, %select_n3A_49, %select_n3A_48 : i32
        %eq3A_51 = arith.cmpi eq, %select_n3A_50, %select_n3A : i32
        %select_n3A_52 = arith.constant 0 : i32
        %select_n3A_53 = arith.select %eq3A_51, %select_n3A_52, %select_n3A_50 : i32
        %select_n3A_54 = arith.constant 0 : i32
        %select_n3A_55 = arith.constant 1 : i32
        %select_n3A_56 = arith.select %eq3A_51, %select_n3A_55, %select_n3A_54 : i32
        %eq3A_57 = arith.constant 4 : i32
        %eq3A_58 = arith.cmpi eq, %select_n3A_56, %eq3A_57 : i32
        %select_n3A_59 = arith.constant 0 : i32
        %select_n3A_60 = arith.select %eq3A_58, %select_n3A_59, %select_n3A_56 : i32
        %add3A_61 = arith.constant 0 : i32
        %add3A_62 = arith.addi %select_n3A_60, %add3A_61 : i32
        %add3A_63 = arith.addi %select_n3A_53, %select_n3A_14 : i32
        %add3A_64 = arith.constant 1 : i32
        %add3A_65 = arith.addi %select_n3A_53, %add3A_64 : i32
        %select_n3A_66 = arith.constant true
        %select_n3A_67 = arith.select %select_n3A_66, %add3A_65, %select_n3A_53 : i32
        %eq3A_68 = arith.cmpi eq, %select_n3A_67, %select_n3A : i32
        %select_n3A_69 = arith.constant 0 : i32
        %select_n3A_70 = arith.select %eq3A_68, %select_n3A_69, %select_n3A_67 : i32
        %add3A_71 = arith.constant 1 : i32
        %add3A_72 = arith.addi %select_n3A_60, %add3A_71 : i32
        %select_n3A_73 = arith.select %eq3A_68, %add3A_72, %select_n3A_60 : i32
        %eq3A_74 = arith.constant 4 : i32
        %eq3A_75 = arith.cmpi eq, %select_n3A_73, %eq3A_74 : i32
        %select_n3A_76 = arith.constant 0 : i32
        %select_n3A_77 = arith.select %eq3A_75, %select_n3A_76, %select_n3A_73 : i32
        %add3A_78 = arith.constant 0 : i32
        %add3A_79 = arith.addi %select_n3A_77, %add3A_78 : i32
        %add3A_80 = arith.addi %select_n3A_70, %select_n3A_14 : i32
        "tpu.trace_start"() <{level = 10 : i32, message = "ep_initialize_0"}> : () -> ()
        %rem3A = arith.constant 0 : i32
        %rem3A_81 = arith.constant 2 : i32
        %rem3A_82 = arith.remui %rem3A, %rem3A_81 : i32
        %add3A_83 = arith.constant 500 : i32
        %add3A_84 = arith.addi %add3A_83, %add3A_27 : i32
        %mul3A_85 = arith.constant 1 : i32
        %mul3A_86 = arith.muli %mul3A_85, %add3A_84 : i32
        %dma_start3A = arith.constant 0 : i32
        %dma_start3A_87 = arith.constant 0 : i32
        %dma_start3A_88 = arith.constant 0 : i32
        %dma_start3A_89 = tpu.memref_slice %run_scoped3A[%rem3A_82, %dma_start3A, %dma_start3A_87, %dma_start3A_88] : memref<2x1x1x128xi32, #tpu.memory_space<vmem>> -> memref<1x1x1x128xi32, #tpu.memory_space<vmem>>
        %dma_start3A_90 = tpu.memref_squeeze %dma_start3A_89 : memref<1x1x1x128xi32, #tpu.memory_space<vmem>> -> memref<1x1x128xi32, #tpu.memory_space<vmem>>
        %dma_start3A_91 = arith.constant 0 : i32
        %dma_start3A_92 = arith.constant 0 : i32
        %dma_start3A_93 = tpu.memref_slice %arg3[%mul3A_86, %dma_start3A_91, %dma_start3A_92] : memref<3072x1x128xi32, #tpu.memory_space<hbm>> -> memref<1x1x128xi32, #tpu.memory_space<hbm>>
        %dma_start3A_94 = tpu.memref_slice %run_scoped3A_17[%rem3A_82] : memref<2x!tpu.dma_semaphore, #tpu.memory_space<semaphore_mem>> -> memref<1x!tpu.dma_semaphore, #tpu.memory_space<semaphore_mem>>
        %dma_start3A_95 = tpu.memref_squeeze %dma_start3A_94 : memref<1x!tpu.dma_semaphore, #tpu.memory_space<semaphore_mem>> -> memref<!tpu.dma_semaphore, #tpu.memory_space<semaphore_mem>>
        %dma_start3A_96 = arith.constant 0 : i32
        %dma_start3A_97 = arith.constant 0 : i32
        %dma_start3A_98 = arith.constant 0 : i32
        %dma_start3A_99 = tpu.memref_slice %run_scoped3A[%rem3A_82, %dma_start3A_96, %dma_start3A_97, %dma_start3A_98] : memref<2x1x1x128xi32, #tpu.memory_space<vmem>> -> memref<1x1x1x128xi32, #tpu.memory_space<vmem>>
        %dma_start3A_100 = tpu.memref_squeeze %dma_start3A_99 : memref<1x1x1x128xi32, #tpu.memory_space<vmem>> -> memref<1x1x128xi32, #tpu.memory_space<vmem>>
        %dma_start3A_101 = arith.constant 0 : i32
        %dma_start3A_102 = arith.constant 0 : i32
        %dma_start3A_103 = tpu.memref_slice %arg3[%mul3A_86, %dma_start3A_101, %dma_start3A_102] : memref<3072x1x128xi32, #tpu.memory_space<hbm>> -> memref<1x1x128xi32, #tpu.memory_space<hbm>>
        tpu.enqueue_dma source(%dma_start3A_103 : memref<1x1x128xi32, #tpu.memory_space<hbm>>) target(%dma_start3A_100 : memref<1x1x128xi32, #tpu.memory_space<vmem>>) target_semaphore(%dma_start3A_95 : memref<!tpu.dma_semaphore, #tpu.memory_space<semaphore_mem>>)
        %add3A_104 = arith.constant 0 : i32
        %add3A_105 = arith.constant 1 : i32
        %add3A_106 = arith.addi %add3A_104, %add3A_105 : i32
        %select_n3A_107 = arith.constant true
        %select_n3A_108 = arith.constant 0 : i32
        %select_n3A_109 = arith.select %select_n3A_107, %add3A_106, %select_n3A_108 : i32
        %while3A = arith.constant 0 : i32
        %while3A_110 = arith.constant 0 : i32
        %while3A_111 = arith.constant 0 : i32
        %while3A_112 = arith.constant 0 : i32
        %while3A_113 = arith.constant 0 : i32
        %while3A_114 = arith.constant 0 : i32
        "tpu.trace_stop"() : () -> ()
        %while3A_115 = arith.subi %mul3A_16, %while3A : i32
        %while3A_116 = arith.addi %while3A, %while3A_115 : i32
        %while3A_117 = arith.constant 1 : i32
        %while3A_118 = arith.divsi %while3A_115, %while3A_117 : i32
        %while3A_119 = arith.muli %while3A_118, %while3A_117 : i32
        %while3A_120 = arith.addi %while3A, %while3A_119 : i32
        %while3A_121 = arith.constant 1 : i32
        %while3A_122:6 = scf.for %while3A_212 = %while3A to %while3A_120 step %while3A_121 iter_args(%while3A_213 = %select_n3A_109, %while3A_214 = %while3A_110, %while3A_215 = %while3A_111, %while3A_216 = %while3A_112, %while3A_217 = %while3A_113, %while3A_218 = %while3A_114) -> (i32, i32, i32, i32, i32, i32)  : i32 {
          %mul3A_219 = arith.constant 4 : i32
          %mul3A_220 = arith.muli %mul3A_219, %select_n3A : i32
          %eq3A_221 = arith.constant 0 : i32
          %eq3A_222 = arith.cmpi eq, %while3A_212, %eq3A_221 : i32
          %sub3A_223 = arith.constant 1 : i32
          %sub3A_224 = arith.subi %mul3A_220, %sub3A_223 : i32
          %eq3A_225 = arith.cmpi eq, %while3A_212, %sub3A_224 : i32
          %add3A_226 = arith.constant 0 : i32
          %add3A_227 = arith.addi %while3A_217, %add3A_226 : i32
          %add3A_228 = arith.addi %while3A_218, %select_n3A_14 : i32
          %sub3A_229 = arith.constant 1 : i32
          %sub3A_230 = arith.subi %while3A_218, %sub3A_229 : i32
          %select_n3A_231 = arith.constant true
          %select_n3A_232 = arith.select %select_n3A_231, %sub3A_230, %while3A_218 : i32
          %eq3A_233 = arith.constant -1 : i32
          %eq3A_234 = arith.cmpi eq, %select_n3A_232, %eq3A_233 : i32
          %sub3A_235 = arith.constant 1 : i32
          %sub3A_236 = arith.subi %select_n3A, %sub3A_235 : i32
          %select_n3A_237 = arith.select %eq3A_234, %sub3A_236, %select_n3A_232 : i32
          %sub3A_238 = arith.constant 1 : i32
          %sub3A_239 = arith.subi %while3A_217, %sub3A_238 : i32
          %select_n3A_240 = arith.select %eq3A_234, %sub3A_239, %while3A_217 : i32
          %eq3A_241 = arith.constant -1 : i32
          %eq3A_242 = arith.cmpi eq, %select_n3A_240, %eq3A_241 : i32
          %select_n3A_243 = arith.constant 3 : i32
          %select_n3A_244 = arith.select %eq3A_242, %select_n3A_243, %select_n3A_240 : i32
          %add3A_245 = arith.constant 0 : i32
          %add3A_246 = arith.addi %select_n3A_244, %add3A_245 : i32
          %add3A_247 = arith.addi %select_n3A_237, %select_n3A_14 : i32
          %add3A_248 = arith.constant 1 : i32
          %add3A_249 = arith.addi %while3A_218, %add3A_248 : i32
          %select_n3A_250 = arith.constant true
          %select_n3A_251 = arith.select %select_n3A_250, %add3A_249, %while3A_218 : i32
          %eq3A_252 = arith.cmpi eq, %select_n3A_251, %select_n3A : i32
          %select_n3A_253 = arith.constant 0 : i32
          %select_n3A_254 = arith.select %eq3A_252, %select_n3A_253, %select_n3A_251 : i32
          %add3A_255 = arith.constant 1 : i32
          %add3A_256 = arith.addi %while3A_217, %add3A_255 : i32
          %select_n3A_257 = arith.select %eq3A_252, %add3A_256, %while3A_217 : i32
          %eq3A_258 = arith.constant 4 : i32
          %eq3A_259 = arith.cmpi eq, %select_n3A_257, %eq3A_258 : i32
          %select_n3A_260 = arith.constant 0 : i32
          %select_n3A_261 = arith.select %eq3A_259, %select_n3A_260, %select_n3A_257 : i32
          %add3A_262 = arith.constant 0 : i32
          %add3A_263 = arith.addi %select_n3A_261, %add3A_262 : i32
          %add3A_264 = arith.addi %select_n3A_254, %select_n3A_14 : i32
          %add3A_265 = arith.constant 1 : i32
          %add3A_266 = arith.addi %select_n3A_254, %add3A_265 : i32
          %select_n3A_267 = arith.constant true
          %select_n3A_268 = arith.select %select_n3A_267, %add3A_266, %select_n3A_254 : i32
          %eq3A_269 = arith.cmpi eq, %select_n3A_268, %select_n3A : i32
          %select_n3A_270 = arith.constant 0 : i32
          %select_n3A_271 = arith.select %eq3A_269, %select_n3A_270, %select_n3A_268 : i32
          %add3A_272 = arith.constant 1 : i32
          %add3A_273 = arith.addi %select_n3A_261, %add3A_272 : i32
          %select_n3A_274 = arith.select %eq3A_269, %add3A_273, %select_n3A_261 : i32
          %eq3A_275 = arith.constant 4 : i32
          %eq3A_276 = arith.cmpi eq, %select_n3A_274, %eq3A_275 : i32
          %select_n3A_277 = arith.constant 0 : i32
          %select_n3A_278 = arith.select %eq3A_276, %select_n3A_277, %select_n3A_274 : i32
          %add3A_279 = arith.constant 0 : i32
          %add3A_280 = arith.addi %select_n3A_278, %add3A_279 : i32
          %add3A_281 = arith.addi %select_n3A_271, %select_n3A_14 : i32
          %mul3A_282 = arith.constant 768 : i32
          %mul3A_283 = arith.muli %add3A_227, %mul3A_282 : i32
          %add3A_284 = arith.constant 500 : i32
          %add3A_285 = arith.addi %mul3A_283, %add3A_284 : i32
          %add3A_286 = arith.addi %add3A_285, %add3A_228 : i32
          %mul3A_287 = arith.constant 768 : i32
          %mul3A_288 = arith.muli %add3A_263, %mul3A_287 : i32
          %add3A_289 = arith.constant 500 : i32
          %add3A_290 = arith.addi %mul3A_288, %add3A_289 : i32
          %add3A_291 = arith.addi %add3A_290, %add3A_264 : i32
          %ne3A = arith.cmpi ne, %add3A_286, %add3A_291 : i32
          %or3A = arith.constant false
          %or3A_292 = arith.ori %or3A, %ne3A : i1
          %or3A_293 = arith.constant false
          %or3A_294 = arith.ori %or3A_292, %or3A_293 : i1
          %or3A_295 = arith.constant false
          %or3A_296 = arith.ori %or3A_294, %or3A_295 : i1
          %sub3A_297 = arith.constant 2 : i32
          %sub3A_298 = arith.subi %mul3A_220, %sub3A_297 : i32
          %add3A_299 = arith.constant 1 : i32
          %add3A_300 = arith.addi %sub3A_298, %add3A_299 : i32
          %ge3A = arith.cmpi sge, %while3A_212, %add3A_300 : i32
          %not3A = arith.constant true
          %not3A_301 = arith.xori %ge3A, %not3A : i1
          %and3A = arith.andi %or3A_296, %not3A_301 : i1
          %convert_element_type3A_302 = arith.extui %and3A : i1 to i32
          %cond3A_303 = arith.constant 0 : i32
          %cond3A_304 = arith.cmpi ne, %convert_element_type3A_302, %cond3A_303 : i32
          scf.if %cond3A_304 {
            "tpu.trace_start"() <{level = 10 : i32, message = "ep_copy_in"}> : () -> ()
            %rem3A_481 = arith.constant 2 : i32
            %rem3A_482 = arith.remui %while3A_213, %rem3A_481 : i32
            %mul3A_483 = arith.constant 768 : i32
            %mul3A_484 = arith.muli %add3A_263, %mul3A_483 : i32
            %add3A_485 = arith.constant 500 : i32
            %add3A_486 = arith.addi %mul3A_484, %add3A_485 : i32
            %add3A_487 = arith.addi %add3A_486, %add3A_264 : i32
            %mul3A_488 = arith.constant 1 : i32
            %mul3A_489 = arith.muli %mul3A_488, %add3A_487 : i32
            %dma_start3A_490 = arith.constant 0 : i32
            %dma_start3A_491 = arith.constant 0 : i32
            %dma_start3A_492 = arith.constant 0 : i32
            %dma_start3A_493 = tpu.memref_slice %run_scoped3A[%rem3A_482, %dma_start3A_490, %dma_start3A_491, %dma_start3A_492] : memref<2x1x1x128xi32, #tpu.memory_space<vmem>> -> memref<1x1x1x128xi32, #tpu.memory_space<vmem>>
            %dma_start3A_494 = tpu.memref_squeeze %dma_start3A_493 : memref<1x1x1x128xi32, #tpu.memory_space<vmem>> -> memref<1x1x128xi32, #tpu.memory_space<vmem>>
            %dma_start3A_495 = arith.constant 0 : i32
            %dma_start3A_496 = arith.constant 0 : i32
            %dma_start3A_497 = tpu.memref_slice %arg3[%mul3A_489, %dma_start3A_495, %dma_start3A_496] : memref<3072x1x128xi32, #tpu.memory_space<hbm>> -> memref<1x1x128xi32, #tpu.memory_space<hbm>>
            %dma_start3A_498 = tpu.memref_slice %run_scoped3A_17[%rem3A_482] : memref<2x!tpu.dma_semaphore, #tpu.memory_space<semaphore_mem>> -> memref<1x!tpu.dma_semaphore, #tpu.memory_space<semaphore_mem>>
            %dma_start3A_499 = tpu.memref_squeeze %dma_start3A_498 : memref<1x!tpu.dma_semaphore, #tpu.memory_space<semaphore_mem>> -> memref<!tpu.dma_semaphore, #tpu.memory_space<semaphore_mem>>
            %dma_start3A_500 = arith.constant 0 : i32
            %dma_start3A_501 = arith.constant 0 : i32
            %dma_start3A_502 = arith.constant 0 : i32
            %dma_start3A_503 = tpu.memref_slice %run_scoped3A[%rem3A_482, %dma_start3A_500, %dma_start3A_501, %dma_start3A_502] : memref<2x1x1x128xi32, #tpu.memory_space<vmem>> -> memref<1x1x1x128xi32, #tpu.memory_space<vmem>>
            %dma_start3A_504 = tpu.memref_squeeze %dma_start3A_503 : memref<1x1x1x128xi32, #tpu.memory_space<vmem>> -> memref<1x1x128xi32, #tpu.memory_space<vmem>>
            %dma_start3A_505 = arith.constant 0 : i32
            %dma_start3A_506 = arith.constant 0 : i32
            %dma_start3A_507 = tpu.memref_slice %arg3[%mul3A_489, %dma_start3A_505, %dma_start3A_506] : memref<3072x1x128xi32, #tpu.memory_space<hbm>> -> memref<1x1x128xi32, #tpu.memory_space<hbm>>
            tpu.enqueue_dma source(%dma_start3A_507 : memref<1x1x128xi32, #tpu.memory_space<hbm>>) target(%dma_start3A_504 : memref<1x1x128xi32, #tpu.memory_space<vmem>>) target_semaphore(%dma_start3A_499 : memref<!tpu.dma_semaphore, #tpu.memory_space<semaphore_mem>>)
            "tpu.trace_stop"() : () -> ()
          } else {
          }
          %and3A_305 = arith.constant true
          %and3A_306 = arith.andi %and3A, %and3A_305 : i1
          %add3A_307 = arith.constant 1 : i32
          %add3A_308 = arith.addi %while3A_213, %add3A_307 : i32
          %select_n3A_309 = arith.select %and3A_306, %add3A_308, %while3A_213 : i32
          %ne3A_310 = arith.cmpi ne, %add3A_227, %add3A_263 : i32
          %ne3A_311 = arith.cmpi ne, %add3A_228, %add3A_264 : i32
          %or3A_312 = arith.constant false
          %or3A_313 = arith.ori %or3A_312, %ne3A_310 : i1
          %or3A_314 = arith.ori %or3A_313, %ne3A_311 : i1
          %or3A_315 = arith.constant false
          %or3A_316 = arith.ori %or3A_314, %or3A_315 : i1
          %sub3A_317 = arith.constant 2 : i32
          %sub3A_318 = arith.subi %mul3A_220, %sub3A_317 : i32
          %add3A_319 = arith.constant 1 : i32
          %add3A_320 = arith.addi %sub3A_318, %add3A_319 : i32
          %ge3A_321 = arith.cmpi sge, %while3A_212, %add3A_320 : i32
          %not3A_322 = arith.constant true
          %not3A_323 = arith.xori %ge3A_321, %not3A_322 : i1
          %and3A_324 = arith.andi %or3A_316, %not3A_323 : i1
          %mul3A_325 = arith.constant 768 : i32
          %mul3A_326 = arith.muli %add3A_227, %mul3A_325 : i32
          %add3A_327 = arith.constant 500 : i32
          %add3A_328 = arith.addi %mul3A_326, %add3A_327 : i32
          %add3A_329 = arith.addi %add3A_328, %add3A_228 : i32
          %mul3A_330 = arith.constant 768 : i32
          %mul3A_331 = arith.muli %add3A_246, %mul3A_330 : i32
          %add3A_332 = arith.constant 500 : i32
          %add3A_333 = arith.addi %mul3A_331, %add3A_332 : i32
          %add3A_334 = arith.addi %add3A_333, %add3A_247 : i32
          %ne3A_335 = arith.cmpi ne, %add3A_329, %add3A_334 : i32
          %or3A_336 = arith.constant false
          %or3A_337 = arith.ori %or3A_336, %ne3A_335 : i1
          %or3A_338 = arith.constant false
          %or3A_339 = arith.ori %or3A_337, %or3A_338 : i1
          %or3A_340 = arith.constant false
          %or3A_341 = arith.ori %or3A_339, %or3A_340 : i1
          %or3A_342 = arith.ori %or3A_341, %eq3A_222 : i1
          %convert_element_type3A_343 = arith.extui %or3A_342 : i1 to i32
          %cond3A_344 = arith.constant 0 : i32
          %cond3A_345 = arith.cmpi ne, %convert_element_type3A_343, %cond3A_344 : i32
          scf.if %cond3A_345 {
            "tpu.trace_start"() <{level = 10 : i32, message = "ep_wait_in"}> : () -> ()
            %mul3A_481 = arith.constant 768 : i32
            %mul3A_482 = arith.muli %add3A_227, %mul3A_481 : i32
            %add3A_483 = arith.constant 500 : i32
            %add3A_484 = arith.addi %mul3A_482, %add3A_483 : i32
            %add3A_485 = arith.addi %add3A_484, %add3A_228 : i32
            %mul3A_486 = arith.constant 1 : i32
            %mul3A_487 = arith.muli %mul3A_486, %add3A_485 : i32
            %rem3A_488 = arith.constant 2 : i32
            %rem3A_489 = arith.remui %while3A_214, %rem3A_488 : i32
            %dma_wait3A = arith.constant 0 : i32
            %dma_wait3A_490 = arith.constant 0 : i32
            %dma_wait3A_491 = arith.constant 0 : i32
            %dma_wait3A_492 = tpu.memref_slice %run_scoped3A[%rem3A_489, %dma_wait3A, %dma_wait3A_490, %dma_wait3A_491] : memref<2x1x1x128xi32, #tpu.memory_space<vmem>> -> memref<1x1x1x128xi32, #tpu.memory_space<vmem>>
            %dma_wait3A_493 = tpu.memref_squeeze %dma_wait3A_492 : memref<1x1x1x128xi32, #tpu.memory_space<vmem>> -> memref<1x1x128xi32, #tpu.memory_space<vmem>>
            %dma_wait3A_494 = arith.constant 0 : i32
            %dma_wait3A_495 = arith.constant 0 : i32
            %dma_wait3A_496 = tpu.memref_slice %arg3[%mul3A_487, %dma_wait3A_494, %dma_wait3A_495] : memref<3072x1x128xi32, #tpu.memory_space<hbm>> -> memref<1x1x128xi32, #tpu.memory_space<hbm>>
            %dma_wait3A_497 = tpu.memref_slice %run_scoped3A_17[%rem3A_489] : memref<2x!tpu.dma_semaphore, #tpu.memory_space<semaphore_mem>> -> memref<1x!tpu.dma_semaphore, #tpu.memory_space<semaphore_mem>>
            %dma_wait3A_498 = tpu.memref_squeeze %dma_wait3A_497 : memref<1x!tpu.dma_semaphore, #tpu.memory_space<semaphore_mem>> -> memref<!tpu.dma_semaphore, #tpu.memory_space<semaphore_mem>>
            %dma_wait3A_499 = arith.constant 0 : i32
            %dma_wait3A_500 = arith.constant 0 : i32
            %dma_wait3A_501 = arith.constant 0 : i32
            %dma_wait3A_502 = tpu.memref_slice %run_scoped3A[%rem3A_489, %dma_wait3A_499, %dma_wait3A_500, %dma_wait3A_501] : memref<2x1x1x128xi32, #tpu.memory_space<vmem>> -> memref<1x1x1x128xi32, #tpu.memory_space<vmem>>
            %dma_wait3A_503 = tpu.memref_squeeze %dma_wait3A_502 : memref<1x1x1x128xi32, #tpu.memory_space<vmem>> -> memref<1x1x128xi32, #tpu.memory_space<vmem>>
            %dma_wait3A_504 = arith.constant 0 : i32
            %dma_wait3A_505 = arith.constant 0 : i32
            %dma_wait3A_506 = tpu.memref_slice %arg3[%mul3A_487, %dma_wait3A_504, %dma_wait3A_505] : memref<3072x1x128xi32, #tpu.memory_space<hbm>> -> memref<1x1x128xi32, #tpu.memory_space<hbm>>
            tpu.wait_dma2 semaphore(%dma_wait3A_498 : memref<!tpu.dma_semaphore, #tpu.memory_space<semaphore_mem>>) src(%dma_wait3A_506 : memref<1x1x128xi32, #tpu.memory_space<hbm>>) dst(%dma_wait3A_503 : memref<1x1x128xi32, #tpu.memory_space<vmem>>)
            "tpu.trace_stop"() : () -> ()
          } else {
          }
          %ne3A_346 = arith.cmpi ne, %add3A_227, %add3A_246 : i32
          %ne3A_347 = arith.cmpi ne, %add3A_228, %add3A_247 : i32
          %or3A_348 = arith.constant false
          %or3A_349 = arith.ori %or3A_348, %ne3A_346 : i1
          %or3A_350 = arith.ori %or3A_349, %ne3A_347 : i1
          %or3A_351 = arith.constant false
          %or3A_352 = arith.ori %or3A_350, %or3A_351 : i1
          %or3A_353 = arith.ori %or3A_352, %eq3A_222 : i1
          %convert_element_type3A_354 = arith.extui %or3A_353 : i1 to i32
          %cond3A_355 = arith.constant 0 : i32
          %cond3A_356 = arith.cmpi ne, %convert_element_type3A_354, %cond3A_355 : i32
          scf.if %cond3A_356 {
          } else {
          }
          %rem3A_357 = arith.constant 2 : i32
          %rem3A_358 = arith.remui %while3A_214, %rem3A_357 : i32
          %rem3A_359 = arith.constant 2 : i32
          %rem3A_360 = arith.remui %while3A_215, %rem3A_359 : i32
          %run_scoped3A_361 = arith.constant 0 : i32
          %run_scoped3A_362 = arith.constant 0 : i32
          %run_scoped3A_363 = arith.constant 0 : i32
          "tpu.trace_start"() <{level = 10 : i32, message = "ep_run_kernel"}> : () -> ()
          "tpu.region"() ({
            %run_scoped3A_481 = tpu.sem_alloc : memref<!tpu.dma_semaphore, #tpu.memory_space<semaphore_mem>>
            %dma_start3A_482 = arith.constant 0 : i32
            %dma_start3A_483 = arith.constant 0 : i32
            %dma_start3A_484 = arith.constant 0 : i32
            %dma_start3A_485 = tpu.memref_slice %run_scoped3A_18[%rem3A_360, %dma_start3A_482, %dma_start3A_483, %dma_start3A_484] : memref<2x1x128x128xi32, #tpu.memory_space<vmem>> -> memref<1x1x128x128xi32, #tpu.memory_space<vmem>>
            %dma_start3A_486 = tpu.memref_squeeze %dma_start3A_485 : memref<1x1x128x128xi32, #tpu.memory_space<vmem>> -> memref<1x128x128xi32, #tpu.memory_space<vmem>>
            %dma_start3A_487 = arith.constant 0 : i32
            %dma_start3A_488 = arith.constant 0 : i32
            %dma_start3A_489 = tpu.memref_slice %dma_start3A_486[%run_scoped3A_363, %dma_start3A_487, %dma_start3A_488] : memref<1x128x128xi32, #tpu.memory_space<vmem>> -> memref<1x128x128xi32, #tpu.memory_space<vmem>>
            %dma_start3A_490 = tpu.memref_squeeze %dma_start3A_489 : memref<1x128x128xi32, #tpu.memory_space<vmem>> -> memref<128x128xi32, #tpu.memory_space<vmem>>
            %dma_start3A_491 = arith.constant 0 : i32
            %dma_start3A_492 = arith.constant 0 : i32
            %dma_start3A_493 = arith.constant 0 : i32
            %dma_start3A_494 = tpu.memref_slice %run_scoped3A[%rem3A_358, %dma_start3A_491, %dma_start3A_492, %dma_start3A_493] : memref<2x1x1x128xi32, #tpu.memory_space<vmem>> -> memref<1x1x1x128xi32, #tpu.memory_space<vmem>>
            %dma_start3A_495 = tpu.memref_squeeze %dma_start3A_494 : memref<1x1x1x128xi32, #tpu.memory_space<vmem>> -> memref<1x1x128xi32, #tpu.memory_space<vmem>>
            %dma_start3A_496 = arith.constant 0 : i32
            %dma_start3A_497 = tpu.memref_slice %dma_start3A_495[%run_scoped3A_361, %run_scoped3A_362, %dma_start3A_496] : memref<1x1x128xi32, #tpu.memory_space<vmem>> -> memref<1x1x128xi32, #tpu.memory_space<vmem>>
            %dma_start3A_498 = tpu.memref_squeeze %dma_start3A_497 : memref<1x1x128xi32, #tpu.memory_space<vmem>> -> memref<128xi32, #tpu.memory_space<vmem>>
            %dma_start3A_499 = arith.constant 0 : i32
            %dma_start3A_500 = arith.constant 0 : i32
            %dma_start3A_501 = tpu.memref_slice %arg2[%dma_start3A_499, %dma_start3A_500] : memref<174080x128xi32, #tpu.memory_space<hbm>> -> memref<174080x128xi32, #tpu.memory_space<hbm>>
            tpu.enqueue_indirect_dma source(%dma_start3A_501 : memref<174080x128xi32, #tpu.memory_space<hbm>>) target(%dma_start3A_490 : memref<128x128xi32, #tpu.memory_space<vmem>>) offsets(%dma_start3A_498 : memref<128xi32, #tpu.memory_space<vmem>>) semaphore(%run_scoped3A_481 : memref<!tpu.dma_semaphore, #tpu.memory_space<semaphore_mem>>)
            %dma_wait3A = arith.constant 0 : i32
            %dma_wait3A_502 = arith.constant 0 : i32
            %dma_wait3A_503 = arith.constant 0 : i32
            %dma_wait3A_504 = tpu.memref_slice %run_scoped3A_18[%rem3A_360, %dma_wait3A, %dma_wait3A_502, %dma_wait3A_503] : memref<2x1x128x128xi32, #tpu.memory_space<vmem>> -> memref<1x1x128x128xi32, #tpu.memory_space<vmem>>
            %dma_wait3A_505 = tpu.memref_squeeze %dma_wait3A_504 : memref<1x1x128x128xi32, #tpu.memory_space<vmem>> -> memref<1x128x128xi32, #tpu.memory_space<vmem>>
            %dma_wait3A_506 = arith.constant 0 : i32
            %dma_wait3A_507 = arith.constant 0 : i32
            %dma_wait3A_508 = tpu.memref_slice %dma_wait3A_505[%run_scoped3A_363, %dma_wait3A_506, %dma_wait3A_507] : memref<1x128x128xi32, #tpu.memory_space<vmem>> -> memref<1x128x128xi32, #tpu.memory_space<vmem>>
            %dma_wait3A_509 = tpu.memref_squeeze %dma_wait3A_508 : memref<1x128x128xi32, #tpu.memory_space<vmem>> -> memref<128x128xi32, #tpu.memory_space<vmem>>
            %dma_wait3A_510 = arith.constant 0 : i32
            %dma_wait3A_511 = arith.constant 0 : i32
            %dma_wait3A_512 = arith.constant 0 : i32
            %dma_wait3A_513 = tpu.memref_slice %run_scoped3A[%rem3A_358, %dma_wait3A_510, %dma_wait3A_511, %dma_wait3A_512] : memref<2x1x1x128xi32, #tpu.memory_space<vmem>> -> memref<1x1x1x128xi32, #tpu.memory_space<vmem>>
            %dma_wait3A_514 = tpu.memref_squeeze %dma_wait3A_513 : memref<1x1x1x128xi32, #tpu.memory_space<vmem>> -> memref<1x1x128xi32, #tpu.memory_space<vmem>>
            %dma_wait3A_515 = arith.constant 0 : i32
            %dma_wait3A_516 = tpu.memref_slice %dma_wait3A_514[%run_scoped3A_361, %run_scoped3A_362, %dma_wait3A_515] : memref<1x1x128xi32, #tpu.memory_space<vmem>> -> memref<1x1x128xi32, #tpu.memory_space<vmem>>
            %dma_wait3A_517 = tpu.memref_squeeze %dma_wait3A_516 : memref<1x1x128xi32, #tpu.memory_space<vmem>> -> memref<128xi32, #tpu.memory_space<vmem>>
            %dma_wait3A_518 = arith.constant 0 : i32
            %dma_wait3A_519 = arith.constant 0 : i32
            %dma_wait3A_520 = tpu.memref_slice %arg2[%dma_wait3A_518, %dma_wait3A_519] : memref<174080x128xi32, #tpu.memory_space<hbm>> -> memref<174080x128xi32, #tpu.memory_space<hbm>>
            tpu.wait_indirect_dma semaphore(%run_scoped3A_481 : memref<!tpu.dma_semaphore, #tpu.memory_space<semaphore_mem>>) src(%dma_wait3A_520 : memref<174080x128xi32, #tpu.memory_space<hbm>>) dst(%dma_wait3A_509 : memref<128x128xi32, #tpu.memory_space<vmem>>)
            tpu.yield
          }) : () -> ()
          "tpu.trace_stop"() : () -> ()
          %mul3A_364 = arith.constant 768 : i32
          %mul3A_365 = arith.muli %add3A_227, %mul3A_364 : i32
          %add3A_366 = arith.constant 500 : i32
          %add3A_367 = arith.addi %mul3A_365, %add3A_366 : i32
          %add3A_368 = arith.addi %add3A_367, %add3A_228 : i32
          %mul3A_369 = arith.constant 768 : i32
          %mul3A_370 = arith.muli %add3A_263, %mul3A_369 : i32
          %add3A_371 = arith.constant 500 : i32
          %add3A_372 = arith.addi %mul3A_370, %add3A_371 : i32
          %add3A_373 = arith.addi %add3A_372, %add3A_264 : i32
          %ne3A_374 = arith.cmpi ne, %add3A_368, %add3A_373 : i32
          %or3A_375 = arith.constant false
          %or3A_376 = arith.ori %or3A_375, %ne3A_374 : i1
          %or3A_377 = arith.constant false
          %or3A_378 = arith.ori %or3A_376, %or3A_377 : i1
          %or3A_379 = arith.constant false
          %or3A_380 = arith.ori %or3A_378, %or3A_379 : i1
          %or3A_381 = arith.ori %or3A_380, %eq3A_225 : i1
          %convert_element_type3A_382 = arith.extui %or3A_381 : i1 to i32
          %cond3A_383 = arith.constant 0 : i32
          %cond3A_384 = arith.cmpi ne, %convert_element_type3A_382, %cond3A_383 : i32
          scf.if %cond3A_384 {
          } else {
          }
          %and3A_385 = arith.constant false
          %and3A_386 = arith.andi %or3A_381, %and3A_385 : i1
          %ne3A_387 = arith.cmpi ne, %add3A_227, %add3A_263 : i32
          %ne3A_388 = arith.cmpi ne, %add3A_228, %add3A_264 : i32
          %or3A_389 = arith.constant false
          %or3A_390 = arith.ori %or3A_389, %ne3A_387 : i1
          %or3A_391 = arith.ori %or3A_390, %ne3A_388 : i1
          %or3A_392 = arith.constant false
          %or3A_393 = arith.ori %or3A_391, %or3A_392 : i1
          %or3A_394 = arith.ori %or3A_393, %eq3A_225 : i1
          %convert_element_type3A_395 = arith.extui %or3A_394 : i1 to i32
          %cond3A_396 = arith.constant 0 : i32
          %cond3A_397 = arith.cmpi ne, %convert_element_type3A_395, %cond3A_396 : i32
          scf.if %cond3A_397 {
            "tpu.trace_start"() <{level = 10 : i32, message = "ep_copy_out"}> : () -> ()
            %rem3A_481 = arith.constant 2 : i32
            %rem3A_482 = arith.remui %while3A_215, %rem3A_481 : i32
            %mul3A_483 = arith.constant 1 : i32
            %mul3A_484 = arith.muli %mul3A_483, %add3A_227 : i32
            %mul3A_485 = arith.constant 128 : i32
            %mul3A_486 = arith.muli %mul3A_485, %add3A_228 : i32
            %dma_start3A_487 = arith.constant 0 : i32
            %dma_start3A_488 = arith.constant 0 : i32
            %dma_start3A_489 = arith.constant 0 : i32
            %dma_start3A_490 = tpu.memref_slice %run_scoped3A_18[%rem3A_482, %dma_start3A_487, %dma_start3A_488, %dma_start3A_489] : memref<2x1x128x128xi32, #tpu.memory_space<vmem>> -> memref<1x1x128x128xi32, #tpu.memory_space<vmem>>
            %dma_start3A_491 = tpu.memref_squeeze %dma_start3A_490 : memref<1x1x128x128xi32, #tpu.memory_space<vmem>> -> memref<1x128x128xi32, #tpu.memory_space<vmem>>
            %dma_start3A_492 = arith.constant 0 : i32
            %dma_start3A_493 = tpu.memref_slice %arg4[%mul3A_484, %mul3A_486, %dma_start3A_492] : memref<4x32000x128xi32, #tpu.memory_space<hbm>> -> memref<1x128x128xi32, #tpu.memory_space<hbm>>
            %dma_start3A_494 = tpu.memref_slice %run_scoped3A_19[%rem3A_482] : memref<2x!tpu.dma_semaphore, #tpu.memory_space<semaphore_mem>> -> memref<1x!tpu.dma_semaphore, #tpu.memory_space<semaphore_mem>>
            %dma_start3A_495 = tpu.memref_squeeze %dma_start3A_494 : memref<1x!tpu.dma_semaphore, #tpu.memory_space<semaphore_mem>> -> memref<!tpu.dma_semaphore, #tpu.memory_space<semaphore_mem>>
            %dma_start3A_496 = arith.constant 0 : i32
            %dma_start3A_497 = tpu.memref_slice %arg4[%mul3A_484, %mul3A_486, %dma_start3A_496] : memref<4x32000x128xi32, #tpu.memory_space<hbm>> -> memref<1x128x128xi32, #tpu.memory_space<hbm>>
            %dma_start3A_498 = arith.constant 0 : i32
            %dma_start3A_499 = arith.constant 0 : i32
            %dma_start3A_500 = arith.constant 0 : i32
            %dma_start3A_501 = tpu.memref_slice %run_scoped3A_18[%rem3A_482, %dma_start3A_498, %dma_start3A_499, %dma_start3A_500] : memref<2x1x128x128xi32, #tpu.memory_space<vmem>> -> memref<1x1x128x128xi32, #tpu.memory_space<vmem>>
            %dma_start3A_502 = tpu.memref_squeeze %dma_start3A_501 : memref<1x1x128x128xi32, #tpu.memory_space<vmem>> -> memref<1x128x128xi32, #tpu.memory_space<vmem>>
            tpu.enqueue_dma source(%dma_start3A_502 : memref<1x128x128xi32, #tpu.memory_space<vmem>>) target(%dma_start3A_497 : memref<1x128x128xi32, #tpu.memory_space<hbm>>) target_semaphore(%dma_start3A_495 : memref<!tpu.dma_semaphore, #tpu.memory_space<semaphore_mem>>)
            "tpu.trace_stop"() : () -> ()
          } else {
          }
          %and3A_398 = arith.constant true
          %and3A_399 = arith.andi %or3A_394, %and3A_398 : i1
          %add3A_400 = arith.constant 1 : i32
          %add3A_401 = arith.addi %while3A_215, %add3A_400 : i32
          %select_n3A_402 = arith.select %and3A_399, %add3A_401, %while3A_215 : i32
          %mul3A_403 = arith.constant 768 : i32
          %mul3A_404 = arith.muli %add3A_227, %mul3A_403 : i32
          %add3A_405 = arith.constant 500 : i32
          %add3A_406 = arith.addi %mul3A_404, %add3A_405 : i32
          %add3A_407 = arith.addi %add3A_406, %add3A_228 : i32
          %mul3A_408 = arith.constant 768 : i32
          %mul3A_409 = arith.muli %add3A_246, %mul3A_408 : i32
          %add3A_410 = arith.constant 500 : i32
          %add3A_411 = arith.addi %mul3A_409, %add3A_410 : i32
          %add3A_412 = arith.addi %add3A_411, %add3A_247 : i32
          %ne3A_413 = arith.cmpi ne, %add3A_407, %add3A_412 : i32
          %or3A_414 = arith.constant false
          %or3A_415 = arith.ori %or3A_414, %ne3A_413 : i1
          %or3A_416 = arith.constant false
          %or3A_417 = arith.ori %or3A_415, %or3A_416 : i1
          %or3A_418 = arith.constant false
          %or3A_419 = arith.ori %or3A_417, %or3A_418 : i1
          %not3A_420 = arith.constant true
          %not3A_421 = arith.xori %eq3A_222, %not3A_420 : i1
          %and3A_422 = arith.andi %or3A_419, %not3A_421 : i1
          %convert_element_type3A_423 = arith.extui %and3A_422 : i1 to i32
          %cond3A_424 = arith.constant 0 : i32
          %cond3A_425 = arith.cmpi ne, %convert_element_type3A_423, %cond3A_424 : i32
          scf.if %cond3A_425 {
          } else {
          }
          %and3A_426 = arith.constant false
          %and3A_427 = arith.andi %and3A_422, %and3A_426 : i1
          %ne3A_428 = arith.cmpi ne, %add3A_227, %add3A_246 : i32
          %ne3A_429 = arith.cmpi ne, %add3A_228, %add3A_247 : i32
          %or3A_430 = arith.constant false
          %or3A_431 = arith.ori %or3A_430, %ne3A_428 : i1
          %or3A_432 = arith.ori %or3A_431, %ne3A_429 : i1
          %or3A_433 = arith.constant false
          %or3A_434 = arith.ori %or3A_432, %or3A_433 : i1
          %not3A_435 = arith.constant true
          %not3A_436 = arith.xori %eq3A_222, %not3A_435 : i1
          %and3A_437 = arith.andi %or3A_434, %not3A_436 : i1
          %convert_element_type3A_438 = arith.extui %and3A_437 : i1 to i32
          %cond3A_439 = arith.constant 0 : i32
          %cond3A_440 = arith.cmpi ne, %convert_element_type3A_438, %cond3A_439 : i32
          scf.if %cond3A_440 {
            "tpu.trace_start"() <{level = 10 : i32, message = "ep_wait_out"}> : () -> ()
            %rem3A_481 = arith.constant 2 : i32
            %rem3A_482 = arith.remui %while3A_216, %rem3A_481 : i32
            %mul3A_483 = arith.constant 1 : i32
            %mul3A_484 = arith.muli %mul3A_483, %add3A_246 : i32
            %mul3A_485 = arith.constant 128 : i32
            %mul3A_486 = arith.muli %mul3A_485, %add3A_247 : i32
            %dma_wait3A = arith.constant 0 : i32
            %dma_wait3A_487 = arith.constant 0 : i32
            %dma_wait3A_488 = arith.constant 0 : i32
            %dma_wait3A_489 = tpu.memref_slice %run_scoped3A_18[%rem3A_482, %dma_wait3A, %dma_wait3A_487, %dma_wait3A_488] : memref<2x1x128x128xi32, #tpu.memory_space<vmem>> -> memref<1x1x128x128xi32, #tpu.memory_space<vmem>>
            %dma_wait3A_490 = tpu.memref_squeeze %dma_wait3A_489 : memref<1x1x128x128xi32, #tpu.memory_space<vmem>> -> memref<1x128x128xi32, #tpu.memory_space<vmem>>
            %dma_wait3A_491 = arith.constant 0 : i32
            %dma_wait3A_492 = tpu.memref_slice %arg4[%mul3A_484, %mul3A_486, %dma_wait3A_491] : memref<4x32000x128xi32, #tpu.memory_space<hbm>> -> memref<1x128x128xi32, #tpu.memory_space<hbm>>
            %dma_wait3A_493 = tpu.memref_slice %run_scoped3A_19[%rem3A_482] : memref<2x!tpu.dma_semaphore, #tpu.memory_space<semaphore_mem>> -> memref<1x!tpu.dma_semaphore, #tpu.memory_space<semaphore_mem>>
            %dma_wait3A_494 = tpu.memref_squeeze %dma_wait3A_493 : memref<1x!tpu.dma_semaphore, #tpu.memory_space<semaphore_mem>> -> memref<!tpu.dma_semaphore, #tpu.memory_space<semaphore_mem>>
            %dma_wait3A_495 = arith.constant 0 : i32
            %dma_wait3A_496 = tpu.memref_slice %arg4[%mul3A_484, %mul3A_486, %dma_wait3A_495] : memref<4x32000x128xi32, #tpu.memory_space<hbm>> -> memref<1x128x128xi32, #tpu.memory_space<hbm>>
            %dma_wait3A_497 = arith.constant 0 : i32
            %dma_wait3A_498 = arith.constant 0 : i32
            %dma_wait3A_499 = arith.constant 0 : i32
            %dma_wait3A_500 = tpu.memref_slice %run_scoped3A_18[%rem3A_482, %dma_wait3A_497, %dma_wait3A_498, %dma_wait3A_499] : memref<2x1x128x128xi32, #tpu.memory_space<vmem>> -> memref<1x1x128x128xi32, #tpu.memory_space<vmem>>
            %dma_wait3A_501 = tpu.memref_squeeze %dma_wait3A_500 : memref<1x1x128x128xi32, #tpu.memory_space<vmem>> -> memref<1x128x128xi32, #tpu.memory_space<vmem>>
            tpu.wait_dma2 semaphore(%dma_wait3A_494 : memref<!tpu.dma_semaphore, #tpu.memory_space<semaphore_mem>>) src(%dma_wait3A_501 : memref<1x128x128xi32, #tpu.memory_space<vmem>>) dst(%dma_wait3A_496 : memref<1x128x128xi32, #tpu.memory_space<hbm>>)
            "tpu.trace_stop"() : () -> ()
          } else {
          }
          %and3A_441 = arith.constant true
          %and3A_442 = arith.andi %and3A_437, %and3A_441 : i1
          %add3A_443 = arith.constant 1 : i32
          %add3A_444 = arith.addi %while3A_216, %add3A_443 : i32
          %select_n3A_445 = arith.select %and3A_442, %add3A_444, %while3A_216 : i32
          %mul3A_446 = arith.constant 768 : i32
          %mul3A_447 = arith.muli %add3A_227, %mul3A_446 : i32
          %add3A_448 = arith.constant 500 : i32
          %add3A_449 = arith.addi %mul3A_447, %add3A_448 : i32
          %add3A_450 = arith.addi %add3A_449, %add3A_228 : i32
          %mul3A_451 = arith.constant 768 : i32
          %mul3A_452 = arith.muli %add3A_263, %mul3A_451 : i32
          %add3A_453 = arith.constant 500 : i32
          %add3A_454 = arith.addi %mul3A_452, %add3A_453 : i32
          %add3A_455 = arith.addi %add3A_454, %add3A_264 : i32
          %ne3A_456 = arith.cmpi ne, %add3A_450, %add3A_455 : i32
          %or3A_457 = arith.constant false
          %or3A_458 = arith.ori %or3A_457, %ne3A_456 : i1
          %or3A_459 = arith.constant false
          %or3A_460 = arith.ori %or3A_458, %or3A_459 : i1
          %or3A_461 = arith.constant false
          %or3A_462 = arith.ori %or3A_460, %or3A_461 : i1
          %or3A_463 = arith.ori %or3A_462, %eq3A_225 : i1
          %add3A_464 = arith.constant 1 : i32
          %add3A_465 = arith.addi %while3A_214, %add3A_464 : i32
          %select_n3A_466 = arith.select %or3A_463, %add3A_465, %while3A_214 : i32
          %add3A_467 = arith.constant 1 : i32
          %add3A_468 = arith.addi %while3A_218, %add3A_467 : i32
          %select_n3A_469 = arith.constant true
          %select_n3A_470 = arith.select %select_n3A_469, %add3A_468, %while3A_218 : i32
          %eq3A_471 = arith.cmpi eq, %select_n3A_470, %select_n3A : i32
          %select_n3A_472 = arith.constant 0 : i32
          %select_n3A_473 = arith.select %eq3A_471, %select_n3A_472, %select_n3A_470 : i32
          %add3A_474 = arith.constant 1 : i32
          %add3A_475 = arith.addi %while3A_217, %add3A_474 : i32
          %select_n3A_476 = arith.select %eq3A_471, %add3A_475, %while3A_217 : i32
          %eq3A_477 = arith.constant 4 : i32
          %eq3A_478 = arith.cmpi eq, %select_n3A_476, %eq3A_477 : i32
          %select_n3A_479 = arith.constant 0 : i32
          %select_n3A_480 = arith.select %eq3A_478, %select_n3A_479, %select_n3A_476 : i32
          scf.yield %select_n3A_309, %select_n3A_466, %select_n3A_402, %select_n3A_445, %select_n3A_480, %select_n3A_473 : i32, i32, i32, i32, i32, i32
        }
        %while3A_123 = arith.constant 1 : i32
        %while3A_124:6 = scf.for %while3A_212 = %while3A_120 to %while3A_116 step %while3A_123 iter_args(%while3A_213 = %while3A_122#0, %while3A_214 = %while3A_122#1, %while3A_215 = %while3A_122#2, %while3A_216 = %while3A_122#3, %while3A_217 = %while3A_122#4, %while3A_218 = %while3A_122#5) -> (i32, i32, i32, i32, i32, i32)  : i32 {
          %mul3A_219 = arith.constant 4 : i32
          %mul3A_220 = arith.muli %mul3A_219, %select_n3A : i32
          %eq3A_221 = arith.constant 0 : i32
          %eq3A_222 = arith.cmpi eq, %while3A_212, %eq3A_221 : i32
          %sub3A_223 = arith.constant 1 : i32
          %sub3A_224 = arith.subi %mul3A_220, %sub3A_223 : i32
          %eq3A_225 = arith.cmpi eq, %while3A_212, %sub3A_224 : i32
          %add3A_226 = arith.constant 0 : i32
          %add3A_227 = arith.addi %while3A_217, %add3A_226 : i32
          %add3A_228 = arith.addi %while3A_218, %select_n3A_14 : i32
          %sub3A_229 = arith.constant 1 : i32
          %sub3A_230 = arith.subi %while3A_218, %sub3A_229 : i32
          %select_n3A_231 = arith.constant true
          %select_n3A_232 = arith.select %select_n3A_231, %sub3A_230, %while3A_218 : i32
          %eq3A_233 = arith.constant -1 : i32
          %eq3A_234 = arith.cmpi eq, %select_n3A_232, %eq3A_233 : i32
          %sub3A_235 = arith.constant 1 : i32
          %sub3A_236 = arith.subi %select_n3A, %sub3A_235 : i32
          %select_n3A_237 = arith.select %eq3A_234, %sub3A_236, %select_n3A_232 : i32
          %sub3A_238 = arith.constant 1 : i32
          %sub3A_239 = arith.subi %while3A_217, %sub3A_238 : i32
          %select_n3A_240 = arith.select %eq3A_234, %sub3A_239, %while3A_217 : i32
          %eq3A_241 = arith.constant -1 : i32
          %eq3A_242 = arith.cmpi eq, %select_n3A_240, %eq3A_241 : i32
          %select_n3A_243 = arith.constant 3 : i32
          %select_n3A_244 = arith.select %eq3A_242, %select_n3A_243, %select_n3A_240 : i32
          %add3A_245 = arith.constant 0 : i32
          %add3A_246 = arith.addi %select_n3A_244, %add3A_245 : i32
          %add3A_247 = arith.addi %select_n3A_237, %select_n3A_14 : i32
          %add3A_248 = arith.constant 1 : i32
          %add3A_249 = arith.addi %while3A_218, %add3A_248 : i32
          %select_n3A_250 = arith.constant true
          %select_n3A_251 = arith.select %select_n3A_250, %add3A_249, %while3A_218 : i32
          %eq3A_252 = arith.cmpi eq, %select_n3A_251, %select_n3A : i32
          %select_n3A_253 = arith.constant 0 : i32
          %select_n3A_254 = arith.select %eq3A_252, %select_n3A_253, %select_n3A_251 : i32
          %add3A_255 = arith.constant 1 : i32
          %add3A_256 = arith.addi %while3A_217, %add3A_255 : i32
          %select_n3A_257 = arith.select %eq3A_252, %add3A_256, %while3A_217 : i32
          %eq3A_258 = arith.constant 4 : i32
          %eq3A_259 = arith.cmpi eq, %select_n3A_257, %eq3A_258 : i32
          %select_n3A_260 = arith.constant 0 : i32
          %select_n3A_261 = arith.select %eq3A_259, %select_n3A_260, %select_n3A_257 : i32
          %add3A_262 = arith.constant 0 : i32
          %add3A_263 = arith.addi %select_n3A_261, %add3A_262 : i32
          %add3A_264 = arith.addi %select_n3A_254, %select_n3A_14 : i32
          %add3A_265 = arith.constant 1 : i32
          %add3A_266 = arith.addi %select_n3A_254, %add3A_265 : i32
          %select_n3A_267 = arith.constant true
          %select_n3A_268 = arith.select %select_n3A_267, %add3A_266, %select_n3A_254 : i32
          %eq3A_269 = arith.cmpi eq, %select_n3A_268, %select_n3A : i32
          %select_n3A_270 = arith.constant 0 : i32
          %select_n3A_271 = arith.select %eq3A_269, %select_n3A_270, %select_n3A_268 : i32
          %add3A_272 = arith.constant 1 : i32
          %add3A_273 = arith.addi %select_n3A_261, %add3A_272 : i32
          %select_n3A_274 = arith.select %eq3A_269, %add3A_273, %select_n3A_261 : i32
          %eq3A_275 = arith.constant 4 : i32
          %eq3A_276 = arith.cmpi eq, %select_n3A_274, %eq3A_275 : i32
          %select_n3A_277 = arith.constant 0 : i32
          %select_n3A_278 = arith.select %eq3A_276, %select_n3A_277, %select_n3A_274 : i32
          %add3A_279 = arith.constant 0 : i32
          %add3A_280 = arith.addi %select_n3A_278, %add3A_279 : i32
          %add3A_281 = arith.addi %select_n3A_271, %select_n3A_14 : i32
          %mul3A_282 = arith.constant 768 : i32
          %mul3A_283 = arith.muli %add3A_227, %mul3A_282 : i32
          %add3A_284 = arith.constant 500 : i32
          %add3A_285 = arith.addi %mul3A_283, %add3A_284 : i32
          %add3A_286 = arith.addi %add3A_285, %add3A_228 : i32
          %mul3A_287 = arith.constant 768 : i32
          %mul3A_288 = arith.muli %add3A_263, %mul3A_287 : i32
          %add3A_289 = arith.constant 500 : i32
          %add3A_290 = arith.addi %mul3A_288, %add3A_289 : i32
          %add3A_291 = arith.addi %add3A_290, %add3A_264 : i32
          %ne3A = arith.cmpi ne, %add3A_286, %add3A_291 : i32
          %or3A = arith.constant false
          %or3A_292 = arith.ori %or3A, %ne3A : i1
          %or3A_293 = arith.constant false
          %or3A_294 = arith.ori %or3A_292, %or3A_293 : i1
          %or3A_295 = arith.constant false
          %or3A_296 = arith.ori %or3A_294, %or3A_295 : i1
          %sub3A_297 = arith.constant 2 : i32
          %sub3A_298 = arith.subi %mul3A_220, %sub3A_297 : i32
          %add3A_299 = arith.constant 1 : i32
          %add3A_300 = arith.addi %sub3A_298, %add3A_299 : i32
          %ge3A = arith.cmpi sge, %while3A_212, %add3A_300 : i32
          %not3A = arith.constant true
          %not3A_301 = arith.xori %ge3A, %not3A : i1
          %and3A = arith.andi %or3A_296, %not3A_301 : i1
          %convert_element_type3A_302 = arith.extui %and3A : i1 to i32
          %cond3A_303 = arith.constant 0 : i32
          %cond3A_304 = arith.cmpi ne, %convert_element_type3A_302, %cond3A_303 : i32
          scf.if %cond3A_304 {
            "tpu.trace_start"() <{level = 10 : i32, message = "ep_copy_in"}> : () -> ()
            %rem3A_481 = arith.constant 2 : i32
            %rem3A_482 = arith.remui %while3A_213, %rem3A_481 : i32
            %mul3A_483 = arith.constant 768 : i32
            %mul3A_484 = arith.muli %add3A_263, %mul3A_483 : i32
            %add3A_485 = arith.constant 500 : i32
            %add3A_486 = arith.addi %mul3A_484, %add3A_485 : i32
            %add3A_487 = arith.addi %add3A_486, %add3A_264 : i32
            %mul3A_488 = arith.constant 1 : i32
            %mul3A_489 = arith.muli %mul3A_488, %add3A_487 : i32
            %dma_start3A_490 = arith.constant 0 : i32
            %dma_start3A_491 = arith.constant 0 : i32
            %dma_start3A_492 = arith.constant 0 : i32
            %dma_start3A_493 = tpu.memref_slice %run_scoped3A[%rem3A_482, %dma_start3A_490, %dma_start3A_491, %dma_start3A_492] : memref<2x1x1x128xi32, #tpu.memory_space<vmem>> -> memref<1x1x1x128xi32, #tpu.memory_space<vmem>>
            %dma_start3A_494 = tpu.memref_squeeze %dma_start3A_493 : memref<1x1x1x128xi32, #tpu.memory_space<vmem>> -> memref<1x1x128xi32, #tpu.memory_space<vmem>>
            %dma_start3A_495 = arith.constant 0 : i32
            %dma_start3A_496 = arith.constant 0 : i32
            %dma_start3A_497 = tpu.memref_slice %arg3[%mul3A_489, %dma_start3A_495, %dma_start3A_496] : memref<3072x1x128xi32, #tpu.memory_space<hbm>> -> memref<1x1x128xi32, #tpu.memory_space<hbm>>
            %dma_start3A_498 = tpu.memref_slice %run_scoped3A_17[%rem3A_482] : memref<2x!tpu.dma_semaphore, #tpu.memory_space<semaphore_mem>> -> memref<1x!tpu.dma_semaphore, #tpu.memory_space<semaphore_mem>>
            %dma_start3A_499 = tpu.memref_squeeze %dma_start3A_498 : memref<1x!tpu.dma_semaphore, #tpu.memory_space<semaphore_mem>> -> memref<!tpu.dma_semaphore, #tpu.memory_space<semaphore_mem>>
            %dma_start3A_500 = arith.constant 0 : i32
            %dma_start3A_501 = arith.constant 0 : i32
            %dma_start3A_502 = arith.constant 0 : i32
            %dma_start3A_503 = tpu.memref_slice %run_scoped3A[%rem3A_482, %dma_start3A_500, %dma_start3A_501, %dma_start3A_502] : memref<2x1x1x128xi32, #tpu.memory_space<vmem>> -> memref<1x1x1x128xi32, #tpu.memory_space<vmem>>
            %dma_start3A_504 = tpu.memref_squeeze %dma_start3A_503 : memref<1x1x1x128xi32, #tpu.memory_space<vmem>> -> memref<1x1x128xi32, #tpu.memory_space<vmem>>
            %dma_start3A_505 = arith.constant 0 : i32
            %dma_start3A_506 = arith.constant 0 : i32
            %dma_start3A_507 = tpu.memref_slice %arg3[%mul3A_489, %dma_start3A_505, %dma_start3A_506] : memref<3072x1x128xi32, #tpu.memory_space<hbm>> -> memref<1x1x128xi32, #tpu.memory_space<hbm>>
            tpu.enqueue_dma source(%dma_start3A_507 : memref<1x1x128xi32, #tpu.memory_space<hbm>>) target(%dma_start3A_504 : memref<1x1x128xi32, #tpu.memory_space<vmem>>) target_semaphore(%dma_start3A_499 : memref<!tpu.dma_semaphore, #tpu.memory_space<semaphore_mem>>)
            "tpu.trace_stop"() : () -> ()
          } else {
          }
          %and3A_305 = arith.constant true
          %and3A_306 = arith.andi %and3A, %and3A_305 : i1
          %add3A_307 = arith.constant 1 : i32
          %add3A_308 = arith.addi %while3A_213, %add3A_307 : i32
          %select_n3A_309 = arith.select %and3A_306, %add3A_308, %while3A_213 : i32
          %ne3A_310 = arith.cmpi ne, %add3A_227, %add3A_263 : i32
          %ne3A_311 = arith.cmpi ne, %add3A_228, %add3A_264 : i32
          %or3A_312 = arith.constant false
          %or3A_313 = arith.ori %or3A_312, %ne3A_310 : i1
          %or3A_314 = arith.ori %or3A_313, %ne3A_311 : i1
          %or3A_315 = arith.constant false
          %or3A_316 = arith.ori %or3A_314, %or3A_315 : i1
          %sub3A_317 = arith.constant 2 : i32
          %sub3A_318 = arith.subi %mul3A_220, %sub3A_317 : i32
          %add3A_319 = arith.constant 1 : i32
          %add3A_320 = arith.addi %sub3A_318, %add3A_319 : i32
          %ge3A_321 = arith.cmpi sge, %while3A_212, %add3A_320 : i32
          %not3A_322 = arith.constant true
          %not3A_323 = arith.xori %ge3A_321, %not3A_322 : i1
          %and3A_324 = arith.andi %or3A_316, %not3A_323 : i1
          %mul3A_325 = arith.constant 768 : i32
          %mul3A_326 = arith.muli %add3A_227, %mul3A_325 : i32
          %add3A_327 = arith.constant 500 : i32
          %add3A_328 = arith.addi %mul3A_326, %add3A_327 : i32
          %add3A_329 = arith.addi %add3A_328, %add3A_228 : i32
          %mul3A_330 = arith.constant 768 : i32
          %mul3A_331 = arith.muli %add3A_246, %mul3A_330 : i32
          %add3A_332 = arith.constant 500 : i32
          %add3A_333 = arith.addi %mul3A_331, %add3A_332 : i32
          %add3A_334 = arith.addi %add3A_333, %add3A_247 : i32
          %ne3A_335 = arith.cmpi ne, %add3A_329, %add3A_334 : i32
          %or3A_336 = arith.constant false
          %or3A_337 = arith.ori %or3A_336, %ne3A_335 : i1
          %or3A_338 = arith.constant false
          %or3A_339 = arith.ori %or3A_337, %or3A_338 : i1
          %or3A_340 = arith.constant false
          %or3A_341 = arith.ori %or3A_339, %or3A_340 : i1
          %or3A_342 = arith.ori %or3A_341, %eq3A_222 : i1
          %convert_element_type3A_343 = arith.extui %or3A_342 : i1 to i32
          %cond3A_344 = arith.constant 0 : i32
          %cond3A_345 = arith.cmpi ne, %convert_element_type3A_343, %cond3A_344 : i32
          scf.if %cond3A_345 {
            "tpu.trace_start"() <{level = 10 : i32, message = "ep_wait_in"}> : () -> ()
            %mul3A_481 = arith.constant 768 : i32
            %mul3A_482 = arith.muli %add3A_227, %mul3A_481 : i32
            %add3A_483 = arith.constant 500 : i32
            %add3A_484 = arith.addi %mul3A_482, %add3A_483 : i32
            %add3A_485 = arith.addi %add3A_484, %add3A_228 : i32
            %mul3A_486 = arith.constant 1 : i32
            %mul3A_487 = arith.muli %mul3A_486, %add3A_485 : i32
            %rem3A_488 = arith.constant 2 : i32
            %rem3A_489 = arith.remui %while3A_214, %rem3A_488 : i32
            %dma_wait3A = arith.constant 0 : i32
            %dma_wait3A_490 = arith.constant 0 : i32
            %dma_wait3A_491 = arith.constant 0 : i32
            %dma_wait3A_492 = tpu.memref_slice %run_scoped3A[%rem3A_489, %dma_wait3A, %dma_wait3A_490, %dma_wait3A_491] : memref<2x1x1x128xi32, #tpu.memory_space<vmem>> -> memref<1x1x1x128xi32, #tpu.memory_space<vmem>>
            %dma_wait3A_493 = tpu.memref_squeeze %dma_wait3A_492 : memref<1x1x1x128xi32, #tpu.memory_space<vmem>> -> memref<1x1x128xi32, #tpu.memory_space<vmem>>
            %dma_wait3A_494 = arith.constant 0 : i32
            %dma_wait3A_495 = arith.constant 0 : i32
            %dma_wait3A_496 = tpu.memref_slice %arg3[%mul3A_487, %dma_wait3A_494, %dma_wait3A_495] : memref<3072x1x128xi32, #tpu.memory_space<hbm>> -> memref<1x1x128xi32, #tpu.memory_space<hbm>>
            %dma_wait3A_497 = tpu.memref_slice %run_scoped3A_17[%rem3A_489] : memref<2x!tpu.dma_semaphore, #tpu.memory_space<semaphore_mem>> -> memref<1x!tpu.dma_semaphore, #tpu.memory_space<semaphore_mem>>
            %dma_wait3A_498 = tpu.memref_squeeze %dma_wait3A_497 : memref<1x!tpu.dma_semaphore, #tpu.memory_space<semaphore_mem>> -> memref<!tpu.dma_semaphore, #tpu.memory_space<semaphore_mem>>
            %dma_wait3A_499 = arith.constant 0 : i32
            %dma_wait3A_500 = arith.constant 0 : i32
            %dma_wait3A_501 = arith.constant 0 : i32
            %dma_wait3A_502 = tpu.memref_slice %run_scoped3A[%rem3A_489, %dma_wait3A_499, %dma_wait3A_500, %dma_wait3A_501] : memref<2x1x1x128xi32, #tpu.memory_space<vmem>> -> memref<1x1x1x128xi32, #tpu.memory_space<vmem>>
            %dma_wait3A_503 = tpu.memref_squeeze %dma_wait3A_502 : memref<1x1x1x128xi32, #tpu.memory_space<vmem>> -> memref<1x1x128xi32, #tpu.memory_space<vmem>>
            %dma_wait3A_504 = arith.constant 0 : i32
            %dma_wait3A_505 = arith.constant 0 : i32
            %dma_wait3A_506 = tpu.memref_slice %arg3[%mul3A_487, %dma_wait3A_504, %dma_wait3A_505] : memref<3072x1x128xi32, #tpu.memory_space<hbm>> -> memref<1x1x128xi32, #tpu.memory_space<hbm>>
            tpu.wait_dma2 semaphore(%dma_wait3A_498 : memref<!tpu.dma_semaphore, #tpu.memory_space<semaphore_mem>>) src(%dma_wait3A_506 : memref<1x1x128xi32, #tpu.memory_space<hbm>>) dst(%dma_wait3A_503 : memref<1x1x128xi32, #tpu.memory_space<vmem>>)
            "tpu.trace_stop"() : () -> ()
          } else {
          }
          %ne3A_346 = arith.cmpi ne, %add3A_227, %add3A_246 : i32
          %ne3A_347 = arith.cmpi ne, %add3A_228, %add3A_247 : i32
          %or3A_348 = arith.constant false
          %or3A_349 = arith.ori %or3A_348, %ne3A_346 : i1
          %or3A_350 = arith.ori %or3A_349, %ne3A_347 : i1
          %or3A_351 = arith.constant false
          %or3A_352 = arith.ori %or3A_350, %or3A_351 : i1
          %or3A_353 = arith.ori %or3A_352, %eq3A_222 : i1
          %convert_element_type3A_354 = arith.extui %or3A_353 : i1 to i32
          %cond3A_355 = arith.constant 0 : i32
          %cond3A_356 = arith.cmpi ne, %convert_element_type3A_354, %cond3A_355 : i32
          scf.if %cond3A_356 {
          } else {
          }
          %rem3A_357 = arith.constant 2 : i32
          %rem3A_358 = arith.remui %while3A_214, %rem3A_357 : i32
          %rem3A_359 = arith.constant 2 : i32
          %rem3A_360 = arith.remui %while3A_215, %rem3A_359 : i32
          %run_scoped3A_361 = arith.constant 0 : i32
          %run_scoped3A_362 = arith.constant 0 : i32
          %run_scoped3A_363 = arith.constant 0 : i32
          "tpu.trace_start"() <{level = 10 : i32, message = "ep_run_kernel"}> : () -> ()
          "tpu.region"() ({
            %run_scoped3A_481 = tpu.sem_alloc : memref<!tpu.dma_semaphore, #tpu.memory_space<semaphore_mem>>
            %dma_start3A_482 = arith.constant 0 : i32
            %dma_start3A_483 = arith.constant 0 : i32
            %dma_start3A_484 = arith.constant 0 : i32
            %dma_start3A_485 = tpu.memref_slice %run_scoped3A_18[%rem3A_360, %dma_start3A_482, %dma_start3A_483, %dma_start3A_484] : memref<2x1x128x128xi32, #tpu.memory_space<vmem>> -> memref<1x1x128x128xi32, #tpu.memory_space<vmem>>
            %dma_start3A_486 = tpu.memref_squeeze %dma_start3A_485 : memref<1x1x128x128xi32, #tpu.memory_space<vmem>> -> memref<1x128x128xi32, #tpu.memory_space<vmem>>
            %dma_start3A_487 = arith.constant 0 : i32
            %dma_start3A_488 = arith.constant 0 : i32
            %dma_start3A_489 = tpu.memref_slice %dma_start3A_486[%run_scoped3A_363, %dma_start3A_487, %dma_start3A_488] : memref<1x128x128xi32, #tpu.memory_space<vmem>> -> memref<1x128x128xi32, #tpu.memory_space<vmem>>
            %dma_start3A_490 = tpu.memref_squeeze %dma_start3A_489 : memref<1x128x128xi32, #tpu.memory_space<vmem>> -> memref<128x128xi32, #tpu.memory_space<vmem>>
            %dma_start3A_491 = arith.constant 0 : i32
            %dma_start3A_492 = arith.constant 0 : i32
            %dma_start3A_493 = arith.constant 0 : i32
            %dma_start3A_494 = tpu.memref_slice %run_scoped3A[%rem3A_358, %dma_start3A_491, %dma_start3A_492, %dma_start3A_493] : memref<2x1x1x128xi32, #tpu.memory_space<vmem>> -> memref<1x1x1x128xi32, #tpu.memory_space<vmem>>
            %dma_start3A_495 = tpu.memref_squeeze %dma_start3A_494 : memref<1x1x1x128xi32, #tpu.memory_space<vmem>> -> memref<1x1x128xi32, #tpu.memory_space<vmem>>
            %dma_start3A_496 = arith.constant 0 : i32
            %dma_start3A_497 = tpu.memref_slice %dma_start3A_495[%run_scoped3A_361, %run_scoped3A_362, %dma_start3A_496] : memref<1x1x128xi32, #tpu.memory_space<vmem>> -> memref<1x1x128xi32, #tpu.memory_space<vmem>>
            %dma_start3A_498 = tpu.memref_squeeze %dma_start3A_497 : memref<1x1x128xi32, #tpu.memory_space<vmem>> -> memref<128xi32, #tpu.memory_space<vmem>>
            %dma_start3A_499 = arith.constant 0 : i32
            %dma_start3A_500 = arith.constant 0 : i32
            %dma_start3A_501 = tpu.memref_slice %arg2[%dma_start3A_499, %dma_start3A_500] : memref<174080x128xi32, #tpu.memory_space<hbm>> -> memref<174080x128xi32, #tpu.memory_space<hbm>>
            tpu.enqueue_indirect_dma source(%dma_start3A_501 : memref<174080x128xi32, #tpu.memory_space<hbm>>) target(%dma_start3A_490 : memref<128x128xi32, #tpu.memory_space<vmem>>) offsets(%dma_start3A_498 : memref<128xi32, #tpu.memory_space<vmem>>) semaphore(%run_scoped3A_481 : memref<!tpu.dma_semaphore, #tpu.memory_space<semaphore_mem>>)
            %dma_wait3A = arith.constant 0 : i32
            %dma_wait3A_502 = arith.constant 0 : i32
            %dma_wait3A_503 = arith.constant 0 : i32
            %dma_wait3A_504 = tpu.memref_slice %run_scoped3A_18[%rem3A_360, %dma_wait3A, %dma_wait3A_502, %dma_wait3A_503] : memref<2x1x128x128xi32, #tpu.memory_space<vmem>> -> memref<1x1x128x128xi32, #tpu.memory_space<vmem>>
            %dma_wait3A_505 = tpu.memref_squeeze %dma_wait3A_504 : memref<1x1x128x128xi32, #tpu.memory_space<vmem>> -> memref<1x128x128xi32, #tpu.memory_space<vmem>>
            %dma_wait3A_506 = arith.constant 0 : i32
            %dma_wait3A_507 = arith.constant 0 : i32
            %dma_wait3A_508 = tpu.memref_slice %dma_wait3A_505[%run_scoped3A_363, %dma_wait3A_506, %dma_wait3A_507] : memref<1x128x128xi32, #tpu.memory_space<vmem>> -> memref<1x128x128xi32, #tpu.memory_space<vmem>>
            %dma_wait3A_509 = tpu.memref_squeeze %dma_wait3A_508 : memref<1x128x128xi32, #tpu.memory_space<vmem>> -> memref<128x128xi32, #tpu.memory_space<vmem>>
            %dma_wait3A_510 = arith.constant 0 : i32
            %dma_wait3A_511 = arith.constant 0 : i32
            %dma_wait3A_512 = arith.constant 0 : i32
            %dma_wait3A_513 = tpu.memref_slice %run_scoped3A[%rem3A_358, %dma_wait3A_510, %dma_wait3A_511, %dma_wait3A_512] : memref<2x1x1x128xi32, #tpu.memory_space<vmem>> -> memref<1x1x1x128xi32, #tpu.memory_space<vmem>>
            %dma_wait3A_514 = tpu.memref_squeeze %dma_wait3A_513 : memref<1x1x1x128xi32, #tpu.memory_space<vmem>> -> memref<1x1x128xi32, #tpu.memory_space<vmem>>
            %dma_wait3A_515 = arith.constant 0 : i32
            %dma_wait3A_516 = tpu.memref_slice %dma_wait3A_514[%run_scoped3A_361, %run_scoped3A_362, %dma_wait3A_515] : memref<1x1x128xi32, #tpu.memory_space<vmem>> -> memref<1x1x128xi32, #tpu.memory_space<vmem>>
            %dma_wait3A_517 = tpu.memref_squeeze %dma_wait3A_516 : memref<1x1x128xi32, #tpu.memory_space<vmem>> -> memref<128xi32, #tpu.memory_space<vmem>>
            %dma_wait3A_518 = arith.constant 0 : i32
            %dma_wait3A_519 = arith.constant 0 : i32
            %dma_wait3A_520 = tpu.memref_slice %arg2[%dma_wait3A_518, %dma_wait3A_519] : memref<174080x128xi32, #tpu.memory_space<hbm>> -> memref<174080x128xi32, #tpu.memory_space<hbm>>
            tpu.wait_indirect_dma semaphore(%run_scoped3A_481 : memref<!tpu.dma_semaphore, #tpu.memory_space<semaphore_mem>>) src(%dma_wait3A_520 : memref<174080x128xi32, #tpu.memory_space<hbm>>) dst(%dma_wait3A_509 : memref<128x128xi32, #tpu.memory_space<vmem>>)
            tpu.yield
          }) : () -> ()
          "tpu.trace_stop"() : () -> ()
          %mul3A_364 = arith.constant 768 : i32
          %mul3A_365 = arith.muli %add3A_227, %mul3A_364 : i32
          %add3A_366 = arith.constant 500 : i32
          %add3A_367 = arith.addi %mul3A_365, %add3A_366 : i32
          %add3A_368 = arith.addi %add3A_367, %add3A_228 : i32
          %mul3A_369 = arith.constant 768 : i32
          %mul3A_370 = arith.muli %add3A_263, %mul3A_369 : i32
          %add3A_371 = arith.constant 500 : i32
          %add3A_372 = arith.addi %mul3A_370, %add3A_371 : i32
          %add3A_373 = arith.addi %add3A_372, %add3A_264 : i32
          %ne3A_374 = arith.cmpi ne, %add3A_368, %add3A_373 : i32
          %or3A_375 = arith.constant false
          %or3A_376 = arith.ori %or3A_375, %ne3A_374 : i1
          %or3A_377 = arith.constant false
          %or3A_378 = arith.ori %or3A_376, %or3A_377 : i1
          %or3A_379 = arith.constant false
          %or3A_380 = arith.ori %or3A_378, %or3A_379 : i1
          %or3A_381 = arith.ori %or3A_380, %eq3A_225 : i1
          %convert_element_type3A_382 = arith.extui %or3A_381 : i1 to i32
          %cond3A_383 = arith.constant 0 : i32
          %cond3A_384 = arith.cmpi ne, %convert_element_type3A_382, %cond3A_383 : i32
          scf.if %cond3A_384 {
          } else {
          }
          %and3A_385 = arith.constant false
          %and3A_386 = arith.andi %or3A_381, %and3A_385 : i1
          %ne3A_387 = arith.cmpi ne, %add3A_227, %add3A_263 : i32
          %ne3A_388 = arith.cmpi ne, %add3A_228, %add3A_264 : i32
          %or3A_389 = arith.constant false
          %or3A_390 = arith.ori %or3A_389, %ne3A_387 : i1
          %or3A_391 = arith.ori %or3A_390, %ne3A_388 : i1
          %or3A_392 = arith.constant false
          %or3A_393 = arith.ori %or3A_391, %or3A_392 : i1
          %or3A_394 = arith.ori %or3A_393, %eq3A_225 : i1
          %convert_element_type3A_395 = arith.extui %or3A_394 : i1 to i32
          %cond3A_396 = arith.constant 0 : i32
          %cond3A_397 = arith.cmpi ne, %convert_element_type3A_395, %cond3A_396 : i32
          scf.if %cond3A_397 {
            "tpu.trace_start"() <{level = 10 : i32, message = "ep_copy_out"}> : () -> ()
            %rem3A_481 = arith.constant 2 : i32
            %rem3A_482 = arith.remui %while3A_215, %rem3A_481 : i32
            %mul3A_483 = arith.constant 1 : i32
            %mul3A_484 = arith.muli %mul3A_483, %add3A_227 : i32
            %mul3A_485 = arith.constant 128 : i32
            %mul3A_486 = arith.muli %mul3A_485, %add3A_228 : i32
            %dma_start3A_487 = arith.constant 0 : i32
            %dma_start3A_488 = arith.constant 0 : i32
            %dma_start3A_489 = arith.constant 0 : i32
            %dma_start3A_490 = tpu.memref_slice %run_scoped3A_18[%rem3A_482, %dma_start3A_487, %dma_start3A_488, %dma_start3A_489] : memref<2x1x128x128xi32, #tpu.memory_space<vmem>> -> memref<1x1x128x128xi32, #tpu.memory_space<vmem>>
            %dma_start3A_491 = tpu.memref_squeeze %dma_start3A_490 : memref<1x1x128x128xi32, #tpu.memory_space<vmem>> -> memref<1x128x128xi32, #tpu.memory_space<vmem>>
            %dma_start3A_492 = arith.constant 0 : i32
            %dma_start3A_493 = tpu.memref_slice %arg4[%mul3A_484, %mul3A_486, %dma_start3A_492] : memref<4x32000x128xi32, #tpu.memory_space<hbm>> -> memref<1x128x128xi32, #tpu.memory_space<hbm>>
            %dma_start3A_494 = tpu.memref_slice %run_scoped3A_19[%rem3A_482] : memref<2x!tpu.dma_semaphore, #tpu.memory_space<semaphore_mem>> -> memref<1x!tpu.dma_semaphore, #tpu.memory_space<semaphore_mem>>
            %dma_start3A_495 = tpu.memref_squeeze %dma_start3A_494 : memref<1x!tpu.dma_semaphore, #tpu.memory_space<semaphore_mem>> -> memref<!tpu.dma_semaphore, #tpu.memory_space<semaphore_mem>>
            %dma_start3A_496 = arith.constant 0 : i32
            %dma_start3A_497 = tpu.memref_slice %arg4[%mul3A_484, %mul3A_486, %dma_start3A_496] : memref<4x32000x128xi32, #tpu.memory_space<hbm>> -> memref<1x128x128xi32, #tpu.memory_space<hbm>>
            %dma_start3A_498 = arith.constant 0 : i32
            %dma_start3A_499 = arith.constant 0 : i32
            %dma_start3A_500 = arith.constant 0 : i32
            %dma_start3A_501 = tpu.memref_slice %run_scoped3A_18[%rem3A_482, %dma_start3A_498, %dma_start3A_499, %dma_start3A_500] : memref<2x1x128x128xi32, #tpu.memory_space<vmem>> -> memref<1x1x128x128xi32, #tpu.memory_space<vmem>>
            %dma_start3A_502 = tpu.memref_squeeze %dma_start3A_501 : memref<1x1x128x128xi32, #tpu.memory_space<vmem>> -> memref<1x128x128xi32, #tpu.memory_space<vmem>>
            tpu.enqueue_dma source(%dma_start3A_502 : memref<1x128x128xi32, #tpu.memory_space<vmem>>) target(%dma_start3A_497 : memref<1x128x128xi32, #tpu.memory_space<hbm>>) target_semaphore(%dma_start3A_495 : memref<!tpu.dma_semaphore, #tpu.memory_space<semaphore_mem>>)
            "tpu.trace_stop"() : () -> ()
          } else {
          }
          %and3A_398 = arith.constant true
          %and3A_399 = arith.andi %or3A_394, %and3A_398 : i1
          %add3A_400 = arith.constant 1 : i32
          %add3A_401 = arith.addi %while3A_215, %add3A_400 : i32
          %select_n3A_402 = arith.select %and3A_399, %add3A_401, %while3A_215 : i32
          %mul3A_403 = arith.constant 768 : i32
          %mul3A_404 = arith.muli %add3A_227, %mul3A_403 : i32
          %add3A_405 = arith.constant 500 : i32
          %add3A_406 = arith.addi %mul3A_404, %add3A_405 : i32
          %add3A_407 = arith.addi %add3A_406, %add3A_228 : i32
          %mul3A_408 = arith.constant 768 : i32
          %mul3A_409 = arith.muli %add3A_246, %mul3A_408 : i32
          %add3A_410 = arith.constant 500 : i32
          %add3A_411 = arith.addi %mul3A_409, %add3A_410 : i32
          %add3A_412 = arith.addi %add3A_411, %add3A_247 : i32
          %ne3A_413 = arith.cmpi ne, %add3A_407, %add3A_412 : i32
          %or3A_414 = arith.constant false
          %or3A_415 = arith.ori %or3A_414, %ne3A_413 : i1
          %or3A_416 = arith.constant false
          %or3A_417 = arith.ori %or3A_415, %or3A_416 : i1
          %or3A_418 = arith.constant false
          %or3A_419 = arith.ori %or3A_417, %or3A_418 : i1
          %not3A_420 = arith.constant true
          %not3A_421 = arith.xori %eq3A_222, %not3A_420 : i1
          %and3A_422 = arith.andi %or3A_419, %not3A_421 : i1
          %convert_element_type3A_423 = arith.extui %and3A_422 : i1 to i32
          %cond3A_424 = arith.constant 0 : i32
          %cond3A_425 = arith.cmpi ne, %convert_element_type3A_423, %cond3A_424 : i32
          scf.if %cond3A_425 {
          } else {
          }
          %and3A_426 = arith.constant false
          %and3A_427 = arith.andi %and3A_422, %and3A_426 : i1
          %ne3A_428 = arith.cmpi ne, %add3A_227, %add3A_246 : i32
          %ne3A_429 = arith.cmpi ne, %add3A_228, %add3A_247 : i32
          %or3A_430 = arith.constant false
          %or3A_431 = arith.ori %or3A_430, %ne3A_428 : i1
          %or3A_432 = arith.ori %or3A_431, %ne3A_429 : i1
          %or3A_433 = arith.constant false
          %or3A_434 = arith.ori %or3A_432, %or3A_433 : i1
          %not3A_435 = arith.constant true
          %not3A_436 = arith.xori %eq3A_222, %not3A_435 : i1
          %and3A_437 = arith.andi %or3A_434, %not3A_436 : i1
          %convert_element_type3A_438 = arith.extui %and3A_437 : i1 to i32
          %cond3A_439 = arith.constant 0 : i32
          %cond3A_440 = arith.cmpi ne, %convert_element_type3A_438, %cond3A_439 : i32
          scf.if %cond3A_440 {
            "tpu.trace_start"() <{level = 10 : i32, message = "ep_wait_out"}> : () -> ()
            %rem3A_481 = arith.constant 2 : i32
            %rem3A_482 = arith.remui %while3A_216, %rem3A_481 : i32
            %mul3A_483 = arith.constant 1 : i32
            %mul3A_484 = arith.muli %mul3A_483, %add3A_246 : i32
            %mul3A_485 = arith.constant 128 : i32
            %mul3A_486 = arith.muli %mul3A_485, %add3A_247 : i32
            %dma_wait3A = arith.constant 0 : i32
            %dma_wait3A_487 = arith.constant 0 : i32
            %dma_wait3A_488 = arith.constant 0 : i32
            %dma_wait3A_489 = tpu.memref_slice %run_scoped3A_18[%rem3A_482, %dma_wait3A, %dma_wait3A_487, %dma_wait3A_488] : memref<2x1x128x128xi32, #tpu.memory_space<vmem>> -> memref<1x1x128x128xi32, #tpu.memory_space<vmem>>
            %dma_wait3A_490 = tpu.memref_squeeze %dma_wait3A_489 : memref<1x1x128x128xi32, #tpu.memory_space<vmem>> -> memref<1x128x128xi32, #tpu.memory_space<vmem>>
            %dma_wait3A_491 = arith.constant 0 : i32
            %dma_wait3A_492 = tpu.memref_slice %arg4[%mul3A_484, %mul3A_486, %dma_wait3A_491] : memref<4x32000x128xi32, #tpu.memory_space<hbm>> -> memref<1x128x128xi32, #tpu.memory_space<hbm>>
            %dma_wait3A_493 = tpu.memref_slice %run_scoped3A_19[%rem3A_482] : memref<2x!tpu.dma_semaphore, #tpu.memory_space<semaphore_mem>> -> memref<1x!tpu.dma_semaphore, #tpu.memory_space<semaphore_mem>>
            %dma_wait3A_494 = tpu.memref_squeeze %dma_wait3A_493 : memref<1x!tpu.dma_semaphore, #tpu.memory_space<semaphore_mem>> -> memref<!tpu.dma_semaphore, #tpu.memory_space<semaphore_mem>>
            %dma_wait3A_495 = arith.constant 0 : i32
            %dma_wait3A_496 = tpu.memref_slice %arg4[%mul3A_484, %mul3A_486, %dma_wait3A_495] : memref<4x32000x128xi32, #tpu.memory_space<hbm>> -> memref<1x128x128xi32, #tpu.memory_space<hbm>>
            %dma_wait3A_497 = arith.constant 0 : i32
            %dma_wait3A_498 = arith.constant 0 : i32
            %dma_wait3A_499 = arith.constant 0 : i32
            %dma_wait3A_500 = tpu.memref_slice %run_scoped3A_18[%rem3A_482, %dma_wait3A_497, %dma_wait3A_498, %dma_wait3A_499] : memref<2x1x128x128xi32, #tpu.memory_space<vmem>> -> memref<1x1x128x128xi32, #tpu.memory_space<vmem>>
            %dma_wait3A_501 = tpu.memref_squeeze %dma_wait3A_500 : memref<1x1x128x128xi32, #tpu.memory_space<vmem>> -> memref<1x128x128xi32, #tpu.memory_space<vmem>>
            tpu.wait_dma2 semaphore(%dma_wait3A_494 : memref<!tpu.dma_semaphore, #tpu.memory_space<semaphore_mem>>) src(%dma_wait3A_501 : memref<1x128x128xi32, #tpu.memory_space<vmem>>) dst(%dma_wait3A_496 : memref<1x128x128xi32, #tpu.memory_space<hbm>>)
            "tpu.trace_stop"() : () -> ()
          } else {
          }
          %and3A_441 = arith.constant true
          %and3A_442 = arith.andi %and3A_437, %and3A_441 : i1
          %add3A_443 = arith.constant 1 : i32
          %add3A_444 = arith.addi %while3A_216, %add3A_443 : i32
          %select_n3A_445 = arith.select %and3A_442, %add3A_444, %while3A_216 : i32
          %mul3A_446 = arith.constant 768 : i32
          %mul3A_447 = arith.muli %add3A_227, %mul3A_446 : i32
          %add3A_448 = arith.constant 500 : i32
          %add3A_449 = arith.addi %mul3A_447, %add3A_448 : i32
          %add3A_450 = arith.addi %add3A_449, %add3A_228 : i32
          %mul3A_451 = arith.constant 768 : i32
          %mul3A_452 = arith.muli %add3A_263, %mul3A_451 : i32
          %add3A_453 = arith.constant 500 : i32
          %add3A_454 = arith.addi %mul3A_452, %add3A_453 : i32
          %add3A_455 = arith.addi %add3A_454, %add3A_264 : i32
          %ne3A_456 = arith.cmpi ne, %add3A_450, %add3A_455 : i32
          %or3A_457 = arith.constant false
          %or3A_458 = arith.ori %or3A_457, %ne3A_456 : i1
          %or3A_459 = arith.constant false
          %or3A_460 = arith.ori %or3A_458, %or3A_459 : i1
          %or3A_461 = arith.constant false
          %or3A_462 = arith.ori %or3A_460, %or3A_461 : i1
          %or3A_463 = arith.ori %or3A_462, %eq3A_225 : i1
          %add3A_464 = arith.constant 1 : i32
          %add3A_465 = arith.addi %while3A_214, %add3A_464 : i32
          %select_n3A_466 = arith.select %or3A_463, %add3A_465, %while3A_214 : i32
          %add3A_467 = arith.constant 1 : i32
          %add3A_468 = arith.addi %while3A_218, %add3A_467 : i32
          %select_n3A_469 = arith.constant true
          %select_n3A_470 = arith.select %select_n3A_469, %add3A_468, %while3A_218 : i32
          %eq3A_471 = arith.cmpi eq, %select_n3A_470, %select_n3A : i32
          %select_n3A_472 = arith.constant 0 : i32
          %select_n3A_473 = arith.select %eq3A_471, %select_n3A_472, %select_n3A_470 : i32
          %add3A_474 = arith.constant 1 : i32
          %add3A_475 = arith.addi %while3A_217, %add3A_474 : i32
          %select_n3A_476 = arith.select %eq3A_471, %add3A_475, %while3A_217 : i32
          %eq3A_477 = arith.constant 4 : i32
          %eq3A_478 = arith.cmpi eq, %select_n3A_476, %eq3A_477 : i32
          %select_n3A_479 = arith.constant 0 : i32
          %select_n3A_480 = arith.select %eq3A_478, %select_n3A_479, %select_n3A_476 : i32
          scf.yield %select_n3A_309, %select_n3A_466, %select_n3A_402, %select_n3A_445, %select_n3A_480, %select_n3A_473 : i32, i32, i32, i32, i32, i32
        }
        %sub3A_125 = arith.constant 1 : i32
        %sub3A_126 = arith.subi %while3A_124#5, %sub3A_125 : i32
        %select_n3A_127 = arith.constant true
        %select_n3A_128 = arith.select %select_n3A_127, %sub3A_126, %while3A_124#5 : i32
        %eq3A_129 = arith.constant -1 : i32
        %eq3A_130 = arith.cmpi eq, %select_n3A_128, %eq3A_129 : i32
        %sub3A_131 = arith.constant 1 : i32
        %sub3A_132 = arith.subi %select_n3A, %sub3A_131 : i32
        %select_n3A_133 = arith.select %eq3A_130, %sub3A_132, %select_n3A_128 : i32
        %sub3A_134 = arith.constant 1 : i32
        %sub3A_135 = arith.subi %while3A_124#4, %sub3A_134 : i32
        %select_n3A_136 = arith.select %eq3A_130, %sub3A_135, %while3A_124#4 : i32
        %eq3A_137 = arith.constant -1 : i32
        %eq3A_138 = arith.cmpi eq, %select_n3A_136, %eq3A_137 : i32
        %select_n3A_139 = arith.constant 3 : i32
        %select_n3A_140 = arith.select %eq3A_138, %select_n3A_139, %select_n3A_136 : i32
        %sub3A_141 = arith.constant 1 : i32
        %sub3A_142 = arith.subi %mul3A_16, %sub3A_141 : i32
        %mul3A_143 = arith.constant 4 : i32
        %mul3A_144 = arith.muli %mul3A_143, %select_n3A : i32
        %eq3A_145 = arith.constant 0 : i32
        %eq3A_146 = arith.cmpi eq, %sub3A_142, %eq3A_145 : i32
        %sub3A_147 = arith.constant 1 : i32
        %sub3A_148 = arith.subi %mul3A_144, %sub3A_147 : i32
        %eq3A_149 = arith.cmpi eq, %sub3A_142, %sub3A_148 : i32
        %add3A_150 = arith.constant 0 : i32
        %add3A_151 = arith.addi %select_n3A_140, %add3A_150 : i32
        %add3A_152 = arith.addi %select_n3A_133, %select_n3A_14 : i32
        %sub3A_153 = arith.constant 1 : i32
        %sub3A_154 = arith.subi %select_n3A_133, %sub3A_153 : i32
        %select_n3A_155 = arith.constant true
        %select_n3A_156 = arith.select %select_n3A_155, %sub3A_154, %select_n3A_133 : i32
        %eq3A_157 = arith.constant -1 : i32
        %eq3A_158 = arith.cmpi eq, %select_n3A_156, %eq3A_157 : i32
        %sub3A_159 = arith.constant 1 : i32
        %sub3A_160 = arith.subi %select_n3A, %sub3A_159 : i32
        %select_n3A_161 = arith.select %eq3A_158, %sub3A_160, %select_n3A_156 : i32
        %sub3A_162 = arith.constant 1 : i32
        %sub3A_163 = arith.subi %select_n3A_140, %sub3A_162 : i32
        %select_n3A_164 = arith.select %eq3A_158, %sub3A_163, %select_n3A_140 : i32
        %eq3A_165 = arith.constant -1 : i32
        %eq3A_166 = arith.cmpi eq, %select_n3A_164, %eq3A_165 : i32
        %select_n3A_167 = arith.constant 3 : i32
        %select_n3A_168 = arith.select %eq3A_166, %select_n3A_167, %select_n3A_164 : i32
        %add3A_169 = arith.constant 0 : i32
        %add3A_170 = arith.addi %select_n3A_168, %add3A_169 : i32
        %add3A_171 = arith.addi %select_n3A_161, %select_n3A_14 : i32
        %add3A_172 = arith.constant 1 : i32
        %add3A_173 = arith.addi %select_n3A_133, %add3A_172 : i32
        %select_n3A_174 = arith.constant true
        %select_n3A_175 = arith.select %select_n3A_174, %add3A_173, %select_n3A_133 : i32
        %eq3A_176 = arith.cmpi eq, %select_n3A_175, %select_n3A : i32
        %select_n3A_177 = arith.constant 0 : i32
        %select_n3A_178 = arith.select %eq3A_176, %select_n3A_177, %select_n3A_175 : i32
        %add3A_179 = arith.constant 1 : i32
        %add3A_180 = arith.addi %select_n3A_140, %add3A_179 : i32
        %select_n3A_181 = arith.select %eq3A_176, %add3A_180, %select_n3A_140 : i32
        %eq3A_182 = arith.constant 4 : i32
        %eq3A_183 = arith.cmpi eq, %select_n3A_181, %eq3A_182 : i32
        %select_n3A_184 = arith.constant 0 : i32
        %select_n3A_185 = arith.select %eq3A_183, %select_n3A_184, %select_n3A_181 : i32
        %add3A_186 = arith.constant 0 : i32
        %add3A_187 = arith.addi %select_n3A_185, %add3A_186 : i32
        %add3A_188 = arith.addi %select_n3A_178, %select_n3A_14 : i32
        %add3A_189 = arith.constant 1 : i32
        %add3A_190 = arith.addi %select_n3A_178, %add3A_189 : i32
        %select_n3A_191 = arith.constant true
        %select_n3A_192 = arith.select %select_n3A_191, %add3A_190, %select_n3A_178 : i32
        %eq3A_193 = arith.cmpi eq, %select_n3A_192, %select_n3A : i32
        %select_n3A_194 = arith.constant 0 : i32
        %select_n3A_195 = arith.select %eq3A_193, %select_n3A_194, %select_n3A_192 : i32
        %add3A_196 = arith.constant 1 : i32
        %add3A_197 = arith.addi %select_n3A_185, %add3A_196 : i32
        %select_n3A_198 = arith.select %eq3A_193, %add3A_197, %select_n3A_185 : i32
        %eq3A_199 = arith.constant 4 : i32
        %eq3A_200 = arith.cmpi eq, %select_n3A_198, %eq3A_199 : i32
        %select_n3A_201 = arith.constant 0 : i32
        %select_n3A_202 = arith.select %eq3A_200, %select_n3A_201, %select_n3A_198 : i32
        %add3A_203 = arith.constant 0 : i32
        %add3A_204 = arith.addi %select_n3A_202, %add3A_203 : i32
        %add3A_205 = arith.addi %select_n3A_195, %select_n3A_14 : i32
        %convert_element_type3A_206 = arith.extui %eq3A_149 : i1 to i32
        %cond3A_207 = arith.constant 0 : i32
        %cond3A_208 = arith.cmpi ne, %convert_element_type3A_206, %cond3A_207 : i32
        scf.if %cond3A_208 {
        } else {
        }
        %convert_element_type3A_209 = arith.extui %eq3A_149 : i1 to i32
        %cond3A_210 = arith.constant 0 : i32
        %cond3A_211 = arith.cmpi ne, %convert_element_type3A_209, %cond3A_210 : i32
        scf.if %cond3A_211 {
          "tpu.trace_start"() <{level = 10 : i32, message = "ep_finalize"}> : () -> ()
          %rem3A_212 = arith.constant 2 : i32
          %rem3A_213 = arith.remui %while3A_124#3, %rem3A_212 : i32
          %mul3A_214 = arith.constant 1 : i32
          %mul3A_215 = arith.muli %mul3A_214, %add3A_151 : i32
          %mul3A_216 = arith.constant 128 : i32
          %mul3A_217 = arith.muli %mul3A_216, %add3A_152 : i32
          %dma_wait3A = arith.constant 0 : i32
          %dma_wait3A_218 = arith.constant 0 : i32
          %dma_wait3A_219 = arith.constant 0 : i32
          %dma_wait3A_220 = tpu.memref_slice %run_scoped3A_18[%rem3A_213, %dma_wait3A, %dma_wait3A_218, %dma_wait3A_219] : memref<2x1x128x128xi32, #tpu.memory_space<vmem>> -> memref<1x1x128x128xi32, #tpu.memory_space<vmem>>
          %dma_wait3A_221 = tpu.memref_squeeze %dma_wait3A_220 : memref<1x1x128x128xi32, #tpu.memory_space<vmem>> -> memref<1x128x128xi32, #tpu.memory_space<vmem>>
          %dma_wait3A_222 = arith.constant 0 : i32
          %dma_wait3A_223 = tpu.memref_slice %arg4[%mul3A_215, %mul3A_217, %dma_wait3A_222] : memref<4x32000x128xi32, #tpu.memory_space<hbm>> -> memref<1x128x128xi32, #tpu.memory_space<hbm>>
          %dma_wait3A_224 = tpu.memref_slice %run_scoped3A_19[%rem3A_213] : memref<2x!tpu.dma_semaphore, #tpu.memory_space<semaphore_mem>> -> memref<1x!tpu.dma_semaphore, #tpu.memory_space<semaphore_mem>>
          %dma_wait3A_225 = tpu.memref_squeeze %dma_wait3A_224 : memref<1x!tpu.dma_semaphore, #tpu.memory_space<semaphore_mem>> -> memref<!tpu.dma_semaphore, #tpu.memory_space<semaphore_mem>>
          %dma_wait3A_226 = arith.constant 0 : i32
          %dma_wait3A_227 = tpu.memref_slice %arg4[%mul3A_215, %mul3A_217, %dma_wait3A_226] : memref<4x32000x128xi32, #tpu.memory_space<hbm>> -> memref<1x128x128xi32, #tpu.memory_space<hbm>>
          %dma_wait3A_228 = arith.constant 0 : i32
          %dma_wait3A_229 = arith.constant 0 : i32
          %dma_wait3A_230 = arith.constant 0 : i32
          %dma_wait3A_231 = tpu.memref_slice %run_scoped3A_18[%rem3A_213, %dma_wait3A_228, %dma_wait3A_229, %dma_wait3A_230] : memref<2x1x128x128xi32, #tpu.memory_space<vmem>> -> memref<1x1x128x128xi32, #tpu.memory_space<vmem>>
          %dma_wait3A_232 = tpu.memref_squeeze %dma_wait3A_231 : memref<1x1x128x128xi32, #tpu.memory_space<vmem>> -> memref<1x128x128xi32, #tpu.memory_space<vmem>>
          tpu.wait_dma2 semaphore(%dma_wait3A_225 : memref<!tpu.dma_semaphore, #tpu.memory_space<semaphore_mem>>) src(%dma_wait3A_232 : memref<1x128x128xi32, #tpu.memory_space<vmem>>) dst(%dma_wait3A_227 : memref<1x128x128xi32, #tpu.memory_space<hbm>>)
          "tpu.trace_stop"() : () -> ()
        } else {
        }
      } else {
      }
      tpu.yield
    }) : () -> ()
    return
  }
}

#map = affine_map<(d0, d1) -> (0, 0)>
#map1 = affine_map<(d0, d1) -> (0, 0, 0)>
module attributes {stable_mosaic.version = 14 : i64} {
  func.func @k(%arg0: i32, %arg1: i32, %arg2: memref<174080x128xi32, #tpu.memory_space<hbm>>, %arg3: memref<3072x1x128xi32, #tpu.memory_space<hbm>>, %arg4: memref<4x32000x128xi32, #tpu.memory_space<hbm>>) attributes {dimension_semantics = [#tpu.dimension_semantics<core_parallel>, #tpu.dimension_semantics<subcore_parallel>], iteration_bounds = array<i64: 2, 16>, scalar_prefetch = 0 : i64, scratch_operands = 0 : i64, tpu.core_type = #tpu.core_type<sc_vector_subcore>, window_params = [{transform_indices = #map}, {transform_indices = #map1}, {transform_indices = #map1}]} {
    %mul3A = arith.constant 1 : i32
    %mul3A_0 = arith.muli %arg1, %mul3A : i32
    %add3A = arith.constant 0 : i32
    %add3A_1 = arith.addi %add3A, %mul3A_0 : i32
    %mul3A_2 = arith.constant 16 : i32
    %mul3A_3 = arith.muli %arg0, %mul3A_2 : i32
    %add3A_4 = arith.addi %add3A_1, %mul3A_3 : i32
    %lt3A = arith.constant 26 : i32
    %lt3A_5 = arith.cmpi slt, %add3A_4, %lt3A : i32
    %jit3A = arith.constant 8 : i32
    %jit3A_6 = arith.constant 7 : i32
    %select_n3A = arith.select %lt3A_5, %jit3A, %jit3A_6 : i32
    %lt3A_7 = arith.constant 26 : i32
    %lt3A_8 = arith.cmpi slt, %add3A_4, %lt3A_7 : i32
    %mul3A_9 = arith.muli %add3A_4, %select_n3A : i32
    %mul3A_10 = arith.constant 7 : i32
    %mul3A_11 = arith.muli %add3A_4, %mul3A_10 : i32
    %add3A_12 = arith.constant 26 : i32
    %add3A_13 = arith.addi %mul3A_11, %add3A_12 : i32
    %select_n3A_14 = arith.select %lt3A_8, %mul3A_9, %add3A_13 : i32
    %mul3A_15 = arith.constant 4 : i32
    %mul3A_16 = arith.muli %mul3A_15, %select_n3A : i32
    "tpu.region"() ({
      %run_scoped3A = memref.alloca() : memref<2x1x1x128xi32, #tpu.memory_space<vmem>>
      %run_scoped3A_17 = tpu.sem_alloc : memref<2x!tpu.dma_semaphore, #tpu.memory_space<semaphore_mem>>
      %run_scoped3A_18 = memref.alloca() : memref<2x1x128x128xi32, #tpu.memory_space<vmem>>
      %run_scoped3A_19 = tpu.sem_alloc : memref<2x!tpu.dma_semaphore, #tpu.memory_space<semaphore_mem>>
      %gt3A = arith.constant 0 : i32
      %gt3A_20 = arith.cmpi sgt, %mul3A_16, %gt3A : i32
      %convert_element_type3A = arith.extui %gt3A_20 : i1 to i32
      %cond3A = arith.constant 0 : i32
      %cond3A_21 = arith.cmpi ne, %convert_element_type3A, %cond3A : i32
      scf.if %cond3A_21 {
        %mul3A_22 = arith.constant 4 : i32
        %mul3A_23 = arith.muli %mul3A_22, %select_n3A : i32
        %sub3A = arith.constant 1 : i32
        %sub3A_24 = arith.subi %mul3A_23, %sub3A : i32
        %eq3A = arith.constant 0 : i32
        %eq3A_25 = arith.cmpi eq, %sub3A_24, %eq3A : i32
        %add3A_26 = arith.constant 0 : i32
        %add3A_27 = arith.addi %add3A_26, %select_n3A_14 : i32
        %select_n3A_28 = arith.constant true
        %select_n3A_29 = arith.constant 0 : i32
        %select_n3A_30 = arith.constant -1 : i32
        %select_n3A_31 = arith.select %select_n3A_28, %select_n3A_30, %select_n3A_29 : i32
        %eq3A_32 = arith.constant -1 : i32
        %eq3A_33 = arith.cmpi eq, %select_n3A_31, %eq3A_32 : i32
        %sub3A_34 = arith.constant 1 : i32
        %sub3A_35 = arith.subi %select_n3A, %sub3A_34 : i32
        %select_n3A_36 = arith.select %eq3A_33, %sub3A_35, %select_n3A_31 : i32
        %select_n3A_37 = arith.constant 0 : i32
        %select_n3A_38 = arith.constant -1 : i32
        %select_n3A_39 = arith.select %eq3A_33, %select_n3A_38, %select_n3A_37 : i32
        %eq3A_40 = arith.constant -1 : i32
        %eq3A_41 = arith.cmpi eq, %select_n3A_39, %eq3A_40 : i32
        %select_n3A_42 = arith.constant 3 : i32
        %select_n3A_43 = arith.select %eq3A_41, %select_n3A_42, %select_n3A_39 : i32
        %add3A_44 = arith.constant 0 : i32
        %add3A_45 = arith.addi %select_n3A_43, %add3A_44 : i32
        %add3A_46 = arith.addi %select_n3A_36, %select_n3A_14 : i32
        %select_n3A_47 = arith.constant true
        %select_n3A_48 = arith.constant 0 : i32
        %select_n3A_49 = arith.constant 1 : i32
        %select_n3A_50 = arith.select %select_n3A_47, %select_n3A_49, %select_n3A_48 : i32
        %eq3A_51 = arith.cmpi eq, %select_n3A_50, %select_n3A : i32
        %select_n3A_52 = arith.constant 0 : i32
        %select_n3A_53 = arith.select %eq3A_51, %select_n3A_52, %select_n3A_50 : i32
        %select_n3A_54 = arith.constant 0 : i32
        %select_n3A_55 = arith.constant 1 : i32
        %select_n3A_56 = arith.select %eq3A_51, %select_n3A_55, %select_n3A_54 : i32
        %eq3A_57 = arith.constant 4 : i32
        %eq3A_58 = arith.cmpi eq, %select_n3A_56, %eq3A_57 : i32
        %select_n3A_59 = arith.constant 0 : i32
        %select_n3A_60 = arith.select %eq3A_58, %select_n3A_59, %select_n3A_56 : i32
        %add3A_61 = arith.constant 0 : i32
        %add3A_62 = arith.addi %select_n3A_60, %add3A_61 : i32
        %add3A_63 = arith.addi %select_n3A_53, %select_n3A_14 : i32
        %add3A_64 = arith.constant 1 : i32
        %add3A_65 = arith.addi %select_n3A_53, %add3A_64 : i32
        %select_n3A_66 = arith.constant true
        %select_n3A_67 = arith.select %select_n3A_66, %add3A_65, %select_n3A_53 : i32
        %eq3A_68 = arith.cmpi eq, %select_n3A_67, %select_n3A : i32
        %select_n3A_69 = arith.constant 0 : i32
        %select_n3A_70 = arith.select %eq3A_68, %select_n3A_69, %select_n3A_67 : i32
        %add3A_71 = arith.constant 1 : i32
        %add3A_72 = arith.addi %select_n3A_60, %add3A_71 : i32
        %select_n3A_73 = arith.select %eq3A_68, %add3A_72, %select_n3A_60 : i32
        %eq3A_74 = arith.constant 4 : i32
        %eq3A_75 = arith.cmpi eq, %select_n3A_73, %eq3A_74 : i32
        %select_n3A_76 = arith.constant 0 : i32
        %select_n3A_77 = arith.select %eq3A_75, %select_n3A_76, %select_n3A_73 : i32
        %add3A_78 = arith.constant 0 : i32
        %add3A_79 = arith.addi %select_n3A_77, %add3A_78 : i32
        %add3A_80 = arith.addi %select_n3A_70, %select_n3A_14 : i32
        "tpu.trace_start"() <{level = 10 : i32, message = "ep_initialize_0"}> : () -> ()
        %rem3A = arith.constant 0 : i32
        %rem3A_81 = arith.constant 2 : i32
        %rem3A_82 = arith.remui %rem3A, %rem3A_81 : i32
        %add3A_83 = arith.constant 0 : i32
        %add3A_84 = arith.addi %add3A_83, %add3A_27 : i32
        %mul3A_85 = arith.constant 1 : i32
        %mul3A_86 = arith.muli %mul3A_85, %add3A_84 : i32
        %dma_start3A = arith.constant 0 : i32
        %dma_start3A_87 = arith.constant 0 : i32
        %dma_start3A_88 = arith.constant 0 : i32
        %dma_start3A_89 = tpu.memref_slice %run_scoped3A[%rem3A_82, %dma_start3A, %dma_start3A_87, %dma_start3A_88] : memref<2x1x1x128xi32, #tpu.memory_space<vmem>> -> memref<1x1x1x128xi32, #tpu.memory_space<vmem>>
        %dma_start3A_90 = tpu.memref_squeeze %dma_start3A_89 : memref<1x1x1x128xi32, #tpu.memory_space<vmem>> -> memref<1x1x128xi32, #tpu.memory_space<vmem>>
        %dma_start3A_91 = arith.constant 0 : i32
        %dma_start3A_92 = arith.constant 0 : i32
        %dma_start3A_93 = tpu.memref_slice %arg3[%mul3A_86, %dma_start3A_91, %dma_start3A_92] : memref<3072x1x128xi32, #tpu.memory_space<hbm>> -> memref<1x1x128xi32, #tpu.memory_space<hbm>>
        %dma_start3A_94 = tpu.memref_slice %run_scoped3A_17[%rem3A_82] : memref<2x!tpu.dma_semaphore, #tpu.memory_space<semaphore_mem>> -> memref<1x!tpu.dma_semaphore, #tpu.memory_space<semaphore_mem>>
        %dma_start3A_95 = tpu.memref_squeeze %dma_start3A_94 : memref<1x!tpu.dma_semaphore, #tpu.memory_space<semaphore_mem>> -> memref<!tpu.dma_semaphore, #tpu.memory_space<semaphore_mem>>
        %dma_start3A_96 = arith.constant 0 : i32
        %dma_start3A_97 = arith.constant 0 : i32
        %dma_start3A_98 = arith.constant 0 : i32
        %dma_start3A_99 = tpu.memref_slice %run_scoped3A[%rem3A_82, %dma_start3A_96, %dma_start3A_97, %dma_start3A_98] : memref<2x1x1x128xi32, #tpu.memory_space<vmem>> -> memref<1x1x1x128xi32, #tpu.memory_space<vmem>>
        %dma_start3A_100 = tpu.memref_squeeze %dma_start3A_99 : memref<1x1x1x128xi32, #tpu.memory_space<vmem>> -> memref<1x1x128xi32, #tpu.memory_space<vmem>>
        %dma_start3A_101 = arith.constant 0 : i32
        %dma_start3A_102 = arith.constant 0 : i32
        %dma_start3A_103 = tpu.memref_slice %arg3[%mul3A_86, %dma_start3A_101, %dma_start3A_102] : memref<3072x1x128xi32, #tpu.memory_space<hbm>> -> memref<1x1x128xi32, #tpu.memory_space<hbm>>
        tpu.enqueue_dma source(%dma_start3A_103 : memref<1x1x128xi32, #tpu.memory_space<hbm>>) target(%dma_start3A_100 : memref<1x1x128xi32, #tpu.memory_space<vmem>>) target_semaphore(%dma_start3A_95 : memref<!tpu.dma_semaphore, #tpu.memory_space<semaphore_mem>>)
        %add3A_104 = arith.constant 0 : i32
        %add3A_105 = arith.constant 1 : i32
        %add3A_106 = arith.addi %add3A_104, %add3A_105 : i32
        %select_n3A_107 = arith.constant true
        %select_n3A_108 = arith.constant 0 : i32
        %select_n3A_109 = arith.select %select_n3A_107, %add3A_106, %select_n3A_108 : i32
        %while3A = arith.constant 0 : i32
        %while3A_110 = arith.constant 0 : i32
        %while3A_111 = arith.constant 0 : i32
        %while3A_112 = arith.constant 0 : i32
        %while3A_113 = arith.constant 0 : i32
        %while3A_114 = arith.constant 0 : i32
        "tpu.trace_stop"() : () -> ()
        %while3A_115 = arith.subi %mul3A_16, %while3A : i32
        %while3A_116 = arith.addi %while3A, %while3A_115 : i32
        %while3A_117 = arith.constant 1 : i32
        %while3A_118 = arith.divsi %while3A_115, %while3A_117 : i32
        %while3A_119 = arith.muli %while3A_118, %while3A_117 : i32
        %while3A_120 = arith.addi %while3A, %while3A_119 : i32
        %while3A_121 = arith.constant 1 : i32
        %while3A_122:6 = scf.for %while3A_212 = %while3A to %while3A_120 step %while3A_121 iter_args(%while3A_213 = %select_n3A_109, %while3A_214 = %while3A_110, %while3A_215 = %while3A_111, %while3A_216 = %while3A_112, %while3A_217 = %while3A_113, %while3A_218 = %while3A_114) -> (i32, i32, i32, i32, i32, i32)  : i32 {
          %mul3A_219 = arith.constant 4 : i32
          %mul3A_220 = arith.muli %mul3A_219, %select_n3A : i32
          %eq3A_221 = arith.constant 0 : i32
          %eq3A_222 = arith.cmpi eq, %while3A_212, %eq3A_221 : i32
          %sub3A_223 = arith.constant 1 : i32
          %sub3A_224 = arith.subi %mul3A_220, %sub3A_223 : i32
          %eq3A_225 = arith.cmpi eq, %while3A_212, %sub3A_224 : i32
          %add3A_226 = arith.constant 0 : i32
          %add3A_227 = arith.addi %while3A_217, %add3A_226 : i32
          %add3A_228 = arith.addi %while3A_218, %select_n3A_14 : i32
          %sub3A_229 = arith.constant 1 : i32
          %sub3A_230 = arith.subi %while3A_218, %sub3A_229 : i32
          %select_n3A_231 = arith.constant true
          %select_n3A_232 = arith.select %select_n3A_231, %sub3A_230, %while3A_218 : i32
          %eq3A_233 = arith.constant -1 : i32
          %eq3A_234 = arith.cmpi eq, %select_n3A_232, %eq3A_233 : i32
          %sub3A_235 = arith.constant 1 : i32
          %sub3A_236 = arith.subi %select_n3A, %sub3A_235 : i32
          %select_n3A_237 = arith.select %eq3A_234, %sub3A_236, %select_n3A_232 : i32
          %sub3A_238 = arith.constant 1 : i32
          %sub3A_239 = arith.subi %while3A_217, %sub3A_238 : i32
          %select_n3A_240 = arith.select %eq3A_234, %sub3A_239, %while3A_217 : i32
          %eq3A_241 = arith.constant -1 : i32
          %eq3A_242 = arith.cmpi eq, %select_n3A_240, %eq3A_241 : i32
          %select_n3A_243 = arith.constant 3 : i32
          %select_n3A_244 = arith.select %eq3A_242, %select_n3A_243, %select_n3A_240 : i32
          %add3A_245 = arith.constant 0 : i32
          %add3A_246 = arith.addi %select_n3A_244, %add3A_245 : i32
          %add3A_247 = arith.addi %select_n3A_237, %select_n3A_14 : i32
          %add3A_248 = arith.constant 1 : i32
          %add3A_249 = arith.addi %while3A_218, %add3A_248 : i32
          %select_n3A_250 = arith.constant true
          %select_n3A_251 = arith.select %select_n3A_250, %add3A_249, %while3A_218 : i32
          %eq3A_252 = arith.cmpi eq, %select_n3A_251, %select_n3A : i32
          %select_n3A_253 = arith.constant 0 : i32
          %select_n3A_254 = arith.select %eq3A_252, %select_n3A_253, %select_n3A_251 : i32
          %add3A_255 = arith.constant 1 : i32
          %add3A_256 = arith.addi %while3A_217, %add3A_255 : i32
          %select_n3A_257 = arith.select %eq3A_252, %add3A_256, %while3A_217 : i32
          %eq3A_258 = arith.constant 4 : i32
          %eq3A_259 = arith.cmpi eq, %select_n3A_257, %eq3A_258 : i32
          %select_n3A_260 = arith.constant 0 : i32
          %select_n3A_261 = arith.select %eq3A_259, %select_n3A_260, %select_n3A_257 : i32
          %add3A_262 = arith.constant 0 : i32
          %add3A_263 = arith.addi %select_n3A_261, %add3A_262 : i32
          %add3A_264 = arith.addi %select_n3A_254, %select_n3A_14 : i32
          %add3A_265 = arith.constant 1 : i32
          %add3A_266 = arith.addi %select_n3A_254, %add3A_265 : i32
          %select_n3A_267 = arith.constant true
          %select_n3A_268 = arith.select %select_n3A_267, %add3A_266, %select_n3A_254 : i32
          %eq3A_269 = arith.cmpi eq, %select_n3A_268, %select_n3A : i32
          %select_n3A_270 = arith.constant 0 : i32
          %select_n3A_271 = arith.select %eq3A_269, %select_n3A_270, %select_n3A_268 : i32
          %add3A_272 = arith.constant 1 : i32
          %add3A_273 = arith.addi %select_n3A_261, %add3A_272 : i32
          %select_n3A_274 = arith.select %eq3A_269, %add3A_273, %select_n3A_261 : i32
          %eq3A_275 = arith.constant 4 : i32
          %eq3A_276 = arith.cmpi eq, %select_n3A_274, %eq3A_275 : i32
          %select_n3A_277 = arith.constant 0 : i32
          %select_n3A_278 = arith.select %eq3A_276, %select_n3A_277, %select_n3A_274 : i32
          %add3A_279 = arith.constant 0 : i32
          %add3A_280 = arith.addi %select_n3A_278, %add3A_279 : i32
          %add3A_281 = arith.addi %select_n3A_271, %select_n3A_14 : i32
          %mul3A_282 = arith.constant 768 : i32
          %mul3A_283 = arith.muli %add3A_227, %mul3A_282 : i32
          %add3A_284 = arith.constant 0 : i32
          %add3A_285 = arith.addi %mul3A_283, %add3A_284 : i32
          %add3A_286 = arith.addi %add3A_285, %add3A_228 : i32
          %mul3A_287 = arith.constant 768 : i32
          %mul3A_288 = arith.muli %add3A_263, %mul3A_287 : i32
          %add3A_289 = arith.constant 0 : i32
          %add3A_290 = arith.addi %mul3A_288, %add3A_289 : i32
          %add3A_291 = arith.addi %add3A_290, %add3A_264 : i32
          %ne3A = arith.cmpi ne, %add3A_286, %add3A_291 : i32
          %or3A = arith.constant false
          %or3A_292 = arith.ori %or3A, %ne3A : i1
          %or3A_293 = arith.constant false
          %or3A_294 = arith.ori %or3A_292, %or3A_293 : i1
          %or3A_295 = arith.constant false
          %or3A_296 = arith.ori %or3A_294, %or3A_295 : i1
          %sub3A_297 = arith.constant 2 : i32
          %sub3A_298 = arith.subi %mul3A_220, %sub3A_297 : i32
          %add3A_299 = arith.constant 1 : i32
          %add3A_300 = arith.addi %sub3A_298, %add3A_299 : i32
          %ge3A = arith.cmpi sge, %while3A_212, %add3A_300 : i32
          %not3A = arith.constant true
          %not3A_301 = arith.xori %ge3A, %not3A : i1
          %and3A = arith.andi %or3A_296, %not3A_301 : i1
          %convert_element_type3A_302 = arith.extui %and3A : i1 to i32
          %cond3A_303 = arith.constant 0 : i32
          %cond3A_304 = arith.cmpi ne, %convert_element_type3A_302, %cond3A_303 : i32
          scf.if %cond3A_304 {
            "tpu.trace_start"() <{level = 10 : i32, message = "ep_copy_in"}> : () -> ()
            %rem3A_481 = arith.constant 2 : i32
            %rem3A_482 = arith.remui %while3A_213, %rem3A_481 : i32
            %mul3A_483 = arith.constant 768 : i32
            %mul3A_484 = arith.muli %add3A_263, %mul3A_483 : i32
            %add3A_485 = arith.constant 0 : i32
            %add3A_486 = arith.addi %mul3A_484, %add3A_485 : i32
            %add3A_487 = arith.addi %add3A_486, %add3A_264 : i32
            %mul3A_488 = arith.constant 1 : i32
            %mul3A_489 = arith.muli %mul3A_488, %add3A_487 : i32
            %dma_start3A_490 = arith.constant 0 : i32
            %dma_start3A_491 = arith.constant 0 : i32
            %dma_start3A_492 = arith.constant 0 : i32
            %dma_start3A_493 = tpu.memref_slice %run_scoped3A[%rem3A_482, %dma_start3A_490, %dma_start3A_491, %dma_start3A_492] : memref<2x1x1x128xi32, #tpu.memory_space<vmem>> -> memref<1x1x1x128xi32, #tpu.memory_space<vmem>>
            %dma_start3A_494 = tpu.memref_squeeze %dma_start3A_493 : memref<1x1x1x128xi32, #tpu.memory_space<vmem>> -> memref<1x1x128xi32, #tpu.memory_space<vmem>>
            %dma_start3A_495 = arith.constant 0 : i32
            %dma_start3A_496 = arith.constant 0 : i32
            %dma_start3A_497 = tpu.memref_slice %arg3[%mul3A_489, %dma_start3A_495, %dma_start3A_496] : memref<3072x1x128xi32, #tpu.memory_space<hbm>> -> memref<1x1x128xi32, #tpu.memory_space<hbm>>
            %dma_start3A_498 = tpu.memref_slice %run_scoped3A_17[%rem3A_482] : memref<2x!tpu.dma_semaphore, #tpu.memory_space<semaphore_mem>> -> memref<1x!tpu.dma_semaphore, #tpu.memory_space<semaphore_mem>>
            %dma_start3A_499 = tpu.memref_squeeze %dma_start3A_498 : memref<1x!tpu.dma_semaphore, #tpu.memory_space<semaphore_mem>> -> memref<!tpu.dma_semaphore, #tpu.memory_space<semaphore_mem>>
            %dma_start3A_500 = arith.constant 0 : i32
            %dma_start3A_501 = arith.constant 0 : i32
            %dma_start3A_502 = arith.constant 0 : i32
            %dma_start3A_503 = tpu.memref_slice %run_scoped3A[%rem3A_482, %dma_start3A_500, %dma_start3A_501, %dma_start3A_502] : memref<2x1x1x128xi32, #tpu.memory_space<vmem>> -> memref<1x1x1x128xi32, #tpu.memory_space<vmem>>
            %dma_start3A_504 = tpu.memref_squeeze %dma_start3A_503 : memref<1x1x1x128xi32, #tpu.memory_space<vmem>> -> memref<1x1x128xi32, #tpu.memory_space<vmem>>
            %dma_start3A_505 = arith.constant 0 : i32
            %dma_start3A_506 = arith.constant 0 : i32
            %dma_start3A_507 = tpu.memref_slice %arg3[%mul3A_489, %dma_start3A_505, %dma_start3A_506] : memref<3072x1x128xi32, #tpu.memory_space<hbm>> -> memref<1x1x128xi32, #tpu.memory_space<hbm>>
            tpu.enqueue_dma source(%dma_start3A_507 : memref<1x1x128xi32, #tpu.memory_space<hbm>>) target(%dma_start3A_504 : memref<1x1x128xi32, #tpu.memory_space<vmem>>) target_semaphore(%dma_start3A_499 : memref<!tpu.dma_semaphore, #tpu.memory_space<semaphore_mem>>)
            "tpu.trace_stop"() : () -> ()
          } else {
          }
          %and3A_305 = arith.constant true
          %and3A_306 = arith.andi %and3A, %and3A_305 : i1
          %add3A_307 = arith.constant 1 : i32
          %add3A_308 = arith.addi %while3A_213, %add3A_307 : i32
          %select_n3A_309 = arith.select %and3A_306, %add3A_308, %while3A_213 : i32
          %ne3A_310 = arith.cmpi ne, %add3A_227, %add3A_263 : i32
          %ne3A_311 = arith.cmpi ne, %add3A_228, %add3A_264 : i32
          %or3A_312 = arith.constant false
          %or3A_313 = arith.ori %or3A_312, %ne3A_310 : i1
          %or3A_314 = arith.ori %or3A_313, %ne3A_311 : i1
          %or3A_315 = arith.constant false
          %or3A_316 = arith.ori %or3A_314, %or3A_315 : i1
          %sub3A_317 = arith.constant 2 : i32
          %sub3A_318 = arith.subi %mul3A_220, %sub3A_317 : i32
          %add3A_319 = arith.constant 1 : i32
          %add3A_320 = arith.addi %sub3A_318, %add3A_319 : i32
          %ge3A_321 = arith.cmpi sge, %while3A_212, %add3A_320 : i32
          %not3A_322 = arith.constant true
          %not3A_323 = arith.xori %ge3A_321, %not3A_322 : i1
          %and3A_324 = arith.andi %or3A_316, %not3A_323 : i1
          %mul3A_325 = arith.constant 768 : i32
          %mul3A_326 = arith.muli %add3A_227, %mul3A_325 : i32
          %add3A_327 = arith.constant 0 : i32
          %add3A_328 = arith.addi %mul3A_326, %add3A_327 : i32
          %add3A_329 = arith.addi %add3A_328, %add3A_228 : i32
          %mul3A_330 = arith.constant 768 : i32
          %mul3A_331 = arith.muli %add3A_246, %mul3A_330 : i32
          %add3A_332 = arith.constant 0 : i32
          %add3A_333 = arith.addi %mul3A_331, %add3A_332 : i32
          %add3A_334 = arith.addi %add3A_333, %add3A_247 : i32
          %ne3A_335 = arith.cmpi ne, %add3A_329, %add3A_334 : i32
          %or3A_336 = arith.constant false
          %or3A_337 = arith.ori %or3A_336, %ne3A_335 : i1
          %or3A_338 = arith.constant false
          %or3A_339 = arith.ori %or3A_337, %or3A_338 : i1
          %or3A_340 = arith.constant false
          %or3A_341 = arith.ori %or3A_339, %or3A_340 : i1
          %or3A_342 = arith.ori %or3A_341, %eq3A_222 : i1
          %convert_element_type3A_343 = arith.extui %or3A_342 : i1 to i32
          %cond3A_344 = arith.constant 0 : i32
          %cond3A_345 = arith.cmpi ne, %convert_element_type3A_343, %cond3A_344 : i32
          scf.if %cond3A_345 {
            "tpu.trace_start"() <{level = 10 : i32, message = "ep_wait_in"}> : () -> ()
            %mul3A_481 = arith.constant 768 : i32
            %mul3A_482 = arith.muli %add3A_227, %mul3A_481 : i32
            %add3A_483 = arith.constant 0 : i32
            %add3A_484 = arith.addi %mul3A_482, %add3A_483 : i32
            %add3A_485 = arith.addi %add3A_484, %add3A_228 : i32
            %mul3A_486 = arith.constant 1 : i32
            %mul3A_487 = arith.muli %mul3A_486, %add3A_485 : i32
            %rem3A_488 = arith.constant 2 : i32
            %rem3A_489 = arith.remui %while3A_214, %rem3A_488 : i32
            %dma_wait3A = arith.constant 0 : i32
            %dma_wait3A_490 = arith.constant 0 : i32
            %dma_wait3A_491 = arith.constant 0 : i32
            %dma_wait3A_492 = tpu.memref_slice %run_scoped3A[%rem3A_489, %dma_wait3A, %dma_wait3A_490, %dma_wait3A_491] : memref<2x1x1x128xi32, #tpu.memory_space<vmem>> -> memref<1x1x1x128xi32, #tpu.memory_space<vmem>>
            %dma_wait3A_493 = tpu.memref_squeeze %dma_wait3A_492 : memref<1x1x1x128xi32, #tpu.memory_space<vmem>> -> memref<1x1x128xi32, #tpu.memory_space<vmem>>
            %dma_wait3A_494 = arith.constant 0 : i32
            %dma_wait3A_495 = arith.constant 0 : i32
            %dma_wait3A_496 = tpu.memref_slice %arg3[%mul3A_487, %dma_wait3A_494, %dma_wait3A_495] : memref<3072x1x128xi32, #tpu.memory_space<hbm>> -> memref<1x1x128xi32, #tpu.memory_space<hbm>>
            %dma_wait3A_497 = tpu.memref_slice %run_scoped3A_17[%rem3A_489] : memref<2x!tpu.dma_semaphore, #tpu.memory_space<semaphore_mem>> -> memref<1x!tpu.dma_semaphore, #tpu.memory_space<semaphore_mem>>
            %dma_wait3A_498 = tpu.memref_squeeze %dma_wait3A_497 : memref<1x!tpu.dma_semaphore, #tpu.memory_space<semaphore_mem>> -> memref<!tpu.dma_semaphore, #tpu.memory_space<semaphore_mem>>
            %dma_wait3A_499 = arith.constant 0 : i32
            %dma_wait3A_500 = arith.constant 0 : i32
            %dma_wait3A_501 = arith.constant 0 : i32
            %dma_wait3A_502 = tpu.memref_slice %run_scoped3A[%rem3A_489, %dma_wait3A_499, %dma_wait3A_500, %dma_wait3A_501] : memref<2x1x1x128xi32, #tpu.memory_space<vmem>> -> memref<1x1x1x128xi32, #tpu.memory_space<vmem>>
            %dma_wait3A_503 = tpu.memref_squeeze %dma_wait3A_502 : memref<1x1x1x128xi32, #tpu.memory_space<vmem>> -> memref<1x1x128xi32, #tpu.memory_space<vmem>>
            %dma_wait3A_504 = arith.constant 0 : i32
            %dma_wait3A_505 = arith.constant 0 : i32
            %dma_wait3A_506 = tpu.memref_slice %arg3[%mul3A_487, %dma_wait3A_504, %dma_wait3A_505] : memref<3072x1x128xi32, #tpu.memory_space<hbm>> -> memref<1x1x128xi32, #tpu.memory_space<hbm>>
            tpu.wait_dma2 semaphore(%dma_wait3A_498 : memref<!tpu.dma_semaphore, #tpu.memory_space<semaphore_mem>>) src(%dma_wait3A_506 : memref<1x1x128xi32, #tpu.memory_space<hbm>>) dst(%dma_wait3A_503 : memref<1x1x128xi32, #tpu.memory_space<vmem>>)
            "tpu.trace_stop"() : () -> ()
          } else {
          }
          %ne3A_346 = arith.cmpi ne, %add3A_227, %add3A_246 : i32
          %ne3A_347 = arith.cmpi ne, %add3A_228, %add3A_247 : i32
          %or3A_348 = arith.constant false
          %or3A_349 = arith.ori %or3A_348, %ne3A_346 : i1
          %or3A_350 = arith.ori %or3A_349, %ne3A_347 : i1
          %or3A_351 = arith.constant false
          %or3A_352 = arith.ori %or3A_350, %or3A_351 : i1
          %or3A_353 = arith.ori %or3A_352, %eq3A_222 : i1
          %convert_element_type3A_354 = arith.extui %or3A_353 : i1 to i32
          %cond3A_355 = arith.constant 0 : i32
          %cond3A_356 = arith.cmpi ne, %convert_element_type3A_354, %cond3A_355 : i32
          scf.if %cond3A_356 {
          } else {
          }
          %rem3A_357 = arith.constant 2 : i32
          %rem3A_358 = arith.remui %while3A_214, %rem3A_357 : i32
          %rem3A_359 = arith.constant 2 : i32
          %rem3A_360 = arith.remui %while3A_215, %rem3A_359 : i32
          %run_scoped3A_361 = arith.constant 0 : i32
          %run_scoped3A_362 = arith.constant 0 : i32
          %run_scoped3A_363 = arith.constant 0 : i32
          "tpu.trace_start"() <{level = 10 : i32, message = "ep_run_kernel"}> : () -> ()
          "tpu.region"() ({
            %run_scoped3A_481 = tpu.sem_alloc : memref<!tpu.dma_semaphore, #tpu.memory_space<semaphore_mem>>
            %dma_start3A_482 = arith.constant 0 : i32
            %dma_start3A_483 = arith.constant 0 : i32
            %dma_start3A_484 = arith.constant 0 : i32
            %dma_start3A_485 = tpu.memref_slice %run_scoped3A_18[%rem3A_360, %dma_start3A_482, %dma_start3A_483, %dma_start3A_484] : memref<2x1x128x128xi32, #tpu.memory_space<vmem>> -> memref<1x1x128x128xi32, #tpu.memory_space<vmem>>
            %dma_start3A_486 = tpu.memref_squeeze %dma_start3A_485 : memref<1x1x128x128xi32, #tpu.memory_space<vmem>> -> memref<1x128x128xi32, #tpu.memory_space<vmem>>
            %dma_start3A_487 = arith.constant 0 : i32
            %dma_start3A_488 = arith.constant 0 : i32
            %dma_start3A_489 = tpu.memref_slice %dma_start3A_486[%run_scoped3A_363, %dma_start3A_487, %dma_start3A_488] : memref<1x128x128xi32, #tpu.memory_space<vmem>> -> memref<1x128x128xi32, #tpu.memory_space<vmem>>
            %dma_start3A_490 = tpu.memref_squeeze %dma_start3A_489 : memref<1x128x128xi32, #tpu.memory_space<vmem>> -> memref<128x128xi32, #tpu.memory_space<vmem>>
            %dma_start3A_491 = arith.constant 0 : i32
            %dma_start3A_492 = arith.constant 0 : i32
            %dma_start3A_493 = arith.constant 0 : i32
            %dma_start3A_494 = tpu.memref_slice %run_scoped3A[%rem3A_358, %dma_start3A_491, %dma_start3A_492, %dma_start3A_493] : memref<2x1x1x128xi32, #tpu.memory_space<vmem>> -> memref<1x1x1x128xi32, #tpu.memory_space<vmem>>
            %dma_start3A_495 = tpu.memref_squeeze %dma_start3A_494 : memref<1x1x1x128xi32, #tpu.memory_space<vmem>> -> memref<1x1x128xi32, #tpu.memory_space<vmem>>
            %dma_start3A_496 = arith.constant 0 : i32
            %dma_start3A_497 = tpu.memref_slice %dma_start3A_495[%run_scoped3A_361, %run_scoped3A_362, %dma_start3A_496] : memref<1x1x128xi32, #tpu.memory_space<vmem>> -> memref<1x1x128xi32, #tpu.memory_space<vmem>>
            %dma_start3A_498 = tpu.memref_squeeze %dma_start3A_497 : memref<1x1x128xi32, #tpu.memory_space<vmem>> -> memref<128xi32, #tpu.memory_space<vmem>>
            %dma_start3A_499 = arith.constant 0 : i32
            %dma_start3A_500 = arith.constant 0 : i32
            %dma_start3A_501 = tpu.memref_slice %arg2[%dma_start3A_499, %dma_start3A_500] : memref<174080x128xi32, #tpu.memory_space<hbm>> -> memref<174080x128xi32, #tpu.memory_space<hbm>>
            tpu.enqueue_indirect_dma source(%dma_start3A_501 : memref<174080x128xi32, #tpu.memory_space<hbm>>) target(%dma_start3A_490 : memref<128x128xi32, #tpu.memory_space<vmem>>) offsets(%dma_start3A_498 : memref<128xi32, #tpu.memory_space<vmem>>) semaphore(%run_scoped3A_481 : memref<!tpu.dma_semaphore, #tpu.memory_space<semaphore_mem>>)
            %dma_wait3A = arith.constant 0 : i32
            %dma_wait3A_502 = arith.constant 0 : i32
            %dma_wait3A_503 = arith.constant 0 : i32
            %dma_wait3A_504 = tpu.memref_slice %run_scoped3A_18[%rem3A_360, %dma_wait3A, %dma_wait3A_502, %dma_wait3A_503] : memref<2x1x128x128xi32, #tpu.memory_space<vmem>> -> memref<1x1x128x128xi32, #tpu.memory_space<vmem>>
            %dma_wait3A_505 = tpu.memref_squeeze %dma_wait3A_504 : memref<1x1x128x128xi32, #tpu.memory_space<vmem>> -> memref<1x128x128xi32, #tpu.memory_space<vmem>>
            %dma_wait3A_506 = arith.constant 0 : i32
            %dma_wait3A_507 = arith.constant 0 : i32
            %dma_wait3A_508 = tpu.memref_slice %dma_wait3A_505[%run_scoped3A_363, %dma_wait3A_506, %dma_wait3A_507] : memref<1x128x128xi32, #tpu.memory_space<vmem>> -> memref<1x128x128xi32, #tpu.memory_space<vmem>>
            %dma_wait3A_509 = tpu.memref_squeeze %dma_wait3A_508 : memref<1x128x128xi32, #tpu.memory_space<vmem>> -> memref<128x128xi32, #tpu.memory_space<vmem>>
            %dma_wait3A_510 = arith.constant 0 : i32
            %dma_wait3A_511 = arith.constant 0 : i32
            %dma_wait3A_512 = arith.constant 0 : i32
            %dma_wait3A_513 = tpu.memref_slice %run_scoped3A[%rem3A_358, %dma_wait3A_510, %dma_wait3A_511, %dma_wait3A_512] : memref<2x1x1x128xi32, #tpu.memory_space<vmem>> -> memref<1x1x1x128xi32, #tpu.memory_space<vmem>>
            %dma_wait3A_514 = tpu.memref_squeeze %dma_wait3A_513 : memref<1x1x1x128xi32, #tpu.memory_space<vmem>> -> memref<1x1x128xi32, #tpu.memory_space<vmem>>
            %dma_wait3A_515 = arith.constant 0 : i32
            %dma_wait3A_516 = tpu.memref_slice %dma_wait3A_514[%run_scoped3A_361, %run_scoped3A_362, %dma_wait3A_515] : memref<1x1x128xi32, #tpu.memory_space<vmem>> -> memref<1x1x128xi32, #tpu.memory_space<vmem>>
            %dma_wait3A_517 = tpu.memref_squeeze %dma_wait3A_516 : memref<1x1x128xi32, #tpu.memory_space<vmem>> -> memref<128xi32, #tpu.memory_space<vmem>>
            %dma_wait3A_518 = arith.constant 0 : i32
            %dma_wait3A_519 = arith.constant 0 : i32
            %dma_wait3A_520 = tpu.memref_slice %arg2[%dma_wait3A_518, %dma_wait3A_519] : memref<174080x128xi32, #tpu.memory_space<hbm>> -> memref<174080x128xi32, #tpu.memory_space<hbm>>
            tpu.wait_indirect_dma semaphore(%run_scoped3A_481 : memref<!tpu.dma_semaphore, #tpu.memory_space<semaphore_mem>>) src(%dma_wait3A_520 : memref<174080x128xi32, #tpu.memory_space<hbm>>) dst(%dma_wait3A_509 : memref<128x128xi32, #tpu.memory_space<vmem>>)
            tpu.yield
          }) : () -> ()
          "tpu.trace_stop"() : () -> ()
          %mul3A_364 = arith.constant 768 : i32
          %mul3A_365 = arith.muli %add3A_227, %mul3A_364 : i32
          %add3A_366 = arith.constant 0 : i32
          %add3A_367 = arith.addi %mul3A_365, %add3A_366 : i32
          %add3A_368 = arith.addi %add3A_367, %add3A_228 : i32
          %mul3A_369 = arith.constant 768 : i32
          %mul3A_370 = arith.muli %add3A_263, %mul3A_369 : i32
          %add3A_371 = arith.constant 0 : i32
          %add3A_372 = arith.addi %mul3A_370, %add3A_371 : i32
          %add3A_373 = arith.addi %add3A_372, %add3A_264 : i32
          %ne3A_374 = arith.cmpi ne, %add3A_368, %add3A_373 : i32
          %or3A_375 = arith.constant false
          %or3A_376 = arith.ori %or3A_375, %ne3A_374 : i1
          %or3A_377 = arith.constant false
          %or3A_378 = arith.ori %or3A_376, %or3A_377 : i1
          %or3A_379 = arith.constant false
          %or3A_380 = arith.ori %or3A_378, %or3A_379 : i1
          %or3A_381 = arith.ori %or3A_380, %eq3A_225 : i1
          %convert_element_type3A_382 = arith.extui %or3A_381 : i1 to i32
          %cond3A_383 = arith.constant 0 : i32
          %cond3A_384 = arith.cmpi ne, %convert_element_type3A_382, %cond3A_383 : i32
          scf.if %cond3A_384 {
          } else {
          }
          %and3A_385 = arith.constant false
          %and3A_386 = arith.andi %or3A_381, %and3A_385 : i1
          %ne3A_387 = arith.cmpi ne, %add3A_227, %add3A_263 : i32
          %ne3A_388 = arith.cmpi ne, %add3A_228, %add3A_264 : i32
          %or3A_389 = arith.constant false
          %or3A_390 = arith.ori %or3A_389, %ne3A_387 : i1
          %or3A_391 = arith.ori %or3A_390, %ne3A_388 : i1
          %or3A_392 = arith.constant false
          %or3A_393 = arith.ori %or3A_391, %or3A_392 : i1
          %or3A_394 = arith.ori %or3A_393, %eq3A_225 : i1
          %convert_element_type3A_395 = arith.extui %or3A_394 : i1 to i32
          %cond3A_396 = arith.constant 0 : i32
          %cond3A_397 = arith.cmpi ne, %convert_element_type3A_395, %cond3A_396 : i32
          scf.if %cond3A_397 {
            "tpu.trace_start"() <{level = 10 : i32, message = "ep_copy_out"}> : () -> ()
            %rem3A_481 = arith.constant 2 : i32
            %rem3A_482 = arith.remui %while3A_215, %rem3A_481 : i32
            %mul3A_483 = arith.constant 1 : i32
            %mul3A_484 = arith.muli %mul3A_483, %add3A_227 : i32
            %mul3A_485 = arith.constant 128 : i32
            %mul3A_486 = arith.muli %mul3A_485, %add3A_228 : i32
            %dma_start3A_487 = arith.constant 0 : i32
            %dma_start3A_488 = arith.constant 0 : i32
            %dma_start3A_489 = arith.constant 0 : i32
            %dma_start3A_490 = tpu.memref_slice %run_scoped3A_18[%rem3A_482, %dma_start3A_487, %dma_start3A_488, %dma_start3A_489] : memref<2x1x128x128xi32, #tpu.memory_space<vmem>> -> memref<1x1x128x128xi32, #tpu.memory_space<vmem>>
            %dma_start3A_491 = tpu.memref_squeeze %dma_start3A_490 : memref<1x1x128x128xi32, #tpu.memory_space<vmem>> -> memref<1x128x128xi32, #tpu.memory_space<vmem>>
            %dma_start3A_492 = arith.constant 0 : i32
            %dma_start3A_493 = tpu.memref_slice %arg4[%mul3A_484, %mul3A_486, %dma_start3A_492] : memref<4x32000x128xi32, #tpu.memory_space<hbm>> -> memref<1x128x128xi32, #tpu.memory_space<hbm>>
            %dma_start3A_494 = tpu.memref_slice %run_scoped3A_19[%rem3A_482] : memref<2x!tpu.dma_semaphore, #tpu.memory_space<semaphore_mem>> -> memref<1x!tpu.dma_semaphore, #tpu.memory_space<semaphore_mem>>
            %dma_start3A_495 = tpu.memref_squeeze %dma_start3A_494 : memref<1x!tpu.dma_semaphore, #tpu.memory_space<semaphore_mem>> -> memref<!tpu.dma_semaphore, #tpu.memory_space<semaphore_mem>>
            %dma_start3A_496 = arith.constant 0 : i32
            %dma_start3A_497 = tpu.memref_slice %arg4[%mul3A_484, %mul3A_486, %dma_start3A_496] : memref<4x32000x128xi32, #tpu.memory_space<hbm>> -> memref<1x128x128xi32, #tpu.memory_space<hbm>>
            %dma_start3A_498 = arith.constant 0 : i32
            %dma_start3A_499 = arith.constant 0 : i32
            %dma_start3A_500 = arith.constant 0 : i32
            %dma_start3A_501 = tpu.memref_slice %run_scoped3A_18[%rem3A_482, %dma_start3A_498, %dma_start3A_499, %dma_start3A_500] : memref<2x1x128x128xi32, #tpu.memory_space<vmem>> -> memref<1x1x128x128xi32, #tpu.memory_space<vmem>>
            %dma_start3A_502 = tpu.memref_squeeze %dma_start3A_501 : memref<1x1x128x128xi32, #tpu.memory_space<vmem>> -> memref<1x128x128xi32, #tpu.memory_space<vmem>>
            tpu.enqueue_dma source(%dma_start3A_502 : memref<1x128x128xi32, #tpu.memory_space<vmem>>) target(%dma_start3A_497 : memref<1x128x128xi32, #tpu.memory_space<hbm>>) target_semaphore(%dma_start3A_495 : memref<!tpu.dma_semaphore, #tpu.memory_space<semaphore_mem>>)
            "tpu.trace_stop"() : () -> ()
          } else {
          }
          %and3A_398 = arith.constant true
          %and3A_399 = arith.andi %or3A_394, %and3A_398 : i1
          %add3A_400 = arith.constant 1 : i32
          %add3A_401 = arith.addi %while3A_215, %add3A_400 : i32
          %select_n3A_402 = arith.select %and3A_399, %add3A_401, %while3A_215 : i32
          %mul3A_403 = arith.constant 768 : i32
          %mul3A_404 = arith.muli %add3A_227, %mul3A_403 : i32
          %add3A_405 = arith.constant 0 : i32
          %add3A_406 = arith.addi %mul3A_404, %add3A_405 : i32
          %add3A_407 = arith.addi %add3A_406, %add3A_228 : i32
          %mul3A_408 = arith.constant 768 : i32
          %mul3A_409 = arith.muli %add3A_246, %mul3A_408 : i32
          %add3A_410 = arith.constant 0 : i32
          %add3A_411 = arith.addi %mul3A_409, %add3A_410 : i32
          %add3A_412 = arith.addi %add3A_411, %add3A_247 : i32
          %ne3A_413 = arith.cmpi ne, %add3A_407, %add3A_412 : i32
          %or3A_414 = arith.constant false
          %or3A_415 = arith.ori %or3A_414, %ne3A_413 : i1
          %or3A_416 = arith.constant false
          %or3A_417 = arith.ori %or3A_415, %or3A_416 : i1
          %or3A_418 = arith.constant false
          %or3A_419 = arith.ori %or3A_417, %or3A_418 : i1
          %not3A_420 = arith.constant true
          %not3A_421 = arith.xori %eq3A_222, %not3A_420 : i1
          %and3A_422 = arith.andi %or3A_419, %not3A_421 : i1
          %convert_element_type3A_423 = arith.extui %and3A_422 : i1 to i32
          %cond3A_424 = arith.constant 0 : i32
          %cond3A_425 = arith.cmpi ne, %convert_element_type3A_423, %cond3A_424 : i32
          scf.if %cond3A_425 {
          } else {
          }
          %and3A_426 = arith.constant false
          %and3A_427 = arith.andi %and3A_422, %and3A_426 : i1
          %ne3A_428 = arith.cmpi ne, %add3A_227, %add3A_246 : i32
          %ne3A_429 = arith.cmpi ne, %add3A_228, %add3A_247 : i32
          %or3A_430 = arith.constant false
          %or3A_431 = arith.ori %or3A_430, %ne3A_428 : i1
          %or3A_432 = arith.ori %or3A_431, %ne3A_429 : i1
          %or3A_433 = arith.constant false
          %or3A_434 = arith.ori %or3A_432, %or3A_433 : i1
          %not3A_435 = arith.constant true
          %not3A_436 = arith.xori %eq3A_222, %not3A_435 : i1
          %and3A_437 = arith.andi %or3A_434, %not3A_436 : i1
          %convert_element_type3A_438 = arith.extui %and3A_437 : i1 to i32
          %cond3A_439 = arith.constant 0 : i32
          %cond3A_440 = arith.cmpi ne, %convert_element_type3A_438, %cond3A_439 : i32
          scf.if %cond3A_440 {
            "tpu.trace_start"() <{level = 10 : i32, message = "ep_wait_out"}> : () -> ()
            %rem3A_481 = arith.constant 2 : i32
            %rem3A_482 = arith.remui %while3A_216, %rem3A_481 : i32
            %mul3A_483 = arith.constant 1 : i32
            %mul3A_484 = arith.muli %mul3A_483, %add3A_246 : i32
            %mul3A_485 = arith.constant 128 : i32
            %mul3A_486 = arith.muli %mul3A_485, %add3A_247 : i32
            %dma_wait3A = arith.constant 0 : i32
            %dma_wait3A_487 = arith.constant 0 : i32
            %dma_wait3A_488 = arith.constant 0 : i32
            %dma_wait3A_489 = tpu.memref_slice %run_scoped3A_18[%rem3A_482, %dma_wait3A, %dma_wait3A_487, %dma_wait3A_488] : memref<2x1x128x128xi32, #tpu.memory_space<vmem>> -> memref<1x1x128x128xi32, #tpu.memory_space<vmem>>
            %dma_wait3A_490 = tpu.memref_squeeze %dma_wait3A_489 : memref<1x1x128x128xi32, #tpu.memory_space<vmem>> -> memref<1x128x128xi32, #tpu.memory_space<vmem>>
            %dma_wait3A_491 = arith.constant 0 : i32
            %dma_wait3A_492 = tpu.memref_slice %arg4[%mul3A_484, %mul3A_486, %dma_wait3A_491] : memref<4x32000x128xi32, #tpu.memory_space<hbm>> -> memref<1x128x128xi32, #tpu.memory_space<hbm>>
            %dma_wait3A_493 = tpu.memref_slice %run_scoped3A_19[%rem3A_482] : memref<2x!tpu.dma_semaphore, #tpu.memory_space<semaphore_mem>> -> memref<1x!tpu.dma_semaphore, #tpu.memory_space<semaphore_mem>>
            %dma_wait3A_494 = tpu.memref_squeeze %dma_wait3A_493 : memref<1x!tpu.dma_semaphore, #tpu.memory_space<semaphore_mem>> -> memref<!tpu.dma_semaphore, #tpu.memory_space<semaphore_mem>>
            %dma_wait3A_495 = arith.constant 0 : i32
            %dma_wait3A_496 = tpu.memref_slice %arg4[%mul3A_484, %mul3A_486, %dma_wait3A_495] : memref<4x32000x128xi32, #tpu.memory_space<hbm>> -> memref<1x128x128xi32, #tpu.memory_space<hbm>>
            %dma_wait3A_497 = arith.constant 0 : i32
            %dma_wait3A_498 = arith.constant 0 : i32
            %dma_wait3A_499 = arith.constant 0 : i32
            %dma_wait3A_500 = tpu.memref_slice %run_scoped3A_18[%rem3A_482, %dma_wait3A_497, %dma_wait3A_498, %dma_wait3A_499] : memref<2x1x128x128xi32, #tpu.memory_space<vmem>> -> memref<1x1x128x128xi32, #tpu.memory_space<vmem>>
            %dma_wait3A_501 = tpu.memref_squeeze %dma_wait3A_500 : memref<1x1x128x128xi32, #tpu.memory_space<vmem>> -> memref<1x128x128xi32, #tpu.memory_space<vmem>>
            tpu.wait_dma2 semaphore(%dma_wait3A_494 : memref<!tpu.dma_semaphore, #tpu.memory_space<semaphore_mem>>) src(%dma_wait3A_501 : memref<1x128x128xi32, #tpu.memory_space<vmem>>) dst(%dma_wait3A_496 : memref<1x128x128xi32, #tpu.memory_space<hbm>>)
            "tpu.trace_stop"() : () -> ()
          } else {
          }
          %and3A_441 = arith.constant true
          %and3A_442 = arith.andi %and3A_437, %and3A_441 : i1
          %add3A_443 = arith.constant 1 : i32
          %add3A_444 = arith.addi %while3A_216, %add3A_443 : i32
          %select_n3A_445 = arith.select %and3A_442, %add3A_444, %while3A_216 : i32
          %mul3A_446 = arith.constant 768 : i32
          %mul3A_447 = arith.muli %add3A_227, %mul3A_446 : i32
          %add3A_448 = arith.constant 0 : i32
          %add3A_449 = arith.addi %mul3A_447, %add3A_448 : i32
          %add3A_450 = arith.addi %add3A_449, %add3A_228 : i32
          %mul3A_451 = arith.constant 768 : i32
          %mul3A_452 = arith.muli %add3A_263, %mul3A_451 : i32
          %add3A_453 = arith.constant 0 : i32
          %add3A_454 = arith.addi %mul3A_452, %add3A_453 : i32
          %add3A_455 = arith.addi %add3A_454, %add3A_264 : i32
          %ne3A_456 = arith.cmpi ne, %add3A_450, %add3A_455 : i32
          %or3A_457 = arith.constant false
          %or3A_458 = arith.ori %or3A_457, %ne3A_456 : i1
          %or3A_459 = arith.constant false
          %or3A_460 = arith.ori %or3A_458, %or3A_459 : i1
          %or3A_461 = arith.constant false
          %or3A_462 = arith.ori %or3A_460, %or3A_461 : i1
          %or3A_463 = arith.ori %or3A_462, %eq3A_225 : i1
          %add3A_464 = arith.constant 1 : i32
          %add3A_465 = arith.addi %while3A_214, %add3A_464 : i32
          %select_n3A_466 = arith.select %or3A_463, %add3A_465, %while3A_214 : i32
          %add3A_467 = arith.constant 1 : i32
          %add3A_468 = arith.addi %while3A_218, %add3A_467 : i32
          %select_n3A_469 = arith.constant true
          %select_n3A_470 = arith.select %select_n3A_469, %add3A_468, %while3A_218 : i32
          %eq3A_471 = arith.cmpi eq, %select_n3A_470, %select_n3A : i32
          %select_n3A_472 = arith.constant 0 : i32
          %select_n3A_473 = arith.select %eq3A_471, %select_n3A_472, %select_n3A_470 : i32
          %add3A_474 = arith.constant 1 : i32
          %add3A_475 = arith.addi %while3A_217, %add3A_474 : i32
          %select_n3A_476 = arith.select %eq3A_471, %add3A_475, %while3A_217 : i32
          %eq3A_477 = arith.constant 4 : i32
          %eq3A_478 = arith.cmpi eq, %select_n3A_476, %eq3A_477 : i32
          %select_n3A_479 = arith.constant 0 : i32
          %select_n3A_480 = arith.select %eq3A_478, %select_n3A_479, %select_n3A_476 : i32
          scf.yield %select_n3A_309, %select_n3A_466, %select_n3A_402, %select_n3A_445, %select_n3A_480, %select_n3A_473 : i32, i32, i32, i32, i32, i32
        }
        %while3A_123 = arith.constant 1 : i32
        %while3A_124:6 = scf.for %while3A_212 = %while3A_120 to %while3A_116 step %while3A_123 iter_args(%while3A_213 = %while3A_122#0, %while3A_214 = %while3A_122#1, %while3A_215 = %while3A_122#2, %while3A_216 = %while3A_122#3, %while3A_217 = %while3A_122#4, %while3A_218 = %while3A_122#5) -> (i32, i32, i32, i32, i32, i32)  : i32 {
          %mul3A_219 = arith.constant 4 : i32
          %mul3A_220 = arith.muli %mul3A_219, %select_n3A : i32
          %eq3A_221 = arith.constant 0 : i32
          %eq3A_222 = arith.cmpi eq, %while3A_212, %eq3A_221 : i32
          %sub3A_223 = arith.constant 1 : i32
          %sub3A_224 = arith.subi %mul3A_220, %sub3A_223 : i32
          %eq3A_225 = arith.cmpi eq, %while3A_212, %sub3A_224 : i32
          %add3A_226 = arith.constant 0 : i32
          %add3A_227 = arith.addi %while3A_217, %add3A_226 : i32
          %add3A_228 = arith.addi %while3A_218, %select_n3A_14 : i32
          %sub3A_229 = arith.constant 1 : i32
          %sub3A_230 = arith.subi %while3A_218, %sub3A_229 : i32
          %select_n3A_231 = arith.constant true
          %select_n3A_232 = arith.select %select_n3A_231, %sub3A_230, %while3A_218 : i32
          %eq3A_233 = arith.constant -1 : i32
          %eq3A_234 = arith.cmpi eq, %select_n3A_232, %eq3A_233 : i32
          %sub3A_235 = arith.constant 1 : i32
          %sub3A_236 = arith.subi %select_n3A, %sub3A_235 : i32
          %select_n3A_237 = arith.select %eq3A_234, %sub3A_236, %select_n3A_232 : i32
          %sub3A_238 = arith.constant 1 : i32
          %sub3A_239 = arith.subi %while3A_217, %sub3A_238 : i32
          %select_n3A_240 = arith.select %eq3A_234, %sub3A_239, %while3A_217 : i32
          %eq3A_241 = arith.constant -1 : i32
          %eq3A_242 = arith.cmpi eq, %select_n3A_240, %eq3A_241 : i32
          %select_n3A_243 = arith.constant 3 : i32
          %select_n3A_244 = arith.select %eq3A_242, %select_n3A_243, %select_n3A_240 : i32
          %add3A_245 = arith.constant 0 : i32
          %add3A_246 = arith.addi %select_n3A_244, %add3A_245 : i32
          %add3A_247 = arith.addi %select_n3A_237, %select_n3A_14 : i32
          %add3A_248 = arith.constant 1 : i32
          %add3A_249 = arith.addi %while3A_218, %add3A_248 : i32
          %select_n3A_250 = arith.constant true
          %select_n3A_251 = arith.select %select_n3A_250, %add3A_249, %while3A_218 : i32
          %eq3A_252 = arith.cmpi eq, %select_n3A_251, %select_n3A : i32
          %select_n3A_253 = arith.constant 0 : i32
          %select_n3A_254 = arith.select %eq3A_252, %select_n3A_253, %select_n3A_251 : i32
          %add3A_255 = arith.constant 1 : i32
          %add3A_256 = arith.addi %while3A_217, %add3A_255 : i32
          %select_n3A_257 = arith.select %eq3A_252, %add3A_256, %while3A_217 : i32
          %eq3A_258 = arith.constant 4 : i32
          %eq3A_259 = arith.cmpi eq, %select_n3A_257, %eq3A_258 : i32
          %select_n3A_260 = arith.constant 0 : i32
          %select_n3A_261 = arith.select %eq3A_259, %select_n3A_260, %select_n3A_257 : i32
          %add3A_262 = arith.constant 0 : i32
          %add3A_263 = arith.addi %select_n3A_261, %add3A_262 : i32
          %add3A_264 = arith.addi %select_n3A_254, %select_n3A_14 : i32
          %add3A_265 = arith.constant 1 : i32
          %add3A_266 = arith.addi %select_n3A_254, %add3A_265 : i32
          %select_n3A_267 = arith.constant true
          %select_n3A_268 = arith.select %select_n3A_267, %add3A_266, %select_n3A_254 : i32
          %eq3A_269 = arith.cmpi eq, %select_n3A_268, %select_n3A : i32
          %select_n3A_270 = arith.constant 0 : i32
          %select_n3A_271 = arith.select %eq3A_269, %select_n3A_270, %select_n3A_268 : i32
          %add3A_272 = arith.constant 1 : i32
          %add3A_273 = arith.addi %select_n3A_261, %add3A_272 : i32
          %select_n3A_274 = arith.select %eq3A_269, %add3A_273, %select_n3A_261 : i32
          %eq3A_275 = arith.constant 4 : i32
          %eq3A_276 = arith.cmpi eq, %select_n3A_274, %eq3A_275 : i32
          %select_n3A_277 = arith.constant 0 : i32
          %select_n3A_278 = arith.select %eq3A_276, %select_n3A_277, %select_n3A_274 : i32
          %add3A_279 = arith.constant 0 : i32
          %add3A_280 = arith.addi %select_n3A_278, %add3A_279 : i32
          %add3A_281 = arith.addi %select_n3A_271, %select_n3A_14 : i32
          %mul3A_282 = arith.constant 768 : i32
          %mul3A_283 = arith.muli %add3A_227, %mul3A_282 : i32
          %add3A_284 = arith.constant 0 : i32
          %add3A_285 = arith.addi %mul3A_283, %add3A_284 : i32
          %add3A_286 = arith.addi %add3A_285, %add3A_228 : i32
          %mul3A_287 = arith.constant 768 : i32
          %mul3A_288 = arith.muli %add3A_263, %mul3A_287 : i32
          %add3A_289 = arith.constant 0 : i32
          %add3A_290 = arith.addi %mul3A_288, %add3A_289 : i32
          %add3A_291 = arith.addi %add3A_290, %add3A_264 : i32
          %ne3A = arith.cmpi ne, %add3A_286, %add3A_291 : i32
          %or3A = arith.constant false
          %or3A_292 = arith.ori %or3A, %ne3A : i1
          %or3A_293 = arith.constant false
          %or3A_294 = arith.ori %or3A_292, %or3A_293 : i1
          %or3A_295 = arith.constant false
          %or3A_296 = arith.ori %or3A_294, %or3A_295 : i1
          %sub3A_297 = arith.constant 2 : i32
          %sub3A_298 = arith.subi %mul3A_220, %sub3A_297 : i32
          %add3A_299 = arith.constant 1 : i32
          %add3A_300 = arith.addi %sub3A_298, %add3A_299 : i32
          %ge3A = arith.cmpi sge, %while3A_212, %add3A_300 : i32
          %not3A = arith.constant true
          %not3A_301 = arith.xori %ge3A, %not3A : i1
          %and3A = arith.andi %or3A_296, %not3A_301 : i1
          %convert_element_type3A_302 = arith.extui %and3A : i1 to i32
          %cond3A_303 = arith.constant 0 : i32
          %cond3A_304 = arith.cmpi ne, %convert_element_type3A_302, %cond3A_303 : i32
          scf.if %cond3A_304 {
            "tpu.trace_start"() <{level = 10 : i32, message = "ep_copy_in"}> : () -> ()
            %rem3A_481 = arith.constant 2 : i32
            %rem3A_482 = arith.remui %while3A_213, %rem3A_481 : i32
            %mul3A_483 = arith.constant 768 : i32
            %mul3A_484 = arith.muli %add3A_263, %mul3A_483 : i32
            %add3A_485 = arith.constant 0 : i32
            %add3A_486 = arith.addi %mul3A_484, %add3A_485 : i32
            %add3A_487 = arith.addi %add3A_486, %add3A_264 : i32
            %mul3A_488 = arith.constant 1 : i32
            %mul3A_489 = arith.muli %mul3A_488, %add3A_487 : i32
            %dma_start3A_490 = arith.constant 0 : i32
            %dma_start3A_491 = arith.constant 0 : i32
            %dma_start3A_492 = arith.constant 0 : i32
            %dma_start3A_493 = tpu.memref_slice %run_scoped3A[%rem3A_482, %dma_start3A_490, %dma_start3A_491, %dma_start3A_492] : memref<2x1x1x128xi32, #tpu.memory_space<vmem>> -> memref<1x1x1x128xi32, #tpu.memory_space<vmem>>
            %dma_start3A_494 = tpu.memref_squeeze %dma_start3A_493 : memref<1x1x1x128xi32, #tpu.memory_space<vmem>> -> memref<1x1x128xi32, #tpu.memory_space<vmem>>
            %dma_start3A_495 = arith.constant 0 : i32
            %dma_start3A_496 = arith.constant 0 : i32
            %dma_start3A_497 = tpu.memref_slice %arg3[%mul3A_489, %dma_start3A_495, %dma_start3A_496] : memref<3072x1x128xi32, #tpu.memory_space<hbm>> -> memref<1x1x128xi32, #tpu.memory_space<hbm>>
            %dma_start3A_498 = tpu.memref_slice %run_scoped3A_17[%rem3A_482] : memref<2x!tpu.dma_semaphore, #tpu.memory_space<semaphore_mem>> -> memref<1x!tpu.dma_semaphore, #tpu.memory_space<semaphore_mem>>
            %dma_start3A_499 = tpu.memref_squeeze %dma_start3A_498 : memref<1x!tpu.dma_semaphore, #tpu.memory_space<semaphore_mem>> -> memref<!tpu.dma_semaphore, #tpu.memory_space<semaphore_mem>>
            %dma_start3A_500 = arith.constant 0 : i32
            %dma_start3A_501 = arith.constant 0 : i32
            %dma_start3A_502 = arith.constant 0 : i32
            %dma_start3A_503 = tpu.memref_slice %run_scoped3A[%rem3A_482, %dma_start3A_500, %dma_start3A_501, %dma_start3A_502] : memref<2x1x1x128xi32, #tpu.memory_space<vmem>> -> memref<1x1x1x128xi32, #tpu.memory_space<vmem>>
            %dma_start3A_504 = tpu.memref_squeeze %dma_start3A_503 : memref<1x1x1x128xi32, #tpu.memory_space<vmem>> -> memref<1x1x128xi32, #tpu.memory_space<vmem>>
            %dma_start3A_505 = arith.constant 0 : i32
            %dma_start3A_506 = arith.constant 0 : i32
            %dma_start3A_507 = tpu.memref_slice %arg3[%mul3A_489, %dma_start3A_505, %dma_start3A_506] : memref<3072x1x128xi32, #tpu.memory_space<hbm>> -> memref<1x1x128xi32, #tpu.memory_space<hbm>>
            tpu.enqueue_dma source(%dma_start3A_507 : memref<1x1x128xi32, #tpu.memory_space<hbm>>) target(%dma_start3A_504 : memref<1x1x128xi32, #tpu.memory_space<vmem>>) target_semaphore(%dma_start3A_499 : memref<!tpu.dma_semaphore, #tpu.memory_space<semaphore_mem>>)
            "tpu.trace_stop"() : () -> ()
          } else {
          }
          %and3A_305 = arith.constant true
          %and3A_306 = arith.andi %and3A, %and3A_305 : i1
          %add3A_307 = arith.constant 1 : i32
          %add3A_308 = arith.addi %while3A_213, %add3A_307 : i32
          %select_n3A_309 = arith.select %and3A_306, %add3A_308, %while3A_213 : i32
          %ne3A_310 = arith.cmpi ne, %add3A_227, %add3A_263 : i32
          %ne3A_311 = arith.cmpi ne, %add3A_228, %add3A_264 : i32
          %or3A_312 = arith.constant false
          %or3A_313 = arith.ori %or3A_312, %ne3A_310 : i1
          %or3A_314 = arith.ori %or3A_313, %ne3A_311 : i1
          %or3A_315 = arith.constant false
          %or3A_316 = arith.ori %or3A_314, %or3A_315 : i1
          %sub3A_317 = arith.constant 2 : i32
          %sub3A_318 = arith.subi %mul3A_220, %sub3A_317 : i32
          %add3A_319 = arith.constant 1 : i32
          %add3A_320 = arith.addi %sub3A_318, %add3A_319 : i32
          %ge3A_321 = arith.cmpi sge, %while3A_212, %add3A_320 : i32
          %not3A_322 = arith.constant true
          %not3A_323 = arith.xori %ge3A_321, %not3A_322 : i1
          %and3A_324 = arith.andi %or3A_316, %not3A_323 : i1
          %mul3A_325 = arith.constant 768 : i32
          %mul3A_326 = arith.muli %add3A_227, %mul3A_325 : i32
          %add3A_327 = arith.constant 0 : i32
          %add3A_328 = arith.addi %mul3A_326, %add3A_327 : i32
          %add3A_329 = arith.addi %add3A_328, %add3A_228 : i32
          %mul3A_330 = arith.constant 768 : i32
          %mul3A_331 = arith.muli %add3A_246, %mul3A_330 : i32
          %add3A_332 = arith.constant 0 : i32
          %add3A_333 = arith.addi %mul3A_331, %add3A_332 : i32
          %add3A_334 = arith.addi %add3A_333, %add3A_247 : i32
          %ne3A_335 = arith.cmpi ne, %add3A_329, %add3A_334 : i32
          %or3A_336 = arith.constant false
          %or3A_337 = arith.ori %or3A_336, %ne3A_335 : i1
          %or3A_338 = arith.constant false
          %or3A_339 = arith.ori %or3A_337, %or3A_338 : i1
          %or3A_340 = arith.constant false
          %or3A_341 = arith.ori %or3A_339, %or3A_340 : i1
          %or3A_342 = arith.ori %or3A_341, %eq3A_222 : i1
          %convert_element_type3A_343 = arith.extui %or3A_342 : i1 to i32
          %cond3A_344 = arith.constant 0 : i32
          %cond3A_345 = arith.cmpi ne, %convert_element_type3A_343, %cond3A_344 : i32
          scf.if %cond3A_345 {
            "tpu.trace_start"() <{level = 10 : i32, message = "ep_wait_in"}> : () -> ()
            %mul3A_481 = arith.constant 768 : i32
            %mul3A_482 = arith.muli %add3A_227, %mul3A_481 : i32
            %add3A_483 = arith.constant 0 : i32
            %add3A_484 = arith.addi %mul3A_482, %add3A_483 : i32
            %add3A_485 = arith.addi %add3A_484, %add3A_228 : i32
            %mul3A_486 = arith.constant 1 : i32
            %mul3A_487 = arith.muli %mul3A_486, %add3A_485 : i32
            %rem3A_488 = arith.constant 2 : i32
            %rem3A_489 = arith.remui %while3A_214, %rem3A_488 : i32
            %dma_wait3A = arith.constant 0 : i32
            %dma_wait3A_490 = arith.constant 0 : i32
            %dma_wait3A_491 = arith.constant 0 : i32
            %dma_wait3A_492 = tpu.memref_slice %run_scoped3A[%rem3A_489, %dma_wait3A, %dma_wait3A_490, %dma_wait3A_491] : memref<2x1x1x128xi32, #tpu.memory_space<vmem>> -> memref<1x1x1x128xi32, #tpu.memory_space<vmem>>
            %dma_wait3A_493 = tpu.memref_squeeze %dma_wait3A_492 : memref<1x1x1x128xi32, #tpu.memory_space<vmem>> -> memref<1x1x128xi32, #tpu.memory_space<vmem>>
            %dma_wait3A_494 = arith.constant 0 : i32
            %dma_wait3A_495 = arith.constant 0 : i32
            %dma_wait3A_496 = tpu.memref_slice %arg3[%mul3A_487, %dma_wait3A_494, %dma_wait3A_495] : memref<3072x1x128xi32, #tpu.memory_space<hbm>> -> memref<1x1x128xi32, #tpu.memory_space<hbm>>
            %dma_wait3A_497 = tpu.memref_slice %run_scoped3A_17[%rem3A_489] : memref<2x!tpu.dma_semaphore, #tpu.memory_space<semaphore_mem>> -> memref<1x!tpu.dma_semaphore, #tpu.memory_space<semaphore_mem>>
            %dma_wait3A_498 = tpu.memref_squeeze %dma_wait3A_497 : memref<1x!tpu.dma_semaphore, #tpu.memory_space<semaphore_mem>> -> memref<!tpu.dma_semaphore, #tpu.memory_space<semaphore_mem>>
            %dma_wait3A_499 = arith.constant 0 : i32
            %dma_wait3A_500 = arith.constant 0 : i32
            %dma_wait3A_501 = arith.constant 0 : i32
            %dma_wait3A_502 = tpu.memref_slice %run_scoped3A[%rem3A_489, %dma_wait3A_499, %dma_wait3A_500, %dma_wait3A_501] : memref<2x1x1x128xi32, #tpu.memory_space<vmem>> -> memref<1x1x1x128xi32, #tpu.memory_space<vmem>>
            %dma_wait3A_503 = tpu.memref_squeeze %dma_wait3A_502 : memref<1x1x1x128xi32, #tpu.memory_space<vmem>> -> memref<1x1x128xi32, #tpu.memory_space<vmem>>
            %dma_wait3A_504 = arith.constant 0 : i32
            %dma_wait3A_505 = arith.constant 0 : i32
            %dma_wait3A_506 = tpu.memref_slice %arg3[%mul3A_487, %dma_wait3A_504, %dma_wait3A_505] : memref<3072x1x128xi32, #tpu.memory_space<hbm>> -> memref<1x1x128xi32, #tpu.memory_space<hbm>>
            tpu.wait_dma2 semaphore(%dma_wait3A_498 : memref<!tpu.dma_semaphore, #tpu.memory_space<semaphore_mem>>) src(%dma_wait3A_506 : memref<1x1x128xi32, #tpu.memory_space<hbm>>) dst(%dma_wait3A_503 : memref<1x1x128xi32, #tpu.memory_space<vmem>>)
            "tpu.trace_stop"() : () -> ()
          } else {
          }
          %ne3A_346 = arith.cmpi ne, %add3A_227, %add3A_246 : i32
          %ne3A_347 = arith.cmpi ne, %add3A_228, %add3A_247 : i32
          %or3A_348 = arith.constant false
          %or3A_349 = arith.ori %or3A_348, %ne3A_346 : i1
          %or3A_350 = arith.ori %or3A_349, %ne3A_347 : i1
          %or3A_351 = arith.constant false
          %or3A_352 = arith.ori %or3A_350, %or3A_351 : i1
          %or3A_353 = arith.ori %or3A_352, %eq3A_222 : i1
          %convert_element_type3A_354 = arith.extui %or3A_353 : i1 to i32
          %cond3A_355 = arith.constant 0 : i32
          %cond3A_356 = arith.cmpi ne, %convert_element_type3A_354, %cond3A_355 : i32
          scf.if %cond3A_356 {
          } else {
          }
          %rem3A_357 = arith.constant 2 : i32
          %rem3A_358 = arith.remui %while3A_214, %rem3A_357 : i32
          %rem3A_359 = arith.constant 2 : i32
          %rem3A_360 = arith.remui %while3A_215, %rem3A_359 : i32
          %run_scoped3A_361 = arith.constant 0 : i32
          %run_scoped3A_362 = arith.constant 0 : i32
          %run_scoped3A_363 = arith.constant 0 : i32
          "tpu.trace_start"() <{level = 10 : i32, message = "ep_run_kernel"}> : () -> ()
          "tpu.region"() ({
            %run_scoped3A_481 = tpu.sem_alloc : memref<!tpu.dma_semaphore, #tpu.memory_space<semaphore_mem>>
            %dma_start3A_482 = arith.constant 0 : i32
            %dma_start3A_483 = arith.constant 0 : i32
            %dma_start3A_484 = arith.constant 0 : i32
            %dma_start3A_485 = tpu.memref_slice %run_scoped3A_18[%rem3A_360, %dma_start3A_482, %dma_start3A_483, %dma_start3A_484] : memref<2x1x128x128xi32, #tpu.memory_space<vmem>> -> memref<1x1x128x128xi32, #tpu.memory_space<vmem>>
            %dma_start3A_486 = tpu.memref_squeeze %dma_start3A_485 : memref<1x1x128x128xi32, #tpu.memory_space<vmem>> -> memref<1x128x128xi32, #tpu.memory_space<vmem>>
            %dma_start3A_487 = arith.constant 0 : i32
            %dma_start3A_488 = arith.constant 0 : i32
            %dma_start3A_489 = tpu.memref_slice %dma_start3A_486[%run_scoped3A_363, %dma_start3A_487, %dma_start3A_488] : memref<1x128x128xi32, #tpu.memory_space<vmem>> -> memref<1x128x128xi32, #tpu.memory_space<vmem>>
            %dma_start3A_490 = tpu.memref_squeeze %dma_start3A_489 : memref<1x128x128xi32, #tpu.memory_space<vmem>> -> memref<128x128xi32, #tpu.memory_space<vmem>>
            %dma_start3A_491 = arith.constant 0 : i32
            %dma_start3A_492 = arith.constant 0 : i32
            %dma_start3A_493 = arith.constant 0 : i32
            %dma_start3A_494 = tpu.memref_slice %run_scoped3A[%rem3A_358, %dma_start3A_491, %dma_start3A_492, %dma_start3A_493] : memref<2x1x1x128xi32, #tpu.memory_space<vmem>> -> memref<1x1x1x128xi32, #tpu.memory_space<vmem>>
            %dma_start3A_495 = tpu.memref_squeeze %dma_start3A_494 : memref<1x1x1x128xi32, #tpu.memory_space<vmem>> -> memref<1x1x128xi32, #tpu.memory_space<vmem>>
            %dma_start3A_496 = arith.constant 0 : i32
            %dma_start3A_497 = tpu.memref_slice %dma_start3A_495[%run_scoped3A_361, %run_scoped3A_362, %dma_start3A_496] : memref<1x1x128xi32, #tpu.memory_space<vmem>> -> memref<1x1x128xi32, #tpu.memory_space<vmem>>
            %dma_start3A_498 = tpu.memref_squeeze %dma_start3A_497 : memref<1x1x128xi32, #tpu.memory_space<vmem>> -> memref<128xi32, #tpu.memory_space<vmem>>
            %dma_start3A_499 = arith.constant 0 : i32
            %dma_start3A_500 = arith.constant 0 : i32
            %dma_start3A_501 = tpu.memref_slice %arg2[%dma_start3A_499, %dma_start3A_500] : memref<174080x128xi32, #tpu.memory_space<hbm>> -> memref<174080x128xi32, #tpu.memory_space<hbm>>
            tpu.enqueue_indirect_dma source(%dma_start3A_501 : memref<174080x128xi32, #tpu.memory_space<hbm>>) target(%dma_start3A_490 : memref<128x128xi32, #tpu.memory_space<vmem>>) offsets(%dma_start3A_498 : memref<128xi32, #tpu.memory_space<vmem>>) semaphore(%run_scoped3A_481 : memref<!tpu.dma_semaphore, #tpu.memory_space<semaphore_mem>>)
            %dma_wait3A = arith.constant 0 : i32
            %dma_wait3A_502 = arith.constant 0 : i32
            %dma_wait3A_503 = arith.constant 0 : i32
            %dma_wait3A_504 = tpu.memref_slice %run_scoped3A_18[%rem3A_360, %dma_wait3A, %dma_wait3A_502, %dma_wait3A_503] : memref<2x1x128x128xi32, #tpu.memory_space<vmem>> -> memref<1x1x128x128xi32, #tpu.memory_space<vmem>>
            %dma_wait3A_505 = tpu.memref_squeeze %dma_wait3A_504 : memref<1x1x128x128xi32, #tpu.memory_space<vmem>> -> memref<1x128x128xi32, #tpu.memory_space<vmem>>
            %dma_wait3A_506 = arith.constant 0 : i32
            %dma_wait3A_507 = arith.constant 0 : i32
            %dma_wait3A_508 = tpu.memref_slice %dma_wait3A_505[%run_scoped3A_363, %dma_wait3A_506, %dma_wait3A_507] : memref<1x128x128xi32, #tpu.memory_space<vmem>> -> memref<1x128x128xi32, #tpu.memory_space<vmem>>
            %dma_wait3A_509 = tpu.memref_squeeze %dma_wait3A_508 : memref<1x128x128xi32, #tpu.memory_space<vmem>> -> memref<128x128xi32, #tpu.memory_space<vmem>>
            %dma_wait3A_510 = arith.constant 0 : i32
            %dma_wait3A_511 = arith.constant 0 : i32
            %dma_wait3A_512 = arith.constant 0 : i32
            %dma_wait3A_513 = tpu.memref_slice %run_scoped3A[%rem3A_358, %dma_wait3A_510, %dma_wait3A_511, %dma_wait3A_512] : memref<2x1x1x128xi32, #tpu.memory_space<vmem>> -> memref<1x1x1x128xi32, #tpu.memory_space<vmem>>
            %dma_wait3A_514 = tpu.memref_squeeze %dma_wait3A_513 : memref<1x1x1x128xi32, #tpu.memory_space<vmem>> -> memref<1x1x128xi32, #tpu.memory_space<vmem>>
            %dma_wait3A_515 = arith.constant 0 : i32
            %dma_wait3A_516 = tpu.memref_slice %dma_wait3A_514[%run_scoped3A_361, %run_scoped3A_362, %dma_wait3A_515] : memref<1x1x128xi32, #tpu.memory_space<vmem>> -> memref<1x1x128xi32, #tpu.memory_space<vmem>>
            %dma_wait3A_517 = tpu.memref_squeeze %dma_wait3A_516 : memref<1x1x128xi32, #tpu.memory_space<vmem>> -> memref<128xi32, #tpu.memory_space<vmem>>
            %dma_wait3A_518 = arith.constant 0 : i32
            %dma_wait3A_519 = arith.constant 0 : i32
            %dma_wait3A_520 = tpu.memref_slice %arg2[%dma_wait3A_518, %dma_wait3A_519] : memref<174080x128xi32, #tpu.memory_space<hbm>> -> memref<174080x128xi32, #tpu.memory_space<hbm>>
            tpu.wait_indirect_dma semaphore(%run_scoped3A_481 : memref<!tpu.dma_semaphore, #tpu.memory_space<semaphore_mem>>) src(%dma_wait3A_520 : memref<174080x128xi32, #tpu.memory_space<hbm>>) dst(%dma_wait3A_509 : memref<128x128xi32, #tpu.memory_space<vmem>>)
            tpu.yield
          }) : () -> ()
          "tpu.trace_stop"() : () -> ()
          %mul3A_364 = arith.constant 768 : i32
          %mul3A_365 = arith.muli %add3A_227, %mul3A_364 : i32
          %add3A_366 = arith.constant 0 : i32
          %add3A_367 = arith.addi %mul3A_365, %add3A_366 : i32
          %add3A_368 = arith.addi %add3A_367, %add3A_228 : i32
          %mul3A_369 = arith.constant 768 : i32
          %mul3A_370 = arith.muli %add3A_263, %mul3A_369 : i32
          %add3A_371 = arith.constant 0 : i32
          %add3A_372 = arith.addi %mul3A_370, %add3A_371 : i32
          %add3A_373 = arith.addi %add3A_372, %add3A_264 : i32
          %ne3A_374 = arith.cmpi ne, %add3A_368, %add3A_373 : i32
          %or3A_375 = arith.constant false
          %or3A_376 = arith.ori %or3A_375, %ne3A_374 : i1
          %or3A_377 = arith.constant false
          %or3A_378 = arith.ori %or3A_376, %or3A_377 : i1
          %or3A_379 = arith.constant false
          %or3A_380 = arith.ori %or3A_378, %or3A_379 : i1
          %or3A_381 = arith.ori %or3A_380, %eq3A_225 : i1
          %convert_element_type3A_382 = arith.extui %or3A_381 : i1 to i32
          %cond3A_383 = arith.constant 0 : i32
          %cond3A_384 = arith.cmpi ne, %convert_element_type3A_382, %cond3A_383 : i32
          scf.if %cond3A_384 {
          } else {
          }
          %and3A_385 = arith.constant false
          %and3A_386 = arith.andi %or3A_381, %and3A_385 : i1
          %ne3A_387 = arith.cmpi ne, %add3A_227, %add3A_263 : i32
          %ne3A_388 = arith.cmpi ne, %add3A_228, %add3A_264 : i32
          %or3A_389 = arith.constant false
          %or3A_390 = arith.ori %or3A_389, %ne3A_387 : i1
          %or3A_391 = arith.ori %or3A_390, %ne3A_388 : i1
          %or3A_392 = arith.constant false
          %or3A_393 = arith.ori %or3A_391, %or3A_392 : i1
          %or3A_394 = arith.ori %or3A_393, %eq3A_225 : i1
          %convert_element_type3A_395 = arith.extui %or3A_394 : i1 to i32
          %cond3A_396 = arith.constant 0 : i32
          %cond3A_397 = arith.cmpi ne, %convert_element_type3A_395, %cond3A_396 : i32
          scf.if %cond3A_397 {
            "tpu.trace_start"() <{level = 10 : i32, message = "ep_copy_out"}> : () -> ()
            %rem3A_481 = arith.constant 2 : i32
            %rem3A_482 = arith.remui %while3A_215, %rem3A_481 : i32
            %mul3A_483 = arith.constant 1 : i32
            %mul3A_484 = arith.muli %mul3A_483, %add3A_227 : i32
            %mul3A_485 = arith.constant 128 : i32
            %mul3A_486 = arith.muli %mul3A_485, %add3A_228 : i32
            %dma_start3A_487 = arith.constant 0 : i32
            %dma_start3A_488 = arith.constant 0 : i32
            %dma_start3A_489 = arith.constant 0 : i32
            %dma_start3A_490 = tpu.memref_slice %run_scoped3A_18[%rem3A_482, %dma_start3A_487, %dma_start3A_488, %dma_start3A_489] : memref<2x1x128x128xi32, #tpu.memory_space<vmem>> -> memref<1x1x128x128xi32, #tpu.memory_space<vmem>>
            %dma_start3A_491 = tpu.memref_squeeze %dma_start3A_490 : memref<1x1x128x128xi32, #tpu.memory_space<vmem>> -> memref<1x128x128xi32, #tpu.memory_space<vmem>>
            %dma_start3A_492 = arith.constant 0 : i32
            %dma_start3A_493 = tpu.memref_slice %arg4[%mul3A_484, %mul3A_486, %dma_start3A_492] : memref<4x32000x128xi32, #tpu.memory_space<hbm>> -> memref<1x128x128xi32, #tpu.memory_space<hbm>>
            %dma_start3A_494 = tpu.memref_slice %run_scoped3A_19[%rem3A_482] : memref<2x!tpu.dma_semaphore, #tpu.memory_space<semaphore_mem>> -> memref<1x!tpu.dma_semaphore, #tpu.memory_space<semaphore_mem>>
            %dma_start3A_495 = tpu.memref_squeeze %dma_start3A_494 : memref<1x!tpu.dma_semaphore, #tpu.memory_space<semaphore_mem>> -> memref<!tpu.dma_semaphore, #tpu.memory_space<semaphore_mem>>
            %dma_start3A_496 = arith.constant 0 : i32
            %dma_start3A_497 = tpu.memref_slice %arg4[%mul3A_484, %mul3A_486, %dma_start3A_496] : memref<4x32000x128xi32, #tpu.memory_space<hbm>> -> memref<1x128x128xi32, #tpu.memory_space<hbm>>
            %dma_start3A_498 = arith.constant 0 : i32
            %dma_start3A_499 = arith.constant 0 : i32
            %dma_start3A_500 = arith.constant 0 : i32
            %dma_start3A_501 = tpu.memref_slice %run_scoped3A_18[%rem3A_482, %dma_start3A_498, %dma_start3A_499, %dma_start3A_500] : memref<2x1x128x128xi32, #tpu.memory_space<vmem>> -> memref<1x1x128x128xi32, #tpu.memory_space<vmem>>
            %dma_start3A_502 = tpu.memref_squeeze %dma_start3A_501 : memref<1x1x128x128xi32, #tpu.memory_space<vmem>> -> memref<1x128x128xi32, #tpu.memory_space<vmem>>
            tpu.enqueue_dma source(%dma_start3A_502 : memref<1x128x128xi32, #tpu.memory_space<vmem>>) target(%dma_start3A_497 : memref<1x128x128xi32, #tpu.memory_space<hbm>>) target_semaphore(%dma_start3A_495 : memref<!tpu.dma_semaphore, #tpu.memory_space<semaphore_mem>>)
            "tpu.trace_stop"() : () -> ()
          } else {
          }
          %and3A_398 = arith.constant true
          %and3A_399 = arith.andi %or3A_394, %and3A_398 : i1
          %add3A_400 = arith.constant 1 : i32
          %add3A_401 = arith.addi %while3A_215, %add3A_400 : i32
          %select_n3A_402 = arith.select %and3A_399, %add3A_401, %while3A_215 : i32
          %mul3A_403 = arith.constant 768 : i32
          %mul3A_404 = arith.muli %add3A_227, %mul3A_403 : i32
          %add3A_405 = arith.constant 0 : i32
          %add3A_406 = arith.addi %mul3A_404, %add3A_405 : i32
          %add3A_407 = arith.addi %add3A_406, %add3A_228 : i32
          %mul3A_408 = arith.constant 768 : i32
          %mul3A_409 = arith.muli %add3A_246, %mul3A_408 : i32
          %add3A_410 = arith.constant 0 : i32
          %add3A_411 = arith.addi %mul3A_409, %add3A_410 : i32
          %add3A_412 = arith.addi %add3A_411, %add3A_247 : i32
          %ne3A_413 = arith.cmpi ne, %add3A_407, %add3A_412 : i32
          %or3A_414 = arith.constant false
          %or3A_415 = arith.ori %or3A_414, %ne3A_413 : i1
          %or3A_416 = arith.constant false
          %or3A_417 = arith.ori %or3A_415, %or3A_416 : i1
          %or3A_418 = arith.constant false
          %or3A_419 = arith.ori %or3A_417, %or3A_418 : i1
          %not3A_420 = arith.constant true
          %not3A_421 = arith.xori %eq3A_222, %not3A_420 : i1
          %and3A_422 = arith.andi %or3A_419, %not3A_421 : i1
          %convert_element_type3A_423 = arith.extui %and3A_422 : i1 to i32
          %cond3A_424 = arith.constant 0 : i32
          %cond3A_425 = arith.cmpi ne, %convert_element_type3A_423, %cond3A_424 : i32
          scf.if %cond3A_425 {
          } else {
          }
          %and3A_426 = arith.constant false
          %and3A_427 = arith.andi %and3A_422, %and3A_426 : i1
          %ne3A_428 = arith.cmpi ne, %add3A_227, %add3A_246 : i32
          %ne3A_429 = arith.cmpi ne, %add3A_228, %add3A_247 : i32
          %or3A_430 = arith.constant false
          %or3A_431 = arith.ori %or3A_430, %ne3A_428 : i1
          %or3A_432 = arith.ori %or3A_431, %ne3A_429 : i1
          %or3A_433 = arith.constant false
          %or3A_434 = arith.ori %or3A_432, %or3A_433 : i1
          %not3A_435 = arith.constant true
          %not3A_436 = arith.xori %eq3A_222, %not3A_435 : i1
          %and3A_437 = arith.andi %or3A_434, %not3A_436 : i1
          %convert_element_type3A_438 = arith.extui %and3A_437 : i1 to i32
          %cond3A_439 = arith.constant 0 : i32
          %cond3A_440 = arith.cmpi ne, %convert_element_type3A_438, %cond3A_439 : i32
          scf.if %cond3A_440 {
            "tpu.trace_start"() <{level = 10 : i32, message = "ep_wait_out"}> : () -> ()
            %rem3A_481 = arith.constant 2 : i32
            %rem3A_482 = arith.remui %while3A_216, %rem3A_481 : i32
            %mul3A_483 = arith.constant 1 : i32
            %mul3A_484 = arith.muli %mul3A_483, %add3A_246 : i32
            %mul3A_485 = arith.constant 128 : i32
            %mul3A_486 = arith.muli %mul3A_485, %add3A_247 : i32
            %dma_wait3A = arith.constant 0 : i32
            %dma_wait3A_487 = arith.constant 0 : i32
            %dma_wait3A_488 = arith.constant 0 : i32
            %dma_wait3A_489 = tpu.memref_slice %run_scoped3A_18[%rem3A_482, %dma_wait3A, %dma_wait3A_487, %dma_wait3A_488] : memref<2x1x128x128xi32, #tpu.memory_space<vmem>> -> memref<1x1x128x128xi32, #tpu.memory_space<vmem>>
            %dma_wait3A_490 = tpu.memref_squeeze %dma_wait3A_489 : memref<1x1x128x128xi32, #tpu.memory_space<vmem>> -> memref<1x128x128xi32, #tpu.memory_space<vmem>>
            %dma_wait3A_491 = arith.constant 0 : i32
            %dma_wait3A_492 = tpu.memref_slice %arg4[%mul3A_484, %mul3A_486, %dma_wait3A_491] : memref<4x32000x128xi32, #tpu.memory_space<hbm>> -> memref<1x128x128xi32, #tpu.memory_space<hbm>>
            %dma_wait3A_493 = tpu.memref_slice %run_scoped3A_19[%rem3A_482] : memref<2x!tpu.dma_semaphore, #tpu.memory_space<semaphore_mem>> -> memref<1x!tpu.dma_semaphore, #tpu.memory_space<semaphore_mem>>
            %dma_wait3A_494 = tpu.memref_squeeze %dma_wait3A_493 : memref<1x!tpu.dma_semaphore, #tpu.memory_space<semaphore_mem>> -> memref<!tpu.dma_semaphore, #tpu.memory_space<semaphore_mem>>
            %dma_wait3A_495 = arith.constant 0 : i32
            %dma_wait3A_496 = tpu.memref_slice %arg4[%mul3A_484, %mul3A_486, %dma_wait3A_495] : memref<4x32000x128xi32, #tpu.memory_space<hbm>> -> memref<1x128x128xi32, #tpu.memory_space<hbm>>
            %dma_wait3A_497 = arith.constant 0 : i32
            %dma_wait3A_498 = arith.constant 0 : i32
            %dma_wait3A_499 = arith.constant 0 : i32
            %dma_wait3A_500 = tpu.memref_slice %run_scoped3A_18[%rem3A_482, %dma_wait3A_497, %dma_wait3A_498, %dma_wait3A_499] : memref<2x1x128x128xi32, #tpu.memory_space<vmem>> -> memref<1x1x128x128xi32, #tpu.memory_space<vmem>>
            %dma_wait3A_501 = tpu.memref_squeeze %dma_wait3A_500 : memref<1x1x128x128xi32, #tpu.memory_space<vmem>> -> memref<1x128x128xi32, #tpu.memory_space<vmem>>
            tpu.wait_dma2 semaphore(%dma_wait3A_494 : memref<!tpu.dma_semaphore, #tpu.memory_space<semaphore_mem>>) src(%dma_wait3A_501 : memref<1x128x128xi32, #tpu.memory_space<vmem>>) dst(%dma_wait3A_496 : memref<1x128x128xi32, #tpu.memory_space<hbm>>)
            "tpu.trace_stop"() : () -> ()
          } else {
          }
          %and3A_441 = arith.constant true
          %and3A_442 = arith.andi %and3A_437, %and3A_441 : i1
          %add3A_443 = arith.constant 1 : i32
          %add3A_444 = arith.addi %while3A_216, %add3A_443 : i32
          %select_n3A_445 = arith.select %and3A_442, %add3A_444, %while3A_216 : i32
          %mul3A_446 = arith.constant 768 : i32
          %mul3A_447 = arith.muli %add3A_227, %mul3A_446 : i32
          %add3A_448 = arith.constant 0 : i32
          %add3A_449 = arith.addi %mul3A_447, %add3A_448 : i32
          %add3A_450 = arith.addi %add3A_449, %add3A_228 : i32
          %mul3A_451 = arith.constant 768 : i32
          %mul3A_452 = arith.muli %add3A_263, %mul3A_451 : i32
          %add3A_453 = arith.constant 0 : i32
          %add3A_454 = arith.addi %mul3A_452, %add3A_453 : i32
          %add3A_455 = arith.addi %add3A_454, %add3A_264 : i32
          %ne3A_456 = arith.cmpi ne, %add3A_450, %add3A_455 : i32
          %or3A_457 = arith.constant false
          %or3A_458 = arith.ori %or3A_457, %ne3A_456 : i1
          %or3A_459 = arith.constant false
          %or3A_460 = arith.ori %or3A_458, %or3A_459 : i1
          %or3A_461 = arith.constant false
          %or3A_462 = arith.ori %or3A_460, %or3A_461 : i1
          %or3A_463 = arith.ori %or3A_462, %eq3A_225 : i1
          %add3A_464 = arith.constant 1 : i32
          %add3A_465 = arith.addi %while3A_214, %add3A_464 : i32
          %select_n3A_466 = arith.select %or3A_463, %add3A_465, %while3A_214 : i32
          %add3A_467 = arith.constant 1 : i32
          %add3A_468 = arith.addi %while3A_218, %add3A_467 : i32
          %select_n3A_469 = arith.constant true
          %select_n3A_470 = arith.select %select_n3A_469, %add3A_468, %while3A_218 : i32
          %eq3A_471 = arith.cmpi eq, %select_n3A_470, %select_n3A : i32
          %select_n3A_472 = arith.constant 0 : i32
          %select_n3A_473 = arith.select %eq3A_471, %select_n3A_472, %select_n3A_470 : i32
          %add3A_474 = arith.constant 1 : i32
          %add3A_475 = arith.addi %while3A_217, %add3A_474 : i32
          %select_n3A_476 = arith.select %eq3A_471, %add3A_475, %while3A_217 : i32
          %eq3A_477 = arith.constant 4 : i32
          %eq3A_478 = arith.cmpi eq, %select_n3A_476, %eq3A_477 : i32
          %select_n3A_479 = arith.constant 0 : i32
          %select_n3A_480 = arith.select %eq3A_478, %select_n3A_479, %select_n3A_476 : i32
          scf.yield %select_n3A_309, %select_n3A_466, %select_n3A_402, %select_n3A_445, %select_n3A_480, %select_n3A_473 : i32, i32, i32, i32, i32, i32
        }
        %sub3A_125 = arith.constant 1 : i32
        %sub3A_126 = arith.subi %while3A_124#5, %sub3A_125 : i32
        %select_n3A_127 = arith.constant true
        %select_n3A_128 = arith.select %select_n3A_127, %sub3A_126, %while3A_124#5 : i32
        %eq3A_129 = arith.constant -1 : i32
        %eq3A_130 = arith.cmpi eq, %select_n3A_128, %eq3A_129 : i32
        %sub3A_131 = arith.constant 1 : i32
        %sub3A_132 = arith.subi %select_n3A, %sub3A_131 : i32
        %select_n3A_133 = arith.select %eq3A_130, %sub3A_132, %select_n3A_128 : i32
        %sub3A_134 = arith.constant 1 : i32
        %sub3A_135 = arith.subi %while3A_124#4, %sub3A_134 : i32
        %select_n3A_136 = arith.select %eq3A_130, %sub3A_135, %while3A_124#4 : i32
        %eq3A_137 = arith.constant -1 : i32
        %eq3A_138 = arith.cmpi eq, %select_n3A_136, %eq3A_137 : i32
        %select_n3A_139 = arith.constant 3 : i32
        %select_n3A_140 = arith.select %eq3A_138, %select_n3A_139, %select_n3A_136 : i32
        %sub3A_141 = arith.constant 1 : i32
        %sub3A_142 = arith.subi %mul3A_16, %sub3A_141 : i32
        %mul3A_143 = arith.constant 4 : i32
        %mul3A_144 = arith.muli %mul3A_143, %select_n3A : i32
        %eq3A_145 = arith.constant 0 : i32
        %eq3A_146 = arith.cmpi eq, %sub3A_142, %eq3A_145 : i32
        %sub3A_147 = arith.constant 1 : i32
        %sub3A_148 = arith.subi %mul3A_144, %sub3A_147 : i32
        %eq3A_149 = arith.cmpi eq, %sub3A_142, %sub3A_148 : i32
        %add3A_150 = arith.constant 0 : i32
        %add3A_151 = arith.addi %select_n3A_140, %add3A_150 : i32
        %add3A_152 = arith.addi %select_n3A_133, %select_n3A_14 : i32
        %sub3A_153 = arith.constant 1 : i32
        %sub3A_154 = arith.subi %select_n3A_133, %sub3A_153 : i32
        %select_n3A_155 = arith.constant true
        %select_n3A_156 = arith.select %select_n3A_155, %sub3A_154, %select_n3A_133 : i32
        %eq3A_157 = arith.constant -1 : i32
        %eq3A_158 = arith.cmpi eq, %select_n3A_156, %eq3A_157 : i32
        %sub3A_159 = arith.constant 1 : i32
        %sub3A_160 = arith.subi %select_n3A, %sub3A_159 : i32
        %select_n3A_161 = arith.select %eq3A_158, %sub3A_160, %select_n3A_156 : i32
        %sub3A_162 = arith.constant 1 : i32
        %sub3A_163 = arith.subi %select_n3A_140, %sub3A_162 : i32
        %select_n3A_164 = arith.select %eq3A_158, %sub3A_163, %select_n3A_140 : i32
        %eq3A_165 = arith.constant -1 : i32
        %eq3A_166 = arith.cmpi eq, %select_n3A_164, %eq3A_165 : i32
        %select_n3A_167 = arith.constant 3 : i32
        %select_n3A_168 = arith.select %eq3A_166, %select_n3A_167, %select_n3A_164 : i32
        %add3A_169 = arith.constant 0 : i32
        %add3A_170 = arith.addi %select_n3A_168, %add3A_169 : i32
        %add3A_171 = arith.addi %select_n3A_161, %select_n3A_14 : i32
        %add3A_172 = arith.constant 1 : i32
        %add3A_173 = arith.addi %select_n3A_133, %add3A_172 : i32
        %select_n3A_174 = arith.constant true
        %select_n3A_175 = arith.select %select_n3A_174, %add3A_173, %select_n3A_133 : i32
        %eq3A_176 = arith.cmpi eq, %select_n3A_175, %select_n3A : i32
        %select_n3A_177 = arith.constant 0 : i32
        %select_n3A_178 = arith.select %eq3A_176, %select_n3A_177, %select_n3A_175 : i32
        %add3A_179 = arith.constant 1 : i32
        %add3A_180 = arith.addi %select_n3A_140, %add3A_179 : i32
        %select_n3A_181 = arith.select %eq3A_176, %add3A_180, %select_n3A_140 : i32
        %eq3A_182 = arith.constant 4 : i32
        %eq3A_183 = arith.cmpi eq, %select_n3A_181, %eq3A_182 : i32
        %select_n3A_184 = arith.constant 0 : i32
        %select_n3A_185 = arith.select %eq3A_183, %select_n3A_184, %select_n3A_181 : i32
        %add3A_186 = arith.constant 0 : i32
        %add3A_187 = arith.addi %select_n3A_185, %add3A_186 : i32
        %add3A_188 = arith.addi %select_n3A_178, %select_n3A_14 : i32
        %add3A_189 = arith.constant 1 : i32
        %add3A_190 = arith.addi %select_n3A_178, %add3A_189 : i32
        %select_n3A_191 = arith.constant true
        %select_n3A_192 = arith.select %select_n3A_191, %add3A_190, %select_n3A_178 : i32
        %eq3A_193 = arith.cmpi eq, %select_n3A_192, %select_n3A : i32
        %select_n3A_194 = arith.constant 0 : i32
        %select_n3A_195 = arith.select %eq3A_193, %select_n3A_194, %select_n3A_192 : i32
        %add3A_196 = arith.constant 1 : i32
        %add3A_197 = arith.addi %select_n3A_185, %add3A_196 : i32
        %select_n3A_198 = arith.select %eq3A_193, %add3A_197, %select_n3A_185 : i32
        %eq3A_199 = arith.constant 4 : i32
        %eq3A_200 = arith.cmpi eq, %select_n3A_198, %eq3A_199 : i32
        %select_n3A_201 = arith.constant 0 : i32
        %select_n3A_202 = arith.select %eq3A_200, %select_n3A_201, %select_n3A_198 : i32
        %add3A_203 = arith.constant 0 : i32
        %add3A_204 = arith.addi %select_n3A_202, %add3A_203 : i32
        %add3A_205 = arith.addi %select_n3A_195, %select_n3A_14 : i32
        %convert_element_type3A_206 = arith.extui %eq3A_149 : i1 to i32
        %cond3A_207 = arith.constant 0 : i32
        %cond3A_208 = arith.cmpi ne, %convert_element_type3A_206, %cond3A_207 : i32
        scf.if %cond3A_208 {
        } else {
        }
        %convert_element_type3A_209 = arith.extui %eq3A_149 : i1 to i32
        %cond3A_210 = arith.constant 0 : i32
        %cond3A_211 = arith.cmpi ne, %convert_element_type3A_209, %cond3A_210 : i32
        scf.if %cond3A_211 {
          "tpu.trace_start"() <{level = 10 : i32, message = "ep_finalize"}> : () -> ()
          %rem3A_212 = arith.constant 2 : i32
          %rem3A_213 = arith.remui %while3A_124#3, %rem3A_212 : i32
          %mul3A_214 = arith.constant 1 : i32
          %mul3A_215 = arith.muli %mul3A_214, %add3A_151 : i32
          %mul3A_216 = arith.constant 128 : i32
          %mul3A_217 = arith.muli %mul3A_216, %add3A_152 : i32
          %dma_wait3A = arith.constant 0 : i32
          %dma_wait3A_218 = arith.constant 0 : i32
          %dma_wait3A_219 = arith.constant 0 : i32
          %dma_wait3A_220 = tpu.memref_slice %run_scoped3A_18[%rem3A_213, %dma_wait3A, %dma_wait3A_218, %dma_wait3A_219] : memref<2x1x128x128xi32, #tpu.memory_space<vmem>> -> memref<1x1x128x128xi32, #tpu.memory_space<vmem>>
          %dma_wait3A_221 = tpu.memref_squeeze %dma_wait3A_220 : memref<1x1x128x128xi32, #tpu.memory_space<vmem>> -> memref<1x128x128xi32, #tpu.memory_space<vmem>>
          %dma_wait3A_222 = arith.constant 0 : i32
          %dma_wait3A_223 = tpu.memref_slice %arg4[%mul3A_215, %mul3A_217, %dma_wait3A_222] : memref<4x32000x128xi32, #tpu.memory_space<hbm>> -> memref<1x128x128xi32, #tpu.memory_space<hbm>>
          %dma_wait3A_224 = tpu.memref_slice %run_scoped3A_19[%rem3A_213] : memref<2x!tpu.dma_semaphore, #tpu.memory_space<semaphore_mem>> -> memref<1x!tpu.dma_semaphore, #tpu.memory_space<semaphore_mem>>
          %dma_wait3A_225 = tpu.memref_squeeze %dma_wait3A_224 : memref<1x!tpu.dma_semaphore, #tpu.memory_space<semaphore_mem>> -> memref<!tpu.dma_semaphore, #tpu.memory_space<semaphore_mem>>
          %dma_wait3A_226 = arith.constant 0 : i32
          %dma_wait3A_227 = tpu.memref_slice %arg4[%mul3A_215, %mul3A_217, %dma_wait3A_226] : memref<4x32000x128xi32, #tpu.memory_space<hbm>> -> memref<1x128x128xi32, #tpu.memory_space<hbm>>
          %dma_wait3A_228 = arith.constant 0 : i32
          %dma_wait3A_229 = arith.constant 0 : i32
          %dma_wait3A_230 = arith.constant 0 : i32
          %dma_wait3A_231 = tpu.memref_slice %run_scoped3A_18[%rem3A_213, %dma_wait3A_228, %dma_wait3A_229, %dma_wait3A_230] : memref<2x1x128x128xi32, #tpu.memory_space<vmem>> -> memref<1x1x128x128xi32, #tpu.memory_space<vmem>>
          %dma_wait3A_232 = tpu.memref_squeeze %dma_wait3A_231 : memref<1x1x128x128xi32, #tpu.memory_space<vmem>> -> memref<1x128x128xi32, #tpu.memory_space<vmem>>
          tpu.wait_dma2 semaphore(%dma_wait3A_225 : memref<!tpu.dma_semaphore, #tpu.memory_space<semaphore_mem>>) src(%dma_wait3A_232 : memref<1x128x128xi32, #tpu.memory_space<vmem>>) dst(%dma_wait3A_227 : memref<1x128x128xi32, #tpu.memory_space<hbm>>)
          "tpu.trace_stop"() : () -> ()
        } else {
        }
      } else {
      }
      tpu.yield
    }) : () -> ()
    return
  }
}

module attributes {stable_mosaic.version = 14 : i64} {
  func.func @_pack_first_body(%arg0: i32, %arg1: memref<2048x256xf32, #tpu.memory_space<vmem>>, %arg2: memref<2048x128xi32, #tpu.memory_space<vmem>>) attributes {dimension_semantics = [#tpu.dimension_semantics<arbitrary>], iteration_bounds = array<i64: 64>, scalar_prefetch = 0 : i64, scratch_operands = 0 : i64, tpu.core_type = #tpu.core_type<tc>, window_params = [{transform_indices = @transform_0, window_bounds = array<i64: 2048, 256>}, {transform_indices = @transform_1, window_bounds = array<i64: 2048, 128>}]} {
    %get3A = arith.constant 0 : index
    %get3A_0 = arith.constant 0 : index
    %get3A_1 = vector.load %arg1[%get3A, %get3A_0] : memref<2048x256xf32, #tpu.memory_space<vmem>>, vector<2048x256xf32>
    %slice3A = vector.extract_strided_slice %get3A_1 {offsets = [0, 0], sizes = [2048, 128], strides = [1, 1]} : vector<2048x256xf32> to vector<2048x128xf32>
    %bitcast_convert_type3A = tpu.bitcast %slice3A : vector<2048x128xf32> -> vector<2048x128xi32>
    %slice3A_2 = vector.extract_strided_slice %get3A_1 {offsets = [0, 128], sizes = [2048, 128], strides = [1, 1]} : vector<2048x256xf32> to vector<2048x128xf32>
    %bitcast_convert_type3A_3 = tpu.bitcast %slice3A_2 : vector<2048x128xf32> -> vector<2048x128xi32>
    %add3A = arith.constant 32767 : i32
    %add3A_4 = vector.broadcast %add3A : i32 to vector<2048x128xi32>
    %add3A_5 = arith.addi %bitcast_convert_type3A, %add3A_4 : vector<2048x128xi32>
    %shift_right_arithmetic3A = arith.constant 16 : i32
    %shift_right_arithmetic3A_6 = vector.broadcast %shift_right_arithmetic3A : i32 to vector<2048x128xi32>
    %shift_right_arithmetic3A_7 = arith.shrsi %bitcast_convert_type3A, %shift_right_arithmetic3A_6 : vector<2048x128xi32>
    %and3A = arith.constant 1 : i32
    %and3A_8 = vector.broadcast %and3A : i32 to vector<2048x128xi32>
    %and3A_9 = arith.andi %shift_right_arithmetic3A_7, %and3A_8 : vector<2048x128xi32>
    %add3A_10 = arith.addi %add3A_5, %and3A_9 : vector<2048x128xi32>
    %and3A_11 = arith.constant -65536 : i32
    %and3A_12 = vector.broadcast %and3A_11 : i32 to vector<2048x128xi32>
    %and3A_13 = arith.andi %add3A_10, %and3A_12 : vector<2048x128xi32>
    %shift_right_logical3A = arith.constant 16 : i32
    %shift_right_logical3A_14 = vector.broadcast %shift_right_logical3A : i32 to vector<2048x128xi32>
    %shift_right_logical3A_15 = arith.shrui %and3A_13, %shift_right_logical3A_14 : vector<2048x128xi32>
    %add3A_16 = arith.constant 32767 : i32
    %add3A_17 = vector.broadcast %add3A_16 : i32 to vector<2048x128xi32>
    %add3A_18 = arith.addi %bitcast_convert_type3A_3, %add3A_17 : vector<2048x128xi32>
    %shift_right_arithmetic3A_19 = arith.constant 16 : i32
    %shift_right_arithmetic3A_20 = vector.broadcast %shift_right_arithmetic3A_19 : i32 to vector<2048x128xi32>
    %shift_right_arithmetic3A_21 = arith.shrsi %bitcast_convert_type3A_3, %shift_right_arithmetic3A_20 : vector<2048x128xi32>
    %and3A_22 = arith.constant 1 : i32
    %and3A_23 = vector.broadcast %and3A_22 : i32 to vector<2048x128xi32>
    %and3A_24 = arith.andi %shift_right_arithmetic3A_21, %and3A_23 : vector<2048x128xi32>
    %add3A_25 = arith.addi %add3A_18, %and3A_24 : vector<2048x128xi32>
    %and3A_26 = arith.constant -65536 : i32
    %and3A_27 = vector.broadcast %and3A_26 : i32 to vector<2048x128xi32>
    %and3A_28 = arith.andi %add3A_25, %and3A_27 : vector<2048x128xi32>
    %or3A = arith.ori %shift_right_logical3A_15, %and3A_28 : vector<2048x128xi32>
    %swap3A = arith.constant 0 : index
    %swap3A_29 = arith.constant 0 : index
    %swap3A_30 = vector.load %arg2[%swap3A, %swap3A_29] : memref<2048x128xi32, #tpu.memory_space<vmem>>, vector<2048x128xi32>
    tpu.vector_store %arg2[%swap3A, %swap3A_29], %or3A {strides = array<i32>} : memref<2048x128xi32, #tpu.memory_space<vmem>>, vector<2048x128xi32>,
    return
  }
  func.func @transform_0(%arg0: i32) -> (i32, i32) {
    %c0_i32 = arith.constant 0 : i32
    %c0_i32_0 = arith.constant 0 : i32
    return %arg0, %c0_i32 : i32, i32
  }
  func.func @transform_1(%arg0: i32) -> (i32, i32) {
    %add3A = arith.constant 0 : i32
    %add3A_0 = arith.addi %add3A, %arg0 : i32
    %c0_i32 = arith.constant 0 : i32
    %c0_i32_1 = arith.constant 0 : i32
    return %add3A_0, %c0_i32 : i32, i32
  }
}

module attributes {stable_mosaic.version = 14 : i64} {
  func.func @_index_weight_body(%arg0: memref<8x1000xf32, #tpu.memory_space<vmem>>, %arg1: memref<2x1000xi32, #tpu.memory_space<vmem>>, %arg2: memref<4x98x1000xi32, #tpu.memory_space<vmem>>, %arg3: memref<98x4x1000xf32, #tpu.memory_space<vmem>>) attributes {dimension_semantics = [], scalar_prefetch = 0 : i64, scratch_operands = 0 : i64, tpu.core_type = #tpu.core_type<tc>} {
    %iota3A = tpu.iota {dimensions = array<i32: 0>} : vector<49x1xi32>
    %jit3A = arith.constant 7 : i32
    %div3A = vector.broadcast %jit3A : i32 to vector<49x1xi32>
    %div3A_0 = arith.divsi %iota3A, %div3A : vector<49x1xi32>
    %sign3A = arith.constant 0 : i32
    %sign3A_1 = vector.broadcast %sign3A : i32 to vector<49x1xi32>
    %sign3A_2 = arith.cmpi sgt, %iota3A, %sign3A_1 : vector<49x1xi32>
    %sign3A_3 = arith.extui %sign3A_2 : vector<49x1xi1> to vector<49x1xi32>
    %sign3A_4 = arith.constant 0 : i32
    %sign3A_5 = vector.broadcast %sign3A_4 : i32 to vector<49x1xi32>
    %sign3A_6 = arith.cmpi slt, %iota3A, %sign3A_5 : vector<49x1xi32>
    %sign3A_7 = arith.extui %sign3A_6 : vector<49x1xi1> to vector<49x1xi32>
    %sign3A_8 = arith.subi %sign3A_3, %sign3A_7 : vector<49x1xi32>
    %sign3A_9 = arith.constant 0 : i32
    %sign3A_10 = arith.cmpi sgt, %jit3A, %sign3A_9 : i32
    %sign3A_11 = arith.extui %sign3A_10 : i1 to i32
    %sign3A_12 = arith.constant 0 : i32
    %sign3A_13 = arith.cmpi slt, %jit3A, %sign3A_12 : i32
    %sign3A_14 = arith.extui %sign3A_13 : i1 to i32
    %sign3A_15 = arith.subi %sign3A_11, %sign3A_14 : i32
    %ne3A = vector.broadcast %sign3A_15 : i32 to vector<49x1xi32>
    %ne3A_16 = arith.cmpi ne, %sign3A_8, %ne3A : vector<49x1xi32>
    %rem3A = vector.broadcast %jit3A : i32 to vector<49x1xi32>
    %rem3A_17 = arith.remsi %iota3A, %rem3A : vector<49x1xi32>
    %ne3A_18 = arith.constant 0 : i32
    %ne3A_19 = vector.broadcast %ne3A_18 : i32 to vector<49x1xi32>
    %ne3A_20 = arith.cmpi ne, %rem3A_17, %ne3A_19 : vector<49x1xi32>
    %and3A = arith.andi %ne3A_16, %ne3A_20 : vector<49x1xi1>
    %sub3A = arith.constant 1 : i32
    %sub3A_21 = vector.broadcast %sub3A : i32 to vector<49x1xi32>
    %sub3A_22 = arith.subi %div3A_0, %sub3A_21 : vector<49x1xi32>
    %select_n3A = arith.select %and3A, %sub3A_22, %div3A_0 : vector<49x1xi1>, vector<49x1xi32>
    %convert_element_type3A = arith.sitofp %select_n3A : vector<49x1xi32> to vector<49x1xf32>
    %div3A_23 = arith.constant 6.000000e+00 : f32
    %div3A_24 = vector.broadcast %div3A_23 : f32 to vector<49x1xf32>
    %div3A_25 = arith.divf %convert_element_type3A, %div3A_24 : vector<49x1xf32>
    %jit3A_26 = arith.constant 7 : i32
    %div3A_27 = vector.broadcast %jit3A_26 : i32 to vector<49x1xi32>
    %div3A_28 = arith.divsi %iota3A, %div3A_27 : vector<49x1xi32>
    %sign3A_29 = arith.constant 0 : i32
    %sign3A_30 = vector.broadcast %sign3A_29 : i32 to vector<49x1xi32>
    %sign3A_31 = arith.cmpi sgt, %iota3A, %sign3A_30 : vector<49x1xi32>
    %sign3A_32 = arith.extui %sign3A_31 : vector<49x1xi1> to vector<49x1xi32>
    %sign3A_33 = arith.constant 0 : i32
    %sign3A_34 = vector.broadcast %sign3A_33 : i32 to vector<49x1xi32>
    %sign3A_35 = arith.cmpi slt, %iota3A, %sign3A_34 : vector<49x1xi32>
    %sign3A_36 = arith.extui %sign3A_35 : vector<49x1xi1> to vector<49x1xi32>
    %sign3A_37 = arith.subi %sign3A_32, %sign3A_36 : vector<49x1xi32>
    %sign3A_38 = arith.constant 0 : i32
    %sign3A_39 = arith.cmpi sgt, %jit3A_26, %sign3A_38 : i32
    %sign3A_40 = arith.extui %sign3A_39 : i1 to i32
    %sign3A_41 = arith.constant 0 : i32
    %sign3A_42 = arith.cmpi slt, %jit3A_26, %sign3A_41 : i32
    %sign3A_43 = arith.extui %sign3A_42 : i1 to i32
    %sign3A_44 = arith.subi %sign3A_40, %sign3A_43 : i32
    %ne3A_45 = vector.broadcast %sign3A_44 : i32 to vector<49x1xi32>
    %ne3A_46 = arith.cmpi ne, %sign3A_37, %ne3A_45 : vector<49x1xi32>
    %rem3A_47 = vector.broadcast %jit3A_26 : i32 to vector<49x1xi32>
    %rem3A_48 = arith.remsi %iota3A, %rem3A_47 : vector<49x1xi32>
    %ne3A_49 = arith.constant 0 : i32
    %ne3A_50 = vector.broadcast %ne3A_49 : i32 to vector<49x1xi32>
    %ne3A_51 = arith.cmpi ne, %rem3A_48, %ne3A_50 : vector<49x1xi32>
    %and3A_52 = arith.andi %ne3A_46, %ne3A_51 : vector<49x1xi1>
    %sub3A_53 = arith.constant 1 : i32
    %sub3A_54 = vector.broadcast %sub3A_53 : i32 to vector<49x1xi32>
    %sub3A_55 = arith.subi %div3A_28, %sub3A_54 : vector<49x1xi32>
    %select_n3A_56 = arith.select %and3A_52, %sub3A_55, %div3A_28 : vector<49x1xi1>, vector<49x1xi32>
    %mul3A = arith.constant 7 : i32
    %mul3A_57 = vector.broadcast %mul3A : i32 to vector<49x1xi32>
    %mul3A_58 = arith.muli %select_n3A_56, %mul3A_57 : vector<49x1xi32>
    %sub3A_59 = arith.subi %iota3A, %mul3A_58 : vector<49x1xi32>
    %convert_element_type3A_60 = arith.sitofp %sub3A_59 : vector<49x1xi32> to vector<49x1xf32>
    %div3A_61 = arith.constant 6.000000e+00 : f32
    %div3A_62 = vector.broadcast %div3A_61 : f32 to vector<49x1xf32>
    %div3A_63 = arith.divf %convert_element_type3A_60, %div3A_62 : vector<49x1xf32>
    %get3A = arith.constant 0 : index
    %get3A_64 = arith.constant 0 : index
    %get3A_65 = vector.load %arg0[%get3A, %get3A_64] : memref<8x1000xf32, #tpu.memory_space<vmem>>, vector<1x1000xf32>
    %get3A_66 = arith.constant 1 : index
    %get3A_67 = arith.constant 0 : index
    %get3A_68 = vector.load %arg0[%get3A_66, %get3A_67] : memref<8x1000xf32, #tpu.memory_space<vmem>>, vector<1x1000xf32>
    %get3A_69 = arith.constant 2 : index
    %get3A_70 = arith.constant 0 : index
    %get3A_71 = vector.load %arg0[%get3A_69, %get3A_70] : memref<8x1000xf32, #tpu.memory_space<vmem>>, vector<1x1000xf32>
    %get3A_72 = arith.constant 3 : index
    %get3A_73 = arith.constant 0 : index
    %get3A_74 = vector.load %arg0[%get3A_72, %get3A_73] : memref<8x1000xf32, #tpu.memory_space<vmem>>, vector<1x1000xf32>
    %get3A_75 = arith.constant 0 : index
    %get3A_76 = arith.constant 0 : index
    %get3A_77 = vector.load %arg1[%get3A_75, %get3A_76] : memref<2x1000xi32, #tpu.memory_space<vmem>>, vector<1x1000xi32>
    %eq3A = arith.constant 2 : i32
    %eq3A_78 = vector.broadcast %eq3A : i32 to vector<1x1000xi32>
    %eq3A_79 = arith.cmpi eq, %get3A_77, %eq3A_78 : vector<1x1000xi32>
    %eq3A_80 = arith.constant 3 : i32
    %eq3A_81 = vector.broadcast %eq3A_80 : i32 to vector<1x1000xi32>
    %eq3A_82 = arith.cmpi eq, %get3A_77, %eq3A_81 : vector<1x1000xi32>
    %eq3A_83 = arith.constant 4 : i32
    %eq3A_84 = vector.broadcast %eq3A_83 : i32 to vector<1x1000xi32>
    %eq3A_85 = arith.cmpi eq, %get3A_77, %eq3A_84 : vector<1x1000xi32>
    %jit3A_86 = arith.constant 64 : i32
    %jit3A_87 = arith.constant 32 : i32
    %broadcast_in_dim3A = vector.broadcast %jit3A_86 : i32 to vector<1x1000xi32>
    %broadcast_in_dim3A_88 = vector.broadcast %jit3A_87 : i32 to vector<1x1000xi32>
    %select_n3A_89 = arith.select %eq3A_85, %broadcast_in_dim3A, %broadcast_in_dim3A_88 : vector<1x1000xi1>, vector<1x1000xi32>
    %jit3A_90 = arith.constant 128 : i32
    %broadcast_in_dim3A_91 = vector.broadcast %jit3A_90 : i32 to vector<1x1000xi32>
    %select_n3A_92 = arith.select %eq3A_82, %broadcast_in_dim3A_91, %select_n3A_89 : vector<1x1000xi1>, vector<1x1000xi32>
    %jit3A_93 = arith.constant 256 : i32
    %broadcast_in_dim3A_94 = vector.broadcast %jit3A_93 : i32 to vector<1x1000xi32>
    %select_n3A_95 = arith.select %eq3A_79, %broadcast_in_dim3A_94, %select_n3A_92 : vector<1x1000xi1>, vector<1x1000xi32>
    %jit3A_96 = arith.constant 163840 : i32
    %jit3A_97 = arith.constant 172032 : i32
    %broadcast_in_dim3A_98 = vector.broadcast %jit3A_96 : i32 to vector<1x1000xi32>
    %broadcast_in_dim3A_99 = vector.broadcast %jit3A_97 : i32 to vector<1x1000xi32>
    %select_n3A_100 = arith.select %eq3A_85, %broadcast_in_dim3A_98, %broadcast_in_dim3A_99 : vector<1x1000xi1>, vector<1x1000xi32>
    %jit3A_101 = arith.constant 131072 : i32
    %broadcast_in_dim3A_102 = vector.broadcast %jit3A_101 : i32 to vector<1x1000xi32>
    %select_n3A_103 = arith.select %eq3A_82, %broadcast_in_dim3A_102, %select_n3A_100 : vector<1x1000xi1>, vector<1x1000xi32>
    %jit3A_104 = arith.constant 0 : i32
    %broadcast_in_dim3A_105 = vector.broadcast %jit3A_104 : i32 to vector<1x1000xi32>
    %select_n3A_106 = arith.select %eq3A_79, %broadcast_in_dim3A_105, %select_n3A_103 : vector<1x1000xi1>, vector<1x1000xi32>
    %mul3A_107 = arith.constant 0 : i32
    %mul3A_108 = vector.broadcast %mul3A_107 : i32 to vector<1x1000xi32>
    %mul3A_109 = arith.muli %mul3A_108, %select_n3A_95 : vector<1x1000xi32>
    %mul3A_110 = arith.muli %mul3A_109, %select_n3A_95 : vector<1x1000xi32>
    %add3A = arith.addi %select_n3A_106, %mul3A_110 : vector<1x1000xi32>
    %sub3A_111 = arith.constant 1 : i32
    %sub3A_112 = vector.broadcast %sub3A_111 : i32 to vector<1x1000xi32>
    %sub3A_113 = arith.subi %select_n3A_95, %sub3A_112 : vector<1x1000xi32>
    %convert_element_type3A_114 = arith.sitofp %sub3A_113 : vector<1x1000xi32> to vector<1x1000xf32>
    %sub3A_115 = arith.subf %get3A_71, %get3A_65 : vector<1x1000xf32>
    %mul3A_116 = vector.broadcast %sub3A_115 : vector<1x1000xf32> to vector<49x1000xf32>
    %mul3A_117 = vector.broadcast %div3A_25 : vector<49x1xf32> to vector<49x1000xf32>
    %mul3A_118 = arith.mulf %mul3A_116, %mul3A_117 : vector<49x1000xf32>
    %add3A_119 = vector.broadcast %get3A_65 : vector<1x1000xf32> to vector<49x1000xf32>
    %add3A_120 = arith.addf %add3A_119, %mul3A_118 : vector<49x1000xf32>
    %mul3A_121 = vector.broadcast %convert_element_type3A_114 : vector<1x1000xf32> to vector<49x1000xf32>
    %mul3A_122 = arith.mulf %add3A_120, %mul3A_121 : vector<49x1000xf32>
    %sub3A_123 = arith.subf %get3A_74, %get3A_68 : vector<1x1000xf32>
    %mul3A_124 = vector.broadcast %sub3A_123 : vector<1x1000xf32> to vector<49x1000xf32>
    %mul3A_125 = vector.broadcast %div3A_63 : vector<49x1xf32> to vector<49x1000xf32>
    %mul3A_126 = arith.mulf %mul3A_124, %mul3A_125 : vector<49x1000xf32>
    %add3A_127 = vector.broadcast %get3A_68 : vector<1x1000xf32> to vector<49x1000xf32>
    %add3A_128 = arith.addf %add3A_127, %mul3A_126 : vector<49x1000xf32>
    %mul3A_129 = vector.broadcast %convert_element_type3A_114 : vector<1x1000xf32> to vector<49x1000xf32>
    %mul3A_130 = arith.mulf %add3A_128, %mul3A_129 : vector<49x1000xf32>
    %floor3A = math.floor %mul3A_122 : vector<49x1000xf32>
    %sub3A_131 = arith.constant 1.000000e+00 : f32
    %sub3A_132 = vector.broadcast %sub3A_131 : f32 to vector<1x1000xf32>
    %sub3A_133 = arith.subf %convert_element_type3A_114, %sub3A_132 : vector<1x1000xf32>
    %jit3A_134 = arith.constant 0.000000e+00 : f32
    %max3A = vector.broadcast %jit3A_134 : f32 to vector<49x1000xf32>
    %max3A_135 = arith.maximumf %max3A, %floor3A : vector<49x1000xf32>
    %min3A = vector.broadcast %sub3A_133 : vector<1x1000xf32> to vector<49x1000xf32>
    %min3A_136 = arith.minimumf %min3A, %max3A_135 : vector<49x1000xf32>
    %floor3A_137 = math.floor %mul3A_130 : vector<49x1000xf32>
    %sub3A_138 = arith.constant 1.000000e+00 : f32
    %sub3A_139 = vector.broadcast %sub3A_138 : f32 to vector<1x1000xf32>
    %sub3A_140 = arith.subf %convert_element_type3A_114, %sub3A_139 : vector<1x1000xf32>
    %jit3A_141 = arith.constant 0.000000e+00 : f32
    %max3A_142 = vector.broadcast %jit3A_141 : f32 to vector<49x1000xf32>
    %max3A_143 = arith.maximumf %max3A_142, %floor3A_137 : vector<49x1000xf32>
    %min3A_144 = vector.broadcast %sub3A_140 : vector<1x1000xf32> to vector<49x1000xf32>
    %min3A_145 = arith.minimumf %min3A_144, %max3A_143 : vector<49x1000xf32>
    %sub3A_146 = arith.subf %mul3A_122, %min3A_136 : vector<49x1000xf32>
    %jit3A_147 = arith.constant 0.000000e+00 : f32
    %jit3A_148 = arith.constant 1.000000e+00 : f32
    %max3A_149 = vector.broadcast %jit3A_147 : f32 to vector<49x1000xf32>
    %max3A_150 = arith.maximumf %max3A_149, %sub3A_146 : vector<49x1000xf32>
    %min3A_151 = vector.broadcast %jit3A_148 : f32 to vector<49x1000xf32>
    %min3A_152 = arith.minimumf %min3A_151, %max3A_150 : vector<49x1000xf32>
    %sub3A_153 = arith.subf %mul3A_130, %min3A_145 : vector<49x1000xf32>
    %jit3A_154 = arith.constant 0.000000e+00 : f32
    %jit3A_155 = arith.constant 1.000000e+00 : f32
    %max3A_156 = vector.broadcast %jit3A_154 : f32 to vector<49x1000xf32>
    %max3A_157 = arith.maximumf %max3A_156, %sub3A_153 : vector<49x1000xf32>
    %min3A_158 = vector.broadcast %jit3A_155 : f32 to vector<49x1000xf32>
    %min3A_159 = arith.minimumf %min3A_158, %max3A_157 : vector<49x1000xf32>
    %convert_element_type3A_160 = arith.fptosi %min3A_136 : vector<49x1000xf32> to vector<49x1000xi32>
    %mul3A_161 = vector.broadcast %select_n3A_95 : vector<1x1000xi32> to vector<49x1000xi32>
    %mul3A_162 = arith.muli %convert_element_type3A_160, %mul3A_161 : vector<49x1000xi32>
    %add3A_163 = vector.broadcast %add3A : vector<1x1000xi32> to vector<49x1000xi32>
    %add3A_164 = arith.addi %add3A_163, %mul3A_162 : vector<49x1000xi32>
    %convert_element_type3A_165 = arith.fptosi %min3A_145 : vector<49x1000xf32> to vector<49x1000xi32>
    %add3A_166 = arith.addi %add3A_164, %convert_element_type3A_165 : vector<49x1000xi32>
    %swap3A = arith.constant 0 : index
    %swap3A_167 = arith.constant 0 : index
    %swap3A_168 = arith.constant 0 : index
    %swap3A_169 = vector.load %arg2[%swap3A, %swap3A_167, %swap3A_168] : memref<4x98x1000xi32, #tpu.memory_space<vmem>>, vector<1x49x1000xi32>
    %swap3A_170 = vector.shape_cast %swap3A_169 : vector<1x49x1000xi32> to vector<49x1000xi32>
    %swap3A_171 = vector.shape_cast %add3A_166 : vector<49x1000xi32> to vector<1x49x1000xi32>
    tpu.vector_store %arg2[%swap3A, %swap3A_167, %swap3A_168], %swap3A_171 {strides = array<i32>} : memref<4x98x1000xi32, #tpu.memory_space<vmem>>, vector<1x49x1000xi32>,
    %add3A_172 = arith.constant 1 : i32
    %add3A_173 = vector.broadcast %add3A_172 : i32 to vector<49x1000xi32>
    %add3A_174 = arith.addi %add3A_166, %add3A_173 : vector<49x1000xi32>
    %swap3A_175 = arith.constant 1 : index
    %swap3A_176 = arith.constant 0 : index
    %swap3A_177 = arith.constant 0 : index
    %swap3A_178 = vector.load %arg2[%swap3A_175, %swap3A_176, %swap3A_177] : memref<4x98x1000xi32, #tpu.memory_space<vmem>>, vector<1x49x1000xi32>
    %swap3A_179 = vector.shape_cast %swap3A_178 : vector<1x49x1000xi32> to vector<49x1000xi32>
    %swap3A_180 = vector.shape_cast %add3A_174 : vector<49x1000xi32> to vector<1x49x1000xi32>
    tpu.vector_store %arg2[%swap3A_175, %swap3A_176, %swap3A_177], %swap3A_180 {strides = array<i32>} : memref<4x98x1000xi32, #tpu.memory_space<vmem>>, vector<1x49x1000xi32>,
    %add3A_181 = vector.broadcast %select_n3A_95 : vector<1x1000xi32> to vector<49x1000xi32>
    %add3A_182 = arith.addi %add3A_166, %add3A_181 : vector<49x1000xi32>
    %swap3A_183 = arith.constant 2 : index
    %swap3A_184 = arith.constant 0 : index
    %swap3A_185 = arith.constant 0 : index
    %swap3A_186 = vector.load %arg2[%swap3A_183, %swap3A_184, %swap3A_185] : memref<4x98x1000xi32, #tpu.memory_space<vmem>>, vector<1x49x1000xi32>
    %swap3A_187 = vector.shape_cast %swap3A_186 : vector<1x49x1000xi32> to vector<49x1000xi32>
    %swap3A_188 = vector.shape_cast %add3A_182 : vector<49x1000xi32> to vector<1x49x1000xi32>
    tpu.vector_store %arg2[%swap3A_183, %swap3A_184, %swap3A_185], %swap3A_188 {strides = array<i32>} : memref<4x98x1000xi32, #tpu.memory_space<vmem>>, vector<1x49x1000xi32>,
    %add3A_189 = vector.broadcast %select_n3A_95 : vector<1x1000xi32> to vector<49x1000xi32>
    %add3A_190 = arith.addi %add3A_166, %add3A_189 : vector<49x1000xi32>
    %add3A_191 = arith.constant 1 : i32
    %add3A_192 = vector.broadcast %add3A_191 : i32 to vector<49x1000xi32>
    %add3A_193 = arith.addi %add3A_190, %add3A_192 : vector<49x1000xi32>
    %swap3A_194 = arith.constant 3 : index
    %swap3A_195 = arith.constant 0 : index
    %swap3A_196 = arith.constant 0 : index
    %swap3A_197 = vector.load %arg2[%swap3A_194, %swap3A_195, %swap3A_196] : memref<4x98x1000xi32, #tpu.memory_space<vmem>>, vector<1x49x1000xi32>
    %swap3A_198 = vector.shape_cast %swap3A_197 : vector<1x49x1000xi32> to vector<49x1000xi32>
    %swap3A_199 = vector.shape_cast %add3A_193 : vector<49x1000xi32> to vector<1x49x1000xi32>
    tpu.vector_store %arg2[%swap3A_194, %swap3A_195, %swap3A_196], %swap3A_199 {strides = array<i32>} : memref<4x98x1000xi32, #tpu.memory_space<vmem>>, vector<1x49x1000xi32>,
    %sub3A_200 = arith.constant 1.000000e+00 : f32
    %sub3A_201 = vector.broadcast %sub3A_200 : f32 to vector<49x1000xf32>
    %sub3A_202 = arith.subf %sub3A_201, %min3A_152 : vector<49x1000xf32>
    %sub3A_203 = arith.constant 1.000000e+00 : f32
    %sub3A_204 = vector.broadcast %sub3A_203 : f32 to vector<49x1000xf32>
    %sub3A_205 = arith.subf %sub3A_204, %min3A_159 : vector<49x1000xf32>
    %mul3A_206 = arith.mulf %sub3A_202, %sub3A_205 : vector<49x1000xf32>
    %swap3A_207 = arith.constant 0 : index
    %swap3A_208 = arith.constant 0 : index
    %swap3A_209 = arith.constant 0 : index
    %swap3A_210 = vector.load %arg3[%swap3A_207, %swap3A_208, %swap3A_209] : memref<98x4x1000xf32, #tpu.memory_space<vmem>>, vector<49x1x1000xf32>
    %swap3A_211 = vector.shape_cast %swap3A_210 : vector<49x1x1000xf32> to vector<49x1000xf32>
    %swap3A_212 = vector.shape_cast %mul3A_206 : vector<49x1000xf32> to vector<49x1x1000xf32>
    tpu.vector_store %arg3[%swap3A_207, %swap3A_208, %swap3A_209], %swap3A_212 {strides = array<i32>} : memref<98x4x1000xf32, #tpu.memory_space<vmem>>, vector<49x1x1000xf32>,
    %mul3A_213 = arith.mulf %sub3A_202, %min3A_159 : vector<49x1000xf32>
    %swap3A_214 = arith.constant 0 : index
    %swap3A_215 = arith.constant 1 : index
    %swap3A_216 = arith.constant 0 : index
    %swap3A_217 = vector.load %arg3[%swap3A_214, %swap3A_215, %swap3A_216] : memref<98x4x1000xf32, #tpu.memory_space<vmem>>, vector<49x1x1000xf32>
    %swap3A_218 = vector.shape_cast %swap3A_217 : vector<49x1x1000xf32> to vector<49x1000xf32>
    %swap3A_219 = vector.shape_cast %mul3A_213 : vector<49x1000xf32> to vector<49x1x1000xf32>
    tpu.vector_store %arg3[%swap3A_214, %swap3A_215, %swap3A_216], %swap3A_219 {strides = array<i32>} : memref<98x4x1000xf32, #tpu.memory_space<vmem>>, vector<49x1x1000xf32>,
    %mul3A_220 = arith.mulf %min3A_152, %sub3A_205 : vector<49x1000xf32>
    %swap3A_221 = arith.constant 0 : index
    %swap3A_222 = arith.constant 2 : index
    %swap3A_223 = arith.constant 0 : index
    %swap3A_224 = vector.load %arg3[%swap3A_221, %swap3A_222, %swap3A_223] : memref<98x4x1000xf32, #tpu.memory_space<vmem>>, vector<49x1x1000xf32>
    %swap3A_225 = vector.shape_cast %swap3A_224 : vector<49x1x1000xf32> to vector<49x1000xf32>
    %swap3A_226 = vector.shape_cast %mul3A_220 : vector<49x1000xf32> to vector<49x1x1000xf32>
    tpu.vector_store %arg3[%swap3A_221, %swap3A_222, %swap3A_223], %swap3A_226 {strides = array<i32>} : memref<98x4x1000xf32, #tpu.memory_space<vmem>>, vector<49x1x1000xf32>,
    %mul3A_227 = arith.mulf %min3A_152, %min3A_159 : vector<49x1000xf32>
    %swap3A_228 = arith.constant 0 : index
    %swap3A_229 = arith.constant 3 : index
    %swap3A_230 = arith.constant 0 : index
    %swap3A_231 = vector.load %arg3[%swap3A_228, %swap3A_229, %swap3A_230] : memref<98x4x1000xf32, #tpu.memory_space<vmem>>, vector<49x1x1000xf32>
    %swap3A_232 = vector.shape_cast %swap3A_231 : vector<49x1x1000xf32> to vector<49x1000xf32>
    %swap3A_233 = vector.shape_cast %mul3A_227 : vector<49x1000xf32> to vector<49x1x1000xf32>
    tpu.vector_store %arg3[%swap3A_228, %swap3A_229, %swap3A_230], %swap3A_233 {strides = array<i32>} : memref<98x4x1000xf32, #tpu.memory_space<vmem>>, vector<49x1x1000xf32>,
    %get3A_234 = arith.constant 4 : index
    %get3A_235 = arith.constant 0 : index
    %get3A_236 = vector.load %arg0[%get3A_234, %get3A_235] : memref<8x1000xf32, #tpu.memory_space<vmem>>, vector<1x1000xf32>
    %get3A_237 = arith.constant 5 : index
    %get3A_238 = arith.constant 0 : index
    %get3A_239 = vector.load %arg0[%get3A_237, %get3A_238] : memref<8x1000xf32, #tpu.memory_space<vmem>>, vector<1x1000xf32>
    %get3A_240 = arith.constant 6 : index
    %get3A_241 = arith.constant 0 : index
    %get3A_242 = vector.load %arg0[%get3A_240, %get3A_241] : memref<8x1000xf32, #tpu.memory_space<vmem>>, vector<1x1000xf32>
    %get3A_243 = arith.constant 7 : index
    %get3A_244 = arith.constant 0 : index
    %get3A_245 = vector.load %arg0[%get3A_243, %get3A_244] : memref<8x1000xf32, #tpu.memory_space<vmem>>, vector<1x1000xf32>
    %get3A_246 = arith.constant 1 : index
    %get3A_247 = arith.constant 0 : index
    %get3A_248 = vector.load %arg1[%get3A_246, %get3A_247] : memref<2x1000xi32, #tpu.memory_space<vmem>>, vector<1x1000xi32>
    %eq3A_249 = arith.constant 2 : i32
    %eq3A_250 = vector.broadcast %eq3A_249 : i32 to vector<1x1000xi32>
    %eq3A_251 = arith.cmpi eq, %get3A_248, %eq3A_250 : vector<1x1000xi32>
    %eq3A_252 = arith.constant 3 : i32
    %eq3A_253 = vector.broadcast %eq3A_252 : i32 to vector<1x1000xi32>
    %eq3A_254 = arith.cmpi eq, %get3A_248, %eq3A_253 : vector<1x1000xi32>
    %eq3A_255 = arith.constant 4 : i32
    %eq3A_256 = vector.broadcast %eq3A_255 : i32 to vector<1x1000xi32>
    %eq3A_257 = arith.cmpi eq, %get3A_248, %eq3A_256 : vector<1x1000xi32>
    %jit3A_258 = arith.constant 64 : i32
    %jit3A_259 = arith.constant 32 : i32
    %broadcast_in_dim3A_260 = vector.broadcast %jit3A_258 : i32 to vector<1x1000xi32>
    %broadcast_in_dim3A_261 = vector.broadcast %jit3A_259 : i32 to vector<1x1000xi32>
    %select_n3A_262 = arith.select %eq3A_257, %broadcast_in_dim3A_260, %broadcast_in_dim3A_261 : vector<1x1000xi1>, vector<1x1000xi32>
    %jit3A_263 = arith.constant 128 : i32
    %broadcast_in_dim3A_264 = vector.broadcast %jit3A_263 : i32 to vector<1x1000xi32>
    %select_n3A_265 = arith.select %eq3A_254, %broadcast_in_dim3A_264, %select_n3A_262 : vector<1x1000xi1>, vector<1x1000xi32>
    %jit3A_266 = arith.constant 256 : i32
    %broadcast_in_dim3A_267 = vector.broadcast %jit3A_266 : i32 to vector<1x1000xi32>
    %select_n3A_268 = arith.select %eq3A_251, %broadcast_in_dim3A_267, %select_n3A_265 : vector<1x1000xi1>, vector<1x1000xi32>
    %jit3A_269 = arith.constant 163840 : i32
    %jit3A_270 = arith.constant 172032 : i32
    %broadcast_in_dim3A_271 = vector.broadcast %jit3A_269 : i32 to vector<1x1000xi32>
    %broadcast_in_dim3A_272 = vector.broadcast %jit3A_270 : i32 to vector<1x1000xi32>
    %select_n3A_273 = arith.select %eq3A_257, %broadcast_in_dim3A_271, %broadcast_in_dim3A_272 : vector<1x1000xi1>, vector<1x1000xi32>
    %jit3A_274 = arith.constant 131072 : i32
    %broadcast_in_dim3A_275 = vector.broadcast %jit3A_274 : i32 to vector<1x1000xi32>
    %select_n3A_276 = arith.select %eq3A_254, %broadcast_in_dim3A_275, %select_n3A_273 : vector<1x1000xi1>, vector<1x1000xi32>
    %jit3A_277 = arith.constant 0 : i32
    %broadcast_in_dim3A_278 = vector.broadcast %jit3A_277 : i32 to vector<1x1000xi32>
    %select_n3A_279 = arith.select %eq3A_251, %broadcast_in_dim3A_278, %select_n3A_276 : vector<1x1000xi1>, vector<1x1000xi32>
    %mul3A_280 = arith.constant 1 : i32
    %mul3A_281 = vector.broadcast %mul3A_280 : i32 to vector<1x1000xi32>
    %mul3A_282 = arith.muli %mul3A_281, %select_n3A_268 : vector<1x1000xi32>
    %mul3A_283 = arith.muli %mul3A_282, %select_n3A_268 : vector<1x1000xi32>
    %add3A_284 = arith.addi %select_n3A_279, %mul3A_283 : vector<1x1000xi32>
    %sub3A_285 = arith.constant 1 : i32
    %sub3A_286 = vector.broadcast %sub3A_285 : i32 to vector<1x1000xi32>
    %sub3A_287 = arith.subi %select_n3A_268, %sub3A_286 : vector<1x1000xi32>
    %convert_element_type3A_288 = arith.sitofp %sub3A_287 : vector<1x1000xi32> to vector<1x1000xf32>
    %sub3A_289 = arith.subf %get3A_242, %get3A_236 : vector<1x1000xf32>
    %mul3A_290 = vector.broadcast %sub3A_289 : vector<1x1000xf32> to vector<49x1000xf32>
    %mul3A_291 = vector.broadcast %div3A_25 : vector<49x1xf32> to vector<49x1000xf32>
    %mul3A_292 = arith.mulf %mul3A_290, %mul3A_291 : vector<49x1000xf32>
    %add3A_293 = vector.broadcast %get3A_236 : vector<1x1000xf32> to vector<49x1000xf32>
    %add3A_294 = arith.addf %add3A_293, %mul3A_292 : vector<49x1000xf32>
    %mul3A_295 = vector.broadcast %convert_element_type3A_288 : vector<1x1000xf32> to vector<49x1000xf32>
    %mul3A_296 = arith.mulf %add3A_294, %mul3A_295 : vector<49x1000xf32>
    %sub3A_297 = arith.subf %get3A_245, %get3A_239 : vector<1x1000xf32>
    %mul3A_298 = vector.broadcast %sub3A_297 : vector<1x1000xf32> to vector<49x1000xf32>
    %mul3A_299 = vector.broadcast %div3A_63 : vector<49x1xf32> to vector<49x1000xf32>
    %mul3A_300 = arith.mulf %mul3A_298, %mul3A_299 : vector<49x1000xf32>
    %add3A_301 = vector.broadcast %get3A_239 : vector<1x1000xf32> to vector<49x1000xf32>
    %add3A_302 = arith.addf %add3A_301, %mul3A_300 : vector<49x1000xf32>
    %mul3A_303 = vector.broadcast %convert_element_type3A_288 : vector<1x1000xf32> to vector<49x1000xf32>
    %mul3A_304 = arith.mulf %add3A_302, %mul3A_303 : vector<49x1000xf32>
    %floor3A_305 = math.floor %mul3A_296 : vector<49x1000xf32>
    %sub3A_306 = arith.constant 1.000000e+00 : f32
    %sub3A_307 = vector.broadcast %sub3A_306 : f32 to vector<1x1000xf32>
    %sub3A_308 = arith.subf %convert_element_type3A_288, %sub3A_307 : vector<1x1000xf32>
    %jit3A_309 = arith.constant 0.000000e+00 : f32
    %max3A_310 = vector.broadcast %jit3A_309 : f32 to vector<49x1000xf32>
    %max3A_311 = arith.maximumf %max3A_310, %floor3A_305 : vector<49x1000xf32>
    %min3A_312 = vector.broadcast %sub3A_308 : vector<1x1000xf32> to vector<49x1000xf32>
    %min3A_313 = arith.minimumf %min3A_312, %max3A_311 : vector<49x1000xf32>
    %floor3A_314 = math.floor %mul3A_304 : vector<49x1000xf32>
    %sub3A_315 = arith.constant 1.000000e+00 : f32
    %sub3A_316 = vector.broadcast %sub3A_315 : f32 to vector<1x1000xf32>
    %sub3A_317 = arith.subf %convert_element_type3A_288, %sub3A_316 : vector<1x1000xf32>
    %jit3A_318 = arith.constant 0.000000e+00 : f32
    %max3A_319 = vector.broadcast %jit3A_318 : f32 to vector<49x1000xf32>
    %max3A_320 = arith.maximumf %max3A_319, %floor3A_314 : vector<49x1000xf32>
    %min3A_321 = vector.broadcast %sub3A_317 : vector<1x1000xf32> to vector<49x1000xf32>
    %min3A_322 = arith.minimumf %min3A_321, %max3A_320 : vector<49x1000xf32>
    %sub3A_323 = arith.subf %mul3A_296, %min3A_313 : vector<49x1000xf32>
    %jit3A_324 = arith.constant 0.000000e+00 : f32
    %jit3A_325 = arith.constant 1.000000e+00 : f32
    %max3A_326 = vector.broadcast %jit3A_324 : f32 to vector<49x1000xf32>
    %max3A_327 = arith.maximumf %max3A_326, %sub3A_323 : vector<49x1000xf32>
    %min3A_328 = vector.broadcast %jit3A_325 : f32 to vector<49x1000xf32>
    %min3A_329 = arith.minimumf %min3A_328, %max3A_327 : vector<49x1000xf32>
    %sub3A_330 = arith.subf %mul3A_304, %min3A_322 : vector<49x1000xf32>
    %jit3A_331 = arith.constant 0.000000e+00 : f32
    %jit3A_332 = arith.constant 1.000000e+00 : f32
    %max3A_333 = vector.broadcast %jit3A_331 : f32 to vector<49x1000xf32>
    %max3A_334 = arith.maximumf %max3A_333, %sub3A_330 : vector<49x1000xf32>
    %min3A_335 = vector.broadcast %jit3A_332 : f32 to vector<49x1000xf32>
    %min3A_336 = arith.minimumf %min3A_335, %max3A_334 : vector<49x1000xf32>
    %convert_element_type3A_337 = arith.fptosi %min3A_313 : vector<49x1000xf32> to vector<49x1000xi32>
    %mul3A_338 = vector.broadcast %select_n3A_268 : vector<1x1000xi32> to vector<49x1000xi32>
    %mul3A_339 = arith.muli %convert_element_type3A_337, %mul3A_338 : vector<49x1000xi32>
    %add3A_340 = vector.broadcast %add3A_284 : vector<1x1000xi32> to vector<49x1000xi32>
    %add3A_341 = arith.addi %add3A_340, %mul3A_339 : vector<49x1000xi32>
    %convert_element_type3A_342 = arith.fptosi %min3A_322 : vector<49x1000xf32> to vector<49x1000xi32>
    %add3A_343 = arith.addi %add3A_341, %convert_element_type3A_342 : vector<49x1000xi32>
    %swap3A_344 = arith.constant 0 : index
    %swap3A_345 = arith.constant 49 : index
    %swap3A_346 = arith.constant 0 : index
    %swap3A_347 = vector.load %arg2[%swap3A_344, %swap3A_345, %swap3A_346] : memref<4x98x1000xi32, #tpu.memory_space<vmem>>, vector<1x49x1000xi32>
    %swap3A_348 = vector.shape_cast %swap3A_347 : vector<1x49x1000xi32> to vector<49x1000xi32>
    %swap3A_349 = vector.shape_cast %add3A_343 : vector<49x1000xi32> to vector<1x49x1000xi32>
    tpu.vector_store %arg2[%swap3A_344, %swap3A_345, %swap3A_346], %swap3A_349 {strides = array<i32>} : memref<4x98x1000xi32, #tpu.memory_space<vmem>>, vector<1x49x1000xi32>,
    %add3A_350 = arith.constant 1 : i32
    %add3A_351 = vector.broadcast %add3A_350 : i32 to vector<49x1000xi32>
    %add3A_352 = arith.addi %add3A_343, %add3A_351 : vector<49x1000xi32>
    %swap3A_353 = arith.constant 1 : index
    %swap3A_354 = arith.constant 49 : index
    %swap3A_355 = arith.constant 0 : index
    %swap3A_356 = vector.load %arg2[%swap3A_353, %swap3A_354, %swap3A_355] : memref<4x98x1000xi32, #tpu.memory_space<vmem>>, vector<1x49x1000xi32>
    %swap3A_357 = vector.shape_cast %swap3A_356 : vector<1x49x1000xi32> to vector<49x1000xi32>
    %swap3A_358 = vector.shape_cast %add3A_352 : vector<49x1000xi32> to vector<1x49x1000xi32>
    tpu.vector_store %arg2[%swap3A_353, %swap3A_354, %swap3A_355], %swap3A_358 {strides = array<i32>} : memref<4x98x1000xi32, #tpu.memory_space<vmem>>, vector<1x49x1000xi32>,
    %add3A_359 = vector.broadcast %select_n3A_268 : vector<1x1000xi32> to vector<49x1000xi32>
    %add3A_360 = arith.addi %add3A_343, %add3A_359 : vector<49x1000xi32>
    %swap3A_361 = arith.constant 2 : index
    %swap3A_362 = arith.constant 49 : index
    %swap3A_363 = arith.constant 0 : index
    %swap3A_364 = vector.load %arg2[%swap3A_361, %swap3A_362, %swap3A_363] : memref<4x98x1000xi32, #tpu.memory_space<vmem>>, vector<1x49x1000xi32>
    %swap3A_365 = vector.shape_cast %swap3A_364 : vector<1x49x1000xi32> to vector<49x1000xi32>
    %swap3A_366 = vector.shape_cast %add3A_360 : vector<49x1000xi32> to vector<1x49x1000xi32>
    tpu.vector_store %arg2[%swap3A_361, %swap3A_362, %swap3A_363], %swap3A_366 {strides = array<i32>} : memref<4x98x1000xi32, #tpu.memory_space<vmem>>, vector<1x49x1000xi32>,
    %add3A_367 = vector.broadcast %select_n3A_268 : vector<1x1000xi32> to vector<49x1000xi32>
    %add3A_368 = arith.addi %add3A_343, %add3A_367 : vector<49x1000xi32>
    %add3A_369 = arith.constant 1 : i32
    %add3A_370 = vector.broadcast %add3A_369 : i32 to vector<49x1000xi32>
    %add3A_371 = arith.addi %add3A_368, %add3A_370 : vector<49x1000xi32>
    %swap3A_372 = arith.constant 3 : index
    %swap3A_373 = arith.constant 49 : index
    %swap3A_374 = arith.constant 0 : index
    %swap3A_375 = vector.load %arg2[%swap3A_372, %swap3A_373, %swap3A_374] : memref<4x98x1000xi32, #tpu.memory_space<vmem>>, vector<1x49x1000xi32>
    %swap3A_376 = vector.shape_cast %swap3A_375 : vector<1x49x1000xi32> to vector<49x1000xi32>
    %swap3A_377 = vector.shape_cast %add3A_371 : vector<49x1000xi32> to vector<1x49x1000xi32>
    tpu.vector_store %arg2[%swap3A_372, %swap3A_373, %swap3A_374], %swap3A_377 {strides = array<i32>} : memref<4x98x1000xi32, #tpu.memory_space<vmem>>, vector<1x49x1000xi32>,
    %sub3A_378 = arith.constant 1.000000e+00 : f32
    %sub3A_379 = vector.broadcast %sub3A_378 : f32 to vector<49x1000xf32>
    %sub3A_380 = arith.subf %sub3A_379, %min3A_329 : vector<49x1000xf32>
    %sub3A_381 = arith.constant 1.000000e+00 : f32
    %sub3A_382 = vector.broadcast %sub3A_381 : f32 to vector<49x1000xf32>
    %sub3A_383 = arith.subf %sub3A_382, %min3A_336 : vector<49x1000xf32>
    %mul3A_384 = arith.mulf %sub3A_380, %sub3A_383 : vector<49x1000xf32>
    %swap3A_385 = arith.constant 49 : index
    %swap3A_386 = arith.constant 0 : index
    %swap3A_387 = arith.constant 0 : index
    %swap3A_388 = vector.load %arg3[%swap3A_385, %swap3A_386, %swap3A_387] : memref<98x4x1000xf32, #tpu.memory_space<vmem>>, vector<49x1x1000xf32>
    %swap3A_389 = vector.shape_cast %swap3A_388 : vector<49x1x1000xf32> to vector<49x1000xf32>
    %swap3A_390 = vector.shape_cast %mul3A_384 : vector<49x1000xf32> to vector<49x1x1000xf32>
    tpu.vector_store %arg3[%swap3A_385, %swap3A_386, %swap3A_387], %swap3A_390 {strides = array<i32>} : memref<98x4x1000xf32, #tpu.memory_space<vmem>>, vector<49x1x1000xf32>,
    %mul3A_391 = arith.mulf %sub3A_380, %min3A_336 : vector<49x1000xf32>
    %swap3A_392 = arith.constant 49 : index
    %swap3A_393 = arith.constant 1 : index
    %swap3A_394 = arith.constant 0 : index
    %swap3A_395 = vector.load %arg3[%swap3A_392, %swap3A_393, %swap3A_394] : memref<98x4x1000xf32, #tpu.memory_space<vmem>>, vector<49x1x1000xf32>
    %swap3A_396 = vector.shape_cast %swap3A_395 : vector<49x1x1000xf32> to vector<49x1000xf32>
    %swap3A_397 = vector.shape_cast %mul3A_391 : vector<49x1000xf32> to vector<49x1x1000xf32>
    tpu.vector_store %arg3[%swap3A_392, %swap3A_393, %swap3A_394], %swap3A_397 {strides = array<i32>} : memref<98x4x1000xf32, #tpu.memory_space<vmem>>, vector<49x1x1000xf32>,
    %mul3A_398 = arith.mulf %min3A_329, %sub3A_383 : vector<49x1000xf32>
    %swap3A_399 = arith.constant 49 : index
    %swap3A_400 = arith.constant 2 : index
    %swap3A_401 = arith.constant 0 : index
    %swap3A_402 = vector.load %arg3[%swap3A_399, %swap3A_400, %swap3A_401] : memref<98x4x1000xf32, #tpu.memory_space<vmem>>, vector<49x1x1000xf32>
    %swap3A_403 = vector.shape_cast %swap3A_402 : vector<49x1x1000xf32> to vector<49x1000xf32>
    %swap3A_404 = vector.shape_cast %mul3A_398 : vector<49x1000xf32> to vector<49x1x1000xf32>
    tpu.vector_store %arg3[%swap3A_399, %swap3A_400, %swap3A_401], %swap3A_404 {strides = array<i32>} : memref<98x4x1000xf32, #tpu.memory_space<vmem>>, vector<49x1x1000xf32>,
    %mul3A_405 = arith.mulf %min3A_329, %min3A_336 : vector<49x1000xf32>
    %swap3A_406 = arith.constant 49 : index
    %swap3A_407 = arith.constant 3 : index
    %swap3A_408 = arith.constant 0 : index
    %swap3A_409 = vector.load %arg3[%swap3A_406, %swap3A_407, %swap3A_408] : memref<98x4x1000xf32, #tpu.memory_space<vmem>>, vector<49x1x1000xf32>
    %swap3A_410 = vector.shape_cast %swap3A_409 : vector<49x1x1000xf32> to vector<49x1000xf32>
    %swap3A_411 = vector.shape_cast %mul3A_405 : vector<49x1000xf32> to vector<49x1x1000xf32>
    tpu.vector_store %arg3[%swap3A_406, %swap3A_407, %swap3A_408], %swap3A_411 {strides = array<i32>} : memref<98x4x1000xf32, #tpu.memory_space<vmem>>, vector<49x1x1000xf32>,
    return
  }
}

module attributes {stable_mosaic.version = 14 : i64} {
  func.func @_pack_body(%arg0: i32, %arg1: memref<2048x256xf32, #tpu.memory_space<vmem>>, %arg2: memref<174080x128xi32, #tpu.memory_space<any>>, %arg3: memref<2048x128xi32, #tpu.memory_space<vmem>>) attributes {dimension_semantics = [#tpu.dimension_semantics<arbitrary>], iteration_bounds = array<i64: 16>, scalar_prefetch = 0 : i64, scratch_operands = 0 : i64, tpu.core_type = #tpu.core_type<tc>, window_params = [{transform_indices = @transform_0, window_bounds = array<i64: 2048, 256>}, {}, {transform_indices = @transform_2, window_bounds = array<i64: 2048, 128>}]} {
    %get3A = arith.constant 0 : index
    %get3A_0 = arith.constant 0 : index
    %get3A_1 = vector.load %arg1[%get3A, %get3A_0] : memref<2048x256xf32, #tpu.memory_space<vmem>>, vector<2048x256xf32>
    %slice3A = vector.extract_strided_slice %get3A_1 {offsets = [0, 0], sizes = [2048, 128], strides = [1, 1]} : vector<2048x256xf32> to vector<2048x128xf32>
    %bitcast_convert_type3A = tpu.bitcast %slice3A : vector<2048x128xf32> -> vector<2048x128xi32>
    %slice3A_2 = vector.extract_strided_slice %get3A_1 {offsets = [0, 128], sizes = [2048, 128], strides = [1, 1]} : vector<2048x256xf32> to vector<2048x128xf32>
    %bitcast_convert_type3A_3 = tpu.bitcast %slice3A_2 : vector<2048x128xf32> -> vector<2048x128xi32>
    %add3A = arith.constant 32767 : i32
    %add3A_4 = vector.broadcast %add3A : i32 to vector<2048x128xi32>
    %add3A_5 = arith.addi %bitcast_convert_type3A, %add3A_4 : vector<2048x128xi32>
    %shift_right_arithmetic3A = arith.constant 16 : i32
    %shift_right_arithmetic3A_6 = vector.broadcast %shift_right_arithmetic3A : i32 to vector<2048x128xi32>
    %shift_right_arithmetic3A_7 = arith.shrsi %bitcast_convert_type3A, %shift_right_arithmetic3A_6 : vector<2048x128xi32>
    %and3A = arith.constant 1 : i32
    %and3A_8 = vector.broadcast %and3A : i32 to vector<2048x128xi32>
    %and3A_9 = arith.andi %shift_right_arithmetic3A_7, %and3A_8 : vector<2048x128xi32>
    %add3A_10 = arith.addi %add3A_5, %and3A_9 : vector<2048x128xi32>
    %and3A_11 = arith.constant -65536 : i32
    %and3A_12 = vector.broadcast %and3A_11 : i32 to vector<2048x128xi32>
    %and3A_13 = arith.andi %add3A_10, %and3A_12 : vector<2048x128xi32>
    %shift_right_logical3A = arith.constant 16 : i32
    %shift_right_logical3A_14 = vector.broadcast %shift_right_logical3A : i32 to vector<2048x128xi32>
    %shift_right_logical3A_15 = arith.shrui %and3A_13, %shift_right_logical3A_14 : vector<2048x128xi32>
    %add3A_16 = arith.constant 32767 : i32
    %add3A_17 = vector.broadcast %add3A_16 : i32 to vector<2048x128xi32>
    %add3A_18 = arith.addi %bitcast_convert_type3A_3, %add3A_17 : vector<2048x128xi32>
    %shift_right_arithmetic3A_19 = arith.constant 16 : i32
    %shift_right_arithmetic3A_20 = vector.broadcast %shift_right_arithmetic3A_19 : i32 to vector<2048x128xi32>
    %shift_right_arithmetic3A_21 = arith.shrsi %bitcast_convert_type3A_3, %shift_right_arithmetic3A_20 : vector<2048x128xi32>
    %and3A_22 = arith.constant 1 : i32
    %and3A_23 = vector.broadcast %and3A_22 : i32 to vector<2048x128xi32>
    %and3A_24 = arith.andi %shift_right_arithmetic3A_21, %and3A_23 : vector<2048x128xi32>
    %add3A_25 = arith.addi %add3A_18, %and3A_24 : vector<2048x128xi32>
    %and3A_26 = arith.constant -65536 : i32
    %and3A_27 = vector.broadcast %and3A_26 : i32 to vector<2048x128xi32>
    %and3A_28 = arith.andi %add3A_25, %and3A_27 : vector<2048x128xi32>
    %or3A = arith.ori %shift_right_logical3A_15, %and3A_28 : vector<2048x128xi32>
    %swap3A = arith.constant 0 : index
    %swap3A_29 = arith.constant 0 : index
    %swap3A_30 = vector.load %arg3[%swap3A, %swap3A_29] : memref<2048x128xi32, #tpu.memory_space<vmem>>, vector<2048x128xi32>
    tpu.vector_store %arg3[%swap3A, %swap3A_29], %or3A {strides = array<i32>} : memref<2048x128xi32, #tpu.memory_space<vmem>>, vector<2048x128xi32>,
    return
  }
  func.func @transform_0(%arg0: i32) -> (i32, i32) {
    %c0_i32 = arith.constant 0 : i32
    %c0_i32_0 = arith.constant 0 : i32
    return %arg0, %c0_i32 : i32, i32
  }
  func.func @transform_2(%arg0: i32) -> (i32, i32) {
    %add3A = arith.constant 64 : i32
    %add3A_0 = arith.addi %add3A, %arg0 : i32
    %c0_i32 = arith.constant 0 : i32
    %c0_i32_1 = arith.constant 0 : i32
    return %add3A_0, %c0_i32 : i32, i32
  }
}

module attributes {stable_mosaic.version = 14 : i64} {
  func.func @_pack_body(%arg0: i32, %arg1: memref<2048x256xf32, #tpu.memory_space<vmem>>, %arg2: memref<174080x128xi32, #tpu.memory_space<any>>, %arg3: memref<2048x128xi32, #tpu.memory_space<vmem>>) attributes {dimension_semantics = [#tpu.dimension_semantics<arbitrary>], iteration_bounds = array<i64: 4>, scalar_prefetch = 0 : i64, scratch_operands = 0 : i64, tpu.core_type = #tpu.core_type<tc>, window_params = [{transform_indices = @transform_0, window_bounds = array<i64: 2048, 256>}, {}, {transform_indices = @transform_2, window_bounds = array<i64: 2048, 128>}]} {
    %get3A = arith.constant 0 : index
    %get3A_0 = arith.constant 0 : index
    %get3A_1 = vector.load %arg1[%get3A, %get3A_0] : memref<2048x256xf32, #tpu.memory_space<vmem>>, vector<2048x256xf32>
    %slice3A = vector.extract_strided_slice %get3A_1 {offsets = [0, 0], sizes = [2048, 128], strides = [1, 1]} : vector<2048x256xf32> to vector<2048x128xf32>
    %bitcast_convert_type3A = tpu.bitcast %slice3A : vector<2048x128xf32> -> vector<2048x128xi32>
    %slice3A_2 = vector.extract_strided_slice %get3A_1 {offsets = [0, 128], sizes = [2048, 128], strides = [1, 1]} : vector<2048x256xf32> to vector<2048x128xf32>
    %bitcast_convert_type3A_3 = tpu.bitcast %slice3A_2 : vector<2048x128xf32> -> vector<2048x128xi32>
    %add3A = arith.constant 32767 : i32
    %add3A_4 = vector.broadcast %add3A : i32 to vector<2048x128xi32>
    %add3A_5 = arith.addi %bitcast_convert_type3A, %add3A_4 : vector<2048x128xi32>
    %shift_right_arithmetic3A = arith.constant 16 : i32
    %shift_right_arithmetic3A_6 = vector.broadcast %shift_right_arithmetic3A : i32 to vector<2048x128xi32>
    %shift_right_arithmetic3A_7 = arith.shrsi %bitcast_convert_type3A, %shift_right_arithmetic3A_6 : vector<2048x128xi32>
    %and3A = arith.constant 1 : i32
    %and3A_8 = vector.broadcast %and3A : i32 to vector<2048x128xi32>
    %and3A_9 = arith.andi %shift_right_arithmetic3A_7, %and3A_8 : vector<2048x128xi32>
    %add3A_10 = arith.addi %add3A_5, %and3A_9 : vector<2048x128xi32>
    %and3A_11 = arith.constant -65536 : i32
    %and3A_12 = vector.broadcast %and3A_11 : i32 to vector<2048x128xi32>
    %and3A_13 = arith.andi %add3A_10, %and3A_12 : vector<2048x128xi32>
    %shift_right_logical3A = arith.constant 16 : i32
    %shift_right_logical3A_14 = vector.broadcast %shift_right_logical3A : i32 to vector<2048x128xi32>
    %shift_right_logical3A_15 = arith.shrui %and3A_13, %shift_right_logical3A_14 : vector<2048x128xi32>
    %add3A_16 = arith.constant 32767 : i32
    %add3A_17 = vector.broadcast %add3A_16 : i32 to vector<2048x128xi32>
    %add3A_18 = arith.addi %bitcast_convert_type3A_3, %add3A_17 : vector<2048x128xi32>
    %shift_right_arithmetic3A_19 = arith.constant 16 : i32
    %shift_right_arithmetic3A_20 = vector.broadcast %shift_right_arithmetic3A_19 : i32 to vector<2048x128xi32>
    %shift_right_arithmetic3A_21 = arith.shrsi %bitcast_convert_type3A_3, %shift_right_arithmetic3A_20 : vector<2048x128xi32>
    %and3A_22 = arith.constant 1 : i32
    %and3A_23 = vector.broadcast %and3A_22 : i32 to vector<2048x128xi32>
    %and3A_24 = arith.andi %shift_right_arithmetic3A_21, %and3A_23 : vector<2048x128xi32>
    %add3A_25 = arith.addi %add3A_18, %and3A_24 : vector<2048x128xi32>
    %and3A_26 = arith.constant -65536 : i32
    %and3A_27 = vector.broadcast %and3A_26 : i32 to vector<2048x128xi32>
    %and3A_28 = arith.andi %add3A_25, %and3A_27 : vector<2048x128xi32>
    %or3A = arith.ori %shift_right_logical3A_15, %and3A_28 : vector<2048x128xi32>
    %swap3A = arith.constant 0 : index
    %swap3A_29 = arith.constant 0 : index
    %swap3A_30 = vector.load %arg3[%swap3A, %swap3A_29] : memref<2048x128xi32, #tpu.memory_space<vmem>>, vector<2048x128xi32>
    tpu.vector_store %arg3[%swap3A, %swap3A_29], %or3A {strides = array<i32>} : memref<2048x128xi32, #tpu.memory_space<vmem>>, vector<2048x128xi32>,
    return
  }
  func.func @transform_0(%arg0: i32) -> (i32, i32) {
    %c0_i32 = arith.constant 0 : i32
    %c0_i32_0 = arith.constant 0 : i32
    return %arg0, %c0_i32 : i32, i32
  }
  func.func @transform_2(%arg0: i32) -> (i32, i32) {
    %add3A = arith.constant 80 : i32
    %add3A_0 = arith.addi %add3A, %arg0 : i32
    %c0_i32 = arith.constant 0 : i32
    %c0_i32_1 = arith.constant 0 : i32
    return %add3A_0, %c0_i32 : i32, i32
  }
}

module attributes {stable_mosaic.version = 14 : i64} {
  func.func @_pack_body(%arg0: i32, %arg1: memref<2048x256xf32, #tpu.memory_space<vmem>>, %arg2: memref<174080x128xi32, #tpu.memory_space<any>>, %arg3: memref<2048x128xi32, #tpu.memory_space<vmem>>) attributes {dimension_semantics = [#tpu.dimension_semantics<arbitrary>], iteration_bounds = array<i64: 1>, scalar_prefetch = 0 : i64, scratch_operands = 0 : i64, tpu.core_type = #tpu.core_type<tc>, window_params = [{transform_indices = @transform_0, window_bounds = array<i64: 2048, 256>}, {}, {transform_indices = @transform_2, window_bounds = array<i64: 2048, 128>}]} {
    %get3A = arith.constant 0 : index
    %get3A_0 = arith.constant 0 : index
    %get3A_1 = vector.load %arg1[%get3A, %get3A_0] : memref<2048x256xf32, #tpu.memory_space<vmem>>, vector<2048x256xf32>
    %slice3A = vector.extract_strided_slice %get3A_1 {offsets = [0, 0], sizes = [2048, 128], strides = [1, 1]} : vector<2048x256xf32> to vector<2048x128xf32>
    %bitcast_convert_type3A = tpu.bitcast %slice3A : vector<2048x128xf32> -> vector<2048x128xi32>
    %slice3A_2 = vector.extract_strided_slice %get3A_1 {offsets = [0, 128], sizes = [2048, 128], strides = [1, 1]} : vector<2048x256xf32> to vector<2048x128xf32>
    %bitcast_convert_type3A_3 = tpu.bitcast %slice3A_2 : vector<2048x128xf32> -> vector<2048x128xi32>
    %add3A = arith.constant 32767 : i32
    %add3A_4 = vector.broadcast %add3A : i32 to vector<2048x128xi32>
    %add3A_5 = arith.addi %bitcast_convert_type3A, %add3A_4 : vector<2048x128xi32>
    %shift_right_arithmetic3A = arith.constant 16 : i32
    %shift_right_arithmetic3A_6 = vector.broadcast %shift_right_arithmetic3A : i32 to vector<2048x128xi32>
    %shift_right_arithmetic3A_7 = arith.shrsi %bitcast_convert_type3A, %shift_right_arithmetic3A_6 : vector<2048x128xi32>
    %and3A = arith.constant 1 : i32
    %and3A_8 = vector.broadcast %and3A : i32 to vector<2048x128xi32>
    %and3A_9 = arith.andi %shift_right_arithmetic3A_7, %and3A_8 : vector<2048x128xi32>
    %add3A_10 = arith.addi %add3A_5, %and3A_9 : vector<2048x128xi32>
    %and3A_11 = arith.constant -65536 : i32
    %and3A_12 = vector.broadcast %and3A_11 : i32 to vector<2048x128xi32>
    %and3A_13 = arith.andi %add3A_10, %and3A_12 : vector<2048x128xi32>
    %shift_right_logical3A = arith.constant 16 : i32
    %shift_right_logical3A_14 = vector.broadcast %shift_right_logical3A : i32 to vector<2048x128xi32>
    %shift_right_logical3A_15 = arith.shrui %and3A_13, %shift_right_logical3A_14 : vector<2048x128xi32>
    %add3A_16 = arith.constant 32767 : i32
    %add3A_17 = vector.broadcast %add3A_16 : i32 to vector<2048x128xi32>
    %add3A_18 = arith.addi %bitcast_convert_type3A_3, %add3A_17 : vector<2048x128xi32>
    %shift_right_arithmetic3A_19 = arith.constant 16 : i32
    %shift_right_arithmetic3A_20 = vector.broadcast %shift_right_arithmetic3A_19 : i32 to vector<2048x128xi32>
    %shift_right_arithmetic3A_21 = arith.shrsi %bitcast_convert_type3A_3, %shift_right_arithmetic3A_20 : vector<2048x128xi32>
    %and3A_22 = arith.constant 1 : i32
    %and3A_23 = vector.broadcast %and3A_22 : i32 to vector<2048x128xi32>
    %and3A_24 = arith.andi %shift_right_arithmetic3A_21, %and3A_23 : vector<2048x128xi32>
    %add3A_25 = arith.addi %add3A_18, %and3A_24 : vector<2048x128xi32>
    %and3A_26 = arith.constant -65536 : i32
    %and3A_27 = vector.broadcast %and3A_26 : i32 to vector<2048x128xi32>
    %and3A_28 = arith.andi %add3A_25, %and3A_27 : vector<2048x128xi32>
    %or3A = arith.ori %shift_right_logical3A_15, %and3A_28 : vector<2048x128xi32>
    %swap3A = arith.constant 0 : index
    %swap3A_29 = arith.constant 0 : index
    %swap3A_30 = vector.load %arg3[%swap3A, %swap3A_29] : memref<2048x128xi32, #tpu.memory_space<vmem>>, vector<2048x128xi32>
    tpu.vector_store %arg3[%swap3A, %swap3A_29], %or3A {strides = array<i32>} : memref<2048x128xi32, #tpu.memory_space<vmem>>, vector<2048x128xi32>,
    return
  }
  func.func @transform_0(%arg0: i32) -> (i32, i32) {
    %c0_i32 = arith.constant 0 : i32
    %c0_i32_0 = arith.constant 0 : i32
    return %arg0, %c0_i32 : i32, i32
  }
  func.func @transform_2(%arg0: i32) -> (i32, i32) {
    %add3A = arith.constant 84 : i32
    %add3A_0 = arith.addi %add3A, %arg0 : i32
    %c0_i32 = arith.constant 0 : i32
    %c0_i32_1 = arith.constant 0 : i32
    return %add3A_0, %c0_i32 : i32, i32
  }
}

module attributes {stable_mosaic.version = 14 : i64} {
  func.func @_blend_body(%arg0: i32, %arg1: memref<1x4x1000xf32, #tpu.memory_space<vmem>>, %arg2: memref<4x1000x128xi32, #tpu.memory_space<vmem>>, %arg3: memref<1000x256xf32, #tpu.memory_space<vmem>>) attributes {dimension_semantics = [#tpu.dimension_semantics<arbitrary>], iteration_bounds = array<i64: 32>, scalar_prefetch = 0 : i64, scratch_operands = 0 : i64, tpu.core_type = #tpu.core_type<tc>, window_params = [{transform_indices = @transform_0, window_bounds = array<i64: 1, 4, 1000>}, {transform_indices = @transform_1, window_bounds = array<i64: 4, 1000, 128>}, {transform_indices = @transform_2, window_bounds = array<i64: 1000, 256>}]} {
    %get3A = arith.constant 0 : index
    %get3A_0 = arith.constant 0 : index
    %get3A_1 = arith.constant 0 : index
    %get3A_2 = vector.load %arg1[%get3A, %get3A_0, %get3A_1] : memref<1x4x1000xf32, #tpu.memory_space<vmem>>, vector<1x4x1000xf32>
    %get3A_3 = vector.shape_cast %get3A_2 : vector<1x4x1000xf32> to vector<4x1000xf32>
    %transpose3A = tpu.transpose %get3A_3, [1, 0] : vector<4x1000xf32> -> vector<1000x4xf32>
    %slice3A = vector.extract_strided_slice %transpose3A {offsets = [0, 0], sizes = [1000, 1], strides = [1, 1]} : vector<1000x4xf32> to vector<1000x1xf32>
    %get3A_4 = arith.constant 0 : index
    %get3A_5 = arith.constant 0 : index
    %get3A_6 = arith.constant 0 : index
    %get3A_7 = vector.load %arg2[%get3A_4, %get3A_5, %get3A_6] : memref<4x1000x128xi32, #tpu.memory_space<vmem>>, vector<1x1000x128xi32>
    %get3A_8 = vector.shape_cast %get3A_7 : vector<1x1000x128xi32> to vector<1000x128xi32>
    %shift_left3A = arith.constant 16 : i32
    %shift_left3A_9 = vector.broadcast %shift_left3A : i32 to vector<1000x128xi32>
    %shift_left3A_10 = arith.shli %get3A_8, %shift_left3A_9 : vector<1000x128xi32>
    %bitcast_convert_type3A = tpu.bitcast %shift_left3A_10 : vector<1000x128xi32> -> vector<1000x128xf32>
    %bitcast_convert_type3A_11 = tpu.bitcast %get3A_8 : vector<1000x128xi32> -> vector<1000x128xf32>
    %mul3A = vector.broadcast %slice3A : vector<1000x1xf32> to vector<1000x128xf32>
    %mul3A_12 = arith.mulf %mul3A, %bitcast_convert_type3A : vector<1000x128xf32>
    %mul3A_13 = vector.broadcast %slice3A : vector<1000x1xf32> to vector<1000x128xf32>
    %mul3A_14 = arith.mulf %mul3A_13, %bitcast_convert_type3A_11 : vector<1000x128xf32>
    %slice3A_15 = vector.extract_strided_slice %transpose3A {offsets = [0, 1], sizes = [1000, 1], strides = [1, 1]} : vector<1000x4xf32> to vector<1000x1xf32>
    %get3A_16 = arith.constant 1 : index
    %get3A_17 = arith.constant 0 : index
    %get3A_18 = arith.constant 0 : index
    %get3A_19 = vector.load %arg2[%get3A_16, %get3A_17, %get3A_18] : memref<4x1000x128xi32, #tpu.memory_space<vmem>>, vector<1x1000x128xi32>
    %get3A_20 = vector.shape_cast %get3A_19 : vector<1x1000x128xi32> to vector<1000x128xi32>
    %shift_left3A_21 = arith.constant 16 : i32
    %shift_left3A_22 = vector.broadcast %shift_left3A_21 : i32 to vector<1000x128xi32>
    %shift_left3A_23 = arith.shli %get3A_20, %shift_left3A_22 : vector<1000x128xi32>
    %bitcast_convert_type3A_24 = tpu.bitcast %shift_left3A_23 : vector<1000x128xi32> -> vector<1000x128xf32>
    %bitcast_convert_type3A_25 = tpu.bitcast %get3A_20 : vector<1000x128xi32> -> vector<1000x128xf32>
    %mul3A_26 = vector.broadcast %slice3A_15 : vector<1000x1xf32> to vector<1000x128xf32>
    %mul3A_27 = arith.mulf %mul3A_26, %bitcast_convert_type3A_24 : vector<1000x128xf32>
    %add3A = arith.addf %mul3A_12, %mul3A_27 : vector<1000x128xf32>
    %mul3A_28 = vector.broadcast %slice3A_15 : vector<1000x1xf32> to vector<1000x128xf32>
    %mul3A_29 = arith.mulf %mul3A_28, %bitcast_convert_type3A_25 : vector<1000x128xf32>
    %add3A_30 = arith.addf %mul3A_14, %mul3A_29 : vector<1000x128xf32>
    %slice3A_31 = vector.extract_strided_slice %transpose3A {offsets = [0, 2], sizes = [1000, 1], strides = [1, 1]} : vector<1000x4xf32> to vector<1000x1xf32>
    %get3A_32 = arith.constant 2 : index
    %get3A_33 = arith.constant 0 : index
    %get3A_34 = arith.constant 0 : index
    %get3A_35 = vector.load %arg2[%get3A_32, %get3A_33, %get3A_34] : memref<4x1000x128xi32, #tpu.memory_space<vmem>>, vector<1x1000x128xi32>
    %get3A_36 = vector.shape_cast %get3A_35 : vector<1x1000x128xi32> to vector<1000x128xi32>
    %shift_left3A_37 = arith.constant 16 : i32
    %shift_left3A_38 = vector.broadcast %shift_left3A_37 : i32 to vector<1000x128xi32>
    %shift_left3A_39 = arith.shli %get3A_36, %shift_left3A_38 : vector<1000x128xi32>
    %bitcast_convert_type3A_40 = tpu.bitcast %shift_left3A_39 : vector<1000x128xi32> -> vector<1000x128xf32>
    %bitcast_convert_type3A_41 = tpu.bitcast %get3A_36 : vector<1000x128xi32> -> vector<1000x128xf32>
    %mul3A_42 = vector.broadcast %slice3A_31 : vector<1000x1xf32> to vector<1000x128xf32>
    %mul3A_43 = arith.mulf %mul3A_42, %bitcast_convert_type3A_40 : vector<1000x128xf32>
    %add3A_44 = arith.addf %add3A, %mul3A_43 : vector<1000x128xf32>
    %mul3A_45 = vector.broadcast %slice3A_31 : vector<1000x1xf32> to vector<1000x128xf32>
    %mul3A_46 = arith.mulf %mul3A_45, %bitcast_convert_type3A_41 : vector<1000x128xf32>
    %add3A_47 = arith.addf %add3A_30, %mul3A_46 : vector<1000x128xf32>
    %slice3A_48 = vector.extract_strided_slice %transpose3A {offsets = [0, 3], sizes = [1000, 1], strides = [1, 1]} : vector<1000x4xf32> to vector<1000x1xf32>
    %get3A_49 = arith.constant 3 : index
    %get3A_50 = arith.constant 0 : index
    %get3A_51 = arith.constant 0 : index
    %get3A_52 = vector.load %arg2[%get3A_49, %get3A_50, %get3A_51] : memref<4x1000x128xi32, #tpu.memory_space<vmem>>, vector<1x1000x128xi32>
    %get3A_53 = vector.shape_cast %get3A_52 : vector<1x1000x128xi32> to vector<1000x128xi32>
    %shift_left3A_54 = arith.constant 16 : i32
    %shift_left3A_55 = vector.broadcast %shift_left3A_54 : i32 to vector<1000x128xi32>
    %shift_left3A_56 = arith.shli %get3A_53, %shift_left3A_55 : vector<1000x128xi32>
    %bitcast_convert_type3A_57 = tpu.bitcast %shift_left3A_56 : vector<1000x128xi32> -> vector<1000x128xf32>
    %bitcast_convert_type3A_58 = tpu.bitcast %get3A_53 : vector<1000x128xi32> -> vector<1000x128xf32>
    %mul3A_59 = vector.broadcast %slice3A_48 : vector<1000x1xf32> to vector<1000x128xf32>
    %mul3A_60 = arith.mulf %mul3A_59, %bitcast_convert_type3A_57 : vector<1000x128xf32>
    %add3A_61 = arith.addf %add3A_44, %mul3A_60 : vector<1000x128xf32>
    %mul3A_62 = vector.broadcast %slice3A_48 : vector<1000x1xf32> to vector<1000x128xf32>
    %mul3A_63 = arith.mulf %mul3A_62, %bitcast_convert_type3A_58 : vector<1000x128xf32>
    %add3A_64 = arith.addf %add3A_47, %mul3A_63 : vector<1000x128xf32>
    %swap3A = arith.constant 0 : index
    %swap3A_65 = arith.constant 0 : index
    %swap3A_66 = vector.load %arg3[%swap3A, %swap3A_65] : memref<1000x256xf32, #tpu.memory_space<vmem>>, vector<1000x128xf32>
    tpu.vector_store %arg3[%swap3A, %swap3A_65], %add3A_61 {strides = array<i32>} : memref<1000x256xf32, #tpu.memory_space<vmem>>, vector<1000x128xf32>,
    %swap3A_67 = arith.constant 0 : index
    %swap3A_68 = arith.constant 128 : index
    %swap3A_69 = vector.load %arg3[%swap3A_67, %swap3A_68] : memref<1000x256xf32, #tpu.memory_space<vmem>>, vector<1000x128xf32>
    tpu.vector_store %arg3[%swap3A_67, %swap3A_68], %add3A_64 {strides = array<i32>} : memref<1000x256xf32, #tpu.memory_space<vmem>>, vector<1000x128xf32>,
    return
  }
  func.func @transform_0(%arg0: i32) -> (i32, i32, i32) {
    %add3A = arith.constant 0 : i32
    %add3A_0 = arith.addi %add3A, %arg0 : i32
    %c0_i32 = arith.constant 0 : i32
    %c0_i32_1 = arith.constant 0 : i32
    %c0_i32_2 = arith.constant 0 : i32
    return %add3A_0, %c0_i32, %c0_i32_1 : i32, i32, i32
  }
  func.func @transform_1(%arg0: i32) -> (i32, i32, i32) {
    %c0_i32 = arith.constant 0 : i32
    %c0_i32_0 = arith.constant 0 : i32
    %c0_i32_1 = arith.constant 0 : i32
    return %c0_i32, %arg0, %c0_i32_0 : i32, i32, i32
  }
  func.func @transform_2(%arg0: i32) -> (i32, i32) {
    %add3A = arith.constant 0 : i32
    %add3A_0 = arith.addi %add3A, %arg0 : i32
    %c0_i32 = arith.constant 0 : i32
    %c0_i32_1 = arith.constant 0 : i32
    return %add3A_0, %c0_i32 : i32, i32
  }
}

module attributes {stable_mosaic.version = 14 : i64} {
  func.func @body(%arg0: i32, %arg1: memref<1x4x1000xf32, #tpu.memory_space<vmem>>, %arg2: memref<4x1000x128xi32, #tpu.memory_space<vmem>>, %arg3: memref<98000x256xf32, #tpu.memory_space<any>>, %arg4: memref<1000x256xf32, #tpu.memory_space<vmem>>) attributes {dimension_semantics = [#tpu.dimension_semantics<arbitrary>], iteration_bounds = array<i64: 32>, scalar_prefetch = 0 : i64, scratch_operands = 0 : i64, tpu.core_type = #tpu.core_type<tc>, window_params = [{transform_indices = @transform_0, window_bounds = array<i64: 1, 4, 1000>}, {transform_indices = @transform_1, window_bounds = array<i64: 4, 1000, 128>}, {}, {transform_indices = @transform_3, window_bounds = array<i64: 1000, 256>}]} {
    %get3A = arith.constant 0 : index
    %get3A_0 = arith.constant 0 : index
    %get3A_1 = arith.constant 0 : index
    %get3A_2 = vector.load %arg1[%get3A, %get3A_0, %get3A_1] : memref<1x4x1000xf32, #tpu.memory_space<vmem>>, vector<1x4x1000xf32>
    %get3A_3 = vector.shape_cast %get3A_2 : vector<1x4x1000xf32> to vector<4x1000xf32>
    %transpose3A = tpu.transpose %get3A_3, [1, 0] : vector<4x1000xf32> -> vector<1000x4xf32>
    %slice3A = vector.extract_strided_slice %transpose3A {offsets = [0, 0], sizes = [1000, 1], strides = [1, 1]} : vector<1000x4xf32> to vector<1000x1xf32>
    %get3A_4 = arith.constant 0 : index
    %get3A_5 = arith.constant 0 : index
    %get3A_6 = arith.constant 0 : index
    %get3A_7 = vector.load %arg2[%get3A_4, %get3A_5, %get3A_6] : memref<4x1000x128xi32, #tpu.memory_space<vmem>>, vector<1x1000x128xi32>
    %get3A_8 = vector.shape_cast %get3A_7 : vector<1x1000x128xi32> to vector<1000x128xi32>
    %shift_left3A = arith.constant 16 : i32
    %shift_left3A_9 = vector.broadcast %shift_left3A : i32 to vector<1000x128xi32>
    %shift_left3A_10 = arith.shli %get3A_8, %shift_left3A_9 : vector<1000x128xi32>
    %bitcast_convert_type3A = tpu.bitcast %shift_left3A_10 : vector<1000x128xi32> -> vector<1000x128xf32>
    %bitcast_convert_type3A_11 = tpu.bitcast %get3A_8 : vector<1000x128xi32> -> vector<1000x128xf32>
    %mul3A = vector.broadcast %slice3A : vector<1000x1xf32> to vector<1000x128xf32>
    %mul3A_12 = arith.mulf %mul3A, %bitcast_convert_type3A : vector<1000x128xf32>
    %mul3A_13 = vector.broadcast %slice3A : vector<1000x1xf32> to vector<1000x128xf32>
    %mul3A_14 = arith.mulf %mul3A_13, %bitcast_convert_type3A_11 : vector<1000x128xf32>
    %slice3A_15 = vector.extract_strided_slice %transpose3A {offsets = [0, 1], sizes = [1000, 1], strides = [1, 1]} : vector<1000x4xf32> to vector<1000x1xf32>
    %get3A_16 = arith.constant 1 : index
    %get3A_17 = arith.constant 0 : index
    %get3A_18 = arith.constant 0 : index
    %get3A_19 = vector.load %arg2[%get3A_16, %get3A_17, %get3A_18] : memref<4x1000x128xi32, #tpu.memory_space<vmem>>, vector<1x1000x128xi32>
    %get3A_20 = vector.shape_cast %get3A_19 : vector<1x1000x128xi32> to vector<1000x128xi32>
    %shift_left3A_21 = arith.constant 16 : i32
    %shift_left3A_22 = vector.broadcast %shift_left3A_21 : i32 to vector<1000x128xi32>
    %shift_left3A_23 = arith.shli %get3A_20, %shift_left3A_22 : vector<1000x128xi32>
    %bitcast_convert_type3A_24 = tpu.bitcast %shift_left3A_23 : vector<1000x128xi32> -> vector<1000x128xf32>
    %bitcast_convert_type3A_25 = tpu.bitcast %get3A_20 : vector<1000x128xi32> -> vector<1000x128xf32>
    %mul3A_26 = vector.broadcast %slice3A_15 : vector<1000x1xf32> to vector<1000x128xf32>
    %mul3A_27 = arith.mulf %mul3A_26, %bitcast_convert_type3A_24 : vector<1000x128xf32>
    %add3A = arith.addf %mul3A_12, %mul3A_27 : vector<1000x128xf32>
    %mul3A_28 = vector.broadcast %slice3A_15 : vector<1000x1xf32> to vector<1000x128xf32>
    %mul3A_29 = arith.mulf %mul3A_28, %bitcast_convert_type3A_25 : vector<1000x128xf32>
    %add3A_30 = arith.addf %mul3A_14, %mul3A_29 : vector<1000x128xf32>
    %slice3A_31 = vector.extract_strided_slice %transpose3A {offsets = [0, 2], sizes = [1000, 1], strides = [1, 1]} : vector<1000x4xf32> to vector<1000x1xf32>
    %get3A_32 = arith.constant 2 : index
    %get3A_33 = arith.constant 0 : index
    %get3A_34 = arith.constant 0 : index
    %get3A_35 = vector.load %arg2[%get3A_32, %get3A_33, %get3A_34] : memref<4x1000x128xi32, #tpu.memory_space<vmem>>, vector<1x1000x128xi32>
    %get3A_36 = vector.shape_cast %get3A_35 : vector<1x1000x128xi32> to vector<1000x128xi32>
    %shift_left3A_37 = arith.constant 16 : i32
    %shift_left3A_38 = vector.broadcast %shift_left3A_37 : i32 to vector<1000x128xi32>
    %shift_left3A_39 = arith.shli %get3A_36, %shift_left3A_38 : vector<1000x128xi32>
    %bitcast_convert_type3A_40 = tpu.bitcast %shift_left3A_39 : vector<1000x128xi32> -> vector<1000x128xf32>
    %bitcast_convert_type3A_41 = tpu.bitcast %get3A_36 : vector<1000x128xi32> -> vector<1000x128xf32>
    %mul3A_42 = vector.broadcast %slice3A_31 : vector<1000x1xf32> to vector<1000x128xf32>
    %mul3A_43 = arith.mulf %mul3A_42, %bitcast_convert_type3A_40 : vector<1000x128xf32>
    %add3A_44 = arith.addf %add3A, %mul3A_43 : vector<1000x128xf32>
    %mul3A_45 = vector.broadcast %slice3A_31 : vector<1000x1xf32> to vector<1000x128xf32>
    %mul3A_46 = arith.mulf %mul3A_45, %bitcast_convert_type3A_41 : vector<1000x128xf32>
    %add3A_47 = arith.addf %add3A_30, %mul3A_46 : vector<1000x128xf32>
    %slice3A_48 = vector.extract_strided_slice %transpose3A {offsets = [0, 3], sizes = [1000, 1], strides = [1, 1]} : vector<1000x4xf32> to vector<1000x1xf32>
    %get3A_49 = arith.constant 3 : index
    %get3A_50 = arith.constant 0 : index
    %get3A_51 = arith.constant 0 : index
    %get3A_52 = vector.load %arg2[%get3A_49, %get3A_50, %get3A_51] : memref<4x1000x128xi32, #tpu.memory_space<vmem>>, vector<1x1000x128xi32>
    %get3A_53 = vector.shape_cast %get3A_52 : vector<1x1000x128xi32> to vector<1000x128xi32>
    %shift_left3A_54 = arith.constant 16 : i32
    %shift_left3A_55 = vector.broadcast %shift_left3A_54 : i32 to vector<1000x128xi32>
    %shift_left3A_56 = arith.shli %get3A_53, %shift_left3A_55 : vector<1000x128xi32>
    %bitcast_convert_type3A_57 = tpu.bitcast %shift_left3A_56 : vector<1000x128xi32> -> vector<1000x128xf32>
    %bitcast_convert_type3A_58 = tpu.bitcast %get3A_53 : vector<1000x128xi32> -> vector<1000x128xf32>
    %mul3A_59 = vector.broadcast %slice3A_48 : vector<1000x1xf32> to vector<1000x128xf32>
    %mul3A_60 = arith.mulf %mul3A_59, %bitcast_convert_type3A_57 : vector<1000x128xf32>
    %add3A_61 = arith.addf %add3A_44, %mul3A_60 : vector<1000x128xf32>
    %mul3A_62 = vector.broadcast %slice3A_48 : vector<1000x1xf32> to vector<1000x128xf32>
    %mul3A_63 = arith.mulf %mul3A_62, %bitcast_convert_type3A_58 : vector<1000x128xf32>
    %add3A_64 = arith.addf %add3A_47, %mul3A_63 : vector<1000x128xf32>
    %swap3A = arith.constant 0 : index
    %swap3A_65 = arith.constant 0 : index
    %swap3A_66 = vector.load %arg4[%swap3A, %swap3A_65] : memref<1000x256xf32, #tpu.memory_space<vmem>>, vector<1000x128xf32>
    tpu.vector_store %arg4[%swap3A, %swap3A_65], %add3A_61 {strides = array<i32>} : memref<1000x256xf32, #tpu.memory_space<vmem>>, vector<1000x128xf32>,
    %swap3A_67 = arith.constant 0 : index
    %swap3A_68 = arith.constant 128 : index
    %swap3A_69 = vector.load %arg4[%swap3A_67, %swap3A_68] : memref<1000x256xf32, #tpu.memory_space<vmem>>, vector<1000x128xf32>
    tpu.vector_store %arg4[%swap3A_67, %swap3A_68], %add3A_64 {strides = array<i32>} : memref<1000x256xf32, #tpu.memory_space<vmem>>, vector<1000x128xf32>,
    return
  }
  func.func @transform_0(%arg0: i32) -> (i32, i32, i32) {
    %add3A = arith.constant 32 : i32
    %add3A_0 = arith.addi %add3A, %arg0 : i32
    %c0_i32 = arith.constant 0 : i32
    %c0_i32_1 = arith.constant 0 : i32
    %c0_i32_2 = arith.constant 0 : i32
    return %add3A_0, %c0_i32, %c0_i32_1 : i32, i32, i32
  }
  func.func @transform_1(%arg0: i32) -> (i32, i32, i32) {
    %c0_i32 = arith.constant 0 : i32
    %c0_i32_0 = arith.constant 0 : i32
    %c0_i32_1 = arith.constant 0 : i32
    return %c0_i32, %arg0, %c0_i32_0 : i32, i32, i32
  }
  func.func @transform_3(%arg0: i32) -> (i32, i32) {
    %add3A = arith.constant 32 : i32
    %add3A_0 = arith.addi %add3A, %arg0 : i32
    %c0_i32 = arith.constant 0 : i32
    %c0_i32_1 = arith.constant 0 : i32
    return %add3A_0, %c0_i32 : i32, i32
  }
}

module attributes {stable_mosaic.version = 14 : i64} {
  func.func @body(%arg0: i32, %arg1: memref<1x4x1000xf32, #tpu.memory_space<vmem>>, %arg2: memref<4x1000x128xi32, #tpu.memory_space<vmem>>, %arg3: memref<98000x256xf32, #tpu.memory_space<any>>, %arg4: memref<1000x256xf32, #tpu.memory_space<vmem>>) attributes {dimension_semantics = [#tpu.dimension_semantics<arbitrary>], iteration_bounds = array<i64: 32>, scalar_prefetch = 0 : i64, scratch_operands = 0 : i64, tpu.core_type = #tpu.core_type<tc>, window_params = [{transform_indices = @transform_0, window_bounds = array<i64: 1, 4, 1000>}, {transform_indices = @transform_1, window_bounds = array<i64: 4, 1000, 128>}, {}, {transform_indices = @transform_3, window_bounds = array<i64: 1000, 256>}]} {
    %get3A = arith.constant 0 : index
    %get3A_0 = arith.constant 0 : index
    %get3A_1 = arith.constant 0 : index
    %get3A_2 = vector.load %arg1[%get3A, %get3A_0, %get3A_1] : memref<1x4x1000xf32, #tpu.memory_space<vmem>>, vector<1x4x1000xf32>
    %get3A_3 = vector.shape_cast %get3A_2 : vector<1x4x1000xf32> to vector<4x1000xf32>
    %transpose3A = tpu.transpose %get3A_3, [1, 0] : vector<4x1000xf32> -> vector<1000x4xf32>
    %slice3A = vector.extract_strided_slice %transpose3A {offsets = [0, 0], sizes = [1000, 1], strides = [1, 1]} : vector<1000x4xf32> to vector<1000x1xf32>
    %get3A_4 = arith.constant 0 : index
    %get3A_5 = arith.constant 0 : index
    %get3A_6 = arith.constant 0 : index
    %get3A_7 = vector.load %arg2[%get3A_4, %get3A_5, %get3A_6] : memref<4x1000x128xi32, #tpu.memory_space<vmem>>, vector<1x1000x128xi32>
    %get3A_8 = vector.shape_cast %get3A_7 : vector<1x1000x128xi32> to vector<1000x128xi32>
    %shift_left3A = arith.constant 16 : i32
    %shift_left3A_9 = vector.broadcast %shift_left3A : i32 to vector<1000x128xi32>
    %shift_left3A_10 = arith.shli %get3A_8, %shift_left3A_9 : vector<1000x128xi32>
    %bitcast_convert_type3A = tpu.bitcast %shift_left3A_10 : vector<1000x128xi32> -> vector<1000x128xf32>
    %bitcast_convert_type3A_11 = tpu.bitcast %get3A_8 : vector<1000x128xi32> -> vector<1000x128xf32>
    %mul3A = vector.broadcast %slice3A : vector<1000x1xf32> to vector<1000x128xf32>
    %mul3A_12 = arith.mulf %mul3A, %bitcast_convert_type3A : vector<1000x128xf32>
    %mul3A_13 = vector.broadcast %slice3A : vector<1000x1xf32> to vector<1000x128xf32>
    %mul3A_14 = arith.mulf %mul3A_13, %bitcast_convert_type3A_11 : vector<1000x128xf32>
    %slice3A_15 = vector.extract_strided_slice %transpose3A {offsets = [0, 1], sizes = [1000, 1], strides = [1, 1]} : vector<1000x4xf32> to vector<1000x1xf32>
    %get3A_16 = arith.constant 1 : index
    %get3A_17 = arith.constant 0 : index
    %get3A_18 = arith.constant 0 : index
    %get3A_19 = vector.load %arg2[%get3A_16, %get3A_17, %get3A_18] : memref<4x1000x128xi32, #tpu.memory_space<vmem>>, vector<1x1000x128xi32>
    %get3A_20 = vector.shape_cast %get3A_19 : vector<1x1000x128xi32> to vector<1000x128xi32>
    %shift_left3A_21 = arith.constant 16 : i32
    %shift_left3A_22 = vector.broadcast %shift_left3A_21 : i32 to vector<1000x128xi32>
    %shift_left3A_23 = arith.shli %get3A_20, %shift_left3A_22 : vector<1000x128xi32>
    %bitcast_convert_type3A_24 = tpu.bitcast %shift_left3A_23 : vector<1000x128xi32> -> vector<1000x128xf32>
    %bitcast_convert_type3A_25 = tpu.bitcast %get3A_20 : vector<1000x128xi32> -> vector<1000x128xf32>
    %mul3A_26 = vector.broadcast %slice3A_15 : vector<1000x1xf32> to vector<1000x128xf32>
    %mul3A_27 = arith.mulf %mul3A_26, %bitcast_convert_type3A_24 : vector<1000x128xf32>
    %add3A = arith.addf %mul3A_12, %mul3A_27 : vector<1000x128xf32>
    %mul3A_28 = vector.broadcast %slice3A_15 : vector<1000x1xf32> to vector<1000x128xf32>
    %mul3A_29 = arith.mulf %mul3A_28, %bitcast_convert_type3A_25 : vector<1000x128xf32>
    %add3A_30 = arith.addf %mul3A_14, %mul3A_29 : vector<1000x128xf32>
    %slice3A_31 = vector.extract_strided_slice %transpose3A {offsets = [0, 2], sizes = [1000, 1], strides = [1, 1]} : vector<1000x4xf32> to vector<1000x1xf32>
    %get3A_32 = arith.constant 2 : index
    %get3A_33 = arith.constant 0 : index
    %get3A_34 = arith.constant 0 : index
    %get3A_35 = vector.load %arg2[%get3A_32, %get3A_33, %get3A_34] : memref<4x1000x128xi32, #tpu.memory_space<vmem>>, vector<1x1000x128xi32>
    %get3A_36 = vector.shape_cast %get3A_35 : vector<1x1000x128xi32> to vector<1000x128xi32>
    %shift_left3A_37 = arith.constant 16 : i32
    %shift_left3A_38 = vector.broadcast %shift_left3A_37 : i32 to vector<1000x128xi32>
    %shift_left3A_39 = arith.shli %get3A_36, %shift_left3A_38 : vector<1000x128xi32>
    %bitcast_convert_type3A_40 = tpu.bitcast %shift_left3A_39 : vector<1000x128xi32> -> vector<1000x128xf32>
    %bitcast_convert_type3A_41 = tpu.bitcast %get3A_36 : vector<1000x128xi32> -> vector<1000x128xf32>
    %mul3A_42 = vector.broadcast %slice3A_31 : vector<1000x1xf32> to vector<1000x128xf32>
    %mul3A_43 = arith.mulf %mul3A_42, %bitcast_convert_type3A_40 : vector<1000x128xf32>
    %add3A_44 = arith.addf %add3A, %mul3A_43 : vector<1000x128xf32>
    %mul3A_45 = vector.broadcast %slice3A_31 : vector<1000x1xf32> to vector<1000x128xf32>
    %mul3A_46 = arith.mulf %mul3A_45, %bitcast_convert_type3A_41 : vector<1000x128xf32>
    %add3A_47 = arith.addf %add3A_30, %mul3A_46 : vector<1000x128xf32>
    %slice3A_48 = vector.extract_strided_slice %transpose3A {offsets = [0, 3], sizes = [1000, 1], strides = [1, 1]} : vector<1000x4xf32> to vector<1000x1xf32>
    %get3A_49 = arith.constant 3 : index
    %get3A_50 = arith.constant 0 : index
    %get3A_51 = arith.constant 0 : index
    %get3A_52 = vector.load %arg2[%get3A_49, %get3A_50, %get3A_51] : memref<4x1000x128xi32, #tpu.memory_space<vmem>>, vector<1x1000x128xi32>
    %get3A_53 = vector.shape_cast %get3A_52 : vector<1x1000x128xi32> to vector<1000x128xi32>
    %shift_left3A_54 = arith.constant 16 : i32
    %shift_left3A_55 = vector.broadcast %shift_left3A_54 : i32 to vector<1000x128xi32>
    %shift_left3A_56 = arith.shli %get3A_53, %shift_left3A_55 : vector<1000x128xi32>
    %bitcast_convert_type3A_57 = tpu.bitcast %shift_left3A_56 : vector<1000x128xi32> -> vector<1000x128xf32>
    %bitcast_convert_type3A_58 = tpu.bitcast %get3A_53 : vector<1000x128xi32> -> vector<1000x128xf32>
    %mul3A_59 = vector.broadcast %slice3A_48 : vector<1000x1xf32> to vector<1000x128xf32>
    %mul3A_60 = arith.mulf %mul3A_59, %bitcast_convert_type3A_57 : vector<1000x128xf32>
    %add3A_61 = arith.addf %add3A_44, %mul3A_60 : vector<1000x128xf32>
    %mul3A_62 = vector.broadcast %slice3A_48 : vector<1000x1xf32> to vector<1000x128xf32>
    %mul3A_63 = arith.mulf %mul3A_62, %bitcast_convert_type3A_58 : vector<1000x128xf32>
    %add3A_64 = arith.addf %add3A_47, %mul3A_63 : vector<1000x128xf32>
    %swap3A = arith.constant 0 : index
    %swap3A_65 = arith.constant 0 : index
    %swap3A_66 = vector.load %arg4[%swap3A, %swap3A_65] : memref<1000x256xf32, #tpu.memory_space<vmem>>, vector<1000x128xf32>
    tpu.vector_store %arg4[%swap3A, %swap3A_65], %add3A_61 {strides = array<i32>} : memref<1000x256xf32, #tpu.memory_space<vmem>>, vector<1000x128xf32>,
    %swap3A_67 = arith.constant 0 : index
    %swap3A_68 = arith.constant 128 : index
    %swap3A_69 = vector.load %arg4[%swap3A_67, %swap3A_68] : memref<1000x256xf32, #tpu.memory_space<vmem>>, vector<1000x128xf32>
    tpu.vector_store %arg4[%swap3A_67, %swap3A_68], %add3A_64 {strides = array<i32>} : memref<1000x256xf32, #tpu.memory_space<vmem>>, vector<1000x128xf32>,
    return
  }
  func.func @transform_0(%arg0: i32) -> (i32, i32, i32) {
    %add3A = arith.constant 64 : i32
    %add3A_0 = arith.addi %add3A, %arg0 : i32
    %c0_i32 = arith.constant 0 : i32
    %c0_i32_1 = arith.constant 0 : i32
    %c0_i32_2 = arith.constant 0 : i32
    return %add3A_0, %c0_i32, %c0_i32_1 : i32, i32, i32
  }
  func.func @transform_1(%arg0: i32) -> (i32, i32, i32) {
    %c0_i32 = arith.constant 0 : i32
    %c0_i32_0 = arith.constant 0 : i32
    %c0_i32_1 = arith.constant 0 : i32
    return %c0_i32, %arg0, %c0_i32_0 : i32, i32, i32
  }
  func.func @transform_3(%arg0: i32) -> (i32, i32) {
    %add3A = arith.constant 64 : i32
    %add3A_0 = arith.addi %add3A, %arg0 : i32
    %c0_i32 = arith.constant 0 : i32
    %c0_i32_1 = arith.constant 0 : i32
    return %add3A_0, %c0_i32 : i32, i32
  }
}

module attributes {stable_mosaic.version = 14 : i64} {
  func.func @body(%arg0: i32, %arg1: memref<1x4x1000xf32, #tpu.memory_space<vmem>>, %arg2: memref<4x1000x128xi32, #tpu.memory_space<vmem>>, %arg3: memref<98000x256xf32, #tpu.memory_space<any>>, %arg4: memref<1000x256xf32, #tpu.memory_space<vmem>>) attributes {dimension_semantics = [#tpu.dimension_semantics<arbitrary>], iteration_bounds = array<i64: 2>, scalar_prefetch = 0 : i64, scratch_operands = 0 : i64, tpu.core_type = #tpu.core_type<tc>, window_params = [{transform_indices = @transform_0, window_bounds = array<i64: 1, 4, 1000>}, {transform_indices = @transform_1, window_bounds = array<i64: 4, 1000, 128>}, {}, {transform_indices = @transform_3, window_bounds = array<i64: 1000, 256>}]} {
    %get3A = arith.constant 0 : index
    %get3A_0 = arith.constant 0 : index
    %get3A_1 = arith.constant 0 : index
    %get3A_2 = vector.load %arg1[%get3A, %get3A_0, %get3A_1] : memref<1x4x1000xf32, #tpu.memory_space<vmem>>, vector<1x4x1000xf32>
    %get3A_3 = vector.shape_cast %get3A_2 : vector<1x4x1000xf32> to vector<4x1000xf32>
    %transpose3A = tpu.transpose %get3A_3, [1, 0] : vector<4x1000xf32> -> vector<1000x4xf32>
    %slice3A = vector.extract_strided_slice %transpose3A {offsets = [0, 0], sizes = [1000, 1], strides = [1, 1]} : vector<1000x4xf32> to vector<1000x1xf32>
    %get3A_4 = arith.constant 0 : index
    %get3A_5 = arith.constant 0 : index
    %get3A_6 = arith.constant 0 : index
    %get3A_7 = vector.load %arg2[%get3A_4, %get3A_5, %get3A_6] : memref<4x1000x128xi32, #tpu.memory_space<vmem>>, vector<1x1000x128xi32>
    %get3A_8 = vector.shape_cast %get3A_7 : vector<1x1000x128xi32> to vector<1000x128xi32>
    %shift_left3A = arith.constant 16 : i32
    %shift_left3A_9 = vector.broadcast %shift_left3A : i32 to vector<1000x128xi32>
    %shift_left3A_10 = arith.shli %get3A_8, %shift_left3A_9 : vector<1000x128xi32>
    %bitcast_convert_type3A = tpu.bitcast %shift_left3A_10 : vector<1000x128xi32> -> vector<1000x128xf32>
    %bitcast_convert_type3A_11 = tpu.bitcast %get3A_8 : vector<1000x128xi32> -> vector<1000x128xf32>
    %mul3A = vector.broadcast %slice3A : vector<1000x1xf32> to vector<1000x128xf32>
    %mul3A_12 = arith.mulf %mul3A, %bitcast_convert_type3A : vector<1000x128xf32>
    %mul3A_13 = vector.broadcast %slice3A : vector<1000x1xf32> to vector<1000x128xf32>
    %mul3A_14 = arith.mulf %mul3A_13, %bitcast_convert_type3A_11 : vector<1000x128xf32>
    %slice3A_15 = vector.extract_strided_slice %transpose3A {offsets = [0, 1], sizes = [1000, 1], strides = [1, 1]} : vector<1000x4xf32> to vector<1000x1xf32>
    %get3A_16 = arith.constant 1 : index
    %get3A_17 = arith.constant 0 : index
    %get3A_18 = arith.constant 0 : index
    %get3A_19 = vector.load %arg2[%get3A_16, %get3A_17, %get3A_18] : memref<4x1000x128xi32, #tpu.memory_space<vmem>>, vector<1x1000x128xi32>
    %get3A_20 = vector.shape_cast %get3A_19 : vector<1x1000x128xi32> to vector<1000x128xi32>
    %shift_left3A_21 = arith.constant 16 : i32
    %shift_left3A_22 = vector.broadcast %shift_left3A_21 : i32 to vector<1000x128xi32>
    %shift_left3A_23 = arith.shli %get3A_20, %shift_left3A_22 : vector<1000x128xi32>
    %bitcast_convert_type3A_24 = tpu.bitcast %shift_left3A_23 : vector<1000x128xi32> -> vector<1000x128xf32>
    %bitcast_convert_type3A_25 = tpu.bitcast %get3A_20 : vector<1000x128xi32> -> vector<1000x128xf32>
    %mul3A_26 = vector.broadcast %slice3A_15 : vector<1000x1xf32> to vector<1000x128xf32>
    %mul3A_27 = arith.mulf %mul3A_26, %bitcast_convert_type3A_24 : vector<1000x128xf32>
    %add3A = arith.addf %mul3A_12, %mul3A_27 : vector<1000x128xf32>
    %mul3A_28 = vector.broadcast %slice3A_15 : vector<1000x1xf32> to vector<1000x128xf32>
    %mul3A_29 = arith.mulf %mul3A_28, %bitcast_convert_type3A_25 : vector<1000x128xf32>
    %add3A_30 = arith.addf %mul3A_14, %mul3A_29 : vector<1000x128xf32>
    %slice3A_31 = vector.extract_strided_slice %transpose3A {offsets = [0, 2], sizes = [1000, 1], strides = [1, 1]} : vector<1000x4xf32> to vector<1000x1xf32>
    %get3A_32 = arith.constant 2 : index
    %get3A_33 = arith.constant 0 : index
    %get3A_34 = arith.constant 0 : index
    %get3A_35 = vector.load %arg2[%get3A_32, %get3A_33, %get3A_34] : memref<4x1000x128xi32, #tpu.memory_space<vmem>>, vector<1x1000x128xi32>
    %get3A_36 = vector.shape_cast %get3A_35 : vector<1x1000x128xi32> to vector<1000x128xi32>
    %shift_left3A_37 = arith.constant 16 : i32
    %shift_left3A_38 = vector.broadcast %shift_left3A_37 : i32 to vector<1000x128xi32>
    %shift_left3A_39 = arith.shli %get3A_36, %shift_left3A_38 : vector<1000x128xi32>
    %bitcast_convert_type3A_40 = tpu.bitcast %shift_left3A_39 : vector<1000x128xi32> -> vector<1000x128xf32>
    %bitcast_convert_type3A_41 = tpu.bitcast %get3A_36 : vector<1000x128xi32> -> vector<1000x128xf32>
    %mul3A_42 = vector.broadcast %slice3A_31 : vector<1000x1xf32> to vector<1000x128xf32>
    %mul3A_43 = arith.mulf %mul3A_42, %bitcast_convert_type3A_40 : vector<1000x128xf32>
    %add3A_44 = arith.addf %add3A, %mul3A_43 : vector<1000x128xf32>
    %mul3A_45 = vector.broadcast %slice3A_31 : vector<1000x1xf32> to vector<1000x128xf32>
    %mul3A_46 = arith.mulf %mul3A_45, %bitcast_convert_type3A_41 : vector<1000x128xf32>
    %add3A_47 = arith.addf %add3A_30, %mul3A_46 : vector<1000x128xf32>
    %slice3A_48 = vector.extract_strided_slice %transpose3A {offsets = [0, 3], sizes = [1000, 1], strides = [1, 1]} : vector<1000x4xf32> to vector<1000x1xf32>
    %get3A_49 = arith.constant 3 : index
    %get3A_50 = arith.constant 0 : index
    %get3A_51 = arith.constant 0 : index
    %get3A_52 = vector.load %arg2[%get3A_49, %get3A_50, %get3A_51] : memref<4x1000x128xi32, #tpu.memory_space<vmem>>, vector<1x1000x128xi32>
    %get3A_53 = vector.shape_cast %get3A_52 : vector<1x1000x128xi32> to vector<1000x128xi32>
    %shift_left3A_54 = arith.constant 16 : i32
    %shift_left3A_55 = vector.broadcast %shift_left3A_54 : i32 to vector<1000x128xi32>
    %shift_left3A_56 = arith.shli %get3A_53, %shift_left3A_55 : vector<1000x128xi32>
    %bitcast_convert_type3A_57 = tpu.bitcast %shift_left3A_56 : vector<1000x128xi32> -> vector<1000x128xf32>
    %bitcast_convert_type3A_58 = tpu.bitcast %get3A_53 : vector<1000x128xi32> -> vector<1000x128xf32>
    %mul3A_59 = vector.broadcast %slice3A_48 : vector<1000x1xf32> to vector<1000x128xf32>
    %mul3A_60 = arith.mulf %mul3A_59, %bitcast_convert_type3A_57 : vector<1000x128xf32>
    %add3A_61 = arith.addf %add3A_44, %mul3A_60 : vector<1000x128xf32>
    %mul3A_62 = vector.broadcast %slice3A_48 : vector<1000x1xf32> to vector<1000x128xf32>
    %mul3A_63 = arith.mulf %mul3A_62, %bitcast_convert_type3A_58 : vector<1000x128xf32>
    %add3A_64 = arith.addf %add3A_47, %mul3A_63 : vector<1000x128xf32>
    %swap3A = arith.constant 0 : index
    %swap3A_65 = arith.constant 0 : index
    %swap3A_66 = vector.load %arg4[%swap3A, %swap3A_65] : memref<1000x256xf32, #tpu.memory_space<vmem>>, vector<1000x128xf32>
    tpu.vector_store %arg4[%swap3A, %swap3A_65], %add3A_61 {strides = array<i32>} : memref<1000x256xf32, #tpu.memory_space<vmem>>, vector<1000x128xf32>,
    %swap3A_67 = arith.constant 0 : index
    %swap3A_68 = arith.constant 128 : index
    %swap3A_69 = vector.load %arg4[%swap3A_67, %swap3A_68] : memref<1000x256xf32, #tpu.memory_space<vmem>>, vector<1000x128xf32>
    tpu.vector_store %arg4[%swap3A_67, %swap3A_68], %add3A_64 {strides = array<i32>} : memref<1000x256xf32, #tpu.memory_space<vmem>>, vector<1000x128xf32>,
    return
  }
  func.func @transform_0(%arg0: i32) -> (i32, i32, i32) {
    %add3A = arith.constant 96 : i32
    %add3A_0 = arith.addi %add3A, %arg0 : i32
    %c0_i32 = arith.constant 0 : i32
    %c0_i32_1 = arith.constant 0 : i32
    %c0_i32_2 = arith.constant 0 : i32
    return %add3A_0, %c0_i32, %c0_i32_1 : i32, i32, i32
  }
  func.func @transform_1(%arg0: i32) -> (i32, i32, i32) {
    %c0_i32 = arith.constant 0 : i32
    %c0_i32_0 = arith.constant 0 : i32
    %c0_i32_1 = arith.constant 0 : i32
    return %c0_i32, %arg0, %c0_i32_0 : i32, i32, i32
  }
  func.func @transform_3(%arg0: i32) -> (i32, i32) {
    %add3A = arith.constant 96 : i32
    %add3A_0 = arith.addi %add3A, %arg0 : i32
    %c0_i32 = arith.constant 0 : i32
    %c0_i32_1 = arith.constant 0 : i32
    return %add3A_0, %c0_i32 : i32, i32
  }
}

</mosaic_0001>

<sc_bundles>
// kernel: kernel.15.cloned.1.call-start
scs
__scs_entry_jumppad:
0x0: {  	(pc) =	sbr.rel $0x88, $3  }
0x1: {  	(tag) =	ssettag $0x0;
	lr =	simm.s32 $0x1  }
0x2: {  	[smem:$0x3F9B] =	sst lr;
	_ =	strace $0xD0000000  }
0x3: {  	_ = 	snop  }
0x4: {  	_ = 	snop  }
0x5: {  	_ = 	snop  }
0x6: {  	_ = 	snop  }
0x7: {  	_ = 	snop  }
__scs_overlays_trampoline_lowered:
0x8: {  	[smem:$0x3FAA] =	sst s0  }
0x9: {  	[smem:$0x3FAB] =	sst s1  }
0xa: {  	[smem:$0x3FAC] =	sst s2  }
0xb: {  	[smem:$0x3FAD] =	sst s3  }
0xc: {  	[smem:$0x3FAE] =	sst s4  }
0xd: {  	[smem:$0x3FAF] =	sst s5  }
0xe: {  	[smem:$0x3FB0] =	sst s6  }
0xf: {  	[smem:$0x3FB1] =	sst s7  }
0x10: {  	[smem:$0x3FB2] =	sst s8  }
0x11: {  	[smem:$0x3FB3] =	sst s9;
	s0 =	simm.s32 @!p0 $0x0  }
0x12: {  	s1 =	sld [smem:$0x3F99];
	s0 =	simm.s32 @p0 $0x1  }
0x13: {  	[smem:$0x3FB4] =	sst s0;
	s0 =	simm.s32 @!p1 $0x0  }
0x14: {  	s2 =	sld [smem:$0x3F98];
	s0 =	simm.s32 @p1 $0x1  }
0x15: {  	[smem:$0x3FB5] =	sst s0;
	s0 =	simm.s32 @!p2 $0x0  }
0x16: {  	s3 =	sld [smem:$0x3FDB];
	s0 =	simm.s32 @p2 $0x1  }
0x17: {  	s4 =	simm.s32 $0x1BF5;
	[smem:$0x3FB7] =	sst s0  }
0x18: {  	s0 =	sld [smem:$0x3F9A];
	_ =	swait.ge [sflag:s4], $0x0  }
0x19: {  	s7 =	sld [smem:$0x3F9B]  }
0x1a: {  	s8 =	sadd.s32 $0xFFFFE003, lr  }
0x1b: {  	s9 =	sadd.s32 $0xFFFFFEF7, lr;
	s5 =	simm.s32 $0xFFFFFFFF;
	p2 =	slt.u32 s8, $0xFFFFF086  }
0x1c: {  	p1 =	slt.u32 s9, $0xF7A;
	s5 =	simm.s32 @!p2 $0x0  }
0x1d: {  	s5 =	simm.s32 @p1 $0x1;
	p0 =	seq.s32 s7, s2  }
0x1e: {  	s7 =	smul.u32 @!p0 $0xF7A, s2;
	p2 =	seq.s32 @!p0 s5, $0x0  }
0x1f: {  	s9 =	smul.u32 $0xF7A, s1;
	s8 =	simm.s32 @!p0 $0x1BF5;
	p2 =	por !p2, p0  }
0x20: {  	[sflag:s8] =	ssyncset.s32 @!p0 $0xFFFFF086;
	s6 =	sadd.s32 @!p0 s3, s7;
	s7 =	simm.s32 @!p0 $0x108  }
0x21: {  	s3 =	sadd.s32 s3, s9;
	s6 =	sadd.s32 @!p0 $0x88, s6;
	s7 =	simm.s32 @p2 $0x1082  }
0x22: {  	[simem:s7], [sflag:s8] =	dma.local @!p0 [hbm:s6], $0xF7A  }
0x23: {  	s9 =	sor.u32 $0xD0000000, s2;
	s6 =	simm.s32 $0x108;
	_ =	swait.ge @!p0 [sflag:s8], $0x0  }
0x24: {  	s3 =	sadd.s32 $0x88, s3;
	s6 =	simm.s32 @!p1 $0x1082;
	[sflag:s4] =	ssyncset.s32 $0xFFFFF086  }
0x25: {  	[simem:s6], [sflag:s4] =	dma.local [hbm:s3], $0xF7A  }
0x26: {  	[smem:$0x3F9B] =	sst s1;
	(tag) =	ssettag s2;
	_ =	strace s9  }
0x27: {  	s1 =	sld [smem:$0x3FAB]  }
0x28: {  	s2 =	sld [smem:$0x3FAC]  }
0x29: {  	s4 =	sld [smem:$0x3FAE]  }
0x2a: {  	p0 =	seq.s32 s5, $0x0;
	s5 =	sld [smem:$0x3FAF]  }
0x2b: {  	s6 =	sld [smem:$0x3FB0]  }
0x2c: {  	s7 =	sld [smem:$0x3FB1]  }
0x2d: {  	s3 =	simm.s32 $0x108;
	s8 =	sld [smem:$0x3FB2]  }
0x2e: {  	s3 =	simm.s32 @!p0 $0x1082;
	s9 =	sld [smem:$0x3FB3]  }
0x2f: {  	lr =	sadd.s32 s0, s3;
	s0 =	sld [smem:$0x3FAA]  }
0x30: {  	s3 =	sld [smem:$0x3FAD]  }
0x31: {  	[smem:$0x3FB6] =	sst s10  }
0x32: {  	s10 =	sld [smem:$0x3FB4];
	_ =	sdelay $0x3  }
0x33: {  	p0 =	seq.s32 s10, $0x1;
	s10 =	sld [smem:$0x3FB6];
	_ =	sdelay $0x3  }
0x34: {  	[smem:$0x3FB6] =	sst s10  }
0x35: {  	s10 =	sld [smem:$0x3FB5];
	_ =	sdelay $0x3  }
0x36: {  	p1 =	seq.s32 s10, $0x1;
	s10 =	sld [smem:$0x3FB6];
	_ =	sdelay $0x3  }
0x37: {  	[smem:$0x3FB6] =	sst s10  }
0x38: {  	s10 =	sld [smem:$0x3FB7]  }
0x39: {  	_ = 	snop;
	(pc) =	sbr.ind lr, $3  }
0x3a: {  	_ = 	snop  }
0x3b: {  	_ = 	snop  }
0x3c: {  	p2 =	seq.s32 s10, $0x1;
	s10 =	sld [smem:$0x3FB6]  }
0x3d: {  	_ =	shalt  }
0x3e: {  	_ =	shalt  }
0x3f: {  	_ =	shalt  }
0x40: {  	_ =	shalt  }
0x41: {  	_ =	shalt  }
0x42: {  	_ =	shalt  }
0x43: {  	_ =	shalt  }
0x44: {  	_ =	shalt  }
0x45: {  	_ =	shalt  }
0x46: {  	_ =	shalt  }
0x47: {  	_ =	shalt  }
0x48: {  	_ =	shalt  }
0x49: {  	_ =	shalt  }
0x4a: {  	_ =	shalt  }
0x4b: {  	_ =	shalt  }
0x4c: {  	_ =	shalt  }
0x4d: {  	_ =	shalt  }
0x4e: {  	_ =	shalt  }
0x4f: {  	_ =	shalt  }
0x50: {  	_ =	shalt  }
0x51: {  	_ =	shalt  }
0x52: {  	_ =	shalt  }
0x53: {  	_ =	shalt  }
0x54: {  	_ =	shalt  }
0x55: {  	_ =	shalt  }
0x56: {  	_ =	shalt  }
0x57: {  	_ =	shalt  }
0x58: {  	_ =	shalt  }
0x59: {  	_ =	shalt  }
0x5a: {  	_ =	shalt  }
0x5b: {  	_ =	shalt  }
0x5c: {  	_ =	shalt  }
0x5d: {  	_ =	shalt  }
0x5e: {  	_ =	shalt  }
0x5f: {  	_ =	shalt  }
0x60: {  	_ =	shalt  }
0x61: {  	_ =	shalt  }
0x62: {  	_ =	shalt  }
0x63: {  	_ =	shalt  }
0x64: {  	_ =	shalt  }
0x65: {  	_ =	shalt  }
0x66: {  	_ =	shalt  }
0x67: {  	_ =	shalt  }
0x68: {  	_ =	shalt  }
0x69: {  	_ =	shalt  }
0x6a: {  	_ =	shalt  }
0x6b: {  	_ =	shalt  }
0x6c: {  	_ =	shalt  }
0x6d: {  	_ =	shalt  }
0x6e: {  	_ =	shalt  }
0x6f: {  	_ =	shalt  }
0x70: {  	_ =	shalt  }
0x71: {  	_ =	shalt  }
0x72: {  	_ =	shalt  }
0x73: {  	_ =	shalt  }
0x74: {  	_ =	shalt  }
0x75: {  	_ =	shalt  }
0x76: {  	_ =	shalt  }
0x77: {  	_ =	shalt  }
0x78: {  	_ =	shalt  }
0x79: {  	_ =	shalt  }
0x7a: {  	_ =	shalt  }
0x7b: {  	_ =	shalt  }
0x7c: {  	_ =	shalt  }
0x7d: {  	_ =	shalt  }
0x7e: {  	_ =	shalt  }
0x7f: {  	_ =	shalt  }
0x80: {  	_ =	shalt  }
0x81: {  	_ =	shalt  }
0x82: {  	_ =	shalt  }
0x83: {  	_ =	shalt  }
0x84: {  	_ =	shalt  }
0x85: {  	_ =	shalt  }
0x86: {  	_ =	shalt  }
0x87: {  	_ =	shalt  }
.Lfunc_end0:
.L_simem_size_0:
called_computation_lowered:
.L_overlay_start_0:
0x88: {  	s2 =	sld [smem:$0x3FD9]  }
0x89: {  	s3 =	sld [smem:$0x3FFE];
	_ =	sdelay $0x1  }
0x8a: {  	s1 =	srdreg.scid  }
0x8b: {  	s0 =	sand.u32 $0x1, s1  }
0x8c: {  	s16 =	sshll.u32 s0, $0xA;
	s2 =	sadd.s32 s3, s2  }
0x8d: {  	s2 =	sadd.s32 s2, s16  }
0x8e: {  	[smem:$0x3FC2] =	sst s2  }
0x8f: {  	_ = 	snop  }
0x90: {  	(tm) =	ssettm $0x1  }
0x91: {  	s17 =	sld [smem:$0x3FFB];
	_ =	sdelay $0x3  }
0x92: {  	_ =	strace s17  }
0x93: {  	s2 =	sld [smem:$0x3FFC];
	_ =	sdelay $0x3  }
0x94: {  	_ =	strace s2  }
0x95: {  	s2 =	sld [smem:$0x3FFD];
	_ =	sdelay $0x3  }
0x96: {  	_ =	strace s2  }
0x97: {  	_ =	strace $0x8FFFFFFF  }
0x98: {  	s18 =	sld [smem:$0x3FDB];
	_ =	sdelay $0x1  }
0x99: {  	s19 =	simm.s32 $_scs_section_size  }
0x9a: {  	s4 =	simm.s32 $_size__tile_overlayer_lowered;
	s5 =	simm.s32 $_tile_overlayer_lowered  }
0x9b: {  	s22 =	simm.s32 $0x1BFF;
	s21 =	sshll.u32 s5, $0x1;
	s2 =	sadd.s32 s19, s18  }
0x9c: {  	s6 =	simm.s32 $0x0;
	s20 =	sshll.u32 s4, $0x1;
	s4 =	sadd.s32 s21, s2  }
0x9d: {  	[timem:s6], [sflag:s22] =	dma.local [hbm:s4], s20  }
0x9e: {  	_ =	swait.ge [sflag:s22], s20  }
0x9f: {  	s3 =	ssub.s32 $0x0, s20;
	[sflag:s22] =	ssyncset.done $0x0  }
0xa0: {  	[sflag:s22] =	ssyncadd.s32 s3;
	_ =	sdelay $0x1  }
0xa1: {  	s23 =	simm.s32 $0x1B8B  }
0xa2: {  	_ =	swait.ge [sflag:s23], $0x1  }
0xa3: {  	[sflag:s23] =	ssyncset.done $0x0  }
0xa4: {  	s25 =	simm.s32 $0x1B8E;
	s24 =	sld [smem:$0x3FFE];
	[sflag:s23] =	ssyncadd.s32 $0xFFFFFFFF  }
0xa5: {  	s26 =	simm.s32 $execute0_lowered;
	[smem:$0x3FD2] =	sst s25  }
0xa6: {  	s4 =	sshll.u32 s26, $0x1;
	_ =	strace $0x80000046;
	[dreg:$0x1] =	wrdreg $0xFFFFFFFF  }
0xa7: {  	s28 =	simm.s32 $_size_execute0_lowered;
	s2 =	sadd.s32 s2, s4;
	[dreg:$0x0] =	wrdreg $0x0  }
0xa8: {  	s4 =	sshll.u32 s28, $0x1;
	[dreg:$0x2] =	wrdreg s2  }
0xa9: {  	[dreg:$0x3] =	wrdreg s4  }
0xaa: {  	[dreg:$0x4] =	wrdreg $0xC0  }
0xab: {  	_ =	task [dreg:s6], $0x5FFFF  }
0xac: {  	[dreg:$0x1] =	wrdreg $0xFFFFFFFF  }
0xad: {  	[dreg:$0x0] =	wrdreg $0x60  }
0xae: {  	[dreg:$0x2] =	wrdreg s24  }
0xaf: {  	[dreg:$0x3] =	wrdreg $0x9  }
0xb0: {  	_ =	task.clear_ibuf [dreg:s6], $0x4FFFF;
	_ =	strace $0x90000046  }
0xb1: {  	s29 =	simm.s32 $0x9;
	_ =	strace $0x8000004F  }
0xb2: {  	_ =	swait.ge [sflag:s29], $0x1  }
0xb3: {  	[sflag:s29] =	ssyncadd.s32 $0xFFFFFFFF  }
0xb4: {  	_ =	strace $0x9000004F  }
0xb5: {  	_ =	sfence  }
0xb6: {  	s30 =	sld [smem:$0x0];
	_ =	sdelay $0x2  }
0xb7: {  	s31 =	sshll.u32 s1, $0xD;
	s1 =	sshrl.u32 s1, $0x2  }
0xb8: {  	s3 =	sand.u32 $0x4000, s31;
	s1 =	sadd.s32 s1, s30  }
0xb9: {  	s0 =	sor.u32 s3, s0;
	s1 =	sshll.u32 s1, $0x11  }
0xba: {  	s0 =	sor.u32 s1, s0  }
0xbb: {  	s0 =	sadd.s32 $0x8F2B, s0  }
0xbc: {  	[sflag:s0] =	ssyncadd.remote.s32 $0x1  }
0xbd: {  	_ =	sfence.sel $0xFFFF  }
0xbe: {  	[dreg:$0x0] =	wrdreg $0xFFFFFFFF;
	(pc) =	sbr.abs _section_cstart, $3  }
0xbf: {  	[dreg:$0x1] =	wrdreg $0xFFFFFFFF  }
0xc0: {  	_ =	task.clear_ibuf [dreg:s6], $0x2FFFF;
	_ =	strace $0x9FFFFFFF  }
0xc1: {  	(tm) =	ssettm $0x7FFFFFFF  }
tec
execute0_lowered:
.L_overlay_start_1:
0x0: {  	(tag) =	ssettag $0x1  }
0x1: {  	s1 =	srdreg.scid  }
0x2: {  	s5 =	rddreg [dreg:$0x0];
	s2 =	simm.s32 $0x0;
	s7 =	sand.u32 $0x1, s1  }
0x3: {  	s12 =	simm.s32 $0x80;
	s1 =	stileid.u32;
	s3 =	sshll.u32 s7, $0x4  }
0x4: {  	s13 =	simm.s32 $0x5;
	s14 =	simm.s32 $0x0;
	s6 =	sor.u32 s1, s3  }
0x5: {  	[smem:$0x7FF] =	sst s2;
	s4 =	sadd.s32 $0x2AA000, s5;
	s8 =	smul.u32 $0x7, s6  }
0x6: {  	_ =	strace $0x80000047;
	s29 =	ssub.s32 $0x2, s7;
	s7 =	simm.s32 $0x8  }
0x7: {  	p0 =	slt.u32 s6, $0x1A;
	s9 =	sshll.u32 s6, $0x3;
	s6 =	sadd.s32 $0x1A, s8  }
0x8: {  	s3 =	sadd.s32 $0x2000, s5;
	s5 =	sadd.s32 $0x2B6000, s5;
	s6 =	smov.u32 @p0 s9  }
0x9: {  	s30 =	sshrl.u32 s29, $0x1;
	s7 =	simm.s32 @!p0 $0x7;
	s10 =	sshll.u32 s6, $0x4  }
0xa: {  	s11 =	ssub.s32 s29, s30;
	s8 =	sshll.u32 s7, $0x2;
	s31 =	sand.u32 $0x1FFFFFF0, s10  }
0xb: {  	s11 =	smax.u32 s11, $0x1;
	s10 =	sadd.s32 $0xFFFFFFFF, s8;
	s9 =	sadd.s32 s4, s31  }
.LBB2_1:
0xc: {  	_ =	strace $0x80000048;
	s22 =	simm.s32 $0x0;
	s23 =	simm.s32 $0x0  }
0xd: {  	s15 =	simm.s32 $0x0;
	s16 =	simm.s32 $0x0;
	s17 =	simm.s32 $0x0  }
0xe: {  	[tilespmem:s2], [sflag:$0x1] =	stream.linear.gather [hbm4b:s9+s2], $0x80, $0x200038;
	[tilespmem:$0x8100] =	vst v63  }
0xf: {  	s18 =	simm.s32 $0x1;
	s19 =	simm.s32 $0x0;
	_ =	strace $0x90000048  }
.LBB2_2:
0x10: {  	s20 =	sadd.s32 $0x1, s22  }
0x11: {  	s21 =	simm.s32 $0x1;
	p0 =	seq.s32 s20, s7  }
0x12: {  	s21 =	simm.s32 @!p0 $0x0  }
0x13: {  	s21 =	sadd.s32 s21, s23  }
0x14: {  	p1 =	seq.s32 s21, $0x4  }
0x15: {  	s25 =	smul.u32 $0x300, s23;
	s21 =	simm.s32 @p1 $0x0  }
0x16: {  	s20 =	simm.s32 @p0 $0x0;
	s26 =	smul.u32 $0x300, s21  }
0x17: {  	s24 =	sadd.s32 s6, s22;
	s29 =	simm.s32 $0x1;
	s28 =	sadd.s32 s6, s20  }
0x18: {  	s30 =	sadd.s32 s25, s24;
	p1 =	seq.s32 s22, $0x0;
	s26 =	sadd.s32 s26, s28  }
0x19: {  	p2 =	slt.s32 s19, s10;
	s29 =	simm.s32 @!p1 $0x0;
	p0 =	sne.s32 s30, s26  }
0x1a: {  	s25 =	ssub.s32 s23, s29;
	s28 =	smov.u32 s22;
	p2 =	por !p2, !p0  }
0x1b: {  	p3 =	seq.s32 s25, $0xFFFFFFFF;
	s28 =	smov.u32 @p1 s7;
	p1 =	por !p2, !p2  }
0x1c: {  	s25 =	simm.s32 @p3 $0x3;
	s29 =	sand.u32 @p1 $0x1, s18;
	s26 =	sshll.u32 @p1 s26, $0x4  }
0x1d: {  	_ =	strace @p1 $0x80000049;
	s0 =	simm.s32 @p1 $0x0;
	s26 =	sand.u32 @p1 $0x1FFFFFF0, s26  }
0x1e: {  	s31 =	sshll.u32 @p1 s29, $0x7;
	s29 =	sadd.s32 @p1 $0x1, s29;
	s26 =	sadd.s32 @p1 s4, s26  }
0x1f: {  	[tilespmem:s31], [sflag:s29] =	stream.linear.gather @p1 [hbm4b:s26+s0], $0x80, $0x200038;
	[tilespmem:$0x8100] =	vst v63  }
0x20: {  	s26 =	sadd.s32 $0xFFFFFFFF, s28;
	s29 =	smul.u32 $0x300, s25  }
0x21: {  	s28 =	sadd.s32 s6, s26  }
0x22: {  	p2 =	seq.s32 s19, $0x0;
	s0 =	sadd.s32 s29, s28  }
0x23: {  	p3 =	seq.s32 @!p2 s30, s0  }
0x24: {  	p4 =	sne.s32 s22, s20;
	p2 =	por p2, !p3  }
0x25: {  	p5 =	sne.s32 s23, s21;
	_ =	strace @p1 $0x90000049;
	s0 =	sand.u32 @p2 $0x1, s17  }
0x26: {  	s31 =	sshll.u32 s17, $0x7;
	_ =	strace @p2 $0x8000004A;
	s0 =	sadd.s32 @p2 $0x1, s0  }
0x27: {  	p6 =	sne.s32 s23, s25;
	s29 =	sand.u32 $0x80, s31;
	_ =	swait.ge @p2 [sflag:s0], $0x80  }
0x28: {  	p3 =	por p4, p5;
	p5 =	sne.s32 s22, s26;
	[sflag:s0] =	ssyncset.done @p2 $0x0  }
0x29: {  	p4 =	por p5, p6;
	[sflag:s0] =	ssyncadd.s32 @p2 $0xFFFFFF80;
	s0 =	sand.u32 $0x1, s16  }
0x2a: {  	_ =	strace @p2 $0x9000004A;
	s30 =	sshll.u32 s0, $0xE;
	p2 =	seq.s32 s10, s19  }
0x2b: {  	_ =	strace $0x8000004B;
	s28 =	sor.u32 $0x100, s30;
	p3 =	por p2, p3  }
0x2c: {  	[tilespmem:s28], [sflag:$0x5] =	stream.indirect.gather [hbm4b:s3+s12], $0x80, s29, s12, $0x2000b8;
	[tilespmem:$0x8100] =	vst v63  }
0x2d: {  	p6 =	sne.s32 s19, $0x0;
	s29 =	smul.u32 @p3 $0x3E8000, s23;
	_ =	swait.ge [sflag:s13], $0x4000  }
0x2e: {  	p4 =	por !p6, !p4;
	s24 =	sshll.u32 @p3 s24, $0xE;
	[sflag:s13] =	ssyncset.done $0x0  }
0x2f: {  	p4 =	por !p4, !p4;
	s22 =	sadd.s32 @p3 s29, s24;
	[sflag:s13] =	ssyncadd.s32 $0xFFFFC000  }
0x30: {  	s0 =	sadd.s32 @p3 $0x3, s0;
	s22 =	sshrl.u32 @p3 s22, $0x3;
	_ =	strace $0x9000004B  }
0x31: {  	s23 =	simm.s32 @p3 $0x0;
	s22 =	sadd.s32 @p3 s5, s22;
	_ =	strace @p3 $0x8000004C  }
0x32: {  	[hbm4b:s22+s23] =	stream.linear.scatter @p3 [tilespmem:s28], [sflag:s0], $0x4000, $0x200038;
	[tilespmem:$0x8100] =	vst v63  }
0x33: {  	s19 =	sadd.s32 $0x1, s19;
	p0 =	por p2, p0;
	s22 =	simm.s32 $0x1  }
0x34: {  	s0 =	sand.u32 @p4 $0x1, s15;
	_ =	strace @p3 $0x9000004C;
	s22 =	simm.s32 @!p1 $0x0  }
0x35: {  	s0 =	sadd.s32 @p4 $0x3, s0;
	s18 =	sadd.s32 s22, s18;
	s22 =	simm.s32 $0x1  }
0x36: {  	_ =	strace @p4 $0x8000004D;
	s22 =	simm.s32 @!p0 $0x0;
	p0 =	sne.s32 s8, s19  }
.Ltmp0:
0x37: {  	s23 =	simm.s32 $0x1;
	_ =	swait.ge @p4 [sflag:s0], $0x4000;
	(pc) =	sbr.rel @p0 .LBB2_2-.Ltmp0, $4  }
0x38: {  	s23 =	simm.s32 @!p3 $0x0;
	[sflag:s0] =	ssyncset.done @p4 $0x0  }
0x39: {  	s16 =	sadd.s32 s23, s16;
	[sflag:s0] =	ssyncadd.s32 @p4 $0xFFFFC000;
	s0 =	simm.s32 $0x1  }
0x3a: {  	s23 =	smov.u32 s21;
	s17 =	sadd.s32 s22, s17;
	s0 =	simm.s32 @!p4 $0x0  }
0x3b: {  	s22 =	smov.u32 s20;
	_ =	strace @p4 $0x9000004D;
	s15 =	sadd.s32 s0, s15  }
0x3c: {  	s14 =	sadd.s32 $0x1, s14  }
0x3d: {  	s0 =	sand.u32 $0x1, s15;
	p0 =	sne.s32 s14, s11  }
.Ltmp1:
0x3e: {  	_ =	strace $0x8000004E;
	s0 =	sadd.s32 $0x3, s0;
	(pc) =	sbr.rel @p0 .LBB2_1-.Ltmp1, $4  }
0x3f: {  	_ =	swait.ge [sflag:s0], $0x4000  }
0x40: {  	[sflag:s0] =	ssyncset.done $0x0  }
0x41: {  	[sflag:s0] =	ssyncadd.s32 $0xFFFFC000  }
0x42: {  	_ =	strace $0x9000004E  }
0x43: {  	_ =	sfence.sel $0x180000  }
0x44: {  	[bflag:$0x0] =	sbarrier.arrive $0xFFFF  }
0x45: {  	_ =	strace $0x90000047  }
0x46: {  	[bflag:$0x2] =	sbarrier.arrive $0xFFFF  }
0x47: {  	p0 =	sne.s32 s1, $0x0;
	s0 =	rddreg [dreg:$0x1]  }
0x48: {  	s0 =	sadd.s32 @!p0 $0x100000, s0  }
0x49: {  	[sflag:s0] =	ssyncadd.tile.s32 @!p0 $0x1;
	_ =	shalt  }
.Lfunc_end2:
_tile_overlayer_lowered:
.L_overlay_start_2:
0x4a: {  	(tag) =	ssettag $0x2  }
0x4b: {  	s0 =	rddreg [dreg:$0x0];
	s2 =	stileid.u32  }
0x4c: {  	s1 =	rddreg [dreg:$0x1];
	p0 =	sne.s32 s2, $0x0  }
0x4d: {  	s3 =	rddreg [dreg:$0x2];
	[bflag:$0x3] =	sbarrier.arrive $0xFFFF;
	s2 =	simm.s32 @!p0 $0x1C01  }
0x4e: {  	[timem:s3], [sflag:s2] =	dma.local @!p0 [hbm:s0], s1  }
0x4f: {  	s0 =	simm.s32 @!p0 $0x1  }
0x50: {  	_ =	swait.ge @!p0 [sflag:s0], s1  }
0x51: {  	s1 =	ssub.s32 @!p0 $0x0, s1;
	[sflag:s0] =	ssyncset.done @!p0 $0x0  }
0x52: {  	[sflag:s0] =	ssyncadd.s32 @!p0 s1  }
0x53: {  	[bflag:$0x3] =	sbarrier.arrive $0xFFFF  }
0x54: {  	_ =	shalt  }

// kernel: kernel.18.cloned.1.call-start
scs
__scs_entry_jumppad:
0x0: {  	(pc) =	sbr.rel $0x88, $3  }
0x1: {  	(tag) =	ssettag $0x0;
	lr =	simm.s32 $0x1  }
0x2: {  	[smem:$0x3F9B] =	sst lr;
	_ =	strace $0xD0000000  }
0x3: {  	_ = 	snop  }
0x4: {  	_ = 	snop  }
0x5: {  	_ = 	snop  }
0x6: {  	_ = 	snop  }
0x7: {  	_ = 	snop  }
__scs_overlays_trampoline_lowered:
0x8: {  	[smem:$0x3FAA] =	sst s0  }
0x9: {  	[smem:$0x3FAB] =	sst s1  }
0xa: {  	[smem:$0x3FAC] =	sst s2  }
0xb: {  	[smem:$0x3FAD] =	sst s3  }
0xc: {  	[smem:$0x3FAE] =	sst s4  }
0xd: {  	[smem:$0x3FAF] =	sst s5  }
0xe: {  	[smem:$0x3FB0] =	sst s6  }
0xf: {  	[smem:$0x3FB1] =	sst s7  }
0x10: {  	[smem:$0x3FB2] =	sst s8  }
0x11: {  	[smem:$0x3FB3] =	sst s9;
	s0 =	simm.s32 @!p0 $0x0  }
0x12: {  	s1 =	sld [smem:$0x3F99];
	s0 =	simm.s32 @p0 $0x1  }
0x13: {  	[smem:$0x3FB4] =	sst s0;
	s0 =	simm.s32 @!p1 $0x0  }
0x14: {  	s2 =	sld [smem:$0x3F98];
	s0 =	simm.s32 @p1 $0x1  }
0x15: {  	[smem:$0x3FB5] =	sst s0;
	s0 =	simm.s32 @!p2 $0x0  }
0x16: {  	s3 =	sld [smem:$0x3FDB];
	s0 =	simm.s32 @p2 $0x1  }
0x17: {  	s4 =	simm.s32 $0x1BF5;
	[smem:$0x3FB7] =	sst s0  }
0x18: {  	s0 =	sld [smem:$0x3F9A];
	_ =	swait.ge [sflag:s4], $0x0  }
0x19: {  	s7 =	sld [smem:$0x3F9B]  }
0x1a: {  	s8 =	sadd.s32 $0xFFFFE003, lr  }
0x1b: {  	s9 =	sadd.s32 $0xFFFFFEF7, lr;
	s5 =	simm.s32 $0xFFFFFFFF;
	p2 =	slt.u32 s8, $0xFFFFF086  }
0x1c: {  	p1 =	slt.u32 s9, $0xF7A;
	s5 =	simm.s32 @!p2 $0x0  }
0x1d: {  	s5 =	simm.s32 @p1 $0x1;
	p0 =	seq.s32 s7, s2  }
0x1e: {  	s7 =	smul.u32 @!p0 $0xF7A, s2;
	p2 =	seq.s32 @!p0 s5, $0x0  }
0x1f: {  	s9 =	smul.u32 $0xF7A, s1;
	s8 =	simm.s32 @!p0 $0x1BF5;
	p2 =	por !p2, p0  }
0x20: {  	[sflag:s8] =	ssyncset.s32 @!p0 $0xFFFFF086;
	s6 =	sadd.s32 @!p0 s3, s7;
	s7 =	simm.s32 @!p0 $0x108  }
0x21: {  	s3 =	sadd.s32 s3, s9;
	s6 =	sadd.s32 @!p0 $0x88, s6;
	s7 =	simm.s32 @p2 $0x1082  }
0x22: {  	[simem:s7], [sflag:s8] =	dma.local @!p0 [hbm:s6], $0xF7A  }
0x23: {  	s9 =	sor.u32 $0xD0000000, s2;
	s6 =	simm.s32 $0x108;
	_ =	swait.ge @!p0 [sflag:s8], $0x0  }
0x24: {  	s3 =	sadd.s32 $0x88, s3;
	s6 =	simm.s32 @!p1 $0x1082;
	[sflag:s4] =	ssyncset.s32 $0xFFFFF086  }
0x25: {  	[simem:s6], [sflag:s4] =	dma.local [hbm:s3], $0xF7A  }
0x26: {  	[smem:$0x3F9B] =	sst s1;
	(tag) =	ssettag s2;
	_ =	strace s9  }
0x27: {  	s1 =	sld [smem:$0x3FAB]  }
0x28: {  	s2 =	sld [smem:$0x3FAC]  }
0x29: {  	s4 =	sld [smem:$0x3FAE]  }
0x2a: {  	p0 =	seq.s32 s5, $0x0;
	s5 =	sld [smem:$0x3FAF]  }
0x2b: {  	s6 =	sld [smem:$0x3FB0]  }
0x2c: {  	s7 =	sld [smem:$0x3FB1]  }
0x2d: {  	s3 =	simm.s32 $0x108;
	s8 =	sld [smem:$0x3FB2]  }
0x2e: {  	s3 =	simm.s32 @!p0 $0x1082;
	s9 =	sld [smem:$0x3FB3]  }
0x2f: {  	lr =	sadd.s32 s0, s3;
	s0 =	sld [smem:$0x3FAA]  }
0x30: {  	s3 =	sld [smem:$0x3FAD]  }
0x31: {  	[smem:$0x3FB6] =	sst s10  }
0x32: {  	s10 =	sld [smem:$0x3FB4];
	_ =	sdelay $0x3  }
0x33: {  	p0 =	seq.s32 s10, $0x1;
	s10 =	sld [smem:$0x3FB6];
	_ =	sdelay $0x3  }
0x34: {  	[smem:$0x3FB6] =	sst s10  }
0x35: {  	s10 =	sld [smem:$0x3FB5];
	_ =	sdelay $0x3  }
0x36: {  	p1 =	seq.s32 s10, $0x1;
	s10 =	sld [smem:$0x3FB6];
	_ =	sdelay $0x3  }
0x37: {  	[smem:$0x3FB6] =	sst s10  }
0x38: {  	s10 =	sld [smem:$0x3FB7]  }
0x39: {  	_ = 	snop;
	(pc) =	sbr.ind lr, $3  }
0x3a: {  	_ = 	snop  }
0x3b: {  	_ = 	snop  }
0x3c: {  	p2 =	seq.s32 s10, $0x1;
	s10 =	sld [smem:$0x3FB6]  }
0x3d: {  	_ =	shalt  }
0x3e: {  	_ =	shalt  }
0x3f: {  	_ =	shalt  }
0x40: {  	_ =	shalt  }
0x41: {  	_ =	shalt  }
0x42: {  	_ =	shalt  }
0x43: {  	_ =	shalt  }
0x44: {  	_ =	shalt  }
0x45: {  	_ =	shalt  }
0x46: {  	_ =	shalt  }
0x47: {  	_ =	shalt  }
0x48: {  	_ =	shalt  }
0x49: {  	_ =	shalt  }
0x4a: {  	_ =	shalt  }
0x4b: {  	_ =	shalt  }
0x4c: {  	_ =	shalt  }
0x4d: {  	_ =	shalt  }
0x4e: {  	_ =	shalt  }
0x4f: {  	_ =	shalt  }
0x50: {  	_ =	shalt  }
0x51: {  	_ =	shalt  }
0x52: {  	_ =	shalt  }
0x53: {  	_ =	shalt  }
0x54: {  	_ =	shalt  }
0x55: {  	_ =	shalt  }
0x56: {  	_ =	shalt  }
0x57: {  	_ =	shalt  }
0x58: {  	_ =	shalt  }
0x59: {  	_ =	shalt  }
0x5a: {  	_ =	shalt  }
0x5b: {  	_ =	shalt  }
0x5c: {  	_ =	shalt  }
0x5d: {  	_ =	shalt  }
0x5e: {  	_ =	shalt  }
0x5f: {  	_ =	shalt  }
0x60: {  	_ =	shalt  }
0x61: {  	_ =	shalt  }
0x62: {  	_ =	shalt  }
0x63: {  	_ =	shalt  }
0x64: {  	_ =	shalt  }
0x65: {  	_ =	shalt  }
0x66: {  	_ =	shalt  }
0x67: {  	_ =	shalt  }
0x68: {  	_ =	shalt  }
0x69: {  	_ =	shalt  }
0x6a: {  	_ =	shalt  }
0x6b: {  	_ =	shalt  }
0x6c: {  	_ =	shalt  }
0x6d: {  	_ =	shalt  }
0x6e: {  	_ =	shalt  }
0x6f: {  	_ =	shalt  }
0x70: {  	_ =	shalt  }
0x71: {  	_ =	shalt  }
0x72: {  	_ =	shalt  }
0x73: {  	_ =	shalt  }
0x74: {  	_ =	shalt  }
0x75: {  	_ =	shalt  }
0x76: {  	_ =	shalt  }
0x77: {  	_ =	shalt  }
0x78: {  	_ =	shalt  }
0x79: {  	_ =	shalt  }
0x7a: {  	_ =	shalt  }
0x7b: {  	_ =	shalt  }
0x7c: {  	_ =	shalt  }
0x7d: {  	_ =	shalt  }
0x7e: {  	_ =	shalt  }
0x7f: {  	_ =	shalt  }
0x80: {  	_ =	shalt  }
0x81: {  	_ =	shalt  }
0x82: {  	_ =	shalt  }
0x83: {  	_ =	shalt  }
0x84: {  	_ =	shalt  }
0x85: {  	_ =	shalt  }
0x86: {  	_ =	shalt  }
0x87: {  	_ =	shalt  }
.Lfunc_end0:
.L_simem_size_0:
called_computation.1_lowered:
.L_overlay_start_0:
0x88: {  	s2 =	sld [smem:$0x3FD9]  }
0x89: {  	s3 =	sld [smem:$0x3FFE];
	_ =	sdelay $0x1  }
0x8a: {  	s1 =	srdreg.scid  }
0x8b: {  	s0 =	sand.u32 $0x1, s1  }
0x8c: {  	s17 =	sshll.u32 s0, $0xA;
	s2 =	sadd.s32 s3, s2  }
0x8d: {  	s2 =	sadd.s32 s2, s17  }
0x8e: {  	[smem:$0x3FC2] =	sst s2  }
0x8f: {  	_ = 	snop  }
0x90: {  	(tm) =	ssettm $0x1  }
0x91: {  	s18 =	sld [smem:$0x3FFB];
	_ =	sdelay $0x3  }
0x92: {  	_ =	strace s18  }
0x93: {  	s2 =	sld [smem:$0x3FFC];
	_ =	sdelay $0x3  }
0x94: {  	_ =	strace s2  }
0x95: {  	s2 =	sld [smem:$0x3FFD];
	_ =	sdelay $0x3  }
0x96: {  	_ =	strace s2  }
0x97: {  	_ =	strace $0x8FFFFFFF  }
0x98: {  	s19 =	sld [smem:$0x3FDB];
	_ =	sdelay $0x1  }
0x99: {  	s20 =	simm.s32 $_scs_section_size  }
0x9a: {  	s4 =	simm.s32 $_size__tile_overlayer_lowered;
	s5 =	simm.s32 $_tile_overlayer_lowered  }
0x9b: {  	s6 =	simm.s32 $0x1BFF;
	s21 =	sshll.u32 s5, $0x1;
	s3 =	sadd.s32 s20, s19  }
0x9c: {  	s22 =	simm.s32 $0x0;
	s4 =	sshll.u32 s4, $0x1;
	s5 =	sadd.s32 s21, s3  }
0x9d: {  	[timem:s22], [sflag:s6] =	dma.local [hbm:s5], s4  }
0x9e: {  	_ =	swait.ge [sflag:s6], s4  }
0x9f: {  	s4 =	ssub.s32 $0x0, s4;
	[sflag:s6] =	ssyncset.done $0x0  }
0xa0: {  	[sflag:s6] =	ssyncadd.s32 s4;
	_ =	sdelay $0x1  }
0xa1: {  	s23 =	simm.s32 $0x1B8B  }
0xa2: {  	_ =	swait.ge [sflag:s23], $0x1  }
0xa3: {  	[sflag:s23] =	ssyncset.done $0x0  }
0xa4: {  	[sflag:s23] =	ssyncadd.s32 $0xFFFFFFFF  }
0xa5: {  	s4 =	sld [smem:$0x0]  }
0xa6: {  	s5 =	sand.u32 $0xFFFFFFFE, s1  }
0xa7: {  	p0 =	sne.s32 s1, s5  }
0xa8: {  	s5 =	sshll.u32 @p0 s5, $0xE  }
0xa9: {  	s5 =	sadd.s32 @p0 $0x11B8D, s5;
	s6 =	sshll.u32 @p0 s4, $0x11  }
0xaa: {  	s5 =	sor.u32 @p0 s6, s5  }
0xab: {  	[sflag:s5] =	ssyncadd.remote.s32 @p0 $0x1;
	_ =	sdelay $0x1  }
0xac: {  	s5 =	simm.s32 @p0 $0x1B8D  }
0xad: {  	_ =	swait.eq @p0 [sflag:s5], $0x1  }
0xae: {  	[sflag:s5] =	ssyncadd.s32 @p0 $0xFFFFFFFF  }
0xaf: {  	s6 =	sshll.u32 @!p0 s1, $0xE  }
0xb0: {  	s6 =	sor.u32 @!p0 $0x4000, s6;
	s5 =	simm.s32 @!p0 $0x1B8D  }
0xb1: {  	s4 =	sshll.u32 @!p0 s4, $0x11;
	s6 =	sadd.s32 @!p0 $0x11B8D, s6;
	_ =	swait.eq @!p0 [sflag:s5], $0x1  }
0xb2: {  	s4 =	sor.u32 @!p0 s4, s6;
	[sflag:s5] =	ssyncadd.s32 @!p0 $0xFFFFFFFF  }
0xb3: {  	s25 =	simm.s32 $0x1B8E;
	s24 =	sld [smem:$0x3FFE];
	[sflag:s4] =	ssyncadd.remote.s32 @!p0 $0x1  }
0xb4: {  	s26 =	simm.s32 $execute0_lowered;
	[smem:$0x3FD2] =	sst s25  }
0xb5: {  	s5 =	sshll.u32 s26, $0x1;
	_ =	strace $0x80000050;
	[dreg:$0x1] =	wrdreg $0xFFFFFFFF  }
0xb6: {  	s28 =	simm.s32 $_size_execute0_lowered;
	s3 =	sadd.s32 s3, s5;
	[dreg:$0x0] =	wrdreg $0x0  }
0xb7: {  	s5 =	sshll.u32 s28, $0x1;
	[dreg:$0x2] =	wrdreg s3  }
0xb8: {  	[dreg:$0x3] =	wrdreg s5  }
0xb9: {  	[dreg:$0x4] =	wrdreg $0xC0  }
0xba: {  	_ =	task [dreg:s22], $0x5FFFF  }
0xbb: {  	[dreg:$0x1] =	wrdreg $0xFFFFFFFF  }
0xbc: {  	[dreg:$0x0] =	wrdreg $0x60  }
0xbd: {  	[dreg:$0x2] =	wrdreg s24  }
0xbe: {  	[dreg:$0x3] =	wrdreg $0xA  }
0xbf: {  	_ =	task.clear_ibuf [dreg:s22], $0x4FFFF;
	_ =	strace $0x90000050  }
0xc0: {  	s29 =	simm.s32 $0xA;
	_ =	strace $0x80000059  }
0xc1: {  	_ =	swait.ge [sflag:s29], $0x1  }
0xc2: {  	[sflag:s29] =	ssyncadd.s32 $0xFFFFFFFF  }
0xc3: {  	_ =	strace $0x90000059  }
0xc4: {  	_ =	sfence  }
0xc5: {  	s30 =	sld [smem:$0x0];
	_ =	sdelay $0x2  }
0xc6: {  	s31 =	sshll.u32 s1, $0xD;
	s1 =	sshrl.u32 s1, $0x2  }
0xc7: {  	s4 =	sand.u32 $0x4000, s31;
	s1 =	sadd.s32 s1, s30  }
0xc8: {  	s0 =	sor.u32 s4, s0;
	s1 =	sshll.u32 s1, $0x11  }
0xc9: {  	s0 =	sor.u32 s1, s0  }
0xca: {  	s0 =	sadd.s32 $0x8F2B, s0  }
0xcb: {  	[sflag:s0] =	ssyncadd.remote.s32 $0x1  }
0xcc: {  	_ =	sfence.sel $0xFFFF  }
0xcd: {  	[dreg:$0x0] =	wrdreg $0xFFFFFFFF;
	(pc) =	sbr.abs _section_cstart, $3  }
0xce: {  	[dreg:$0x1] =	wrdreg $0xFFFFFFFF  }
0xcf: {  	_ =	task.clear_ibuf [dreg:s22], $0x2FFFF;
	_ =	strace $0x9FFFFFFF  }
0xd0: {  	(tm) =	ssettm $0x7FFFFFFF  }
0xd1: {  	_ =	shalt  }
tec
execute0_lowered:
.L_overlay_start_1:
0x0: {  	(tag) =	ssettag $0x1  }
0x1: {  	s0 =	srdreg.scid;
	s6 =	rddreg [dreg:$0x0]  }
0x2: {  	s30 =	stileid.u32;
	s2 =	simm.s32 $0x0;
	s7 =	sand.u32 $0x1, s0  }
0x3: {  	s13 =	simm.s32 $0x80;
	s14 =	simm.s32 $0x5;
	s3 =	sshll.u32 s7, $0x4  }
0x4: {  	s15 =	simm.s32 $0x0;
	[smem:$0x7FF] =	sst s2;
	s4 =	sor.u32 s30, s3  }
0x5: {  	_ =	strace $0x80000051;
	s31 =	ssub.s32 $0x2, s7;
	s5 =	smul.u32 $0x7, s4  }
0x6: {  	s7 =	simm.s32 $0x8;
	s3 =	sadd.s32 $0x2000, s6;
	s10 =	sshrl.u32 s31, $0x1  }
0x7: {  	p0 =	slt.u32 s4, $0x1A;
	s8 =	sshll.u32 s4, $0x3;
	s4 =	sadd.s32 $0x1A, s5  }
0x8: {  	s12 =	ssub.s32 s31, s10;
	s7 =	simm.s32 @!p0 $0x7;
	s4 =	smov.u32 @p0 s8  }
0x9: {  	s12 =	smax.u32 s12, $0x1;
	s5 =	sadd.s32 $0x2AA000, s6;
	s9 =	sshll.u32 s4, $0x4  }
0xa: {  	s6 =	sadd.s32 $0x4AA000, s6;
	s8 =	sshll.u32 s7, $0x2;
	s9 =	sadd.s32 s9, s5  }
0xb: {  	s10 =	sadd.s32 $0xFFFFFFFF, s8;
	s11 =	sadd.s32 $0xFA, s4;
	s9 =	sadd.s32 $0xFA0, s9  }
.LBB2_1:
0xc: {  	_ =	strace $0x80000052;
	s23 =	simm.s32 $0x0;
	s24 =	simm.s32 $0x0  }
0xd: {  	s16 =	simm.s32 $0x0;
	s17 =	simm.s32 $0x0;
	s18 =	simm.s32 $0x0  }
0xe: {  	[tilespmem:s2], [sflag:$0x1] =	stream.linear.gather [hbm4b:s9+s2], $0x80, $0x200038;
	[tilespmem:$0x8100] =	vst v63  }
0xf: {  	s19 =	simm.s32 $0x1;
	s20 =	simm.s32 $0x0;
	_ =	strace $0x90000052  }
.LBB2_2:
0x10: {  	s21 =	sadd.s32 $0x1, s23  }
0x11: {  	s22 =	simm.s32 $0x1;
	p0 =	seq.s32 s21, s7  }
0x12: {  	s22 =	simm.s32 @!p0 $0x0  }
0x13: {  	s22 =	sadd.s32 s22, s24  }
0x14: {  	p1 =	seq.s32 s22, $0x4  }
0x15: {  	s26 =	smul.u32 $0x300, s24;
	s22 =	simm.s32 @p1 $0x0  }
0x16: {  	s25 =	sadd.s32 s4, s23;
	s21 =	simm.s32 @p0 $0x0;
	s28 =	smul.u32 $0x300, s22  }
0x17: {  	s30 =	simm.s32 $0x1;
	s26 =	sadd.s32 s26, s25;
	s29 =	sadd.s32 s21, s11  }
0x18: {  	s31 =	sadd.s32 $0xFA, s26;
	p1 =	seq.s32 s23, $0x0;
	s28 =	sadd.s32 s28, s29  }
0x19: {  	p2 =	slt.s32 s20, s10;
	s30 =	simm.s32 @!p1 $0x0;
	p0 =	sne.s32 s31, s28  }
0x1a: {  	s26 =	ssub.s32 s24, s30;
	s29 =	smov.u32 s23;
	p2 =	por !p2, !p0  }
0x1b: {  	p3 =	seq.s32 s26, $0xFFFFFFFF;
	s29 =	smov.u32 @p1 s7;
	p1 =	por !p2, !p2  }
0x1c: {  	s26 =	simm.s32 @p3 $0x3;
	s30 =	sand.u32 @p1 $0x1, s19;
	s28 =	sshll.u32 @p1 s28, $0x4  }
0x1d: {  	_ =	strace @p1 $0x80000053;
	s1 =	simm.s32 @p1 $0x0;
	s28 =	sand.u32 @p1 $0x1FFFFFF0, s28  }
0x1e: {  	s0 =	sshll.u32 @p1 s30, $0x7;
	s30 =	sadd.s32 @p1 $0x1, s30;
	s28 =	sadd.s32 @p1 s5, s28  }
0x1f: {  	[tilespmem:s0], [sflag:s30] =	stream.linear.gather @p1 [hbm4b:s28+s1], $0x80, $0x200038;
	[tilespmem:$0x8100] =	vst v63  }
0x20: {  	s28 =	sadd.s32 $0xFFFFFFFF, s29;
	s1 =	smul.u32 $0x300, s26  }
0x21: {  	s29 =	sadd.s32 s28, s11  }
0x22: {  	p2 =	seq.s32 s20, $0x0;
	s0 =	sadd.s32 s1, s29  }
0x23: {  	p3 =	seq.s32 @!p2 s31, s0  }
0x24: {  	p4 =	sne.s32 s23, s21;
	p2 =	por p2, !p3  }
0x25: {  	p5 =	sne.s32 s24, s22;
	_ =	strace @p1 $0x90000053;
	s0 =	sand.u32 @p2 $0x1, s18  }
0x26: {  	s31 =	sshll.u32 s18, $0x7;
	_ =	strace @p2 $0x80000054;
	s0 =	sadd.s32 @p2 $0x1, s0  }
0x27: {  	p6 =	sne.s32 s24, s26;
	s29 =	sand.u32 $0x80, s31;
	_ =	swait.ge @p2 [sflag:s0], $0x80  }
0x28: {  	p3 =	por p4, p5;
	p5 =	sne.s32 s23, s28;
	[sflag:s0] =	ssyncset.done @p2 $0x0  }
0x29: {  	p4 =	por p5, p6;
	[sflag:s0] =	ssyncadd.s32 @p2 $0xFFFFFF80;
	s0 =	sand.u32 $0x1, s17  }
0x2a: {  	_ =	strace @p2 $0x90000054;
	s30 =	sshll.u32 s0, $0xE;
	p2 =	seq.s32 s10, s20  }
0x2b: {  	_ =	strace $0x80000055;
	s1 =	sor.u32 $0x100, s30;
	p3 =	por p2, p3  }
0x2c: {  	[tilespmem:s1], [sflag:$0x5] =	stream.indirect.gather [hbm4b:s3+s13], $0x80, s29, s13, $0x2000b8;
	[tilespmem:$0x8100] =	vst v63  }
0x2d: {  	p6 =	sne.s32 s20, $0x0;
	s29 =	smul.u32 @p3 $0x3E8000, s24;
	_ =	swait.ge [sflag:s14], $0x4000  }
0x2e: {  	p4 =	por !p6, !p4;
	s25 =	sshll.u32 @p3 s25, $0xE;
	[sflag:s14] =	ssyncset.done $0x0  }
0x2f: {  	p4 =	por !p4, !p4;
	s23 =	sadd.s32 @p3 s29, s25;
	[sflag:s14] =	ssyncadd.s32 $0xFFFFC000  }
0x30: {  	s0 =	sadd.s32 @p3 $0x3, s0;
	s23 =	sshrl.u32 @p3 s23, $0x3;
	_ =	strace $0x90000055  }
0x31: {  	s24 =	simm.s32 @p3 $0x0;
	s23 =	sadd.s32 @p3 s6, s23;
	_ =	strace @p3 $0x80000056  }
0x32: {  	[hbm4b:s23+s24] =	stream.linear.scatter @p3 [tilespmem:s1], [sflag:s0], $0x4000, $0x200038;
	[tilespmem:$0x8100] =	vst v63  }
0x33: {  	s20 =	sadd.s32 $0x1, s20;
	p0 =	por p2, p0;
	s1 =	simm.s32 $0x1  }
0x34: {  	s0 =	sand.u32 @p4 $0x1, s16;
	_ =	strace @p3 $0x90000056;
	s1 =	simm.s32 @!p1 $0x0  }
0x35: {  	s0 =	sadd.s32 @p4 $0x3, s0;
	s19 =	sadd.s32 s1, s19;
	s1 =	simm.s32 $0x1  }
0x36: {  	_ =	strace @p4 $0x80000057;
	s1 =	simm.s32 @!p0 $0x0;
	p0 =	sne.s32 s8, s20  }
.Ltmp0:
0x37: {  	_ =	swait.ge @p4 [sflag:s0], $0x4000;
	(pc) =	sbr.rel @p0 .LBB2_2-.Ltmp0, $4  }
0x38: {  	s23 =	simm.s32 $0x1;
	s24 =	smov.u32 s22;
	[sflag:s0] =	ssyncset.done @p4 $0x0  }
0x39: {  	s23 =	simm.s32 @!p3 $0x0;
	[sflag:s0] =	ssyncadd.s32 @p4 $0xFFFFC000;
	s0 =	simm.s32 $0x1  }
0x3a: {  	s17 =	sadd.s32 s23, s17;
	s23 =	smov.u32 s21;
	s0 =	simm.s32 @!p4 $0x0  }
0x3b: {  	s18 =	sadd.s32 s1, s18;
	_ =	strace @p4 $0x90000057;
	s16 =	sadd.s32 s0, s16  }
0x3c: {  	s15 =	sadd.s32 $0x1, s15  }
0x3d: {  	s0 =	sand.u32 $0x1, s16;
	p0 =	sne.s32 s15, s12  }
.Ltmp1:
0x3e: {  	_ =	strace $0x80000058;
	s0 =	sadd.s32 $0x3, s0;
	(pc) =	sbr.rel @p0 .LBB2_1-.Ltmp1, $4  }
0x3f: {  	_ =	swait.ge [sflag:s0], $0x4000  }
0x40: {  	[sflag:s0] =	ssyncset.done $0x0  }
0x41: {  	[sflag:s0] =	ssyncadd.s32 $0xFFFFC000  }
0x42: {  	_ =	strace $0x90000058  }
0x43: {  	_ =	sfence.sel $0x180000  }
0x44: {  	[bflag:$0x0] =	sbarrier.arrive $0xFFFF  }
0x45: {  	_ =	strace $0x90000051  }
0x46: {  	s0 =	stileid.u32;
	[bflag:$0x2] =	sbarrier.arrive $0xFFFF  }
0x47: {  	p0 =	sne.s32 s0, $0x0;
	s0 =	rddreg [dreg:$0x1]  }
0x48: {  	s0 =	sadd.s32 @!p0 $0x100000, s0  }
0x49: {  	[sflag:s0] =	ssyncadd.tile.s32 @!p0 $0x1;
	_ =	shalt  }
.Lfunc_end2:
_tile_overlayer_lowered:
.L_overlay_start_2:
0x4a: {  	(tag) =	ssettag $0x2  }
0x4b: {  	s0 =	rddreg [dreg:$0x0];
	s2 =	stileid.u32  }
0x4c: {  	s1 =	rddreg [dreg:$0x1];
	p0 =	sne.s32 s2, $0x0  }
0x4d: {  	s3 =	rddreg [dreg:$0x2];
	[bflag:$0x3] =	sbarrier.arrive $0xFFFF;
	s2 =	simm.s32 @!p0 $0x1C01  }
0x4e: {  	[timem:s3], [sflag:s2] =	dma.local @!p0 [hbm:s0], s1  }
0x4f: {  	s0 =	simm.s32 @!p0 $0x1  }
0x50: {  	_ =	swait.ge @!p0 [sflag:s0], s1  }
0x51: {  	s1 =	ssub.s32 @!p0 $0x0, s1;
	[sflag:s0] =	ssyncset.done @!p0 $0x0  }
0x52: {  	[sflag:s0] =	ssyncadd.s32 @!p0 s1  }
0x53: {  	[bflag:$0x3] =	sbarrier.arrive $0xFFFF  }
0x54: {  	_ =	shalt  }

// kernel: kernel.21.cloned.1.call-start
scs
__scs_entry_jumppad:
0x0: {  	(pc) =	sbr.rel $0x88, $3  }
0x1: {  	(tag) =	ssettag $0x0;
	lr =	simm.s32 $0x1  }
0x2: {  	[smem:$0x3F9B] =	sst lr;
	_ =	strace $0xD0000000  }
0x3: {  	_ = 	snop  }
0x4: {  	_ = 	snop  }
0x5: {  	_ = 	snop  }
0x6: {  	_ = 	snop  }
0x7: {  	_ = 	snop  }
__scs_overlays_trampoline_lowered:
0x8: {  	[smem:$0x3FAA] =	sst s0  }
0x9: {  	[smem:$0x3FAB] =	sst s1  }
0xa: {  	[smem:$0x3FAC] =	sst s2  }
0xb: {  	[smem:$0x3FAD] =	sst s3  }
0xc: {  	[smem:$0x3FAE] =	sst s4  }
0xd: {  	[smem:$0x3FAF] =	sst s5  }
0xe: {  	[smem:$0x3FB0] =	sst s6  }
0xf: {  	[smem:$0x3FB1] =	sst s7  }
0x10: {  	[smem:$0x3FB2] =	sst s8  }
0x11: {  	[smem:$0x3FB3] =	sst s9;
	s0 =	simm.s32 @!p0 $0x0  }
0x12: {  	s1 =	sld [smem:$0x3F99];
	s0 =	simm.s32 @p0 $0x1  }
0x13: {  	[smem:$0x3FB4] =	sst s0;
	s0 =	simm.s32 @!p1 $0x0  }
0x14: {  	s2 =	sld [smem:$0x3F98];
	s0 =	simm.s32 @p1 $0x1  }
0x15: {  	[smem:$0x3FB5] =	sst s0;
	s0 =	simm.s32 @!p2 $0x0  }
0x16: {  	s3 =	sld [smem:$0x3FDB];
	s0 =	simm.s32 @p2 $0x1  }
0x17: {  	s4 =	simm.s32 $0x1BF5;
	[smem:$0x3FB7] =	sst s0  }
0x18: {  	s0 =	sld [smem:$0x3F9A];
	_ =	swait.ge [sflag:s4], $0x0  }
0x19: {  	s7 =	sld [smem:$0x3F9B]  }
0x1a: {  	s8 =	sadd.s32 $0xFFFFE003, lr  }
0x1b: {  	s9 =	sadd.s32 $0xFFFFFEF7, lr;
	s5 =	simm.s32 $0xFFFFFFFF;
	p2 =	slt.u32 s8, $0xFFFFF086  }
0x1c: {  	p1 =	slt.u32 s9, $0xF7A;
	s5 =	simm.s32 @!p2 $0x0  }
0x1d: {  	s5 =	simm.s32 @p1 $0x1;
	p0 =	seq.s32 s7, s2  }
0x1e: {  	s7 =	smul.u32 @!p0 $0xF7A, s2;
	p2 =	seq.s32 @!p0 s5, $0x0  }
0x1f: {  	s9 =	smul.u32 $0xF7A, s1;
	s8 =	simm.s32 @!p0 $0x1BF5;
	p2 =	por !p2, p0  }
0x20: {  	[sflag:s8] =	ssyncset.s32 @!p0 $0xFFFFF086;
	s6 =	sadd.s32 @!p0 s3, s7;
	s7 =	simm.s32 @!p0 $0x108  }
0x21: {  	s3 =	sadd.s32 s3, s9;
	s6 =	sadd.s32 @!p0 $0x88, s6;
	s7 =	simm.s32 @p2 $0x1082  }
0x22: {  	[simem:s7], [sflag:s8] =	dma.local @!p0 [hbm:s6], $0xF7A  }
0x23: {  	s9 =	sor.u32 $0xD0000000, s2;
	s6 =	simm.s32 $0x108;
	_ =	swait.ge @!p0 [sflag:s8], $0x0  }
0x24: {  	s3 =	sadd.s32 $0x88, s3;
	s6 =	simm.s32 @!p1 $0x1082;
	[sflag:s4] =	ssyncset.s32 $0xFFFFF086  }
0x25: {  	[simem:s6], [sflag:s4] =	dma.local [hbm:s3], $0xF7A  }
0x26: {  	[smem:$0x3F9B] =	sst s1;
	(tag) =	ssettag s2;
	_ =	strace s9  }
0x27: {  	s1 =	sld [smem:$0x3FAB]  }
0x28: {  	s2 =	sld [smem:$0x3FAC]  }
0x29: {  	s4 =	sld [smem:$0x3FAE]  }
0x2a: {  	p0 =	seq.s32 s5, $0x0;
	s5 =	sld [smem:$0x3FAF]  }
0x2b: {  	s6 =	sld [smem:$0x3FB0]  }
0x2c: {  	s7 =	sld [smem:$0x3FB1]  }
0x2d: {  	s3 =	simm.s32 $0x108;
	s8 =	sld [smem:$0x3FB2]  }
0x2e: {  	s3 =	simm.s32 @!p0 $0x1082;
	s9 =	sld [smem:$0x3FB3]  }
0x2f: {  	lr =	sadd.s32 s0, s3;
	s0 =	sld [smem:$0x3FAA]  }
0x30: {  	s3 =	sld [smem:$0x3FAD]  }
0x31: {  	[smem:$0x3FB6] =	sst s10  }
0x32: {  	s10 =	sld [smem:$0x3FB4];
	_ =	sdelay $0x3  }
0x33: {  	p0 =	seq.s32 s10, $0x1;
	s10 =	sld [smem:$0x3FB6];
	_ =	sdelay $0x3  }
0x34: {  	[smem:$0x3FB6] =	sst s10  }
0x35: {  	s10 =	sld [smem:$0x3FB5];
	_ =	sdelay $0x3  }
0x36: {  	p1 =	seq.s32 s10, $0x1;
	s10 =	sld [smem:$0x3FB6];
	_ =	sdelay $0x3  }
0x37: {  	[smem:$0x3FB6] =	sst s10  }
0x38: {  	s10 =	sld [smem:$0x3FB7]  }
0x39: {  	_ = 	snop;
	(pc) =	sbr.ind lr, $3  }
0x3a: {  	_ = 	snop  }
0x3b: {  	_ = 	snop  }
0x3c: {  	p2 =	seq.s32 s10, $0x1;
	s10 =	sld [smem:$0x3FB6]  }
0x3d: {  	_ =	shalt  }
0x3e: {  	_ =	shalt  }
0x3f: {  	_ =	shalt  }
0x40: {  	_ =	shalt  }
0x41: {  	_ =	shalt  }
0x42: {  	_ =	shalt  }
0x43: {  	_ =	shalt  }
0x44: {  	_ =	shalt  }
0x45: {  	_ =	shalt  }
0x46: {  	_ =	shalt  }
0x47: {  	_ =	shalt  }
0x48: {  	_ =	shalt  }
0x49: {  	_ =	shalt  }
0x4a: {  	_ =	shalt  }
0x4b: {  	_ =	shalt  }
0x4c: {  	_ =	shalt  }
0x4d: {  	_ =	shalt  }
0x4e: {  	_ =	shalt  }
0x4f: {  	_ =	shalt  }
0x50: {  	_ =	shalt  }
0x51: {  	_ =	shalt  }
0x52: {  	_ =	shalt  }
0x53: {  	_ =	shalt  }
0x54: {  	_ =	shalt  }
0x55: {  	_ =	shalt  }
0x56: {  	_ =	shalt  }
0x57: {  	_ =	shalt  }
0x58: {  	_ =	shalt  }
0x59: {  	_ =	shalt  }
0x5a: {  	_ =	shalt  }
0x5b: {  	_ =	shalt  }
0x5c: {  	_ =	shalt  }
0x5d: {  	_ =	shalt  }
0x5e: {  	_ =	shalt  }
0x5f: {  	_ =	shalt  }
0x60: {  	_ =	shalt  }
0x61: {  	_ =	shalt  }
0x62: {  	_ =	shalt  }
0x63: {  	_ =	shalt  }
0x64: {  	_ =	shalt  }
0x65: {  	_ =	shalt  }
0x66: {  	_ =	shalt  }
0x67: {  	_ =	shalt  }
0x68: {  	_ =	shalt  }
0x69: {  	_ =	shalt  }
0x6a: {  	_ =	shalt  }
0x6b: {  	_ =	shalt  }
0x6c: {  	_ =	shalt  }
0x6d: {  	_ =	shalt  }
0x6e: {  	_ =	shalt  }
0x6f: {  	_ =	shalt  }
0x70: {  	_ =	shalt  }
0x71: {  	_ =	shalt  }
0x72: {  	_ =	shalt  }
0x73: {  	_ =	shalt  }
0x74: {  	_ =	shalt  }
0x75: {  	_ =	shalt  }
0x76: {  	_ =	shalt  }
0x77: {  	_ =	shalt  }
0x78: {  	_ =	shalt  }
0x79: {  	_ =	shalt  }
0x7a: {  	_ =	shalt  }
0x7b: {  	_ =	shalt  }
0x7c: {  	_ =	shalt  }
0x7d: {  	_ =	shalt  }
0x7e: {  	_ =	shalt  }
0x7f: {  	_ =	shalt  }
0x80: {  	_ =	shalt  }
0x81: {  	_ =	shalt  }
0x82: {  	_ =	shalt  }
0x83: {  	_ =	shalt  }
0x84: {  	_ =	shalt  }
0x85: {  	_ =	shalt  }
0x86: {  	_ =	shalt  }
0x87: {  	_ =	shalt  }
.Lfunc_end0:
.L_simem_size_0:
called_computation.2_lowered:
.L_overlay_start_0:
0x88: {  	s2 =	sld [smem:$0x3FD9]  }
0x89: {  	s3 =	sld [smem:$0x3FFE];
	_ =	sdelay $0x1  }
0x8a: {  	s1 =	srdreg.scid  }
0x8b: {  	s0 =	sand.u32 $0x1, s1  }
0x8c: {  	s17 =	sshll.u32 s0, $0xA;
	s2 =	sadd.s32 s3, s2  }
0x8d: {  	s2 =	sadd.s32 s2, s17  }
0x8e: {  	[smem:$0x3FC2] =	sst s2  }
0x8f: {  	_ = 	snop  }
0x90: {  	(tm) =	ssettm $0x1  }
0x91: {  	s18 =	sld [smem:$0x3FFB];
	_ =	sdelay $0x3  }
0x92: {  	_ =	strace s18  }
0x93: {  	s2 =	sld [smem:$0x3FFC];
	_ =	sdelay $0x3  }
0x94: {  	_ =	strace s2  }
0x95: {  	s2 =	sld [smem:$0x3FFD];
	_ =	sdelay $0x3  }
0x96: {  	_ =	strace s2  }
0x97: {  	_ =	strace $0x8FFFFFFF  }
0x98: {  	s19 =	sld [smem:$0x3FDB];
	_ =	sdelay $0x1  }
0x99: {  	s20 =	simm.s32 $_scs_section_size  }
0x9a: {  	s4 =	simm.s32 $_size__tile_overlayer_lowered;
	s5 =	simm.s32 $_tile_overlayer_lowered  }
0x9b: {  	s6 =	simm.s32 $0x1BFF;
	s21 =	sshll.u32 s5, $0x1;
	s3 =	sadd.s32 s20, s19  }
0x9c: {  	s22 =	simm.s32 $0x0;
	s4 =	sshll.u32 s4, $0x1;
	s5 =	sadd.s32 s21, s3  }
0x9d: {  	[timem:s22], [sflag:s6] =	dma.local [hbm:s5], s4  }
0x9e: {  	_ =	swait.ge [sflag:s6], s4  }
0x9f: {  	s4 =	ssub.s32 $0x0, s4;
	[sflag:s6] =	ssyncset.done $0x0  }
0xa0: {  	[sflag:s6] =	ssyncadd.s32 s4;
	_ =	sdelay $0x1  }
0xa1: {  	s23 =	simm.s32 $0x1B8B  }
0xa2: {  	_ =	swait.ge [sflag:s23], $0x1  }
0xa3: {  	[sflag:s23] =	ssyncset.done $0x0  }
0xa4: {  	[sflag:s23] =	ssyncadd.s32 $0xFFFFFFFF  }
0xa5: {  	s4 =	sld [smem:$0x0]  }
0xa6: {  	s5 =	sand.u32 $0xFFFFFFFE, s1  }
0xa7: {  	p0 =	sne.s32 s1, s5  }
0xa8: {  	s5 =	sshll.u32 @p0 s5, $0xE  }
0xa9: {  	s5 =	sadd.s32 @p0 $0x11B8D, s5;
	s6 =	sshll.u32 @p0 s4, $0x11  }
0xaa: {  	s5 =	sor.u32 @p0 s6, s5  }
0xab: {  	[sflag:s5] =	ssyncadd.remote.s32 @p0 $0x1;
	_ =	sdelay $0x1  }
0xac: {  	s5 =	simm.s32 @p0 $0x1B8D  }
0xad: {  	_ =	swait.eq @p0 [sflag:s5], $0x1  }
0xae: {  	[sflag:s5] =	ssyncadd.s32 @p0 $0xFFFFFFFF  }
0xaf: {  	s6 =	sshll.u32 @!p0 s1, $0xE  }
0xb0: {  	s6 =	sor.u32 @!p0 $0x4000, s6;
	s5 =	simm.s32 @!p0 $0x1B8D  }
0xb1: {  	s4 =	sshll.u32 @!p0 s4, $0x11;
	s6 =	sadd.s32 @!p0 $0x11B8D, s6;
	_ =	swait.eq @!p0 [sflag:s5], $0x1  }
0xb2: {  	s4 =	sor.u32 @!p0 s4, s6;
	[sflag:s5] =	ssyncadd.s32 @!p0 $0xFFFFFFFF  }
0xb3: {  	s25 =	simm.s32 $0x1B8E;
	s24 =	sld [smem:$0x3FFE];
	[sflag:s4] =	ssyncadd.remote.s32 @!p0 $0x1  }
0xb4: {  	s26 =	simm.s32 $execute0_lowered;
	[smem:$0x3FD2] =	sst s25  }
0xb5: {  	s5 =	sshll.u32 s26, $0x1;
	_ =	strace $0x8000005A;
	[dreg:$0x1] =	wrdreg $0xFFFFFFFF  }
0xb6: {  	s28 =	simm.s32 $_size_execute0_lowered;
	s3 =	sadd.s32 s3, s5;
	[dreg:$0x0] =	wrdreg $0x0  }
0xb7: {  	s5 =	sshll.u32 s28, $0x1;
	[dreg:$0x2] =	wrdreg s3  }
0xb8: {  	[dreg:$0x3] =	wrdreg s5  }
0xb9: {  	[dreg:$0x4] =	wrdreg $0xC0  }
0xba: {  	_ =	task [dreg:s22], $0x5FFFF  }
0xbb: {  	[dreg:$0x1] =	wrdreg $0xFFFFFFFF  }
0xbc: {  	[dreg:$0x0] =	wrdreg $0x60  }
0xbd: {  	[dreg:$0x2] =	wrdreg s24  }
0xbe: {  	[dreg:$0x3] =	wrdreg $0xB  }
0xbf: {  	_ =	task.clear_ibuf [dreg:s22], $0x4FFFF;
	_ =	strace $0x9000005A  }
0xc0: {  	s29 =	simm.s32 $0xB;
	_ =	strace $0x80000063  }
0xc1: {  	_ =	swait.ge [sflag:s29], $0x1  }
0xc2: {  	[sflag:s29] =	ssyncadd.s32 $0xFFFFFFFF  }
0xc3: {  	_ =	strace $0x90000063  }
0xc4: {  	_ =	sfence  }
0xc5: {  	s30 =	sld [smem:$0x0];
	_ =	sdelay $0x2  }
0xc6: {  	s31 =	sshll.u32 s1, $0xD;
	s1 =	sshrl.u32 s1, $0x2  }
0xc7: {  	s4 =	sand.u32 $0x4000, s31;
	s1 =	sadd.s32 s1, s30  }
0xc8: {  	s0 =	sor.u32 s4, s0;
	s1 =	sshll.u32 s1, $0x11  }
0xc9: {  	s0 =	sor.u32 s1, s0  }
0xca: {  	s0 =	sadd.s32 $0x8F2B, s0  }
0xcb: {  	[sflag:s0] =	ssyncadd.remote.s32 $0x1  }
0xcc: {  	_ =	sfence.sel $0xFFFF  }
0xcd: {  	[dreg:$0x0] =	wrdreg $0xFFFFFFFF;
	(pc) =	sbr.abs _section_cstart, $3  }
0xce: {  	[dreg:$0x1] =	wrdreg $0xFFFFFFFF  }
0xcf: {  	_ =	task.clear_ibuf [dreg:s22], $0x2FFFF;
	_ =	strace $0x9FFFFFFF  }
0xd0: {  	(tm) =	ssettm $0x7FFFFFFF  }
0xd1: {  	_ =	shalt  }
tec
execute0_lowered:
.L_overlay_start_1:
0x0: {  	(tag) =	ssettag $0x1  }
0x1: {  	s0 =	srdreg.scid;
	s6 =	rddreg [dreg:$0x0]  }
0x2: {  	s30 =	stileid.u32;
	s2 =	simm.s32 $0x0;
	s7 =	sand.u32 $0x1, s0  }
0x3: {  	s13 =	simm.s32 $0x80;
	s14 =	simm.s32 $0x5;
	s3 =	sshll.u32 s7, $0x4  }
0x4: {  	s15 =	simm.s32 $0x0;
	[smem:$0x7FF] =	sst s2;
	s4 =	sor.u32 s30, s3  }
0x5: {  	_ =	strace $0x8000005B;
	s31 =	ssub.s32 $0x2, s7;
	s5 =	smul.u32 $0x7, s4  }
0x6: {  	s7 =	simm.s32 $0x8;
	s3 =	sadd.s32 $0x2000, s6;
	s10 =	sshrl.u32 s31, $0x1  }
0x7: {  	p0 =	slt.u32 s4, $0x1A;
	s8 =	sshll.u32 s4, $0x3;
	s4 =	sadd.s32 $0x1A, s5  }
0x8: {  	s12 =	ssub.s32 s31, s10;
	s7 =	simm.s32 @!p0 $0x7;
	s4 =	smov.u32 @p0 s8  }
0x9: {  	s12 =	smax.u32 s12, $0x1;
	s5 =	sadd.s32 $0x2AA000, s6;
	s9 =	sshll.u32 s4, $0x4  }
0xa: {  	s6 =	sadd.s32 $0x69E000, s6;
	s8 =	sshll.u32 s7, $0x2;
	s9 =	sadd.s32 s9, s5  }
0xb: {  	s10 =	sadd.s32 $0xFFFFFFFF, s8;
	s11 =	sadd.s32 $0x1F4, s4;
	s9 =	sadd.s32 $0x1F40, s9  }
.LBB2_1:
0xc: {  	_ =	strace $0x8000005C;
	s23 =	simm.s32 $0x0;
	s24 =	simm.s32 $0x0  }
0xd: {  	s16 =	simm.s32 $0x0;
	s17 =	simm.s32 $0x0;
	s18 =	simm.s32 $0x0  }
0xe: {  	[tilespmem:s2], [sflag:$0x1] =	stream.linear.gather [hbm4b:s9+s2], $0x80, $0x200038;
	[tilespmem:$0x8100] =	vst v63  }
0xf: {  	s19 =	simm.s32 $0x1;
	s20 =	simm.s32 $0x0;
	_ =	strace $0x9000005C  }
.LBB2_2:
0x10: {  	s21 =	sadd.s32 $0x1, s23  }
0x11: {  	s22 =	simm.s32 $0x1;
	p0 =	seq.s32 s21, s7  }
0x12: {  	s22 =	simm.s32 @!p0 $0x0  }
0x13: {  	s22 =	sadd.s32 s22, s24  }
0x14: {  	p1 =	seq.s32 s22, $0x4  }
0x15: {  	s26 =	smul.u32 $0x300, s24;
	s22 =	simm.s32 @p1 $0x0  }
0x16: {  	s25 =	sadd.s32 s4, s23;
	s21 =	simm.s32 @p0 $0x0;
	s28 =	smul.u32 $0x300, s22  }
0x17: {  	s30 =	simm.s32 $0x1;
	s26 =	sadd.s32 s25, s26;
	s29 =	sadd.s32 s21, s11  }
0x18: {  	s31 =	sadd.s32 $0x1F4, s26;
	p1 =	seq.s32 s23, $0x0;
	s28 =	sadd.s32 s28, s29  }
0x19: {  	p2 =	slt.s32 s20, s10;
	s30 =	simm.s32 @!p1 $0x0;
	p0 =	sne.s32 s31, s28  }
0x1a: {  	s26 =	ssub.s32 s24, s30;
	s29 =	smov.u32 s23;
	p2 =	por !p2, !p0  }
0x1b: {  	p3 =	seq.s32 s26, $0xFFFFFFFF;
	s29 =	smov.u32 @p1 s7;
	p1 =	por !p2, !p2  }
0x1c: {  	s26 =	simm.s32 @p3 $0x3;
	s30 =	sand.u32 @p1 $0x1, s19;
	s28 =	sshll.u32 @p1 s28, $0x4  }
0x1d: {  	_ =	strace @p1 $0x8000005D;
	s1 =	simm.s32 @p1 $0x0;
	s28 =	sand.u32 @p1 $0x1FFFFFF0, s28  }
0x1e: {  	s0 =	sshll.u32 @p1 s30, $0x7;
	s30 =	sadd.s32 @p1 $0x1, s30;
	s28 =	sadd.s32 @p1 s5, s28  }
0x1f: {  	[tilespmem:s0], [sflag:s30] =	stream.linear.gather @p1 [hbm4b:s28+s1], $0x80, $0x200038;
	[tilespmem:$0x8100] =	vst v63  }
0x20: {  	s28 =	sadd.s32 $0xFFFFFFFF, s29;
	s1 =	smul.u32 $0x300, s26  }
0x21: {  	s29 =	sadd.s32 s28, s11  }
0x22: {  	p2 =	seq.s32 s20, $0x0;
	s0 =	sadd.s32 s1, s29  }
0x23: {  	p3 =	seq.s32 @!p2 s31, s0  }
0x24: {  	p4 =	sne.s32 s23, s21;
	p2 =	por p2, !p3  }
0x25: {  	p5 =	sne.s32 s24, s22;
	_ =	strace @p1 $0x9000005D;
	s0 =	sand.u32 @p2 $0x1, s18  }
0x26: {  	s31 =	sshll.u32 s18, $0x7;
	_ =	strace @p2 $0x8000005E;
	s0 =	sadd.s32 @p2 $0x1, s0  }
0x27: {  	p6 =	sne.s32 s24, s26;
	s29 =	sand.u32 $0x80, s31;
	_ =	swait.ge @p2 [sflag:s0], $0x80  }
0x28: {  	p3 =	por p4, p5;
	p5 =	sne.s32 s23, s28;
	[sflag:s0] =	ssyncset.done @p2 $0x0  }
0x29: {  	p4 =	por p5, p6;
	[sflag:s0] =	ssyncadd.s32 @p2 $0xFFFFFF80;
	s0 =	sand.u32 $0x1, s17  }
0x2a: {  	_ =	strace @p2 $0x9000005E;
	s30 =	sshll.u32 s0, $0xE;
	p2 =	seq.s32 s10, s20  }
0x2b: {  	_ =	strace $0x8000005F;
	s1 =	sor.u32 $0x100, s30;
	p3 =	por p2, p3  }
0x2c: {  	[tilespmem:s1], [sflag:$0x5] =	stream.indirect.gather [hbm4b:s3+s13], $0x80, s29, s13, $0x2000b8;
	[tilespmem:$0x8100] =	vst v63  }
0x2d: {  	p6 =	sne.s32 s20, $0x0;
	s29 =	smul.u32 @p3 $0x3E8000, s24;
	_ =	swait.ge [sflag:s14], $0x4000  }
0x2e: {  	p4 =	por !p6, !p4;
	s25 =	sshll.u32 @p3 s25, $0xE;
	[sflag:s14] =	ssyncset.done $0x0  }
0x2f: {  	p4 =	por !p4, !p4;
	s23 =	sadd.s32 @p3 s29, s25;
	[sflag:s14] =	ssyncadd.s32 $0xFFFFC000  }
0x30: {  	s0 =	sadd.s32 @p3 $0x3, s0;
	s23 =	sshrl.u32 @p3 s23, $0x3;
	_ =	strace $0x9000005F  }
0x31: {  	s24 =	simm.s32 @p3 $0x0;
	s23 =	sadd.s32 @p3 s6, s23;
	_ =	strace @p3 $0x80000060  }
0x32: {  	[hbm4b:s23+s24] =	stream.linear.scatter @p3 [tilespmem:s1], [sflag:s0], $0x4000, $0x200038;
	[tilespmem:$0x8100] =	vst v63  }
0x33: {  	s20 =	sadd.s32 $0x1, s20;
	p0 =	por p2, p0;
	s1 =	simm.s32 $0x1  }
0x34: {  	s0 =	sand.u32 @p4 $0x1, s16;
	_ =	strace @p3 $0x90000060;
	s1 =	simm.s32 @!p1 $0x0  }
0x35: {  	s0 =	sadd.s32 @p4 $0x3, s0;
	s19 =	sadd.s32 s1, s19;
	s1 =	simm.s32 $0x1  }
0x36: {  	_ =	strace @p4 $0x80000061;
	s1 =	simm.s32 @!p0 $0x0;
	p0 =	sne.s32 s8, s20  }
.Ltmp0:
0x37: {  	_ =	swait.ge @p4 [sflag:s0], $0x4000;
	(pc) =	sbr.rel @p0 .LBB2_2-.Ltmp0, $4  }
0x38: {  	s23 =	simm.s32 $0x1;
	s24 =	smov.u32 s22;
	[sflag:s0] =	ssyncset.done @p4 $0x0  }
0x39: {  	s23 =	simm.s32 @!p3 $0x0;
	[sflag:s0] =	ssyncadd.s32 @p4 $0xFFFFC000;
	s0 =	simm.s32 $0x1  }
0x3a: {  	s17 =	sadd.s32 s23, s17;
	s23 =	smov.u32 s21;
	s0 =	simm.s32 @!p4 $0x0  }
0x3b: {  	s18 =	sadd.s32 s1, s18;
	_ =	strace @p4 $0x90000061;
	s16 =	sadd.s32 s0, s16  }
0x3c: {  	s15 =	sadd.s32 $0x1, s15  }
0x3d: {  	s0 =	sand.u32 $0x1, s16;
	p0 =	sne.s32 s15, s12  }
.Ltmp1:
0x3e: {  	_ =	strace $0x80000062;
	s0 =	sadd.s32 $0x3, s0;
	(pc) =	sbr.rel @p0 .LBB2_1-.Ltmp1, $4  }
0x3f: {  	_ =	swait.ge [sflag:s0], $0x4000  }
0x40: {  	[sflag:s0] =	ssyncset.done $0x0  }
0x41: {  	[sflag:s0] =	ssyncadd.s32 $0xFFFFC000  }
0x42: {  	_ =	strace $0x90000062  }
0x43: {  	_ =	sfence.sel $0x180000  }
0x44: {  	[bflag:$0x0] =	sbarrier.arrive $0xFFFF  }
0x45: {  	_ =	strace $0x9000005B  }
0x46: {  	s0 =	stileid.u32;
	[bflag:$0x2] =	sbarrier.arrive $0xFFFF  }
0x47: {  	p0 =	sne.s32 s0, $0x0;
	s0 =	rddreg [dreg:$0x1]  }
0x48: {  	s0 =	sadd.s32 @!p0 $0x100000, s0  }
0x49: {  	[sflag:s0] =	ssyncadd.tile.s32 @!p0 $0x1;
	_ =	shalt  }
.Lfunc_end2:
_tile_overlayer_lowered:
.L_overlay_start_2:
0x4a: {  	(tag) =	ssettag $0x2  }
0x4b: {  	s0 =	rddreg [dreg:$0x0];
	s2 =	stileid.u32  }
0x4c: {  	s1 =	rddreg [dreg:$0x1];
	p0 =	sne.s32 s2, $0x0  }
0x4d: {  	s3 =	rddreg [dreg:$0x2];
	[bflag:$0x3] =	sbarrier.arrive $0xFFFF;
	s2 =	simm.s32 @!p0 $0x1C01  }
0x4e: {  	[timem:s3], [sflag:s2] =	dma.local @!p0 [hbm:s0], s1  }
0x4f: {  	s0 =	simm.s32 @!p0 $0x1  }
0x50: {  	_ =	swait.ge @!p0 [sflag:s0], s1  }
0x51: {  	s1 =	ssub.s32 @!p0 $0x0, s1;
	[sflag:s0] =	ssyncset.done @!p0 $0x0  }
0x52: {  	[sflag:s0] =	ssyncadd.s32 @!p0 s1  }
0x53: {  	[bflag:$0x3] =	sbarrier.arrive $0xFFFF  }
0x54: {  	_ =	shalt  }

// kernel: kernel.24.cloned.1.call-start
scs
__scs_entry_jumppad:
0x0: {  	(pc) =	sbr.rel $0x88, $3  }
0x1: {  	(tag) =	ssettag $0x0;
	lr =	simm.s32 $0x1  }
0x2: {  	[smem:$0x3F9B] =	sst lr;
	_ =	strace $0xD0000000  }
0x3: {  	_ = 	snop  }
0x4: {  	_ = 	snop  }
0x5: {  	_ = 	snop  }
0x6: {  	_ = 	snop  }
0x7: {  	_ = 	snop  }
__scs_overlays_trampoline_lowered:
0x8: {  	[smem:$0x3FAA] =	sst s0  }
0x9: {  	[smem:$0x3FAB] =	sst s1  }
0xa: {  	[smem:$0x3FAC] =	sst s2  }
0xb: {  	[smem:$0x3FAD] =	sst s3  }
0xc: {  	[smem:$0x3FAE] =	sst s4  }
0xd: {  	[smem:$0x3FAF] =	sst s5  }
0xe: {  	[smem:$0x3FB0] =	sst s6  }
0xf: {  	[smem:$0x3FB1] =	sst s7  }
0x10: {  	[smem:$0x3FB2] =	sst s8  }
0x11: {  	[smem:$0x3FB3] =	sst s9;
	s0 =	simm.s32 @!p0 $0x0  }
0x12: {  	s1 =	sld [smem:$0x3F99];
	s0 =	simm.s32 @p0 $0x1  }
0x13: {  	[smem:$0x3FB4] =	sst s0;
	s0 =	simm.s32 @!p1 $0x0  }
0x14: {  	s2 =	sld [smem:$0x3F98];
	s0 =	simm.s32 @p1 $0x1  }
0x15: {  	[smem:$0x3FB5] =	sst s0;
	s0 =	simm.s32 @!p2 $0x0  }
0x16: {  	s3 =	sld [smem:$0x3FDB];
	s0 =	simm.s32 @p2 $0x1  }
0x17: {  	s4 =	simm.s32 $0x1BF5;
	[smem:$0x3FB7] =	sst s0  }
0x18: {  	s0 =	sld [smem:$0x3F9A];
	_ =	swait.ge [sflag:s4], $0x0  }
0x19: {  	s7 =	sld [smem:$0x3F9B]  }
0x1a: {  	s8 =	sadd.s32 $0xFFFFE003, lr  }
0x1b: {  	s9 =	sadd.s32 $0xFFFFFEF7, lr;
	s5 =	simm.s32 $0xFFFFFFFF;
	p2 =	slt.u32 s8, $0xFFFFF086  }
0x1c: {  	p1 =	slt.u32 s9, $0xF7A;
	s5 =	simm.s32 @!p2 $0x0  }
0x1d: {  	s5 =	simm.s32 @p1 $0x1;
	p0 =	seq.s32 s7, s2  }
0x1e: {  	s7 =	smul.u32 @!p0 $0xF7A, s2;
	p2 =	seq.s32 @!p0 s5, $0x0  }
0x1f: {  	s9 =	smul.u32 $0xF7A, s1;
	s8 =	simm.s32 @!p0 $0x1BF5;
	p2 =	por !p2, p0  }
0x20: {  	[sflag:s8] =	ssyncset.s32 @!p0 $0xFFFFF086;
	s6 =	sadd.s32 @!p0 s3, s7;
	s7 =	simm.s32 @!p0 $0x108  }
0x21: {  	s3 =	sadd.s32 s3, s9;
	s6 =	sadd.s32 @!p0 $0x88, s6;
	s7 =	simm.s32 @p2 $0x1082  }
0x22: {  	[simem:s7], [sflag:s8] =	dma.local @!p0 [hbm:s6], $0xF7A  }
0x23: {  	s9 =	sor.u32 $0xD0000000, s2;
	s6 =	simm.s32 $0x108;
	_ =	swait.ge @!p0 [sflag:s8], $0x0  }
0x24: {  	s3 =	sadd.s32 $0x88, s3;
	s6 =	simm.s32 @!p1 $0x1082;
	[sflag:s4] =	ssyncset.s32 $0xFFFFF086  }
0x25: {  	[simem:s6], [sflag:s4] =	dma.local [hbm:s3], $0xF7A  }
0x26: {  	[smem:$0x3F9B] =	sst s1;
	(tag) =	ssettag s2;
	_ =	strace s9  }
0x27: {  	s1 =	sld [smem:$0x3FAB]  }
0x28: {  	s2 =	sld [smem:$0x3FAC]  }
0x29: {  	s4 =	sld [smem:$0x3FAE]  }
0x2a: {  	p0 =	seq.s32 s5, $0x0;
	s5 =	sld [smem:$0x3FAF]  }
0x2b: {  	s6 =	sld [smem:$0x3FB0]  }
0x2c: {  	s7 =	sld [smem:$0x3FB1]  }
0x2d: {  	s3 =	simm.s32 $0x108;
	s8 =	sld [smem:$0x3FB2]  }
0x2e: {  	s3 =	simm.s32 @!p0 $0x1082;
	s9 =	sld [smem:$0x3FB3]  }
0x2f: {  	lr =	sadd.s32 s0, s3;
	s0 =	sld [smem:$0x3FAA]  }
0x30: {  	s3 =	sld [smem:$0x3FAD]  }
0x31: {  	[smem:$0x3FB6] =	sst s10  }
0x32: {  	s10 =	sld [smem:$0x3FB4];
	_ =	sdelay $0x3  }
0x33: {  	p0 =	seq.s32 s10, $0x1;
	s10 =	sld [smem:$0x3FB6];
	_ =	sdelay $0x3  }
0x34: {  	[smem:$0x3FB6] =	sst s10  }
0x35: {  	s10 =	sld [smem:$0x3FB5];
	_ =	sdelay $0x3  }
0x36: {  	p1 =	seq.s32 s10, $0x1;
	s10 =	sld [smem:$0x3FB6];
	_ =	sdelay $0x3  }
0x37: {  	[smem:$0x3FB6] =	sst s10  }
0x38: {  	s10 =	sld [smem:$0x3FB7]  }
0x39: {  	_ = 	snop;
	(pc) =	sbr.ind lr, $3  }
0x3a: {  	_ = 	snop  }
0x3b: {  	_ = 	snop  }
0x3c: {  	p2 =	seq.s32 s10, $0x1;
	s10 =	sld [smem:$0x3FB6]  }
0x3d: {  	_ =	shalt  }
0x3e: {  	_ =	shalt  }
0x3f: {  	_ =	shalt  }
0x40: {  	_ =	shalt  }
0x41: {  	_ =	shalt  }
0x42: {  	_ =	shalt  }
0x43: {  	_ =	shalt  }
0x44: {  	_ =	shalt  }
0x45: {  	_ =	shalt  }
0x46: {  	_ =	shalt  }
0x47: {  	_ =	shalt  }
0x48: {  	_ =	shalt  }
0x49: {  	_ =	shalt  }
0x4a: {  	_ =	shalt  }
0x4b: {  	_ =	shalt  }
0x4c: {  	_ =	shalt  }
0x4d: {  	_ =	shalt  }
0x4e: {  	_ =	shalt  }
0x4f: {  	_ =	shalt  }
0x50: {  	_ =	shalt  }
0x51: {  	_ =	shalt  }
0x52: {  	_ =	shalt  }
0x53: {  	_ =	shalt  }
0x54: {  	_ =	shalt  }
0x55: {  	_ =	shalt  }
0x56: {  	_ =	shalt  }
0x57: {  	_ =	shalt  }
0x58: {  	_ =	shalt  }
0x59: {  	_ =	shalt  }
0x5a: {  	_ =	shalt  }
0x5b: {  	_ =	shalt  }
0x5c: {  	_ =	shalt  }
0x5d: {  	_ =	shalt  }
0x5e: {  	_ =	shalt  }
0x5f: {  	_ =	shalt  }
0x60: {  	_ =	shalt  }
0x61: {  	_ =	shalt  }
0x62: {  	_ =	shalt  }
0x63: {  	_ =	shalt  }
0x64: {  	_ =	shalt  }
0x65: {  	_ =	shalt  }
0x66: {  	_ =	shalt  }
0x67: {  	_ =	shalt  }
0x68: {  	_ =	shalt  }
0x69: {  	_ =	shalt  }
0x6a: {  	_ =	shalt  }
0x6b: {  	_ =	shalt  }
0x6c: {  	_ =	shalt  }
0x6d: {  	_ =	shalt  }
0x6e: {  	_ =	shalt  }
0x6f: {  	_ =	shalt  }
0x70: {  	_ =	shalt  }
0x71: {  	_ =	shalt  }
0x72: {  	_ =	shalt  }
0x73: {  	_ =	shalt  }
0x74: {  	_ =	shalt  }
0x75: {  	_ =	shalt  }
0x76: {  	_ =	shalt  }
0x77: {  	_ =	shalt  }
0x78: {  	_ =	shalt  }
0x79: {  	_ =	shalt  }
0x7a: {  	_ =	shalt  }
0x7b: {  	_ =	shalt  }
0x7c: {  	_ =	shalt  }
0x7d: {  	_ =	shalt  }
0x7e: {  	_ =	shalt  }
0x7f: {  	_ =	shalt  }
0x80: {  	_ =	shalt  }
0x81: {  	_ =	shalt  }
0x82: {  	_ =	shalt  }
0x83: {  	_ =	shalt  }
0x84: {  	_ =	shalt  }
0x85: {  	_ =	shalt  }
0x86: {  	_ =	shalt  }
0x87: {  	_ =	shalt  }
.Lfunc_end0:
.L_simem_size_0:
called_computation.3_lowered:
.L_overlay_start_0:
0x88: {  	s2 =	sld [smem:$0x3FD9]  }
0x89: {  	s3 =	sld [smem:$0x3FFE];
	_ =	sdelay $0x1  }
0x8a: {  	s1 =	srdreg.scid  }
0x8b: {  	s0 =	sand.u32 $0x1, s1  }
0x8c: {  	s17 =	sshll.u32 s0, $0xA;
	s2 =	sadd.s32 s3, s2  }
0x8d: {  	s2 =	sadd.s32 s2, s17  }
0x8e: {  	[smem:$0x3FC2] =	sst s2  }
0x8f: {  	_ = 	snop  }
0x90: {  	(tm) =	ssettm $0x1  }
0x91: {  	s18 =	sld [smem:$0x3FFB];
	_ =	sdelay $0x3  }
0x92: {  	_ =	strace s18  }
0x93: {  	s2 =	sld [smem:$0x3FFC];
	_ =	sdelay $0x3  }
0x94: {  	_ =	strace s2  }
0x95: {  	s2 =	sld [smem:$0x3FFD];
	_ =	sdelay $0x3  }
0x96: {  	_ =	strace s2  }
0x97: {  	_ =	strace $0x8FFFFFFF  }
0x98: {  	s19 =	sld [smem:$0x3FDB];
	_ =	sdelay $0x1  }
0x99: {  	s20 =	simm.s32 $_scs_section_size  }
0x9a: {  	s4 =	simm.s32 $_size__tile_overlayer_lowered;
	s5 =	simm.s32 $_tile_overlayer_lowered  }
0x9b: {  	s6 =	simm.s32 $0x1BFF;
	s21 =	sshll.u32 s5, $0x1;
	s3 =	sadd.s32 s20, s19  }
0x9c: {  	s22 =	simm.s32 $0x0;
	s4 =	sshll.u32 s4, $0x1;
	s5 =	sadd.s32 s21, s3  }
0x9d: {  	[timem:s22], [sflag:s6] =	dma.local [hbm:s5], s4  }
0x9e: {  	_ =	swait.ge [sflag:s6], s4  }
0x9f: {  	s4 =	ssub.s32 $0x0, s4;
	[sflag:s6] =	ssyncset.done $0x0  }
0xa0: {  	[sflag:s6] =	ssyncadd.s32 s4;
	_ =	sdelay $0x1  }
0xa1: {  	s23 =	simm.s32 $0x1B8B  }
0xa2: {  	_ =	swait.ge [sflag:s23], $0x1  }
0xa3: {  	[sflag:s23] =	ssyncset.done $0x0  }
0xa4: {  	[sflag:s23] =	ssyncadd.s32 $0xFFFFFFFF  }
0xa5: {  	s4 =	sld [smem:$0x0]  }
0xa6: {  	s5 =	sand.u32 $0xFFFFFFFE, s1  }
0xa7: {  	p0 =	sne.s32 s1, s5  }
0xa8: {  	s5 =	sshll.u32 @p0 s5, $0xE  }
0xa9: {  	s5 =	sadd.s32 @p0 $0x11B8D, s5;
	s6 =	sshll.u32 @p0 s4, $0x11  }
0xaa: {  	s5 =	sor.u32 @p0 s6, s5  }
0xab: {  	[sflag:s5] =	ssyncadd.remote.s32 @p0 $0x1;
	_ =	sdelay $0x1  }
0xac: {  	s5 =	simm.s32 @p0 $0x1B8D  }
0xad: {  	_ =	swait.eq @p0 [sflag:s5], $0x1  }
0xae: {  	[sflag:s5] =	ssyncadd.s32 @p0 $0xFFFFFFFF  }
0xaf: {  	s6 =	sshll.u32 @!p0 s1, $0xE  }
0xb0: {  	s6 =	sor.u32 @!p0 $0x4000, s6;
	s5 =	simm.s32 @!p0 $0x1B8D  }
0xb1: {  	s4 =	sshll.u32 @!p0 s4, $0x11;
	s6 =	sadd.s32 @!p0 $0x11B8D, s6;
	_ =	swait.eq @!p0 [sflag:s5], $0x1  }
0xb2: {  	s4 =	sor.u32 @!p0 s4, s6;
	[sflag:s5] =	ssyncadd.s32 @!p0 $0xFFFFFFFF  }
0xb3: {  	s25 =	simm.s32 $0x1B8E;
	s24 =	sld [smem:$0x3FFE];
	[sflag:s4] =	ssyncadd.remote.s32 @!p0 $0x1  }
0xb4: {  	s26 =	simm.s32 $execute0_lowered;
	[smem:$0x3FD2] =	sst s25  }
0xb5: {  	s5 =	sshll.u32 s26, $0x1;
	_ =	strace $0x80000064;
	[dreg:$0x1] =	wrdreg $0xFFFFFFFF  }
0xb6: {  	s28 =	simm.s32 $_size_execute0_lowered;
	s3 =	sadd.s32 s3, s5;
	[dreg:$0x0] =	wrdreg $0x0  }
0xb7: {  	s5 =	sshll.u32 s28, $0x1;
	[dreg:$0x2] =	wrdreg s3  }
0xb8: {  	[dreg:$0x3] =	wrdreg s5  }
0xb9: {  	[dreg:$0x4] =	wrdreg $0xC0  }
0xba: {  	_ =	task [dreg:s22], $0x5FFFF  }
0xbb: {  	[dreg:$0x1] =	wrdreg $0xFFFFFFFF  }
0xbc: {  	[dreg:$0x0] =	wrdreg $0x60  }
0xbd: {  	[dreg:$0x2] =	wrdreg s24  }
0xbe: {  	[dreg:$0x3] =	wrdreg $0xC  }
0xbf: {  	_ =	task.clear_ibuf [dreg:s22], $0x4FFFF;
	_ =	strace $0x90000064  }
0xc0: {  	s29 =	simm.s32 $0xC;
	_ =	strace $0x8000006D  }
0xc1: {  	_ =	swait.ge [sflag:s29], $0x1  }
0xc2: {  	[sflag:s29] =	ssyncadd.s32 $0xFFFFFFFF  }
0xc3: {  	_ =	strace $0x9000006D  }
0xc4: {  	_ =	sfence  }
0xc5: {  	s30 =	sld [smem:$0x0];
	_ =	sdelay $0x2  }
0xc6: {  	s31 =	sshll.u32 s1, $0xD;
	s1 =	sshrl.u32 s1, $0x2  }
0xc7: {  	s4 =	sand.u32 $0x4000, s31;
	s1 =	sadd.s32 s1, s30  }
0xc8: {  	s0 =	sor.u32 s4, s0;
	s1 =	sshll.u32 s1, $0x11  }
0xc9: {  	s0 =	sor.u32 s1, s0  }
0xca: {  	s0 =	sadd.s32 $0x8F2B, s0  }
0xcb: {  	[sflag:s0] =	ssyncadd.remote.s32 $0x1  }
0xcc: {  	_ =	sfence.sel $0xFFFF  }
0xcd: {  	[dreg:$0x0] =	wrdreg $0xFFFFFFFF;
	(pc) =	sbr.abs _section_cstart, $3  }
0xce: {  	[dreg:$0x1] =	wrdreg $0xFFFFFFFF  }
0xcf: {  	_ =	task.clear_ibuf [dreg:s22], $0x2FFFF;
	_ =	strace $0x9FFFFFFF  }
0xd0: {  	(tm) =	ssettm $0x7FFFFFFF  }
0xd1: {  	_ =	shalt  }
tec
execute0_lowered:
.L_overlay_start_1:
0x0: {  	(tag) =	ssettag $0x1  }
0x1: {  	s0 =	srdreg.scid  }
0x2: {  	s8 =	sand.u32 $0x1, s0  }
0x3: {  	s1 =	stileid.u32;
	s3 =	sshll.u32 s8, $0x4  }
0x4: {  	s7 =	sor.u32 s1, s3  }
0x5: {  	p0 =	sgt.u32 s7, $0x11  }
.Ltmp0:
0x6: {  	_ = 	snop;
	(pc) =	sbr.rel @p0 .LBB2_5-.Ltmp0, $4  }
0x7: {  	_ = 	snop  }
0x8: {  	s5 =	rddreg [dreg:$0x0];
	s2 =	simm.s32 $0x0  }
0x9: {  	[smem:$0x7FF] =	sst s2  }
0xa: {  	s0 =	rddreg [dreg:$0x1];
	_ =	strace $0x80000065  }
0xb: {  	s3 =	sadd.s32 $0x2000, s5  }
0xc: {  	s4 =	sadd.s32 $0x2AA000, s5;
	s5 =	sadd.s32 $0x892000, s5;
	s6 =	smin.u32 s7, $0x12  }
0xd: {  	p0 =	slt.u32 s7, $0x12;
	s7 =	simm.s32 $0x1;
	s11 =	ssub.s32 $0x2, s8  }
0xe: {  	s13 =	simm.s32 $0x5;
	s9 =	sshll.u32 s6, $0x4;
	s7 =	simm.s32 @!p0 $0x0  }
0xf: {  	s12 =	sshrl.u32 s11, $0x1;
	s10 =	sadd.s32 $0x2EE, s6;
	s9 =	sadd.s32 s9, s4  }
0x10: {  	s11 =	ssub.s32 s11, s12;
	s8 =	sadd.s32 $0x2EE0, s9;
	s9 =	simm.s32 $0x3  }
0x11: {  	s12 =	simm.s32 $0x80;
	s11 =	smax.u32 s11, $0x1;
	s9 =	simm.s32 @!p0 $0xFFFFFFFF  }
.LBB2_2:
0x12: {  	_ =	strace $0x80000066;
	s21 =	simm.s32 $0x0;
	s22 =	simm.s32 $0x0  }
0x13: {  	s14 =	simm.s32 $0x0;
	s15 =	simm.s32 $0x0;
	s16 =	simm.s32 $0x0  }
0x14: {  	[tilespmem:s21], [sflag:$0x1] =	stream.linear.gather [hbm4b:s8+s21], $0x80, $0x200038;
	[tilespmem:$0x8100] =	vst v63  }
0x15: {  	s17 =	simm.s32 $0x1;
	s18 =	simm.s32 $0x0;
	_ =	strace $0x90000066  }
.LBB2_3:
0x16: {  	s19 =	sadd.s32 $0x1, s21  }
0x17: {  	s20 =	simm.s32 $0x1;
	p0 =	seq.s32 s19, s7  }
0x18: {  	s20 =	simm.s32 @!p0 $0x0  }
0x19: {  	s20 =	sadd.s32 s20, s22  }
0x1a: {  	p1 =	seq.s32 s20, $0x4  }
0x1b: {  	s24 =	smul.u32 $0x300, s22;
	s23 =	sadd.s32 s6, s21;
	s20 =	simm.s32 @p1 $0x0  }
0x1c: {  	s28 =	simm.s32 $0x1;
	s19 =	simm.s32 @p0 $0x0;
	s25 =	smul.u32 $0x300, s20  }
0x1d: {  	p0 =	seq.s32 s21, $0x0;
	s24 =	sadd.s32 s23, s24;
	s26 =	sadd.s32 s19, s10  }
0x1e: {  	s29 =	sadd.s32 $0x2EE, s24;
	s28 =	simm.s32 @!p0 $0x0;
	s25 =	sadd.s32 s25, s26  }
0x1f: {  	p4 =	slt.s32 s18, s9;
	s24 =	ssub.s32 s22, s28;
	p0 =	sne.s32 s29, s25  }
0x20: {  	p2 =	seq.s32 s24, $0xFFFFFFFF;
	p1 =	por !p4, !p0  }
0x21: {  	s24 =	simm.s32 @p2 $0x3;
	p1 =	por !p1, !p1  }
0x22: {  	s26 =	smax.u32 s21, $0x1;
	s28 =	sand.u32 @p1 $0x1, s17;
	s25 =	sshll.u32 @p1 s25, $0x4  }
0x23: {  	_ =	strace @p1 $0x80000067;
	s31 =	simm.s32 @p1 $0x0;
	s25 =	sand.u32 @p1 $0x1FFFFFF0, s25  }
0x24: {  	s30 =	sshll.u32 @p1 s28, $0x7;
	s28 =	sadd.s32 @p1 $0x1, s28;
	s25 =	sadd.s32 @p1 s4, s25  }
0x25: {  	[tilespmem:s30], [sflag:s28] =	stream.linear.gather @p1 [hbm4b:s25+s31], $0x80, $0x200038;
	[tilespmem:$0x8100] =	vst v63  }
0x26: {  	s25 =	sadd.s32 $0xFFFFFFFF, s26;
	s30 =	smul.u32 $0x300, s24  }
0x27: {  	s31 =	sadd.s32 s25, s10  }
0x28: {  	p2 =	seq.s32 s18, $0x0;
	s26 =	sadd.s32 s30, s31  }
0x29: {  	p3 =	seq.s32 @!p2 s29, s26  }
0x2a: {  	p5 =	sne.s32 s22, s20;
	p2 =	por p2, !p3  }
0x2b: {  	p6 =	sne.s32 s22, s24;
	_ =	strace @p1 $0x90000067;
	s26 =	sand.u32 @p2 $0x1, s16  }
0x2c: {  	s31 =	sshll.u32 s16, $0x7;
	_ =	strace @p2 $0x80000068;
	s26 =	sadd.s32 @p2 $0x1, s26  }
0x2d: {  	p4 =	sne.s32 s21, s19;
	s29 =	sand.u32 $0x80, s31;
	_ =	swait.ge @p2 [sflag:s26], $0x80  }
0x2e: {  	p3 =	por p4, p5;
	p5 =	sne.s32 s21, s25;
	[sflag:s26] =	ssyncset.done @p2 $0x0  }
0x2f: {  	p4 =	por p5, p6;
	[sflag:s26] =	ssyncadd.s32 @p2 $0xFFFFFF80;
	s26 =	sand.u32 $0x1, s15  }
0x30: {  	_ =	strace @p2 $0x90000068;
	s30 =	sshll.u32 s26, $0xE;
	p2 =	seq.s32 s9, s18  }
0x31: {  	_ =	strace $0x80000069;
	s28 =	sor.u32 $0x100, s30;
	p3 =	por p2, p3  }
0x32: {  	[tilespmem:s28], [sflag:$0x5] =	stream.indirect.gather [hbm4b:s3+s12], $0x80, s29, s12, $0x2000b8;
	[tilespmem:$0x8100] =	vst v63  }
0x33: {  	p6 =	sne.s32 s18, $0x0;
	s29 =	smul.u32 @p3 $0x48000, s22;
	_ =	swait.ge [sflag:s13], $0x4000  }
0x34: {  	p4 =	por !p6, !p4;
	s23 =	sshll.u32 @p3 s23, $0xE;
	[sflag:s13] =	ssyncset.done $0x0  }
0x35: {  	p4 =	por !p4, !p4;
	s21 =	sadd.s32 @p3 s29, s23;
	[sflag:s13] =	ssyncadd.s32 $0xFFFFC000  }
0x36: {  	s22 =	sadd.s32 @p3 $0x3, s26;
	s21 =	sshrl.u32 @p3 s21, $0x3;
	_ =	strace $0x90000069  }
0x37: {  	s23 =	simm.s32 @p3 $0x0;
	s21 =	sadd.s32 @p3 s5, s21;
	_ =	strace @p3 $0x8000006A  }
0x38: {  	[hbm4b:s21+s23] =	stream.linear.scatter @p3 [tilespmem:s28], [sflag:s22], $0x4000, $0x200038;
	[tilespmem:$0x8100] =	vst v63  }
0x39: {  	s18 =	sadd.s32 $0x1, s18;
	p0 =	por p2, p0;
	s22 =	simm.s32 $0x1  }
0x3a: {  	s21 =	sand.u32 @p4 $0x1, s14;
	_ =	strace @p3 $0x9000006A;
	s22 =	simm.s32 @!p1 $0x0  }
0x3b: {  	s21 =	sadd.s32 @p4 $0x3, s21;
	s17 =	sadd.s32 s22, s17;
	s22 =	simm.s32 $0x1  }
0x3c: {  	_ =	strace @p4 $0x8000006B;
	s22 =	simm.s32 @!p0 $0x0;
	p0 =	sne.s32 s18, $0x4  }
.Ltmp1:
0x3d: {  	s23 =	simm.s32 $0x1;
	_ =	swait.ge @p4 [sflag:s21], $0x4000;
	(pc) =	sbr.rel @p0 .LBB2_3-.Ltmp1, $4  }
0x3e: {  	s23 =	simm.s32 @!p3 $0x0;
	[sflag:s21] =	ssyncset.done @p4 $0x0  }
0x3f: {  	s15 =	sadd.s32 s23, s15;
	[sflag:s21] =	ssyncadd.s32 @p4 $0xFFFFC000;
	s21 =	simm.s32 $0x1  }
0x40: {  	s16 =	sadd.s32 s22, s16;
	s22 =	smov.u32 s20;
	s21 =	simm.s32 @!p4 $0x0  }
0x41: {  	_ =	strace @p4 $0x9000006B;
	s14 =	sadd.s32 s21, s14;
	s21 =	smov.u32 s19  }
0x42: {  	s2 =	sadd.s32 $0x1, s2  }
0x43: {  	s14 =	sand.u32 $0x1, s14;
	p0 =	sne.s32 s2, s11  }
.Ltmp2:
0x44: {  	_ =	strace $0x8000006C;
	s14 =	sadd.s32 $0x3, s14;
	(pc) =	sbr.rel @p0 .LBB2_2-.Ltmp2, $4  }
0x45: {  	_ =	swait.ge [sflag:s14], $0x4000  }
0x46: {  	[sflag:s14] =	ssyncset.done $0x0  }
0x47: {  	[sflag:s14] =	ssyncadd.s32 $0xFFFFC000  }
0x48: {  	_ =	strace $0x9000006C  }
.LBB2_5:
0x49: {  	_ =	sfence.sel $0x180000  }
0x4a: {  	[bflag:$0x0] =	sbarrier.arrive $0xFFFF  }
0x4b: {  	p0 =	sne.s32 s1, $0x0;
	_ =	strace $0x90000065  }
0x4c: {  	s0 =	sadd.s32 @!p0 $0x100000, s0;
	[bflag:$0x2] =	sbarrier.arrive $0xFFFF  }
0x4d: {  	[sflag:s0] =	ssyncadd.tile.s32 @!p0 $0x1;
	_ =	shalt  }
.Lfunc_end2:
_tile_overlayer_lowered:
.L_overlay_start_2:
0x4e: {  	(tag) =	ssettag $0x2  }
0x4f: {  	s0 =	rddreg [dreg:$0x0];
	s2 =	stileid.u32  }
0x50: {  	s1 =	rddreg [dreg:$0x1];
	p0 =	sne.s32 s2, $0x0  }
0x51: {  	s3 =	rddreg [dreg:$0x2];
	[bflag:$0x3] =	sbarrier.arrive $0xFFFF;
	s2 =	simm.s32 @!p0 $0x1C01  }
0x52: {  	[timem:s3], [sflag:s2] =	dma.local @!p0 [hbm:s0], s1  }
0x53: {  	s0 =	simm.s32 @!p0 $0x1  }
0x54: {  	_ =	swait.ge @!p0 [sflag:s0], s1  }
0x55: {  	s1 =	ssub.s32 @!p0 $0x0, s1;
	[sflag:s0] =	ssyncset.done @!p0 $0x0  }
0x56: {  	[sflag:s0] =	ssyncadd.s32 @!p0 s1  }
0x57: {  	[bflag:$0x3] =	sbarrier.arrive $0xFFFF  }
0x58: {  	_ =	shalt  }

</sc_bundles>
